<compile_context>
chip_gen: v7x
topology: tpu7x:2x2x1
jax: 0.10.2.dev20260603
libtpu: 0.0.44.dev20260713+nightly
codegen_flags: <defaults>
</compile_context>

<pallas_src>
import functools

import jax
import jax.numpy as jnp
from jax import lax
from jax.experimental import pallas as pl
from jax.experimental.pallas import tpu as pltpu
from jax.experimental.pallas import tpu_sc as plsc

E = 8
K = 2
D = 1024
F = 2048
N = 2048
BM = 256
MAXB = (K * N) // BM + E
XR = MAXB * BM
SBM = 512
NW = 32



def _router_body(x_ref, gw_ref, eb_ref, probs_ref, pos_ref, w_ref,
                 bexp_ref, nb_ref):
    x = x_ref[...]
    logits = lax.dot_general(x, gw_ref[...], (((1,), (1,)), ((), ())),
                             preferred_element_type=jnp.float32)
    logits = logits + eb_ref[...]
    m = jnp.max(logits, axis=1, keepdims=True)
    ex = jnp.exp(logits - m)
    probs = ex / jnp.sum(ex, axis=1, keepdims=True)
    probs_ref[...] = probs

    col = lax.broadcasted_iota(jnp.int32, (N, E), 1)
    p0 = jnp.max(probs, axis=1, keepdims=True)
    i0 = jnp.min(jnp.where(probs == p0, col, E), axis=1, keepdims=True)
    pm = jnp.where(col == i0, -jnp.inf, probs)
    p1 = jnp.max(pm, axis=1, keepdims=True)
    i1 = jnp.min(jnp.where(pm == p1, col, E), axis=1, keepdims=True)

    denom = p0 + p1
    w_ref[...] = jnp.concatenate([p0 / denom, p1 / denom], axis=1)

    oh0 = (col == i0).astype(jnp.float32)
    oh1 = (col == i1).astype(jnp.float32)

    CB = 256
    r = lax.broadcasted_iota(jnp.int32, (CB, CB), 0)
    c = lax.broadcasted_iota(jnp.int32, (CB, CB), 1)
    tri = (c < r).astype(jnp.float32)

    def excl_cumsum(oh):
        carry = jnp.zeros((1, E), jnp.float32)
        parts = []
        for j in range(N // CB):
            blk = lax.slice(oh, (j * CB, 0), ((j + 1) * CB, E))
            parts.append(lax.dot_general(tri, blk, (((1,), (0,)), ((), ())),
                                         preferred_element_type=jnp.float32)
                         + carry)
            carry = carry + jnp.sum(blk, axis=0, keepdims=True)
        return jnp.concatenate(parts, axis=0), carry

    r0, c0 = excl_cumsum(oh0)
    r1, c1 = excl_cumsum(oh1)
    rank0 = jnp.sum(r0 * oh0, axis=1, keepdims=True)
    rank1 = jnp.sum(r1 * oh1, axis=1, keepdims=True)
    c0_at_i1 = jnp.sum(oh1 * c0, axis=1, keepdims=True)

    counts = c0 + c1
    padded = jnp.ceil(counts / BM) * BM
    er = lax.broadcasted_iota(jnp.int32, (E, E), 0)
    ec = lax.broadcasted_iota(jnp.int32, (E, E), 1)
    upper = (er < ec).astype(jnp.float32)
    aligned_off = lax.dot_general(padded, upper, (((1,), (0,)), ((), ())),
                                  preferred_element_type=jnp.float32)
    off_at_i0 = jnp.sum(oh0 * aligned_off, axis=1, keepdims=True)
    off_at_i1 = jnp.sum(oh1 * aligned_off, axis=1, keepdims=True)
    pos0 = off_at_i0.astype(jnp.int32) + rank0.astype(jnp.int32)
    pos1 = (off_at_i1 + c0_at_i1).astype(jnp.int32) + rank1.astype(jnp.int32)
    pos_ref[...] = jnp.concatenate([pos0, pos1], axis=1)

    ends = aligned_off + padded
    brow = (lax.broadcasted_iota(jnp.int32, (MAXB, E), 0) * BM).astype(jnp.float32)
    bexp = jnp.sum((brow >= ends).astype(jnp.int32), axis=1, keepdims=True)
    bexp_ref[...] = jnp.minimum(bexp, E - 1)
    nb_ref[...] = (jnp.sum(padded, axis=1, keepdims=True) / BM).astype(jnp.int32)


def _router(x, gate_w, expert_bias):
    return pl.pallas_call(
        _router_body,
        out_shape=(
            jax.ShapeDtypeStruct((N, E), jnp.float32),
            jax.ShapeDtypeStruct((N, K), jnp.int32),
            jax.ShapeDtypeStruct((N, K), jnp.float32),
            jax.ShapeDtypeStruct((MAXB, 1), jnp.int32),
            jax.ShapeDtypeStruct((1, 1), jnp.int32),
        ),
    )(x, gate_w, expert_bias)



def _dispatch_body(x_hbm, pos_hbm, xs_hbm, idx_v, rows_v, osem0, osem1):
    wid = lax.axis_index("s") * 2 + lax.axis_index("c")
    tok_base = (wid % 16) * 128
    pltpu.sync_copy(pos_hbm.at[wid], idx_v)
    osems = (osem0, osem1)

    def wait_scatter(jj):
        pltpu.make_async_copy(rows_v.at[jj], xs_hbm.at[idx_v[jj]],
                              osems[jj]).wait()

    for j in range(8):
        jj = j % 2
        if j >= 2:
            wait_scatter(jj)
        pltpu.sync_copy(x_hbm.at[pl.ds(tok_base + j * 16, 16)], rows_v.at[jj])
        pltpu.make_async_copy(rows_v.at[jj], xs_hbm.at[idx_v[j]],
                              osems[jj]).start()
    wait_scatter(0)
    wait_scatter(1)


def _dispatch(x, pos_disp):
    mesh = plsc.VectorSubcoreMesh(core_axis_name="c", subcore_axis_name="s")
    return pl.kernel(
        _dispatch_body,
        out_type=jax.ShapeDtypeStruct((XR, D), jnp.float32),
        mesh=mesh,
        scratch_types=[
            pltpu.VMEM((8, 16), jnp.int32),
            pltpu.VMEM((2, 16, D), jnp.float32),
            pltpu.SemaphoreType.DMA,
            pltpu.SemaphoreType.DMA,
        ],
    )(x, pos_disp)



def _ffn_compute(x_f32, w1b, w3b, w2b):
    xb = x_f32.astype(jnp.bfloat16)
    h1 = lax.dot_general(xb, w1b, (((1,), (1,)), ((), ())),
                         preferred_element_type=jnp.float32)
    h3 = lax.dot_general(xb, w3b, (((1,), (1,)), ((), ())),
                         preferred_element_type=jnp.float32)
    h = (h1 * jax.nn.sigmoid(h1)) * h3
    return lax.dot_general(h.astype(jnp.bfloat16), w2b, (((1,), (1,)), ((), ())),
                           preferred_element_type=jnp.float32)


def _shared_body(x_ref, w1a_ref, w1c_ref, w3a_ref, w3c_ref,
                 w2a_ref, w2c_ref, o_ref, w1b, w3b, w2b):
    FH = F // 2
    @pl.when(pl.program_id(0) == 0)
    def _():
        w1b[:FH] = w1a_ref[...].astype(jnp.bfloat16)
        w1b[FH:] = w1c_ref[...].astype(jnp.bfloat16)
        w3b[:FH] = w3a_ref[...].astype(jnp.bfloat16)
        w3b[FH:] = w3c_ref[...].astype(jnp.bfloat16)
        w2b[:, :FH] = w2a_ref[...].astype(jnp.bfloat16)
        w2b[:, FH:] = w2c_ref[...].astype(jnp.bfloat16)
    o_ref[...] = _ffn_compute(x_ref[...], w1b[...], w3b[...], w2b[...])


def _shared(x, sw1, sw3, sw2):
    FH = F // 2
    return pl.pallas_call(
        _shared_body,
        grid=(N // SBM,),
        in_specs=[
            pl.BlockSpec((SBM, D), lambda b: (b, 0)),
            pl.BlockSpec((FH, D), lambda b: (0, 0)),
            pl.BlockSpec((FH, D), lambda b: (1, 0)),
            pl.BlockSpec((FH, D), lambda b: (0, 0)),
            pl.BlockSpec((FH, D), lambda b: (1, 0)),
            pl.BlockSpec((D, FH), lambda b: (0, 0)),
            pl.BlockSpec((D, FH), lambda b: (0, 1)),
        ],
        out_specs=pl.BlockSpec((SBM, D), lambda b: (b, 0)),
        out_shape=jax.ShapeDtypeStruct((N, D), jnp.float32),
        scratch_shapes=[
            pltpu.VMEM((F, D), jnp.bfloat16),
            pltpu.VMEM((F, D), jnp.bfloat16),
            pltpu.VMEM((D, F), jnp.bfloat16),
        ],
        compiler_params=pltpu.CompilerParams(
            vmem_limit_bytes=100 * 1024 * 1024),
    )(x, sw1, sw1, sw3, sw3, sw2, sw2)



def _routed_body(bexp_ref, nb_ref, xs_ref, w1a_ref, w1c_ref, w3a_ref, w3c_ref,
                 w2_ref, ys_ref, w1b, w3b, w2b, w2f, sem0, sem1):
    FH = F // 2
    b = pl.program_id(0)
    nbv = nb_ref[0]
    active = b < nbv
    e = bexp_ref[b]
    e_prev = bexp_ref[lax.max(b - 1, 0)]
    e_next = bexp_ref[lax.min(b + 1, MAXB - 1)]

    def start_w2(ee):
        pltpu.make_async_copy(w2_ref.at[ee, slice(None), pl.ds(0, FH)],
                              w2f.at[:, pl.ds(0, FH)], sem0).start()
        pltpu.make_async_copy(w2_ref.at[ee, slice(None), pl.ds(FH, FH)],
                              w2f.at[:, pl.ds(FH, FH)], sem1).start()

    def wait_w2():
        pltpu.make_async_copy(w2_ref.at[0, slice(None), pl.ds(0, FH)],
                              w2f.at[:, pl.ds(0, FH)], sem0).wait()
        pltpu.make_async_copy(w2_ref.at[0, slice(None), pl.ds(FH, FH)],
                              w2f.at[:, pl.ds(FH, FH)], sem1).wait()

    @pl.when(active & (b == 0))
    def _():
        start_w2(e)

    @pl.when(active & ((b == 0) | (e != e_prev)))
    def _():
        w1b[:FH] = w1a_ref[0].astype(jnp.bfloat16)
        w1b[FH:] = w1c_ref[0].astype(jnp.bfloat16)
        w3b[:FH] = w3a_ref[0].astype(jnp.bfloat16)
        w3b[FH:] = w3c_ref[0].astype(jnp.bfloat16)
        wait_w2()
        w2b[...] = w2f[...].astype(jnp.bfloat16)

    @pl.when(active & (e_next != e) & (b + 1 < nbv))
    def _():
        start_w2(e_next)

    @pl.when(active)
    def _():
        ys_ref[...] = _ffn_compute(xs_ref[...], w1b[...], w3b[...], w2b[...])


def _routed(bexp, nb, xs, rw1, rw3, rw2):
    FH = F // 2

    def row_map(b, bexp_ref, nb_ref):
        return (lax.min(b, nb_ref[0] - 1), 0)

    def wa_map(b, bexp_ref, nb_ref):
        return (bexp_ref[b], 0, 0)

    def wc_map(b, bexp_ref, nb_ref):
        return (bexp_ref[b], 1, 0)

    grid_spec = pltpu.PrefetchScalarGridSpec(
        num_scalar_prefetch=2,
        grid=(MAXB,),
        in_specs=[
            pl.BlockSpec((BM, D), row_map),
            pl.BlockSpec((1, FH, D), wa_map),
            pl.BlockSpec((1, FH, D), wc_map),
            pl.BlockSpec((1, FH, D), wa_map),
            pl.BlockSpec((1, FH, D), wc_map),
            pl.BlockSpec(memory_space=pl.ANY),
        ],
        out_specs=pl.BlockSpec((BM, D), row_map),
        scratch_shapes=[
            pltpu.VMEM((F, D), jnp.bfloat16),
            pltpu.VMEM((F, D), jnp.bfloat16),
            pltpu.VMEM((D, F), jnp.bfloat16),
            pltpu.VMEM((D, F), jnp.float32),
            pltpu.SemaphoreType.DMA,
            pltpu.SemaphoreType.DMA,
        ],
    )
    return pl.pallas_call(
        _routed_body,
        grid_spec=grid_spec,
        out_shape=jax.ShapeDtypeStruct((XR, D), jnp.float32),
        compiler_params=pltpu.CompilerParams(
            vmem_limit_bytes=100 * 1024 * 1024),
    )(bexp, nb, xs, rw1, rw1, rw3, rw3, rw2)



def _combine_body(ys_hbm, sh_hbm, pos_hbm, wsp_hbm, out_hbm,
                  idx_v, wsp_v, rr_v, sh_v, acc_v,
                  gsem0, gsem1, osem0):
    wid = lax.axis_index("s") * 2 + lax.axis_index("c")
    pltpu.sync_copy(pos_hbm.at[wid], idx_v)
    pltpu.sync_copy(wsp_hbm.at[wid], wsp_v)
    gsems = (gsem0, gsem1)

    def start_in(j):
        jj = j % 2
        pltpu.make_async_copy(ys_hbm.at[idx_v.at[j]], rr_v.at[jj],
                              gsems[jj]).start()

    def wait_out():
        pltpu.make_async_copy(acc_v, out_hbm.at[pl.ds(0, 16)], osem0).wait()

    start_in(0)
    for j in range(4):
        jj = j % 2
        if j + 1 < 4:
            start_in(j + 1)
        pltpu.sync_copy(sh_hbm.at[pl.ds(wid * 64 + j * 16, 16)], sh_v)
        pltpu.make_async_copy(ys_hbm.at[idx_v.at[j]], rr_v.at[jj],
                              gsems[jj]).wait()
        if j >= 1:
            wait_out()
        w0s = [wsp_v[0, j, i, :] for i in range(16)]
        w1s = [wsp_v[1, j, i, :] for i in range(16)]

        def body(cc, carry):
            sl = pl.ds(pl.multiple_of(cc * 16, 16), 16)
            for i in range(16):
                acc_v[i, sl] = (sh_v[i, sl]
                                + w0s[i] * rr_v[jj, i, sl]
                                + w1s[i] * rr_v[jj, 16 + i, sl])
            return carry

        lax.fori_loop(0, D // 16, body, 0)
        pltpu.make_async_copy(acc_v,
                              out_hbm.at[pl.ds(wid * 64 + j * 16, 16)],
                              osem0).start()
    wait_out()


def _combine(ys, shared, pos_c, w_c):
    mesh = plsc.VectorSubcoreMesh(core_axis_name="c", subcore_axis_name="s")
    return pl.kernel(
        _combine_body,
        out_type=jax.ShapeDtypeStruct((N, D), jnp.float32),
        mesh=mesh,
        scratch_types=[
            pltpu.VMEM((4, 32), jnp.int32),
            pltpu.VMEM((2, 4, 16, 16), jnp.float32),
            pltpu.VMEM((2, 32, D), jnp.float32),
            pltpu.VMEM((16, D), jnp.float32),
            pltpu.VMEM((16, D), jnp.float32),
            pltpu.SemaphoreType.DMA,
            pltpu.SemaphoreType.DMA,
            pltpu.SemaphoreType.DMA,
        ],
    )(ys, shared, pos_c, w_c)



def kernel(x, gate_w, sw1, sw2, sw3, rw1, rw2, rw3, expert_bias):
    Bx, Lx, Dx = x.shape
    xf = x.reshape(N, D)
    probs, pos_tk, w_tk, bexp2, nb2 = _router(xf, gate_w,
                                              expert_bias.reshape(1, E))
    bexp = bexp2.reshape(MAXB)
    nb = nb2.reshape(1)
    pos_km = pos_tk.T
    pos_disp = pos_km.reshape(NW, 8, 16)
    pos_c = jnp.concatenate([pos_km[0].reshape(NW, 4, 16),
                             pos_km[1].reshape(NW, 4, 16)],
                            axis=2)
    w_c = (jnp.broadcast_to(w_tk.T[:, :, None], (K, N, 16))
           .reshape(K, NW, 4, 16, 16).transpose(1, 0, 2, 3, 4))

    xs = _dispatch(xf, pos_disp)
    shared = _shared(xf, sw1, sw3, sw2)
    ys = _routed(bexp, nb, xs, rw1, rw3, rw2)
    out = _combine(ys, shared, pos_c, w_c)
    return out.reshape(Bx, Lx, Dx), probs

# --- scband reference (transcript-rebuilt; emitter-appended) ---
"""Pipeline reference for scband-deep-seek-mo-elayer-18425409700063 (READ-ONLY COPY).

The authoritative reference and input builder live on the scoring server;
editing this copy changes nothing except your own understanding.
"""

import jax, jax.numpy as jnp
import numpy as np

E = 8
TOPK = 2
D = 1024
F = 2048
B = 1
L = 2048

def silu(x):
    return x * jax.nn.sigmoid(x)

def setup_inputs(seed: int = 0) -> dict:
    key = jax.random.key(seed)
    ks = jax.random.split(key, 9)
    x = jax.random.normal(ks[0], (B, L, D), dtype=jnp.float32)
    s_d = 1.0 / np.sqrt(D)
    s_f = 1.0 / np.sqrt(F)
    gate_w = jax.random.normal(ks[1], (E, D), dtype=jnp.float32) * s_d
    sw1 = jax.random.normal(ks[2], (F, D), dtype=jnp.float32) * s_d
    sw2 = jax.random.normal(ks[3], (D, F), dtype=jnp.float32) * s_f
    sw3 = jax.random.normal(ks[4], (F, D), dtype=jnp.float32) * s_d
    rw1 = jax.random.normal(ks[5], (E, F, D), dtype=jnp.float32) * s_d
    rw2 = jax.random.normal(ks[6], (E, D, F), dtype=jnp.float32) * s_f
    rw3 = jax.random.normal(ks[7], (E, F, D), dtype=jnp.float32) * s_d
    expert_bias = jnp.zeros((E,), dtype=jnp.float32)
    return {"x": x, "gate_w": gate_w, "sw1": sw1, "sw2": sw2, "sw3": sw3,
            "rw1": rw1, "rw2": rw2, "rw3": rw3, "expert_bias": expert_bias}

def reference(x, gate_w, sw1, sw2, sw3, rw1, rw2, rw3, expert_bias):
    Bx, Lx, Dx = x.shape
    flat_x = x.reshape(-1, Dx)
    # shared expert (num_shared = 1)
    shared_out = (silu(flat_x @ sw1.T) * (flat_x @ sw3.T)) @ sw2.T
    # router (jitter_noise = 0.0, so no noise even in training mode;
    # expert_bias starts at zero and its in-place update does not affect this forward)
    logits = flat_x @ gate_w.T + expert_bias
    probs = jax.nn.softmax(logits, axis=-1)
    top_k_weights, top_k_indices = jax.lax.top_k(probs, TOPK)
    top_k_weights = top_k_weights / jnp.sum(top_k_weights, axis=-1, keepdims=True)
    # routed experts: dense-equivalent masked combine (same math as torch masked loop)
    flat_out = jnp.zeros_like(flat_x)
    for e in range(E):
        out_e = (silu(flat_x @ rw1[e].T) * (flat_x @ rw3[e].T)) @ rw2[e].T
        w_e = jnp.sum(jnp.where(top_k_indices == e, top_k_weights, 0.0), axis=-1)
        flat_out = flat_out + w_e[:, None] * out_e
    out = (shared_out + flat_out).reshape(Bx, Lx, Dx)
    return (out, probs)

if __name__ == "__main__":
    import jax
    _d = setup_inputs()
    print(jax.jit(kernel)(*tuple(_d.values())))

</pallas_src>

<mosaic_0001>
#map = affine_map<(d0, d1) -> (0, 0)>
#map1 = affine_map<(d0, d1) -> (0, 0, 0)>
#map2 = affine_map<(d0, d1) -> (0, 0, 0, 0, 0)>
module attributes {stable_mosaic.version = 14 : i64} {
  func.func @_combine_body(%arg0: i32, %arg1: i32, %arg2: memref<6144x1024xf32, #tpu.memory_space<hbm>>, %arg3: memref<2048x1024xf32, #tpu.memory_space<hbm>>, %arg4: memref<32x4x32xi32, #tpu.memory_space<hbm>>, %arg5: memref<32x2x4x16x16xf32, #tpu.memory_space<hbm>>, %arg6: memref<2048x1024xf32, #tpu.memory_space<hbm>>, %arg7: memref<4x32xi32, #tpu.memory_space<vmem>>, %arg8: memref<2x4x16x16xf32, #tpu.memory_space<vmem>>, %arg9: memref<2x32x1024xf32, #tpu.memory_space<vmem>>, %arg10: memref<16x1024xf32, #tpu.memory_space<vmem>>, %arg11: memref<16x1024xf32, #tpu.memory_space<vmem>>, %arg12: memref<!tpu.dma_semaphore, #tpu.memory_space<semaphore_mem>>, %arg13: memref<!tpu.dma_semaphore, #tpu.memory_space<semaphore_mem>>, %arg14: memref<!tpu.dma_semaphore, #tpu.memory_space<semaphore_mem>>) attributes {dimension_semantics = [#tpu.dimension_semantics<core_parallel>, #tpu.dimension_semantics<subcore_parallel>], iteration_bounds = array<i64: 2, 16>, scalar_prefetch = 0 : i64, scratch_operands = 8 : i64, tpu.core_type = #tpu.core_type<sc_vector_subcore>, window_params = [{transform_indices = #map}, {transform_indices = #map}, {transform_indices = #map1}, {transform_indices = #map2}, {transform_indices = #map}]} {
    %mul3A = arith.constant 2 : i32
    %mul3A_0 = arith.muli %arg1, %mul3A : i32
    %add3A = arith.addi %mul3A_0, %arg0 : i32
    "tpu.region"() ({
      %run_scoped3A = tpu.sem_alloc : memref<!tpu.dma_semaphore, #tpu.memory_space<semaphore_mem>>
      %dma_start3A_1341 = arith.constant 0 : i32
      %dma_start3A_1342 = arith.constant 0 : i32
      %dma_start3A_1343 = tpu.memref_slice %arg4[%add3A, %dma_start3A_1341, %dma_start3A_1342] : memref<32x4x32xi32, #tpu.memory_space<hbm>> -> memref<1x4x32xi32, #tpu.memory_space<hbm>>
      %dma_start3A_1344 = tpu.memref_squeeze %dma_start3A_1343 : memref<1x4x32xi32, #tpu.memory_space<hbm>> -> memref<4x32xi32, #tpu.memory_space<hbm>>
      %dma_start3A_1345 = arith.constant 0 : i32
      %dma_start3A_1346 = arith.constant 0 : i32
      %dma_start3A_1347 = tpu.memref_slice %arg4[%add3A, %dma_start3A_1345, %dma_start3A_1346] : memref<32x4x32xi32, #tpu.memory_space<hbm>> -> memref<1x4x32xi32, #tpu.memory_space<hbm>>
      %dma_start3A_1348 = tpu.memref_squeeze %dma_start3A_1347 : memref<1x4x32xi32, #tpu.memory_space<hbm>> -> memref<4x32xi32, #tpu.memory_space<hbm>>
      tpu.enqueue_dma source(%dma_start3A_1348 : memref<4x32xi32, #tpu.memory_space<hbm>>) target(%arg7 : memref<4x32xi32, #tpu.memory_space<vmem>>) target_semaphore(%run_scoped3A : memref<!tpu.dma_semaphore, #tpu.memory_space<semaphore_mem>>)
      %dma_wait3A_1349 = arith.constant 0 : i32
      %dma_wait3A_1350 = arith.constant 0 : i32
      %dma_wait3A_1351 = tpu.memref_slice %arg4[%add3A, %dma_wait3A_1349, %dma_wait3A_1350] : memref<32x4x32xi32, #tpu.memory_space<hbm>> -> memref<1x4x32xi32, #tpu.memory_space<hbm>>
      %dma_wait3A_1352 = tpu.memref_squeeze %dma_wait3A_1351 : memref<1x4x32xi32, #tpu.memory_space<hbm>> -> memref<4x32xi32, #tpu.memory_space<hbm>>
      %dma_wait3A_1353 = arith.constant 0 : i32
      %dma_wait3A_1354 = arith.constant 0 : i32
      %dma_wait3A_1355 = tpu.memref_slice %arg4[%add3A, %dma_wait3A_1353, %dma_wait3A_1354] : memref<32x4x32xi32, #tpu.memory_space<hbm>> -> memref<1x4x32xi32, #tpu.memory_space<hbm>>
      %dma_wait3A_1356 = tpu.memref_squeeze %dma_wait3A_1355 : memref<1x4x32xi32, #tpu.memory_space<hbm>> -> memref<4x32xi32, #tpu.memory_space<hbm>>
      tpu.wait_dma2 semaphore(%run_scoped3A : memref<!tpu.dma_semaphore, #tpu.memory_space<semaphore_mem>>) src(%dma_wait3A_1356 : memref<4x32xi32, #tpu.memory_space<hbm>>) dst(%arg7 : memref<4x32xi32, #tpu.memory_space<vmem>>)
      tpu.yield
    }) : () -> ()
    "tpu.region"() ({
      %run_scoped3A = tpu.sem_alloc : memref<!tpu.dma_semaphore, #tpu.memory_space<semaphore_mem>>
      %dma_start3A_1341 = arith.constant 0 : i32
      %dma_start3A_1342 = arith.constant 0 : i32
      %dma_start3A_1343 = arith.constant 0 : i32
      %dma_start3A_1344 = arith.constant 0 : i32
      %dma_start3A_1345 = tpu.memref_slice %arg5[%add3A, %dma_start3A_1341, %dma_start3A_1342, %dma_start3A_1343, %dma_start3A_1344] : memref<32x2x4x16x16xf32, #tpu.memory_space<hbm>> -> memref<1x2x4x16x16xf32, #tpu.memory_space<hbm>>
      %dma_start3A_1346 = tpu.memref_squeeze %dma_start3A_1345 : memref<1x2x4x16x16xf32, #tpu.memory_space<hbm>> -> memref<2x4x16x16xf32, #tpu.memory_space<hbm>>
      %dma_start3A_1347 = arith.constant 0 : i32
      %dma_start3A_1348 = arith.constant 0 : i32
      %dma_start3A_1349 = arith.constant 0 : i32
      %dma_start3A_1350 = arith.constant 0 : i32
      %dma_start3A_1351 = tpu.memref_slice %arg5[%add3A, %dma_start3A_1347, %dma_start3A_1348, %dma_start3A_1349, %dma_start3A_1350] : memref<32x2x4x16x16xf32, #tpu.memory_space<hbm>> -> memref<1x2x4x16x16xf32, #tpu.memory_space<hbm>>
      %dma_start3A_1352 = tpu.memref_squeeze %dma_start3A_1351 : memref<1x2x4x16x16xf32, #tpu.memory_space<hbm>> -> memref<2x4x16x16xf32, #tpu.memory_space<hbm>>
      tpu.enqueue_dma source(%dma_start3A_1352 : memref<2x4x16x16xf32, #tpu.memory_space<hbm>>) target(%arg8 : memref<2x4x16x16xf32, #tpu.memory_space<vmem>>) target_semaphore(%run_scoped3A : memref<!tpu.dma_semaphore, #tpu.memory_space<semaphore_mem>>)
      %dma_wait3A_1353 = arith.constant 0 : i32
      %dma_wait3A_1354 = arith.constant 0 : i32
      %dma_wait3A_1355 = arith.constant 0 : i32
      %dma_wait3A_1356 = arith.constant 0 : i32
      %dma_wait3A_1357 = tpu.memref_slice %arg5[%add3A, %dma_wait3A_1353, %dma_wait3A_1354, %dma_wait3A_1355, %dma_wait3A_1356] : memref<32x2x4x16x16xf32, #tpu.memory_space<hbm>> -> memref<1x2x4x16x16xf32, #tpu.memory_space<hbm>>
      %dma_wait3A_1358 = tpu.memref_squeeze %dma_wait3A_1357 : memref<1x2x4x16x16xf32, #tpu.memory_space<hbm>> -> memref<2x4x16x16xf32, #tpu.memory_space<hbm>>
      %dma_wait3A_1359 = arith.constant 0 : i32
      %dma_wait3A_1360 = arith.constant 0 : i32
      %dma_wait3A_1361 = arith.constant 0 : i32
      %dma_wait3A_1362 = arith.constant 0 : i32
      %dma_wait3A_1363 = tpu.memref_slice %arg5[%add3A, %dma_wait3A_1359, %dma_wait3A_1360, %dma_wait3A_1361, %dma_wait3A_1362] : memref<32x2x4x16x16xf32, #tpu.memory_space<hbm>> -> memref<1x2x4x16x16xf32, #tpu.memory_space<hbm>>
      %dma_wait3A_1364 = tpu.memref_squeeze %dma_wait3A_1363 : memref<1x2x4x16x16xf32, #tpu.memory_space<hbm>> -> memref<2x4x16x16xf32, #tpu.memory_space<hbm>>
      tpu.wait_dma2 semaphore(%run_scoped3A : memref<!tpu.dma_semaphore, #tpu.memory_space<semaphore_mem>>) src(%dma_wait3A_1364 : memref<2x4x16x16xf32, #tpu.memory_space<hbm>>) dst(%arg8 : memref<2x4x16x16xf32, #tpu.memory_space<vmem>>)
      tpu.yield
    }) : () -> ()
    %dma_start3A = arith.constant 0 : i32
    %dma_start3A_1 = arith.constant 0 : i32
    %dma_start3A_2 = arith.constant 0 : i32
    %dma_start3A_3 = arith.constant 0 : i32
    %dma_start3A_4 = tpu.memref_slice %arg9[%dma_start3A_1, %dma_start3A_2, %dma_start3A_3] : memref<2x32x1024xf32, #tpu.memory_space<vmem>> -> memref<1x32x1024xf32, #tpu.memory_space<vmem>>
    %dma_start3A_5 = tpu.memref_squeeze %dma_start3A_4 : memref<1x32x1024xf32, #tpu.memory_space<vmem>> -> memref<32x1024xf32, #tpu.memory_space<vmem>>
    %dma_start3A_6 = arith.constant 0 : i32
    %dma_start3A_7 = tpu.memref_slice %arg7[%dma_start3A, %dma_start3A_6] : memref<4x32xi32, #tpu.memory_space<vmem>> -> memref<1x32xi32, #tpu.memory_space<vmem>>
    %dma_start3A_8 = tpu.memref_squeeze %dma_start3A_7 : memref<1x32xi32, #tpu.memory_space<vmem>> -> memref<32xi32, #tpu.memory_space<vmem>>
    %dma_start3A_9 = arith.constant 0 : i32
    %dma_start3A_10 = arith.constant 0 : i32
    %dma_start3A_11 = tpu.memref_slice %arg2[%dma_start3A_9, %dma_start3A_10] : memref<6144x1024xf32, #tpu.memory_space<hbm>> -> memref<6144x1024xf32, #tpu.memory_space<hbm>>
    tpu.enqueue_indirect_dma source(%dma_start3A_11 : memref<6144x1024xf32, #tpu.memory_space<hbm>>) target(%dma_start3A_5 : memref<32x1024xf32, #tpu.memory_space<vmem>>) offsets(%dma_start3A_8 : memref<32xi32, #tpu.memory_space<vmem>>) semaphore(%arg12 : memref<!tpu.dma_semaphore, #tpu.memory_space<semaphore_mem>>)
    %dma_start3A_12 = arith.constant 1 : i32
    %dma_start3A_13 = arith.constant 1 : i32
    %dma_start3A_14 = arith.constant 0 : i32
    %dma_start3A_15 = arith.constant 0 : i32
    %dma_start3A_16 = tpu.memref_slice %arg9[%dma_start3A_13, %dma_start3A_14, %dma_start3A_15] : memref<2x32x1024xf32, #tpu.memory_space<vmem>> -> memref<1x32x1024xf32, #tpu.memory_space<vmem>>
    %dma_start3A_17 = tpu.memref_squeeze %dma_start3A_16 : memref<1x32x1024xf32, #tpu.memory_space<vmem>> -> memref<32x1024xf32, #tpu.memory_space<vmem>>
    %dma_start3A_18 = arith.constant 0 : i32
    %dma_start3A_19 = tpu.memref_slice %arg7[%dma_start3A_12, %dma_start3A_18] : memref<4x32xi32, #tpu.memory_space<vmem>> -> memref<1x32xi32, #tpu.memory_space<vmem>>
    %dma_start3A_20 = tpu.memref_squeeze %dma_start3A_19 : memref<1x32xi32, #tpu.memory_space<vmem>> -> memref<32xi32, #tpu.memory_space<vmem>>
    %dma_start3A_21 = arith.constant 0 : i32
    %dma_start3A_22 = arith.constant 0 : i32
    %dma_start3A_23 = tpu.memref_slice %arg2[%dma_start3A_21, %dma_start3A_22] : memref<6144x1024xf32, #tpu.memory_space<hbm>> -> memref<6144x1024xf32, #tpu.memory_space<hbm>>
    tpu.enqueue_indirect_dma source(%dma_start3A_23 : memref<6144x1024xf32, #tpu.memory_space<hbm>>) target(%dma_start3A_17 : memref<32x1024xf32, #tpu.memory_space<vmem>>) offsets(%dma_start3A_20 : memref<32xi32, #tpu.memory_space<vmem>>) semaphore(%arg13 : memref<!tpu.dma_semaphore, #tpu.memory_space<semaphore_mem>>)
    %mul3A_24 = arith.constant 64 : i32
    %mul3A_25 = arith.muli %add3A, %mul3A_24 : i32
    %add3A_26 = arith.constant 0 : i32
    %add3A_27 = arith.addi %mul3A_25, %add3A_26 : i32
    "tpu.region"() ({
      %run_scoped3A = tpu.sem_alloc : memref<!tpu.dma_semaphore, #tpu.memory_space<semaphore_mem>>
      %dma_start3A_1341 = arith.constant 0 : i32
      %dma_start3A_1342 = tpu.memref_slice %arg3[%add3A_27, %dma_start3A_1341] : memref<2048x1024xf32, #tpu.memory_space<hbm>> -> memref<16x1024xf32, #tpu.memory_space<hbm>>
      %dma_start3A_1343 = arith.constant 0 : i32
      %dma_start3A_1344 = tpu.memref_slice %arg3[%add3A_27, %dma_start3A_1343] : memref<2048x1024xf32, #tpu.memory_space<hbm>> -> memref<16x1024xf32, #tpu.memory_space<hbm>>
      tpu.enqueue_dma source(%dma_start3A_1344 : memref<16x1024xf32, #tpu.memory_space<hbm>>) target(%arg10 : memref<16x1024xf32, #tpu.memory_space<vmem>>) target_semaphore(%run_scoped3A : memref<!tpu.dma_semaphore, #tpu.memory_space<semaphore_mem>>)
      %dma_wait3A_1345 = arith.constant 0 : i32
      %dma_wait3A_1346 = tpu.memref_slice %arg3[%add3A_27, %dma_wait3A_1345] : memref<2048x1024xf32, #tpu.memory_space<hbm>> -> memref<16x1024xf32, #tpu.memory_space<hbm>>
      %dma_wait3A_1347 = arith.constant 0 : i32
      %dma_wait3A_1348 = tpu.memref_slice %arg3[%add3A_27, %dma_wait3A_1347] : memref<2048x1024xf32, #tpu.memory_space<hbm>> -> memref<16x1024xf32, #tpu.memory_space<hbm>>
      tpu.wait_dma2 semaphore(%run_scoped3A : memref<!tpu.dma_semaphore, #tpu.memory_space<semaphore_mem>>) src(%dma_wait3A_1348 : memref<16x1024xf32, #tpu.memory_space<hbm>>) dst(%arg10 : memref<16x1024xf32, #tpu.memory_space<vmem>>)
      tpu.yield
    }) : () -> ()
    %dma_wait3A = arith.constant 0 : i32
    %dma_wait3A_28 = arith.constant 0 : i32
    %dma_wait3A_29 = arith.constant 0 : i32
    %dma_wait3A_30 = arith.constant 0 : i32
    %dma_wait3A_31 = tpu.memref_slice %arg9[%dma_wait3A_28, %dma_wait3A_29, %dma_wait3A_30] : memref<2x32x1024xf32, #tpu.memory_space<vmem>> -> memref<1x32x1024xf32, #tpu.memory_space<vmem>>
    %dma_wait3A_32 = tpu.memref_squeeze %dma_wait3A_31 : memref<1x32x1024xf32, #tpu.memory_space<vmem>> -> memref<32x1024xf32, #tpu.memory_space<vmem>>
    %dma_wait3A_33 = arith.constant 0 : i32
    %dma_wait3A_34 = tpu.memref_slice %arg7[%dma_wait3A, %dma_wait3A_33] : memref<4x32xi32, #tpu.memory_space<vmem>> -> memref<1x32xi32, #tpu.memory_space<vmem>>
    %dma_wait3A_35 = tpu.memref_squeeze %dma_wait3A_34 : memref<1x32xi32, #tpu.memory_space<vmem>> -> memref<32xi32, #tpu.memory_space<vmem>>
    %dma_wait3A_36 = arith.constant 0 : i32
    %dma_wait3A_37 = arith.constant 0 : i32
    %dma_wait3A_38 = tpu.memref_slice %arg2[%dma_wait3A_36, %dma_wait3A_37] : memref<6144x1024xf32, #tpu.memory_space<hbm>> -> memref<6144x1024xf32, #tpu.memory_space<hbm>>
    tpu.wait_indirect_dma semaphore(%arg12 : memref<!tpu.dma_semaphore, #tpu.memory_space<semaphore_mem>>) src(%dma_wait3A_38 : memref<6144x1024xf32, #tpu.memory_space<hbm>>) dst(%dma_wait3A_32 : memref<32x1024xf32, #tpu.memory_space<vmem>>)
    %get3A = arith.constant 0 : i32
    %get3A_39 = arith.constant 0 : i32
    %get3A_40 = arith.constant 0 : i32
    %get3A_41 = arith.index_cast %get3A : i32 to index
    %get3A_42 = arith.index_cast %get3A_39 : i32 to index
    %get3A_43 = arith.index_cast %get3A_40 : i32 to index
    %get3A_44 = arith.constant 0 : index
    %get3A_45 = tpu.vector_load %arg8[%get3A_41, %get3A_42, %get3A_43, %get3A_44] {strides = array<i32>} : memref<2x4x16x16xf32, #tpu.memory_space<vmem>>, vector<1x1x1x16xf32>,
    %get3A_46 = vector.shape_cast %get3A_45 : vector<1x1x1x16xf32> to vector<16xf32>
    %get3A_47 = arith.constant 0 : i32
    %get3A_48 = arith.constant 0 : i32
    %get3A_49 = arith.constant 1 : i32
    %get3A_50 = arith.index_cast %get3A_47 : i32 to index
    %get3A_51 = arith.index_cast %get3A_48 : i32 to index
    %get3A_52 = arith.index_cast %get3A_49 : i32 to index
    %get3A_53 = arith.constant 0 : index
    %get3A_54 = tpu.vector_load %arg8[%get3A_50, %get3A_51, %get3A_52, %get3A_53] {strides = array<i32>} : memref<2x4x16x16xf32, #tpu.memory_space<vmem>>, vector<1x1x1x16xf32>,
    %get3A_55 = vector.shape_cast %get3A_54 : vector<1x1x1x16xf32> to vector<16xf32>
    %get3A_56 = arith.constant 0 : i32
    %get3A_57 = arith.constant 0 : i32
    %get3A_58 = arith.constant 2 : i32
    %get3A_59 = arith.index_cast %get3A_56 : i32 to index
    %get3A_60 = arith.index_cast %get3A_57 : i32 to index
    %get3A_61 = arith.index_cast %get3A_58 : i32 to index
    %get3A_62 = arith.constant 0 : index
    %get3A_63 = tpu.vector_load %arg8[%get3A_59, %get3A_60, %get3A_61, %get3A_62] {strides = array<i32>} : memref<2x4x16x16xf32, #tpu.memory_space<vmem>>, vector<1x1x1x16xf32>,
    %get3A_64 = vector.shape_cast %get3A_63 : vector<1x1x1x16xf32> to vector<16xf32>
    %get3A_65 = arith.constant 0 : i32
    %get3A_66 = arith.constant 0 : i32
    %get3A_67 = arith.constant 3 : i32
    %get3A_68 = arith.index_cast %get3A_65 : i32 to index
    %get3A_69 = arith.index_cast %get3A_66 : i32 to index
    %get3A_70 = arith.index_cast %get3A_67 : i32 to index
    %get3A_71 = arith.constant 0 : index
    %get3A_72 = tpu.vector_load %arg8[%get3A_68, %get3A_69, %get3A_70, %get3A_71] {strides = array<i32>} : memref<2x4x16x16xf32, #tpu.memory_space<vmem>>, vector<1x1x1x16xf32>,
    %get3A_73 = vector.shape_cast %get3A_72 : vector<1x1x1x16xf32> to vector<16xf32>
    %get3A_74 = arith.constant 0 : i32
    %get3A_75 = arith.constant 0 : i32
    %get3A_76 = arith.constant 4 : i32
    %get3A_77 = arith.index_cast %get3A_74 : i32 to index
    %get3A_78 = arith.index_cast %get3A_75 : i32 to index
    %get3A_79 = arith.index_cast %get3A_76 : i32 to index
    %get3A_80 = arith.constant 0 : index
    %get3A_81 = tpu.vector_load %arg8[%get3A_77, %get3A_78, %get3A_79, %get3A_80] {strides = array<i32>} : memref<2x4x16x16xf32, #tpu.memory_space<vmem>>, vector<1x1x1x16xf32>,
    %get3A_82 = vector.shape_cast %get3A_81 : vector<1x1x1x16xf32> to vector<16xf32>
    %get3A_83 = arith.constant 0 : i32
    %get3A_84 = arith.constant 0 : i32
    %get3A_85 = arith.constant 5 : i32
    %get3A_86 = arith.index_cast %get3A_83 : i32 to index
    %get3A_87 = arith.index_cast %get3A_84 : i32 to index
    %get3A_88 = arith.index_cast %get3A_85 : i32 to index
    %get3A_89 = arith.constant 0 : index
    %get3A_90 = tpu.vector_load %arg8[%get3A_86, %get3A_87, %get3A_88, %get3A_89] {strides = array<i32>} : memref<2x4x16x16xf32, #tpu.memory_space<vmem>>, vector<1x1x1x16xf32>,
    %get3A_91 = vector.shape_cast %get3A_90 : vector<1x1x1x16xf32> to vector<16xf32>
    %get3A_92 = arith.constant 0 : i32
    %get3A_93 = arith.constant 0 : i32
    %get3A_94 = arith.constant 6 : i32
    %get3A_95 = arith.index_cast %get3A_92 : i32 to index
    %get3A_96 = arith.index_cast %get3A_93 : i32 to index
    %get3A_97 = arith.index_cast %get3A_94 : i32 to index
    %get3A_98 = arith.constant 0 : index
    %get3A_99 = tpu.vector_load %arg8[%get3A_95, %get3A_96, %get3A_97, %get3A_98] {strides = array<i32>} : memref<2x4x16x16xf32, #tpu.memory_space<vmem>>, vector<1x1x1x16xf32>,
    %get3A_100 = vector.shape_cast %get3A_99 : vector<1x1x1x16xf32> to vector<16xf32>
    %get3A_101 = arith.constant 0 : i32
    %get3A_102 = arith.constant 0 : i32
    %get3A_103 = arith.constant 7 : i32
    %get3A_104 = arith.index_cast %get3A_101 : i32 to index
    %get3A_105 = arith.index_cast %get3A_102 : i32 to index
    %get3A_106 = arith.index_cast %get3A_103 : i32 to index
    %get3A_107 = arith.constant 0 : index
    %get3A_108 = tpu.vector_load %arg8[%get3A_104, %get3A_105, %get3A_106, %get3A_107] {strides = array<i32>} : memref<2x4x16x16xf32, #tpu.memory_space<vmem>>, vector<1x1x1x16xf32>,
    %get3A_109 = vector.shape_cast %get3A_108 : vector<1x1x1x16xf32> to vector<16xf32>
    %get3A_110 = arith.constant 0 : i32
    %get3A_111 = arith.constant 0 : i32
    %get3A_112 = arith.constant 8 : i32
    %get3A_113 = arith.index_cast %get3A_110 : i32 to index
    %get3A_114 = arith.index_cast %get3A_111 : i32 to index
    %get3A_115 = arith.index_cast %get3A_112 : i32 to index
    %get3A_116 = arith.constant 0 : index
    %get3A_117 = tpu.vector_load %arg8[%get3A_113, %get3A_114, %get3A_115, %get3A_116] {strides = array<i32>} : memref<2x4x16x16xf32, #tpu.memory_space<vmem>>, vector<1x1x1x16xf32>,
    %get3A_118 = vector.shape_cast %get3A_117 : vector<1x1x1x16xf32> to vector<16xf32>
    %get3A_119 = arith.constant 0 : i32
    %get3A_120 = arith.constant 0 : i32
    %get3A_121 = arith.constant 9 : i32
    %get3A_122 = arith.index_cast %get3A_119 : i32 to index
    %get3A_123 = arith.index_cast %get3A_120 : i32 to index
    %get3A_124 = arith.index_cast %get3A_121 : i32 to index
    %get3A_125 = arith.constant 0 : index
    %get3A_126 = tpu.vector_load %arg8[%get3A_122, %get3A_123, %get3A_124, %get3A_125] {strides = array<i32>} : memref<2x4x16x16xf32, #tpu.memory_space<vmem>>, vector<1x1x1x16xf32>,
    %get3A_127 = vector.shape_cast %get3A_126 : vector<1x1x1x16xf32> to vector<16xf32>
    %get3A_128 = arith.constant 0 : i32
    %get3A_129 = arith.constant 0 : i32
    %get3A_130 = arith.constant 10 : i32
    %get3A_131 = arith.index_cast %get3A_128 : i32 to index
    %get3A_132 = arith.index_cast %get3A_129 : i32 to index
    %get3A_133 = arith.index_cast %get3A_130 : i32 to index
    %get3A_134 = arith.constant 0 : index
    %get3A_135 = tpu.vector_load %arg8[%get3A_131, %get3A_132, %get3A_133, %get3A_134] {strides = array<i32>} : memref<2x4x16x16xf32, #tpu.memory_space<vmem>>, vector<1x1x1x16xf32>,
    %get3A_136 = vector.shape_cast %get3A_135 : vector<1x1x1x16xf32> to vector<16xf32>
    %get3A_137 = arith.constant 0 : i32
    %get3A_138 = arith.constant 0 : i32
    %get3A_139 = arith.constant 11 : i32
    %get3A_140 = arith.index_cast %get3A_137 : i32 to index
    %get3A_141 = arith.index_cast %get3A_138 : i32 to index
    %get3A_142 = arith.index_cast %get3A_139 : i32 to index
    %get3A_143 = arith.constant 0 : index
    %get3A_144 = tpu.vector_load %arg8[%get3A_140, %get3A_141, %get3A_142, %get3A_143] {strides = array<i32>} : memref<2x4x16x16xf32, #tpu.memory_space<vmem>>, vector<1x1x1x16xf32>,
    %get3A_145 = vector.shape_cast %get3A_144 : vector<1x1x1x16xf32> to vector<16xf32>
    %get3A_146 = arith.constant 0 : i32
    %get3A_147 = arith.constant 0 : i32
    %get3A_148 = arith.constant 12 : i32
    %get3A_149 = arith.index_cast %get3A_146 : i32 to index
    %get3A_150 = arith.index_cast %get3A_147 : i32 to index
    %get3A_151 = arith.index_cast %get3A_148 : i32 to index
    %get3A_152 = arith.constant 0 : index
    %get3A_153 = tpu.vector_load %arg8[%get3A_149, %get3A_150, %get3A_151, %get3A_152] {strides = array<i32>} : memref<2x4x16x16xf32, #tpu.memory_space<vmem>>, vector<1x1x1x16xf32>,
    %get3A_154 = vector.shape_cast %get3A_153 : vector<1x1x1x16xf32> to vector<16xf32>
    %get3A_155 = arith.constant 0 : i32
    %get3A_156 = arith.constant 0 : i32
    %get3A_157 = arith.constant 13 : i32
    %get3A_158 = arith.index_cast %get3A_155 : i32 to index
    %get3A_159 = arith.index_cast %get3A_156 : i32 to index
    %get3A_160 = arith.index_cast %get3A_157 : i32 to index
    %get3A_161 = arith.constant 0 : index
    %get3A_162 = tpu.vector_load %arg8[%get3A_158, %get3A_159, %get3A_160, %get3A_161] {strides = array<i32>} : memref<2x4x16x16xf32, #tpu.memory_space<vmem>>, vector<1x1x1x16xf32>,
    %get3A_163 = vector.shape_cast %get3A_162 : vector<1x1x1x16xf32> to vector<16xf32>
    %get3A_164 = arith.constant 0 : i32
    %get3A_165 = arith.constant 0 : i32
    %get3A_166 = arith.constant 14 : i32
    %get3A_167 = arith.index_cast %get3A_164 : i32 to index
    %get3A_168 = arith.index_cast %get3A_165 : i32 to index
    %get3A_169 = arith.index_cast %get3A_166 : i32 to index
    %get3A_170 = arith.constant 0 : index
    %get3A_171 = tpu.vector_load %arg8[%get3A_167, %get3A_168, %get3A_169, %get3A_170] {strides = array<i32>} : memref<2x4x16x16xf32, #tpu.memory_space<vmem>>, vector<1x1x1x16xf32>,
    %get3A_172 = vector.shape_cast %get3A_171 : vector<1x1x1x16xf32> to vector<16xf32>
    %get3A_173 = arith.constant 0 : i32
    %get3A_174 = arith.constant 0 : i32
    %get3A_175 = arith.constant 15 : i32
    %get3A_176 = arith.index_cast %get3A_173 : i32 to index
    %get3A_177 = arith.index_cast %get3A_174 : i32 to index
    %get3A_178 = arith.index_cast %get3A_175 : i32 to index
    %get3A_179 = arith.constant 0 : index
    %get3A_180 = tpu.vector_load %arg8[%get3A_176, %get3A_177, %get3A_178, %get3A_179] {strides = array<i32>} : memref<2x4x16x16xf32, #tpu.memory_space<vmem>>, vector<1x1x1x16xf32>,
    %get3A_181 = vector.shape_cast %get3A_180 : vector<1x1x1x16xf32> to vector<16xf32>
    %get3A_182 = arith.constant 1 : i32
    %get3A_183 = arith.constant 0 : i32
    %get3A_184 = arith.constant 0 : i32
    %get3A_185 = arith.index_cast %get3A_182 : i32 to index
    %get3A_186 = arith.index_cast %get3A_183 : i32 to index
    %get3A_187 = arith.index_cast %get3A_184 : i32 to index
    %get3A_188 = arith.constant 0 : index
    %get3A_189 = tpu.vector_load %arg8[%get3A_185, %get3A_186, %get3A_187, %get3A_188] {strides = array<i32>} : memref<2x4x16x16xf32, #tpu.memory_space<vmem>>, vector<1x1x1x16xf32>,
    %get3A_190 = vector.shape_cast %get3A_189 : vector<1x1x1x16xf32> to vector<16xf32>
    %get3A_191 = arith.constant 1 : i32
    %get3A_192 = arith.constant 0 : i32
    %get3A_193 = arith.constant 1 : i32
    %get3A_194 = arith.index_cast %get3A_191 : i32 to index
    %get3A_195 = arith.index_cast %get3A_192 : i32 to index
    %get3A_196 = arith.index_cast %get3A_193 : i32 to index
    %get3A_197 = arith.constant 0 : index
    %get3A_198 = tpu.vector_load %arg8[%get3A_194, %get3A_195, %get3A_196, %get3A_197] {strides = array<i32>} : memref<2x4x16x16xf32, #tpu.memory_space<vmem>>, vector<1x1x1x16xf32>,
    %get3A_199 = vector.shape_cast %get3A_198 : vector<1x1x1x16xf32> to vector<16xf32>
    %get3A_200 = arith.constant 1 : i32
    %get3A_201 = arith.constant 0 : i32
    %get3A_202 = arith.constant 2 : i32
    %get3A_203 = arith.index_cast %get3A_200 : i32 to index
    %get3A_204 = arith.index_cast %get3A_201 : i32 to index
    %get3A_205 = arith.index_cast %get3A_202 : i32 to index
    %get3A_206 = arith.constant 0 : index
    %get3A_207 = tpu.vector_load %arg8[%get3A_203, %get3A_204, %get3A_205, %get3A_206] {strides = array<i32>} : memref<2x4x16x16xf32, #tpu.memory_space<vmem>>, vector<1x1x1x16xf32>,
    %get3A_208 = vector.shape_cast %get3A_207 : vector<1x1x1x16xf32> to vector<16xf32>
    %get3A_209 = arith.constant 1 : i32
    %get3A_210 = arith.constant 0 : i32
    %get3A_211 = arith.constant 3 : i32
    %get3A_212 = arith.index_cast %get3A_209 : i32 to index
    %get3A_213 = arith.index_cast %get3A_210 : i32 to index
    %get3A_214 = arith.index_cast %get3A_211 : i32 to index
    %get3A_215 = arith.constant 0 : index
    %get3A_216 = tpu.vector_load %arg8[%get3A_212, %get3A_213, %get3A_214, %get3A_215] {strides = array<i32>} : memref<2x4x16x16xf32, #tpu.memory_space<vmem>>, vector<1x1x1x16xf32>,
    %get3A_217 = vector.shape_cast %get3A_216 : vector<1x1x1x16xf32> to vector<16xf32>
    %get3A_218 = arith.constant 1 : i32
    %get3A_219 = arith.constant 0 : i32
    %get3A_220 = arith.constant 4 : i32
    %get3A_221 = arith.index_cast %get3A_218 : i32 to index
    %get3A_222 = arith.index_cast %get3A_219 : i32 to index
    %get3A_223 = arith.index_cast %get3A_220 : i32 to index
    %get3A_224 = arith.constant 0 : index
    %get3A_225 = tpu.vector_load %arg8[%get3A_221, %get3A_222, %get3A_223, %get3A_224] {strides = array<i32>} : memref<2x4x16x16xf32, #tpu.memory_space<vmem>>, vector<1x1x1x16xf32>,
    %get3A_226 = vector.shape_cast %get3A_225 : vector<1x1x1x16xf32> to vector<16xf32>
    %get3A_227 = arith.constant 1 : i32
    %get3A_228 = arith.constant 0 : i32
    %get3A_229 = arith.constant 5 : i32
    %get3A_230 = arith.index_cast %get3A_227 : i32 to index
    %get3A_231 = arith.index_cast %get3A_228 : i32 to index
    %get3A_232 = arith.index_cast %get3A_229 : i32 to index
    %get3A_233 = arith.constant 0 : index
    %get3A_234 = tpu.vector_load %arg8[%get3A_230, %get3A_231, %get3A_232, %get3A_233] {strides = array<i32>} : memref<2x4x16x16xf32, #tpu.memory_space<vmem>>, vector<1x1x1x16xf32>,
    %get3A_235 = vector.shape_cast %get3A_234 : vector<1x1x1x16xf32> to vector<16xf32>
    %get3A_236 = arith.constant 1 : i32
    %get3A_237 = arith.constant 0 : i32
    %get3A_238 = arith.constant 6 : i32
    %get3A_239 = arith.index_cast %get3A_236 : i32 to index
    %get3A_240 = arith.index_cast %get3A_237 : i32 to index
    %get3A_241 = arith.index_cast %get3A_238 : i32 to index
    %get3A_242 = arith.constant 0 : index
    %get3A_243 = tpu.vector_load %arg8[%get3A_239, %get3A_240, %get3A_241, %get3A_242] {strides = array<i32>} : memref<2x4x16x16xf32, #tpu.memory_space<vmem>>, vector<1x1x1x16xf32>,
    %get3A_244 = vector.shape_cast %get3A_243 : vector<1x1x1x16xf32> to vector<16xf32>
    %get3A_245 = arith.constant 1 : i32
    %get3A_246 = arith.constant 0 : i32
    %get3A_247 = arith.constant 7 : i32
    %get3A_248 = arith.index_cast %get3A_245 : i32 to index
    %get3A_249 = arith.index_cast %get3A_246 : i32 to index
    %get3A_250 = arith.index_cast %get3A_247 : i32 to index
    %get3A_251 = arith.constant 0 : index
    %get3A_252 = tpu.vector_load %arg8[%get3A_248, %get3A_249, %get3A_250, %get3A_251] {strides = array<i32>} : memref<2x4x16x16xf32, #tpu.memory_space<vmem>>, vector<1x1x1x16xf32>,
    %get3A_253 = vector.shape_cast %get3A_252 : vector<1x1x1x16xf32> to vector<16xf32>
    %get3A_254 = arith.constant 1 : i32
    %get3A_255 = arith.constant 0 : i32
    %get3A_256 = arith.constant 8 : i32
    %get3A_257 = arith.index_cast %get3A_254 : i32 to index
    %get3A_258 = arith.index_cast %get3A_255 : i32 to index
    %get3A_259 = arith.index_cast %get3A_256 : i32 to index
    %get3A_260 = arith.constant 0 : index
    %get3A_261 = tpu.vector_load %arg8[%get3A_257, %get3A_258, %get3A_259, %get3A_260] {strides = array<i32>} : memref<2x4x16x16xf32, #tpu.memory_space<vmem>>, vector<1x1x1x16xf32>,
    %get3A_262 = vector.shape_cast %get3A_261 : vector<1x1x1x16xf32> to vector<16xf32>
    %get3A_263 = arith.constant 1 : i32
    %get3A_264 = arith.constant 0 : i32
    %get3A_265 = arith.constant 9 : i32
    %get3A_266 = arith.index_cast %get3A_263 : i32 to index
    %get3A_267 = arith.index_cast %get3A_264 : i32 to index
    %get3A_268 = arith.index_cast %get3A_265 : i32 to index
    %get3A_269 = arith.constant 0 : index
    %get3A_270 = tpu.vector_load %arg8[%get3A_266, %get3A_267, %get3A_268, %get3A_269] {strides = array<i32>} : memref<2x4x16x16xf32, #tpu.memory_space<vmem>>, vector<1x1x1x16xf32>,
    %get3A_271 = vector.shape_cast %get3A_270 : vector<1x1x1x16xf32> to vector<16xf32>
    %get3A_272 = arith.constant 1 : i32
    %get3A_273 = arith.constant 0 : i32
    %get3A_274 = arith.constant 10 : i32
    %get3A_275 = arith.index_cast %get3A_272 : i32 to index
    %get3A_276 = arith.index_cast %get3A_273 : i32 to index
    %get3A_277 = arith.index_cast %get3A_274 : i32 to index
    %get3A_278 = arith.constant 0 : index
    %get3A_279 = tpu.vector_load %arg8[%get3A_275, %get3A_276, %get3A_277, %get3A_278] {strides = array<i32>} : memref<2x4x16x16xf32, #tpu.memory_space<vmem>>, vector<1x1x1x16xf32>,
    %get3A_280 = vector.shape_cast %get3A_279 : vector<1x1x1x16xf32> to vector<16xf32>
    %get3A_281 = arith.constant 1 : i32
    %get3A_282 = arith.constant 0 : i32
    %get3A_283 = arith.constant 11 : i32
    %get3A_284 = arith.index_cast %get3A_281 : i32 to index
    %get3A_285 = arith.index_cast %get3A_282 : i32 to index
    %get3A_286 = arith.index_cast %get3A_283 : i32 to index
    %get3A_287 = arith.constant 0 : index
    %get3A_288 = tpu.vector_load %arg8[%get3A_284, %get3A_285, %get3A_286, %get3A_287] {strides = array<i32>} : memref<2x4x16x16xf32, #tpu.memory_space<vmem>>, vector<1x1x1x16xf32>,
    %get3A_289 = vector.shape_cast %get3A_288 : vector<1x1x1x16xf32> to vector<16xf32>
    %get3A_290 = arith.constant 1 : i32
    %get3A_291 = arith.constant 0 : i32
    %get3A_292 = arith.constant 12 : i32
    %get3A_293 = arith.index_cast %get3A_290 : i32 to index
    %get3A_294 = arith.index_cast %get3A_291 : i32 to index
    %get3A_295 = arith.index_cast %get3A_292 : i32 to index
    %get3A_296 = arith.constant 0 : index
    %get3A_297 = tpu.vector_load %arg8[%get3A_293, %get3A_294, %get3A_295, %get3A_296] {strides = array<i32>} : memref<2x4x16x16xf32, #tpu.memory_space<vmem>>, vector<1x1x1x16xf32>,
    %get3A_298 = vector.shape_cast %get3A_297 : vector<1x1x1x16xf32> to vector<16xf32>
    %get3A_299 = arith.constant 1 : i32
    %get3A_300 = arith.constant 0 : i32
    %get3A_301 = arith.constant 13 : i32
    %get3A_302 = arith.index_cast %get3A_299 : i32 to index
    %get3A_303 = arith.index_cast %get3A_300 : i32 to index
    %get3A_304 = arith.index_cast %get3A_301 : i32 to index
    %get3A_305 = arith.constant 0 : index
    %get3A_306 = tpu.vector_load %arg8[%get3A_302, %get3A_303, %get3A_304, %get3A_305] {strides = array<i32>} : memref<2x4x16x16xf32, #tpu.memory_space<vmem>>, vector<1x1x1x16xf32>,
    %get3A_307 = vector.shape_cast %get3A_306 : vector<1x1x1x16xf32> to vector<16xf32>
    %get3A_308 = arith.constant 1 : i32
    %get3A_309 = arith.constant 0 : i32
    %get3A_310 = arith.constant 14 : i32
    %get3A_311 = arith.index_cast %get3A_308 : i32 to index
    %get3A_312 = arith.index_cast %get3A_309 : i32 to index
    %get3A_313 = arith.index_cast %get3A_310 : i32 to index
    %get3A_314 = arith.constant 0 : index
    %get3A_315 = tpu.vector_load %arg8[%get3A_311, %get3A_312, %get3A_313, %get3A_314] {strides = array<i32>} : memref<2x4x16x16xf32, #tpu.memory_space<vmem>>, vector<1x1x1x16xf32>,
    %get3A_316 = vector.shape_cast %get3A_315 : vector<1x1x1x16xf32> to vector<16xf32>
    %get3A_317 = arith.constant 1 : i32
    %get3A_318 = arith.constant 0 : i32
    %get3A_319 = arith.constant 15 : i32
    %get3A_320 = arith.index_cast %get3A_317 : i32 to index
    %get3A_321 = arith.index_cast %get3A_318 : i32 to index
    %get3A_322 = arith.index_cast %get3A_319 : i32 to index
    %get3A_323 = arith.constant 0 : index
    %get3A_324 = tpu.vector_load %arg8[%get3A_320, %get3A_321, %get3A_322, %get3A_323] {strides = array<i32>} : memref<2x4x16x16xf32, #tpu.memory_space<vmem>>, vector<1x1x1x16xf32>,
    %get3A_325 = vector.shape_cast %get3A_324 : vector<1x1x1x16xf32> to vector<16xf32>
    %scan3A = arith.constant 0 : i32
    %scan3A_326 = arith.constant 0 : i32
    %scan3A_327 = arith.constant 64 : i32
    %scan3A_328 = arith.addi %scan3A_326, %scan3A_327 : i32
    %scan3A_329 = arith.constant 1 : i32
    scf.for %scan3A_1341 = %scan3A_326 to %scan3A_328 step %scan3A_329  : i32 {
      %mul3A_1342 = arith.constant 16 : i32
      %mul3A_1343 = arith.muli %scan3A_1341, %mul3A_1342 : i32
      %multiple_of3A = tpu.assume_multiple %mul3A_1343, 16 : i32
      %get3A_1344 = arith.constant 0 : i32
      %get3A_1345 = arith.index_cast %get3A_1344 : i32 to index
      %get3A_1346 = arith.index_cast %multiple_of3A : i32 to index
      %get3A_1347 = tpu.vector_load %arg10[%get3A_1345, %get3A_1346] {strides = array<i32>} : memref<16x1024xf32, #tpu.memory_space<vmem>>, vector<1x16xf32>,
      %get3A_1348 = vector.shape_cast %get3A_1347 : vector<1x16xf32> to vector<16xf32>
      %get3A_1349 = arith.constant 0 : i32
      %get3A_1350 = arith.constant 0 : i32
      %get3A_1351 = arith.index_cast %get3A_1349 : i32 to index
      %get3A_1352 = arith.index_cast %get3A_1350 : i32 to index
      %get3A_1353 = arith.index_cast %multiple_of3A : i32 to index
      %get3A_1354 = tpu.vector_load %arg9[%get3A_1351, %get3A_1352, %get3A_1353] {strides = array<i32>} : memref<2x32x1024xf32, #tpu.memory_space<vmem>>, vector<1x1x16xf32>,
      %get3A_1355 = vector.shape_cast %get3A_1354 : vector<1x1x16xf32> to vector<16xf32>
      %mul3A_1356 = arith.mulf %get3A_46, %get3A_1355 : vector<16xf32>
      %add3A_1357 = arith.addf %get3A_1348, %mul3A_1356 : vector<16xf32>
      %get3A_1358 = arith.constant 0 : i32
      %get3A_1359 = arith.constant 16 : i32
      %get3A_1360 = arith.index_cast %get3A_1358 : i32 to index
      %get3A_1361 = arith.index_cast %get3A_1359 : i32 to index
      %get3A_1362 = arith.index_cast %multiple_of3A : i32 to index
      %get3A_1363 = tpu.vector_load %arg9[%get3A_1360, %get3A_1361, %get3A_1362] {strides = array<i32>} : memref<2x32x1024xf32, #tpu.memory_space<vmem>>, vector<1x1x16xf32>,
      %get3A_1364 = vector.shape_cast %get3A_1363 : vector<1x1x16xf32> to vector<16xf32>
      %mul3A_1365 = arith.mulf %get3A_190, %get3A_1364 : vector<16xf32>
      %add3A_1366 = arith.addf %add3A_1357, %mul3A_1365 : vector<16xf32>
      %swap3A = arith.constant 0 : i32
      %swap3A_1367 = arith.index_cast %swap3A : i32 to index
      %swap3A_1368 = arith.index_cast %multiple_of3A : i32 to index
      %swap3A_1369 = tpu.vector_load %arg11[%swap3A_1367, %swap3A_1368] {strides = array<i32>} : memref<16x1024xf32, #tpu.memory_space<vmem>>, vector<1x16xf32>,
      %swap3A_1370 = vector.shape_cast %swap3A_1369 : vector<1x16xf32> to vector<16xf32>
      %swap3A_1371 = vector.shape_cast %add3A_1366 : vector<16xf32> to vector<1x16xf32>
      tpu.vector_store %arg11[%swap3A_1367, %swap3A_1368], %swap3A_1371 {strides = array<i32>} : memref<16x1024xf32, #tpu.memory_space<vmem>>, vector<1x16xf32>,
      %get3A_1372 = arith.constant 1 : i32
      %get3A_1373 = arith.index_cast %get3A_1372 : i32 to index
      %get3A_1374 = arith.index_cast %multiple_of3A : i32 to index
      %get3A_1375 = tpu.vector_load %arg10[%get3A_1373, %get3A_1374] {strides = array<i32>} : memref<16x1024xf32, #tpu.memory_space<vmem>>, vector<1x16xf32>,
      %get3A_1376 = vector.shape_cast %get3A_1375 : vector<1x16xf32> to vector<16xf32>
      %get3A_1377 = arith.constant 0 : i32
      %get3A_1378 = arith.constant 1 : i32
      %get3A_1379 = arith.index_cast %get3A_1377 : i32 to index
      %get3A_1380 = arith.index_cast %get3A_1378 : i32 to index
      %get3A_1381 = arith.index_cast %multiple_of3A : i32 to index
      %get3A_1382 = tpu.vector_load %arg9[%get3A_1379, %get3A_1380, %get3A_1381] {strides = array<i32>} : memref<2x32x1024xf32, #tpu.memory_space<vmem>>, vector<1x1x16xf32>,
      %get3A_1383 = vector.shape_cast %get3A_1382 : vector<1x1x16xf32> to vector<16xf32>
      %mul3A_1384 = arith.mulf %get3A_55, %get3A_1383 : vector<16xf32>
      %add3A_1385 = arith.addf %get3A_1376, %mul3A_1384 : vector<16xf32>
      %get3A_1386 = arith.constant 0 : i32
      %get3A_1387 = arith.constant 17 : i32
      %get3A_1388 = arith.index_cast %get3A_1386 : i32 to index
      %get3A_1389 = arith.index_cast %get3A_1387 : i32 to index
      %get3A_1390 = arith.index_cast %multiple_of3A : i32 to index
      %get3A_1391 = tpu.vector_load %arg9[%get3A_1388, %get3A_1389, %get3A_1390] {strides = array<i32>} : memref<2x32x1024xf32, #tpu.memory_space<vmem>>, vector<1x1x16xf32>,
      %get3A_1392 = vector.shape_cast %get3A_1391 : vector<1x1x16xf32> to vector<16xf32>
      %mul3A_1393 = arith.mulf %get3A_199, %get3A_1392 : vector<16xf32>
      %add3A_1394 = arith.addf %add3A_1385, %mul3A_1393 : vector<16xf32>
      %swap3A_1395 = arith.constant 1 : i32
      %swap3A_1396 = arith.index_cast %swap3A_1395 : i32 to index
      %swap3A_1397 = arith.index_cast %multiple_of3A : i32 to index
      %swap3A_1398 = tpu.vector_load %arg11[%swap3A_1396, %swap3A_1397] {strides = array<i32>} : memref<16x1024xf32, #tpu.memory_space<vmem>>, vector<1x16xf32>,
      %swap3A_1399 = vector.shape_cast %swap3A_1398 : vector<1x16xf32> to vector<16xf32>
      %swap3A_1400 = vector.shape_cast %add3A_1394 : vector<16xf32> to vector<1x16xf32>
      tpu.vector_store %arg11[%swap3A_1396, %swap3A_1397], %swap3A_1400 {strides = array<i32>} : memref<16x1024xf32, #tpu.memory_space<vmem>>, vector<1x16xf32>,
      %get3A_1401 = arith.constant 2 : i32
      %get3A_1402 = arith.index_cast %get3A_1401 : i32 to index
      %get3A_1403 = arith.index_cast %multiple_of3A : i32 to index
      %get3A_1404 = tpu.vector_load %arg10[%get3A_1402, %get3A_1403] {strides = array<i32>} : memref<16x1024xf32, #tpu.memory_space<vmem>>, vector<1x16xf32>,
      %get3A_1405 = vector.shape_cast %get3A_1404 : vector<1x16xf32> to vector<16xf32>
      %get3A_1406 = arith.constant 0 : i32
      %get3A_1407 = arith.constant 2 : i32
      %get3A_1408 = arith.index_cast %get3A_1406 : i32 to index
      %get3A_1409 = arith.index_cast %get3A_1407 : i32 to index
      %get3A_1410 = arith.index_cast %multiple_of3A : i32 to index
      %get3A_1411 = tpu.vector_load %arg9[%get3A_1408, %get3A_1409, %get3A_1410] {strides = array<i32>} : memref<2x32x1024xf32, #tpu.memory_space<vmem>>, vector<1x1x16xf32>,
      %get3A_1412 = vector.shape_cast %get3A_1411 : vector<1x1x16xf32> to vector<16xf32>
      %mul3A_1413 = arith.mulf %get3A_64, %get3A_1412 : vector<16xf32>
      %add3A_1414 = arith.addf %get3A_1405, %mul3A_1413 : vector<16xf32>
      %get3A_1415 = arith.constant 0 : i32
      %get3A_1416 = arith.constant 18 : i32
      %get3A_1417 = arith.index_cast %get3A_1415 : i32 to index
      %get3A_1418 = arith.index_cast %get3A_1416 : i32 to index
      %get3A_1419 = arith.index_cast %multiple_of3A : i32 to index
      %get3A_1420 = tpu.vector_load %arg9[%get3A_1417, %get3A_1418, %get3A_1419] {strides = array<i32>} : memref<2x32x1024xf32, #tpu.memory_space<vmem>>, vector<1x1x16xf32>,
      %get3A_1421 = vector.shape_cast %get3A_1420 : vector<1x1x16xf32> to vector<16xf32>
      %mul3A_1422 = arith.mulf %get3A_208, %get3A_1421 : vector<16xf32>
      %add3A_1423 = arith.addf %add3A_1414, %mul3A_1422 : vector<16xf32>
      %swap3A_1424 = arith.constant 2 : i32
      %swap3A_1425 = arith.index_cast %swap3A_1424 : i32 to index
      %swap3A_1426 = arith.index_cast %multiple_of3A : i32 to index
      %swap3A_1427 = tpu.vector_load %arg11[%swap3A_1425, %swap3A_1426] {strides = array<i32>} : memref<16x1024xf32, #tpu.memory_space<vmem>>, vector<1x16xf32>,
      %swap3A_1428 = vector.shape_cast %swap3A_1427 : vector<1x16xf32> to vector<16xf32>
      %swap3A_1429 = vector.shape_cast %add3A_1423 : vector<16xf32> to vector<1x16xf32>
      tpu.vector_store %arg11[%swap3A_1425, %swap3A_1426], %swap3A_1429 {strides = array<i32>} : memref<16x1024xf32, #tpu.memory_space<vmem>>, vector<1x16xf32>,
      %get3A_1430 = arith.constant 3 : i32
      %get3A_1431 = arith.index_cast %get3A_1430 : i32 to index
      %get3A_1432 = arith.index_cast %multiple_of3A : i32 to index
      %get3A_1433 = tpu.vector_load %arg10[%get3A_1431, %get3A_1432] {strides = array<i32>} : memref<16x1024xf32, #tpu.memory_space<vmem>>, vector<1x16xf32>,
      %get3A_1434 = vector.shape_cast %get3A_1433 : vector<1x16xf32> to vector<16xf32>
      %get3A_1435 = arith.constant 0 : i32
      %get3A_1436 = arith.constant 3 : i32
      %get3A_1437 = arith.index_cast %get3A_1435 : i32 to index
      %get3A_1438 = arith.index_cast %get3A_1436 : i32 to index
      %get3A_1439 = arith.index_cast %multiple_of3A : i32 to index
      %get3A_1440 = tpu.vector_load %arg9[%get3A_1437, %get3A_1438, %get3A_1439] {strides = array<i32>} : memref<2x32x1024xf32, #tpu.memory_space<vmem>>, vector<1x1x16xf32>,
      %get3A_1441 = vector.shape_cast %get3A_1440 : vector<1x1x16xf32> to vector<16xf32>
      %mul3A_1442 = arith.mulf %get3A_73, %get3A_1441 : vector<16xf32>
      %add3A_1443 = arith.addf %get3A_1434, %mul3A_1442 : vector<16xf32>
      %get3A_1444 = arith.constant 0 : i32
      %get3A_1445 = arith.constant 19 : i32
      %get3A_1446 = arith.index_cast %get3A_1444 : i32 to index
      %get3A_1447 = arith.index_cast %get3A_1445 : i32 to index
      %get3A_1448 = arith.index_cast %multiple_of3A : i32 to index
      %get3A_1449 = tpu.vector_load %arg9[%get3A_1446, %get3A_1447, %get3A_1448] {strides = array<i32>} : memref<2x32x1024xf32, #tpu.memory_space<vmem>>, vector<1x1x16xf32>,
      %get3A_1450 = vector.shape_cast %get3A_1449 : vector<1x1x16xf32> to vector<16xf32>
      %mul3A_1451 = arith.mulf %get3A_217, %get3A_1450 : vector<16xf32>
      %add3A_1452 = arith.addf %add3A_1443, %mul3A_1451 : vector<16xf32>
      %swap3A_1453 = arith.constant 3 : i32
      %swap3A_1454 = arith.index_cast %swap3A_1453 : i32 to index
      %swap3A_1455 = arith.index_cast %multiple_of3A : i32 to index
      %swap3A_1456 = tpu.vector_load %arg11[%swap3A_1454, %swap3A_1455] {strides = array<i32>} : memref<16x1024xf32, #tpu.memory_space<vmem>>, vector<1x16xf32>,
      %swap3A_1457 = vector.shape_cast %swap3A_1456 : vector<1x16xf32> to vector<16xf32>
      %swap3A_1458 = vector.shape_cast %add3A_1452 : vector<16xf32> to vector<1x16xf32>
      tpu.vector_store %arg11[%swap3A_1454, %swap3A_1455], %swap3A_1458 {strides = array<i32>} : memref<16x1024xf32, #tpu.memory_space<vmem>>, vector<1x16xf32>,
      %get3A_1459 = arith.constant 4 : i32
      %get3A_1460 = arith.index_cast %get3A_1459 : i32 to index
      %get3A_1461 = arith.index_cast %multiple_of3A : i32 to index
      %get3A_1462 = tpu.vector_load %arg10[%get3A_1460, %get3A_1461] {strides = array<i32>} : memref<16x1024xf32, #tpu.memory_space<vmem>>, vector<1x16xf32>,
      %get3A_1463 = vector.shape_cast %get3A_1462 : vector<1x16xf32> to vector<16xf32>
      %get3A_1464 = arith.constant 0 : i32
      %get3A_1465 = arith.constant 4 : i32
      %get3A_1466 = arith.index_cast %get3A_1464 : i32 to index
      %get3A_1467 = arith.index_cast %get3A_1465 : i32 to index
      %get3A_1468 = arith.index_cast %multiple_of3A : i32 to index
      %get3A_1469 = tpu.vector_load %arg9[%get3A_1466, %get3A_1467, %get3A_1468] {strides = array<i32>} : memref<2x32x1024xf32, #tpu.memory_space<vmem>>, vector<1x1x16xf32>,
      %get3A_1470 = vector.shape_cast %get3A_1469 : vector<1x1x16xf32> to vector<16xf32>
      %mul3A_1471 = arith.mulf %get3A_82, %get3A_1470 : vector<16xf32>
      %add3A_1472 = arith.addf %get3A_1463, %mul3A_1471 : vector<16xf32>
      %get3A_1473 = arith.constant 0 : i32
      %get3A_1474 = arith.constant 20 : i32
      %get3A_1475 = arith.index_cast %get3A_1473 : i32 to index
      %get3A_1476 = arith.index_cast %get3A_1474 : i32 to index
      %get3A_1477 = arith.index_cast %multiple_of3A : i32 to index
      %get3A_1478 = tpu.vector_load %arg9[%get3A_1475, %get3A_1476, %get3A_1477] {strides = array<i32>} : memref<2x32x1024xf32, #tpu.memory_space<vmem>>, vector<1x1x16xf32>,
      %get3A_1479 = vector.shape_cast %get3A_1478 : vector<1x1x16xf32> to vector<16xf32>
      %mul3A_1480 = arith.mulf %get3A_226, %get3A_1479 : vector<16xf32>
      %add3A_1481 = arith.addf %add3A_1472, %mul3A_1480 : vector<16xf32>
      %swap3A_1482 = arith.constant 4 : i32
      %swap3A_1483 = arith.index_cast %swap3A_1482 : i32 to index
      %swap3A_1484 = arith.index_cast %multiple_of3A : i32 to index
      %swap3A_1485 = tpu.vector_load %arg11[%swap3A_1483, %swap3A_1484] {strides = array<i32>} : memref<16x1024xf32, #tpu.memory_space<vmem>>, vector<1x16xf32>,
      %swap3A_1486 = vector.shape_cast %swap3A_1485 : vector<1x16xf32> to vector<16xf32>
      %swap3A_1487 = vector.shape_cast %add3A_1481 : vector<16xf32> to vector<1x16xf32>
      tpu.vector_store %arg11[%swap3A_1483, %swap3A_1484], %swap3A_1487 {strides = array<i32>} : memref<16x1024xf32, #tpu.memory_space<vmem>>, vector<1x16xf32>,
      %get3A_1488 = arith.constant 5 : i32
      %get3A_1489 = arith.index_cast %get3A_1488 : i32 to index
      %get3A_1490 = arith.index_cast %multiple_of3A : i32 to index
      %get3A_1491 = tpu.vector_load %arg10[%get3A_1489, %get3A_1490] {strides = array<i32>} : memref<16x1024xf32, #tpu.memory_space<vmem>>, vector<1x16xf32>,
      %get3A_1492 = vector.shape_cast %get3A_1491 : vector<1x16xf32> to vector<16xf32>
      %get3A_1493 = arith.constant 0 : i32
      %get3A_1494 = arith.constant 5 : i32
      %get3A_1495 = arith.index_cast %get3A_1493 : i32 to index
      %get3A_1496 = arith.index_cast %get3A_1494 : i32 to index
      %get3A_1497 = arith.index_cast %multiple_of3A : i32 to index
      %get3A_1498 = tpu.vector_load %arg9[%get3A_1495, %get3A_1496, %get3A_1497] {strides = array<i32>} : memref<2x32x1024xf32, #tpu.memory_space<vmem>>, vector<1x1x16xf32>,
      %get3A_1499 = vector.shape_cast %get3A_1498 : vector<1x1x16xf32> to vector<16xf32>
      %mul3A_1500 = arith.mulf %get3A_91, %get3A_1499 : vector<16xf32>
      %add3A_1501 = arith.addf %get3A_1492, %mul3A_1500 : vector<16xf32>
      %get3A_1502 = arith.constant 0 : i32
      %get3A_1503 = arith.constant 21 : i32
      %get3A_1504 = arith.index_cast %get3A_1502 : i32 to index
      %get3A_1505 = arith.index_cast %get3A_1503 : i32 to index
      %get3A_1506 = arith.index_cast %multiple_of3A : i32 to index
      %get3A_1507 = tpu.vector_load %arg9[%get3A_1504, %get3A_1505, %get3A_1506] {strides = array<i32>} : memref<2x32x1024xf32, #tpu.memory_space<vmem>>, vector<1x1x16xf32>,
      %get3A_1508 = vector.shape_cast %get3A_1507 : vector<1x1x16xf32> to vector<16xf32>
      %mul3A_1509 = arith.mulf %get3A_235, %get3A_1508 : vector<16xf32>
      %add3A_1510 = arith.addf %add3A_1501, %mul3A_1509 : vector<16xf32>
      %swap3A_1511 = arith.constant 5 : i32
      %swap3A_1512 = arith.index_cast %swap3A_1511 : i32 to index
      %swap3A_1513 = arith.index_cast %multiple_of3A : i32 to index
      %swap3A_1514 = tpu.vector_load %arg11[%swap3A_1512, %swap3A_1513] {strides = array<i32>} : memref<16x1024xf32, #tpu.memory_space<vmem>>, vector<1x16xf32>,
      %swap3A_1515 = vector.shape_cast %swap3A_1514 : vector<1x16xf32> to vector<16xf32>
      %swap3A_1516 = vector.shape_cast %add3A_1510 : vector<16xf32> to vector<1x16xf32>
      tpu.vector_store %arg11[%swap3A_1512, %swap3A_1513], %swap3A_1516 {strides = array<i32>} : memref<16x1024xf32, #tpu.memory_space<vmem>>, vector<1x16xf32>,
      %get3A_1517 = arith.constant 6 : i32
      %get3A_1518 = arith.index_cast %get3A_1517 : i32 to index
      %get3A_1519 = arith.index_cast %multiple_of3A : i32 to index
      %get3A_1520 = tpu.vector_load %arg10[%get3A_1518, %get3A_1519] {strides = array<i32>} : memref<16x1024xf32, #tpu.memory_space<vmem>>, vector<1x16xf32>,
      %get3A_1521 = vector.shape_cast %get3A_1520 : vector<1x16xf32> to vector<16xf32>
      %get3A_1522 = arith.constant 0 : i32
      %get3A_1523 = arith.constant 6 : i32
      %get3A_1524 = arith.index_cast %get3A_1522 : i32 to index
      %get3A_1525 = arith.index_cast %get3A_1523 : i32 to index
      %get3A_1526 = arith.index_cast %multiple_of3A : i32 to index
      %get3A_1527 = tpu.vector_load %arg9[%get3A_1524, %get3A_1525, %get3A_1526] {strides = array<i32>} : memref<2x32x1024xf32, #tpu.memory_space<vmem>>, vector<1x1x16xf32>,
      %get3A_1528 = vector.shape_cast %get3A_1527 : vector<1x1x16xf32> to vector<16xf32>
      %mul3A_1529 = arith.mulf %get3A_100, %get3A_1528 : vector<16xf32>
      %add3A_1530 = arith.addf %get3A_1521, %mul3A_1529 : vector<16xf32>
      %get3A_1531 = arith.constant 0 : i32
      %get3A_1532 = arith.constant 22 : i32
      %get3A_1533 = arith.index_cast %get3A_1531 : i32 to index
      %get3A_1534 = arith.index_cast %get3A_1532 : i32 to index
      %get3A_1535 = arith.index_cast %multiple_of3A : i32 to index
      %get3A_1536 = tpu.vector_load %arg9[%get3A_1533, %get3A_1534, %get3A_1535] {strides = array<i32>} : memref<2x32x1024xf32, #tpu.memory_space<vmem>>, vector<1x1x16xf32>,
      %get3A_1537 = vector.shape_cast %get3A_1536 : vector<1x1x16xf32> to vector<16xf32>
      %mul3A_1538 = arith.mulf %get3A_244, %get3A_1537 : vector<16xf32>
      %add3A_1539 = arith.addf %add3A_1530, %mul3A_1538 : vector<16xf32>
      %swap3A_1540 = arith.constant 6 : i32
      %swap3A_1541 = arith.index_cast %swap3A_1540 : i32 to index
      %swap3A_1542 = arith.index_cast %multiple_of3A : i32 to index
      %swap3A_1543 = tpu.vector_load %arg11[%swap3A_1541, %swap3A_1542] {strides = array<i32>} : memref<16x1024xf32, #tpu.memory_space<vmem>>, vector<1x16xf32>,
      %swap3A_1544 = vector.shape_cast %swap3A_1543 : vector<1x16xf32> to vector<16xf32>
      %swap3A_1545 = vector.shape_cast %add3A_1539 : vector<16xf32> to vector<1x16xf32>
      tpu.vector_store %arg11[%swap3A_1541, %swap3A_1542], %swap3A_1545 {strides = array<i32>} : memref<16x1024xf32, #tpu.memory_space<vmem>>, vector<1x16xf32>,
      %get3A_1546 = arith.constant 7 : i32
      %get3A_1547 = arith.index_cast %get3A_1546 : i32 to index
      %get3A_1548 = arith.index_cast %multiple_of3A : i32 to index
      %get3A_1549 = tpu.vector_load %arg10[%get3A_1547, %get3A_1548] {strides = array<i32>} : memref<16x1024xf32, #tpu.memory_space<vmem>>, vector<1x16xf32>,
      %get3A_1550 = vector.shape_cast %get3A_1549 : vector<1x16xf32> to vector<16xf32>
      %get3A_1551 = arith.constant 0 : i32
      %get3A_1552 = arith.constant 7 : i32
      %get3A_1553 = arith.index_cast %get3A_1551 : i32 to index
      %get3A_1554 = arith.index_cast %get3A_1552 : i32 to index
      %get3A_1555 = arith.index_cast %multiple_of3A : i32 to index
      %get3A_1556 = tpu.vector_load %arg9[%get3A_1553, %get3A_1554, %get3A_1555] {strides = array<i32>} : memref<2x32x1024xf32, #tpu.memory_space<vmem>>, vector<1x1x16xf32>,
      %get3A_1557 = vector.shape_cast %get3A_1556 : vector<1x1x16xf32> to vector<16xf32>
      %mul3A_1558 = arith.mulf %get3A_109, %get3A_1557 : vector<16xf32>
      %add3A_1559 = arith.addf %get3A_1550, %mul3A_1558 : vector<16xf32>
      %get3A_1560 = arith.constant 0 : i32
      %get3A_1561 = arith.constant 23 : i32
      %get3A_1562 = arith.index_cast %get3A_1560 : i32 to index
      %get3A_1563 = arith.index_cast %get3A_1561 : i32 to index
      %get3A_1564 = arith.index_cast %multiple_of3A : i32 to index
      %get3A_1565 = tpu.vector_load %arg9[%get3A_1562, %get3A_1563, %get3A_1564] {strides = array<i32>} : memref<2x32x1024xf32, #tpu.memory_space<vmem>>, vector<1x1x16xf32>,
      %get3A_1566 = vector.shape_cast %get3A_1565 : vector<1x1x16xf32> to vector<16xf32>
      %mul3A_1567 = arith.mulf %get3A_253, %get3A_1566 : vector<16xf32>
      %add3A_1568 = arith.addf %add3A_1559, %mul3A_1567 : vector<16xf32>
      %swap3A_1569 = arith.constant 7 : i32
      %swap3A_1570 = arith.index_cast %swap3A_1569 : i32 to index
      %swap3A_1571 = arith.index_cast %multiple_of3A : i32 to index
      %swap3A_1572 = tpu.vector_load %arg11[%swap3A_1570, %swap3A_1571] {strides = array<i32>} : memref<16x1024xf32, #tpu.memory_space<vmem>>, vector<1x16xf32>,
      %swap3A_1573 = vector.shape_cast %swap3A_1572 : vector<1x16xf32> to vector<16xf32>
      %swap3A_1574 = vector.shape_cast %add3A_1568 : vector<16xf32> to vector<1x16xf32>
      tpu.vector_store %arg11[%swap3A_1570, %swap3A_1571], %swap3A_1574 {strides = array<i32>} : memref<16x1024xf32, #tpu.memory_space<vmem>>, vector<1x16xf32>,
      %get3A_1575 = arith.constant 8 : i32
      %get3A_1576 = arith.index_cast %get3A_1575 : i32 to index
      %get3A_1577 = arith.index_cast %multiple_of3A : i32 to index
      %get3A_1578 = tpu.vector_load %arg10[%get3A_1576, %get3A_1577] {strides = array<i32>} : memref<16x1024xf32, #tpu.memory_space<vmem>>, vector<1x16xf32>,
      %get3A_1579 = vector.shape_cast %get3A_1578 : vector<1x16xf32> to vector<16xf32>
      %get3A_1580 = arith.constant 0 : i32
      %get3A_1581 = arith.constant 8 : i32
      %get3A_1582 = arith.index_cast %get3A_1580 : i32 to index
      %get3A_1583 = arith.index_cast %get3A_1581 : i32 to index
      %get3A_1584 = arith.index_cast %multiple_of3A : i32 to index
      %get3A_1585 = tpu.vector_load %arg9[%get3A_1582, %get3A_1583, %get3A_1584] {strides = array<i32>} : memref<2x32x1024xf32, #tpu.memory_space<vmem>>, vector<1x1x16xf32>,
      %get3A_1586 = vector.shape_cast %get3A_1585 : vector<1x1x16xf32> to vector<16xf32>
      %mul3A_1587 = arith.mulf %get3A_118, %get3A_1586 : vector<16xf32>
      %add3A_1588 = arith.addf %get3A_1579, %mul3A_1587 : vector<16xf32>
      %get3A_1589 = arith.constant 0 : i32
      %get3A_1590 = arith.constant 24 : i32
      %get3A_1591 = arith.index_cast %get3A_1589 : i32 to index
      %get3A_1592 = arith.index_cast %get3A_1590 : i32 to index
      %get3A_1593 = arith.index_cast %multiple_of3A : i32 to index
      %get3A_1594 = tpu.vector_load %arg9[%get3A_1591, %get3A_1592, %get3A_1593] {strides = array<i32>} : memref<2x32x1024xf32, #tpu.memory_space<vmem>>, vector<1x1x16xf32>,
      %get3A_1595 = vector.shape_cast %get3A_1594 : vector<1x1x16xf32> to vector<16xf32>
      %mul3A_1596 = arith.mulf %get3A_262, %get3A_1595 : vector<16xf32>
      %add3A_1597 = arith.addf %add3A_1588, %mul3A_1596 : vector<16xf32>
      %swap3A_1598 = arith.constant 8 : i32
      %swap3A_1599 = arith.index_cast %swap3A_1598 : i32 to index
      %swap3A_1600 = arith.index_cast %multiple_of3A : i32 to index
      %swap3A_1601 = tpu.vector_load %arg11[%swap3A_1599, %swap3A_1600] {strides = array<i32>} : memref<16x1024xf32, #tpu.memory_space<vmem>>, vector<1x16xf32>,
      %swap3A_1602 = vector.shape_cast %swap3A_1601 : vector<1x16xf32> to vector<16xf32>
      %swap3A_1603 = vector.shape_cast %add3A_1597 : vector<16xf32> to vector<1x16xf32>
      tpu.vector_store %arg11[%swap3A_1599, %swap3A_1600], %swap3A_1603 {strides = array<i32>} : memref<16x1024xf32, #tpu.memory_space<vmem>>, vector<1x16xf32>,
      %get3A_1604 = arith.constant 9 : i32
      %get3A_1605 = arith.index_cast %get3A_1604 : i32 to index
      %get3A_1606 = arith.index_cast %multiple_of3A : i32 to index
      %get3A_1607 = tpu.vector_load %arg10[%get3A_1605, %get3A_1606] {strides = array<i32>} : memref<16x1024xf32, #tpu.memory_space<vmem>>, vector<1x16xf32>,
      %get3A_1608 = vector.shape_cast %get3A_1607 : vector<1x16xf32> to vector<16xf32>
      %get3A_1609 = arith.constant 0 : i32
      %get3A_1610 = arith.constant 9 : i32
      %get3A_1611 = arith.index_cast %get3A_1609 : i32 to index
      %get3A_1612 = arith.index_cast %get3A_1610 : i32 to index
      %get3A_1613 = arith.index_cast %multiple_of3A : i32 to index
      %get3A_1614 = tpu.vector_load %arg9[%get3A_1611, %get3A_1612, %get3A_1613] {strides = array<i32>} : memref<2x32x1024xf32, #tpu.memory_space<vmem>>, vector<1x1x16xf32>,
      %get3A_1615 = vector.shape_cast %get3A_1614 : vector<1x1x16xf32> to vector<16xf32>
      %mul3A_1616 = arith.mulf %get3A_127, %get3A_1615 : vector<16xf32>
      %add3A_1617 = arith.addf %get3A_1608, %mul3A_1616 : vector<16xf32>
      %get3A_1618 = arith.constant 0 : i32
      %get3A_1619 = arith.constant 25 : i32
      %get3A_1620 = arith.index_cast %get3A_1618 : i32 to index
      %get3A_1621 = arith.index_cast %get3A_1619 : i32 to index
      %get3A_1622 = arith.index_cast %multiple_of3A : i32 to index
      %get3A_1623 = tpu.vector_load %arg9[%get3A_1620, %get3A_1621, %get3A_1622] {strides = array<i32>} : memref<2x32x1024xf32, #tpu.memory_space<vmem>>, vector<1x1x16xf32>,
      %get3A_1624 = vector.shape_cast %get3A_1623 : vector<1x1x16xf32> to vector<16xf32>
      %mul3A_1625 = arith.mulf %get3A_271, %get3A_1624 : vector<16xf32>
      %add3A_1626 = arith.addf %add3A_1617, %mul3A_1625 : vector<16xf32>
      %swap3A_1627 = arith.constant 9 : i32
      %swap3A_1628 = arith.index_cast %swap3A_1627 : i32 to index
      %swap3A_1629 = arith.index_cast %multiple_of3A : i32 to index
      %swap3A_1630 = tpu.vector_load %arg11[%swap3A_1628, %swap3A_1629] {strides = array<i32>} : memref<16x1024xf32, #tpu.memory_space<vmem>>, vector<1x16xf32>,
      %swap3A_1631 = vector.shape_cast %swap3A_1630 : vector<1x16xf32> to vector<16xf32>
      %swap3A_1632 = vector.shape_cast %add3A_1626 : vector<16xf32> to vector<1x16xf32>
      tpu.vector_store %arg11[%swap3A_1628, %swap3A_1629], %swap3A_1632 {strides = array<i32>} : memref<16x1024xf32, #tpu.memory_space<vmem>>, vector<1x16xf32>,
      %get3A_1633 = arith.constant 10 : i32
      %get3A_1634 = arith.index_cast %get3A_1633 : i32 to index
      %get3A_1635 = arith.index_cast %multiple_of3A : i32 to index
      %get3A_1636 = tpu.vector_load %arg10[%get3A_1634, %get3A_1635] {strides = array<i32>} : memref<16x1024xf32, #tpu.memory_space<vmem>>, vector<1x16xf32>,
      %get3A_1637 = vector.shape_cast %get3A_1636 : vector<1x16xf32> to vector<16xf32>
      %get3A_1638 = arith.constant 0 : i32
      %get3A_1639 = arith.constant 10 : i32
      %get3A_1640 = arith.index_cast %get3A_1638 : i32 to index
      %get3A_1641 = arith.index_cast %get3A_1639 : i32 to index
      %get3A_1642 = arith.index_cast %multiple_of3A : i32 to index
      %get3A_1643 = tpu.vector_load %arg9[%get3A_1640, %get3A_1641, %get3A_1642] {strides = array<i32>} : memref<2x32x1024xf32, #tpu.memory_space<vmem>>, vector<1x1x16xf32>,
      %get3A_1644 = vector.shape_cast %get3A_1643 : vector<1x1x16xf32> to vector<16xf32>
      %mul3A_1645 = arith.mulf %get3A_136, %get3A_1644 : vector<16xf32>
      %add3A_1646 = arith.addf %get3A_1637, %mul3A_1645 : vector<16xf32>
      %get3A_1647 = arith.constant 0 : i32
      %get3A_1648 = arith.constant 26 : i32
      %get3A_1649 = arith.index_cast %get3A_1647 : i32 to index
      %get3A_1650 = arith.index_cast %get3A_1648 : i32 to index
      %get3A_1651 = arith.index_cast %multiple_of3A : i32 to index
      %get3A_1652 = tpu.vector_load %arg9[%get3A_1649, %get3A_1650, %get3A_1651] {strides = array<i32>} : memref<2x32x1024xf32, #tpu.memory_space<vmem>>, vector<1x1x16xf32>,
      %get3A_1653 = vector.shape_cast %get3A_1652 : vector<1x1x16xf32> to vector<16xf32>
      %mul3A_1654 = arith.mulf %get3A_280, %get3A_1653 : vector<16xf32>
      %add3A_1655 = arith.addf %add3A_1646, %mul3A_1654 : vector<16xf32>
      %swap3A_1656 = arith.constant 10 : i32
      %swap3A_1657 = arith.index_cast %swap3A_1656 : i32 to index
      %swap3A_1658 = arith.index_cast %multiple_of3A : i32 to index
      %swap3A_1659 = tpu.vector_load %arg11[%swap3A_1657, %swap3A_1658] {strides = array<i32>} : memref<16x1024xf32, #tpu.memory_space<vmem>>, vector<1x16xf32>,
      %swap3A_1660 = vector.shape_cast %swap3A_1659 : vector<1x16xf32> to vector<16xf32>
      %swap3A_1661 = vector.shape_cast %add3A_1655 : vector<16xf32> to vector<1x16xf32>
      tpu.vector_store %arg11[%swap3A_1657, %swap3A_1658], %swap3A_1661 {strides = array<i32>} : memref<16x1024xf32, #tpu.memory_space<vmem>>, vector<1x16xf32>,
      %get3A_1662 = arith.constant 11 : i32
      %get3A_1663 = arith.index_cast %get3A_1662 : i32 to index
      %get3A_1664 = arith.index_cast %multiple_of3A : i32 to index
      %get3A_1665 = tpu.vector_load %arg10[%get3A_1663, %get3A_1664] {strides = array<i32>} : memref<16x1024xf32, #tpu.memory_space<vmem>>, vector<1x16xf32>,
      %get3A_1666 = vector.shape_cast %get3A_1665 : vector<1x16xf32> to vector<16xf32>
      %get3A_1667 = arith.constant 0 : i32
      %get3A_1668 = arith.constant 11 : i32
      %get3A_1669 = arith.index_cast %get3A_1667 : i32 to index
      %get3A_1670 = arith.index_cast %get3A_1668 : i32 to index
      %get3A_1671 = arith.index_cast %multiple_of3A : i32 to index
      %get3A_1672 = tpu.vector_load %arg9[%get3A_1669, %get3A_1670, %get3A_1671] {strides = array<i32>} : memref<2x32x1024xf32, #tpu.memory_space<vmem>>, vector<1x1x16xf32>,
      %get3A_1673 = vector.shape_cast %get3A_1672 : vector<1x1x16xf32> to vector<16xf32>
      %mul3A_1674 = arith.mulf %get3A_145, %get3A_1673 : vector<16xf32>
      %add3A_1675 = arith.addf %get3A_1666, %mul3A_1674 : vector<16xf32>
      %get3A_1676 = arith.constant 0 : i32
      %get3A_1677 = arith.constant 27 : i32
      %get3A_1678 = arith.index_cast %get3A_1676 : i32 to index
      %get3A_1679 = arith.index_cast %get3A_1677 : i32 to index
      %get3A_1680 = arith.index_cast %multiple_of3A : i32 to index
      %get3A_1681 = tpu.vector_load %arg9[%get3A_1678, %get3A_1679, %get3A_1680] {strides = array<i32>} : memref<2x32x1024xf32, #tpu.memory_space<vmem>>, vector<1x1x16xf32>,
      %get3A_1682 = vector.shape_cast %get3A_1681 : vector<1x1x16xf32> to vector<16xf32>
      %mul3A_1683 = arith.mulf %get3A_289, %get3A_1682 : vector<16xf32>
      %add3A_1684 = arith.addf %add3A_1675, %mul3A_1683 : vector<16xf32>
      %swap3A_1685 = arith.constant 11 : i32
      %swap3A_1686 = arith.index_cast %swap3A_1685 : i32 to index
      %swap3A_1687 = arith.index_cast %multiple_of3A : i32 to index
      %swap3A_1688 = tpu.vector_load %arg11[%swap3A_1686, %swap3A_1687] {strides = array<i32>} : memref<16x1024xf32, #tpu.memory_space<vmem>>, vector<1x16xf32>,
      %swap3A_1689 = vector.shape_cast %swap3A_1688 : vector<1x16xf32> to vector<16xf32>
      %swap3A_1690 = vector.shape_cast %add3A_1684 : vector<16xf32> to vector<1x16xf32>
      tpu.vector_store %arg11[%swap3A_1686, %swap3A_1687], %swap3A_1690 {strides = array<i32>} : memref<16x1024xf32, #tpu.memory_space<vmem>>, vector<1x16xf32>,
      %get3A_1691 = arith.constant 12 : i32
      %get3A_1692 = arith.index_cast %get3A_1691 : i32 to index
      %get3A_1693 = arith.index_cast %multiple_of3A : i32 to index
      %get3A_1694 = tpu.vector_load %arg10[%get3A_1692, %get3A_1693] {strides = array<i32>} : memref<16x1024xf32, #tpu.memory_space<vmem>>, vector<1x16xf32>,
      %get3A_1695 = vector.shape_cast %get3A_1694 : vector<1x16xf32> to vector<16xf32>
      %get3A_1696 = arith.constant 0 : i32
      %get3A_1697 = arith.constant 12 : i32
      %get3A_1698 = arith.index_cast %get3A_1696 : i32 to index
      %get3A_1699 = arith.index_cast %get3A_1697 : i32 to index
      %get3A_1700 = arith.index_cast %multiple_of3A : i32 to index
      %get3A_1701 = tpu.vector_load %arg9[%get3A_1698, %get3A_1699, %get3A_1700] {strides = array<i32>} : memref<2x32x1024xf32, #tpu.memory_space<vmem>>, vector<1x1x16xf32>,
      %get3A_1702 = vector.shape_cast %get3A_1701 : vector<1x1x16xf32> to vector<16xf32>
      %mul3A_1703 = arith.mulf %get3A_154, %get3A_1702 : vector<16xf32>
      %add3A_1704 = arith.addf %get3A_1695, %mul3A_1703 : vector<16xf32>
      %get3A_1705 = arith.constant 0 : i32
      %get3A_1706 = arith.constant 28 : i32
      %get3A_1707 = arith.index_cast %get3A_1705 : i32 to index
      %get3A_1708 = arith.index_cast %get3A_1706 : i32 to index
      %get3A_1709 = arith.index_cast %multiple_of3A : i32 to index
      %get3A_1710 = tpu.vector_load %arg9[%get3A_1707, %get3A_1708, %get3A_1709] {strides = array<i32>} : memref<2x32x1024xf32, #tpu.memory_space<vmem>>, vector<1x1x16xf32>,
      %get3A_1711 = vector.shape_cast %get3A_1710 : vector<1x1x16xf32> to vector<16xf32>
      %mul3A_1712 = arith.mulf %get3A_298, %get3A_1711 : vector<16xf32>
      %add3A_1713 = arith.addf %add3A_1704, %mul3A_1712 : vector<16xf32>
      %swap3A_1714 = arith.constant 12 : i32
      %swap3A_1715 = arith.index_cast %swap3A_1714 : i32 to index
      %swap3A_1716 = arith.index_cast %multiple_of3A : i32 to index
      %swap3A_1717 = tpu.vector_load %arg11[%swap3A_1715, %swap3A_1716] {strides = array<i32>} : memref<16x1024xf32, #tpu.memory_space<vmem>>, vector<1x16xf32>,
      %swap3A_1718 = vector.shape_cast %swap3A_1717 : vector<1x16xf32> to vector<16xf32>
      %swap3A_1719 = vector.shape_cast %add3A_1713 : vector<16xf32> to vector<1x16xf32>
      tpu.vector_store %arg11[%swap3A_1715, %swap3A_1716], %swap3A_1719 {strides = array<i32>} : memref<16x1024xf32, #tpu.memory_space<vmem>>, vector<1x16xf32>,
      %get3A_1720 = arith.constant 13 : i32
      %get3A_1721 = arith.index_cast %get3A_1720 : i32 to index
      %get3A_1722 = arith.index_cast %multiple_of3A : i32 to index
      %get3A_1723 = tpu.vector_load %arg10[%get3A_1721, %get3A_1722] {strides = array<i32>} : memref<16x1024xf32, #tpu.memory_space<vmem>>, vector<1x16xf32>,
      %get3A_1724 = vector.shape_cast %get3A_1723 : vector<1x16xf32> to vector<16xf32>
      %get3A_1725 = arith.constant 0 : i32
      %get3A_1726 = arith.constant 13 : i32
      %get3A_1727 = arith.index_cast %get3A_1725 : i32 to index
      %get3A_1728 = arith.index_cast %get3A_1726 : i32 to index
      %get3A_1729 = arith.index_cast %multiple_of3A : i32 to index
      %get3A_1730 = tpu.vector_load %arg9[%get3A_1727, %get3A_1728, %get3A_1729] {strides = array<i32>} : memref<2x32x1024xf32, #tpu.memory_space<vmem>>, vector<1x1x16xf32>,
      %get3A_1731 = vector.shape_cast %get3A_1730 : vector<1x1x16xf32> to vector<16xf32>
      %mul3A_1732 = arith.mulf %get3A_163, %get3A_1731 : vector<16xf32>
      %add3A_1733 = arith.addf %get3A_1724, %mul3A_1732 : vector<16xf32>
      %get3A_1734 = arith.constant 0 : i32
      %get3A_1735 = arith.constant 29 : i32
      %get3A_1736 = arith.index_cast %get3A_1734 : i32 to index
      %get3A_1737 = arith.index_cast %get3A_1735 : i32 to index
      %get3A_1738 = arith.index_cast %multiple_of3A : i32 to index
      %get3A_1739 = tpu.vector_load %arg9[%get3A_1736, %get3A_1737, %get3A_1738] {strides = array<i32>} : memref<2x32x1024xf32, #tpu.memory_space<vmem>>, vector<1x1x16xf32>,
      %get3A_1740 = vector.shape_cast %get3A_1739 : vector<1x1x16xf32> to vector<16xf32>
      %mul3A_1741 = arith.mulf %get3A_307, %get3A_1740 : vector<16xf32>
      %add3A_1742 = arith.addf %add3A_1733, %mul3A_1741 : vector<16xf32>
      %swap3A_1743 = arith.constant 13 : i32
      %swap3A_1744 = arith.index_cast %swap3A_1743 : i32 to index
      %swap3A_1745 = arith.index_cast %multiple_of3A : i32 to index
      %swap3A_1746 = tpu.vector_load %arg11[%swap3A_1744, %swap3A_1745] {strides = array<i32>} : memref<16x1024xf32, #tpu.memory_space<vmem>>, vector<1x16xf32>,
      %swap3A_1747 = vector.shape_cast %swap3A_1746 : vector<1x16xf32> to vector<16xf32>
      %swap3A_1748 = vector.shape_cast %add3A_1742 : vector<16xf32> to vector<1x16xf32>
      tpu.vector_store %arg11[%swap3A_1744, %swap3A_1745], %swap3A_1748 {strides = array<i32>} : memref<16x1024xf32, #tpu.memory_space<vmem>>, vector<1x16xf32>,
      %get3A_1749 = arith.constant 14 : i32
      %get3A_1750 = arith.index_cast %get3A_1749 : i32 to index
      %get3A_1751 = arith.index_cast %multiple_of3A : i32 to index
      %get3A_1752 = tpu.vector_load %arg10[%get3A_1750, %get3A_1751] {strides = array<i32>} : memref<16x1024xf32, #tpu.memory_space<vmem>>, vector<1x16xf32>,
      %get3A_1753 = vector.shape_cast %get3A_1752 : vector<1x16xf32> to vector<16xf32>
      %get3A_1754 = arith.constant 0 : i32
      %get3A_1755 = arith.constant 14 : i32
      %get3A_1756 = arith.index_cast %get3A_1754 : i32 to index
      %get3A_1757 = arith.index_cast %get3A_1755 : i32 to index
      %get3A_1758 = arith.index_cast %multiple_of3A : i32 to index
      %get3A_1759 = tpu.vector_load %arg9[%get3A_1756, %get3A_1757, %get3A_1758] {strides = array<i32>} : memref<2x32x1024xf32, #tpu.memory_space<vmem>>, vector<1x1x16xf32>,
      %get3A_1760 = vector.shape_cast %get3A_1759 : vector<1x1x16xf32> to vector<16xf32>
      %mul3A_1761 = arith.mulf %get3A_172, %get3A_1760 : vector<16xf32>
      %add3A_1762 = arith.addf %get3A_1753, %mul3A_1761 : vector<16xf32>
      %get3A_1763 = arith.constant 0 : i32
      %get3A_1764 = arith.constant 30 : i32
      %get3A_1765 = arith.index_cast %get3A_1763 : i32 to index
      %get3A_1766 = arith.index_cast %get3A_1764 : i32 to index
      %get3A_1767 = arith.index_cast %multiple_of3A : i32 to index
      %get3A_1768 = tpu.vector_load %arg9[%get3A_1765, %get3A_1766, %get3A_1767] {strides = array<i32>} : memref<2x32x1024xf32, #tpu.memory_space<vmem>>, vector<1x1x16xf32>,
      %get3A_1769 = vector.shape_cast %get3A_1768 : vector<1x1x16xf32> to vector<16xf32>
      %mul3A_1770 = arith.mulf %get3A_316, %get3A_1769 : vector<16xf32>
      %add3A_1771 = arith.addf %add3A_1762, %mul3A_1770 : vector<16xf32>
      %swap3A_1772 = arith.constant 14 : i32
      %swap3A_1773 = arith.index_cast %swap3A_1772 : i32 to index
      %swap3A_1774 = arith.index_cast %multiple_of3A : i32 to index
      %swap3A_1775 = tpu.vector_load %arg11[%swap3A_1773, %swap3A_1774] {strides = array<i32>} : memref<16x1024xf32, #tpu.memory_space<vmem>>, vector<1x16xf32>,
      %swap3A_1776 = vector.shape_cast %swap3A_1775 : vector<1x16xf32> to vector<16xf32>
      %swap3A_1777 = vector.shape_cast %add3A_1771 : vector<16xf32> to vector<1x16xf32>
      tpu.vector_store %arg11[%swap3A_1773, %swap3A_1774], %swap3A_1777 {strides = array<i32>} : memref<16x1024xf32, #tpu.memory_space<vmem>>, vector<1x16xf32>,
      %get3A_1778 = arith.constant 15 : i32
      %get3A_1779 = arith.index_cast %get3A_1778 : i32 to index
      %get3A_1780 = arith.index_cast %multiple_of3A : i32 to index
      %get3A_1781 = tpu.vector_load %arg10[%get3A_1779, %get3A_1780] {strides = array<i32>} : memref<16x1024xf32, #tpu.memory_space<vmem>>, vector<1x16xf32>,
      %get3A_1782 = vector.shape_cast %get3A_1781 : vector<1x16xf32> to vector<16xf32>
      %get3A_1783 = arith.constant 0 : i32
      %get3A_1784 = arith.constant 15 : i32
      %get3A_1785 = arith.index_cast %get3A_1783 : i32 to index
      %get3A_1786 = arith.index_cast %get3A_1784 : i32 to index
      %get3A_1787 = arith.index_cast %multiple_of3A : i32 to index
      %get3A_1788 = tpu.vector_load %arg9[%get3A_1785, %get3A_1786, %get3A_1787] {strides = array<i32>} : memref<2x32x1024xf32, #tpu.memory_space<vmem>>, vector<1x1x16xf32>,
      %get3A_1789 = vector.shape_cast %get3A_1788 : vector<1x1x16xf32> to vector<16xf32>
      %mul3A_1790 = arith.mulf %get3A_181, %get3A_1789 : vector<16xf32>
      %add3A_1791 = arith.addf %get3A_1782, %mul3A_1790 : vector<16xf32>
      %get3A_1792 = arith.constant 0 : i32
      %get3A_1793 = arith.constant 31 : i32
      %get3A_1794 = arith.index_cast %get3A_1792 : i32 to index
      %get3A_1795 = arith.index_cast %get3A_1793 : i32 to index
      %get3A_1796 = arith.index_cast %multiple_of3A : i32 to index
      %get3A_1797 = tpu.vector_load %arg9[%get3A_1794, %get3A_1795, %get3A_1796] {strides = array<i32>} : memref<2x32x1024xf32, #tpu.memory_space<vmem>>, vector<1x1x16xf32>,
      %get3A_1798 = vector.shape_cast %get3A_1797 : vector<1x1x16xf32> to vector<16xf32>
      %mul3A_1799 = arith.mulf %get3A_325, %get3A_1798 : vector<16xf32>
      %add3A_1800 = arith.addf %add3A_1791, %mul3A_1799 : vector<16xf32>
      %swap3A_1801 = arith.constant 15 : i32
      %swap3A_1802 = arith.index_cast %swap3A_1801 : i32 to index
      %swap3A_1803 = arith.index_cast %multiple_of3A : i32 to index
      %swap3A_1804 = tpu.vector_load %arg11[%swap3A_1802, %swap3A_1803] {strides = array<i32>} : memref<16x1024xf32, #tpu.memory_space<vmem>>, vector<1x16xf32>,
      %swap3A_1805 = vector.shape_cast %swap3A_1804 : vector<1x16xf32> to vector<16xf32>
      %swap3A_1806 = vector.shape_cast %add3A_1800 : vector<16xf32> to vector<1x16xf32>
      tpu.vector_store %arg11[%swap3A_1802, %swap3A_1803], %swap3A_1806 {strides = array<i32>} : memref<16x1024xf32, #tpu.memory_space<vmem>>, vector<1x16xf32>,
    }
    %scan3A_330 = arith.constant 64 : i32
    %mul3A_331 = arith.constant 64 : i32
    %mul3A_332 = arith.muli %add3A, %mul3A_331 : i32
    %add3A_333 = arith.constant 0 : i32
    %add3A_334 = arith.addi %mul3A_332, %add3A_333 : i32
    %dma_start3A_335 = arith.constant 0 : i32
    %dma_start3A_336 = tpu.memref_slice %arg6[%add3A_334, %dma_start3A_335] : memref<2048x1024xf32, #tpu.memory_space<hbm>> -> memref<16x1024xf32, #tpu.memory_space<hbm>>
    %dma_start3A_337 = arith.constant 0 : i32
    %dma_start3A_338 = tpu.memref_slice %arg6[%add3A_334, %dma_start3A_337] : memref<2048x1024xf32, #tpu.memory_space<hbm>> -> memref<16x1024xf32, #tpu.memory_space<hbm>>
    tpu.enqueue_dma source(%arg11 : memref<16x1024xf32, #tpu.memory_space<vmem>>) target(%dma_start3A_338 : memref<16x1024xf32, #tpu.memory_space<hbm>>) target_semaphore(%arg14 : memref<!tpu.dma_semaphore, #tpu.memory_space<semaphore_mem>>)
    %dma_start3A_339 = arith.constant 2 : i32
    %dma_start3A_340 = arith.constant 0 : i32
    %dma_start3A_341 = arith.constant 0 : i32
    %dma_start3A_342 = arith.constant 0 : i32
    %dma_start3A_343 = tpu.memref_slice %arg9[%dma_start3A_340, %dma_start3A_341, %dma_start3A_342] : memref<2x32x1024xf32, #tpu.memory_space<vmem>> -> memref<1x32x1024xf32, #tpu.memory_space<vmem>>
    %dma_start3A_344 = tpu.memref_squeeze %dma_start3A_343 : memref<1x32x1024xf32, #tpu.memory_space<vmem>> -> memref<32x1024xf32, #tpu.memory_space<vmem>>
    %dma_start3A_345 = arith.constant 0 : i32
    %dma_start3A_346 = tpu.memref_slice %arg7[%dma_start3A_339, %dma_start3A_345] : memref<4x32xi32, #tpu.memory_space<vmem>> -> memref<1x32xi32, #tpu.memory_space<vmem>>
    %dma_start3A_347 = tpu.memref_squeeze %dma_start3A_346 : memref<1x32xi32, #tpu.memory_space<vmem>> -> memref<32xi32, #tpu.memory_space<vmem>>
    %dma_start3A_348 = arith.constant 0 : i32
    %dma_start3A_349 = arith.constant 0 : i32
    %dma_start3A_350 = tpu.memref_slice %arg2[%dma_start3A_348, %dma_start3A_349] : memref<6144x1024xf32, #tpu.memory_space<hbm>> -> memref<6144x1024xf32, #tpu.memory_space<hbm>>
    tpu.enqueue_indirect_dma source(%dma_start3A_350 : memref<6144x1024xf32, #tpu.memory_space<hbm>>) target(%dma_start3A_344 : memref<32x1024xf32, #tpu.memory_space<vmem>>) offsets(%dma_start3A_347 : memref<32xi32, #tpu.memory_space<vmem>>) semaphore(%arg12 : memref<!tpu.dma_semaphore, #tpu.memory_space<semaphore_mem>>)
    %mul3A_351 = arith.constant 64 : i32
    %mul3A_352 = arith.muli %add3A, %mul3A_351 : i32
    %add3A_353 = arith.constant 16 : i32
    %add3A_354 = arith.addi %mul3A_352, %add3A_353 : i32
    "tpu.region"() ({
      %run_scoped3A = tpu.sem_alloc : memref<!tpu.dma_semaphore, #tpu.memory_space<semaphore_mem>>
      %dma_start3A_1341 = arith.constant 0 : i32
      %dma_start3A_1342 = tpu.memref_slice %arg3[%add3A_354, %dma_start3A_1341] : memref<2048x1024xf32, #tpu.memory_space<hbm>> -> memref<16x1024xf32, #tpu.memory_space<hbm>>
      %dma_start3A_1343 = arith.constant 0 : i32
      %dma_start3A_1344 = tpu.memref_slice %arg3[%add3A_354, %dma_start3A_1343] : memref<2048x1024xf32, #tpu.memory_space<hbm>> -> memref<16x1024xf32, #tpu.memory_space<hbm>>
      tpu.enqueue_dma source(%dma_start3A_1344 : memref<16x1024xf32, #tpu.memory_space<hbm>>) target(%arg10 : memref<16x1024xf32, #tpu.memory_space<vmem>>) target_semaphore(%run_scoped3A : memref<!tpu.dma_semaphore, #tpu.memory_space<semaphore_mem>>)
      %dma_wait3A_1345 = arith.constant 0 : i32
      %dma_wait3A_1346 = tpu.memref_slice %arg3[%add3A_354, %dma_wait3A_1345] : memref<2048x1024xf32, #tpu.memory_space<hbm>> -> memref<16x1024xf32, #tpu.memory_space<hbm>>
      %dma_wait3A_1347 = arith.constant 0 : i32
      %dma_wait3A_1348 = tpu.memref_slice %arg3[%add3A_354, %dma_wait3A_1347] : memref<2048x1024xf32, #tpu.memory_space<hbm>> -> memref<16x1024xf32, #tpu.memory_space<hbm>>
      tpu.wait_dma2 semaphore(%run_scoped3A : memref<!tpu.dma_semaphore, #tpu.memory_space<semaphore_mem>>) src(%dma_wait3A_1348 : memref<16x1024xf32, #tpu.memory_space<hbm>>) dst(%arg10 : memref<16x1024xf32, #tpu.memory_space<vmem>>)
      tpu.yield
    }) : () -> ()
    %dma_wait3A_355 = arith.constant 1 : i32
    %dma_wait3A_356 = arith.constant 1 : i32
    %dma_wait3A_357 = arith.constant 0 : i32
    %dma_wait3A_358 = arith.constant 0 : i32
    %dma_wait3A_359 = tpu.memref_slice %arg9[%dma_wait3A_356, %dma_wait3A_357, %dma_wait3A_358] : memref<2x32x1024xf32, #tpu.memory_space<vmem>> -> memref<1x32x1024xf32, #tpu.memory_space<vmem>>
    %dma_wait3A_360 = tpu.memref_squeeze %dma_wait3A_359 : memref<1x32x1024xf32, #tpu.memory_space<vmem>> -> memref<32x1024xf32, #tpu.memory_space<vmem>>
    %dma_wait3A_361 = arith.constant 0 : i32
    %dma_wait3A_362 = tpu.memref_slice %arg7[%dma_wait3A_355, %dma_wait3A_361] : memref<4x32xi32, #tpu.memory_space<vmem>> -> memref<1x32xi32, #tpu.memory_space<vmem>>
    %dma_wait3A_363 = tpu.memref_squeeze %dma_wait3A_362 : memref<1x32xi32, #tpu.memory_space<vmem>> -> memref<32xi32, #tpu.memory_space<vmem>>
    %dma_wait3A_364 = arith.constant 0 : i32
    %dma_wait3A_365 = arith.constant 0 : i32
    %dma_wait3A_366 = tpu.memref_slice %arg2[%dma_wait3A_364, %dma_wait3A_365] : memref<6144x1024xf32, #tpu.memory_space<hbm>> -> memref<6144x1024xf32, #tpu.memory_space<hbm>>
    tpu.wait_indirect_dma semaphore(%arg13 : memref<!tpu.dma_semaphore, #tpu.memory_space<semaphore_mem>>) src(%dma_wait3A_366 : memref<6144x1024xf32, #tpu.memory_space<hbm>>) dst(%dma_wait3A_360 : memref<32x1024xf32, #tpu.memory_space<vmem>>)
    %dma_wait3A_367 = arith.constant 0 : i32
    %dma_wait3A_368 = arith.constant 0 : i32
    %dma_wait3A_369 = tpu.memref_slice %arg6[%dma_wait3A_367, %dma_wait3A_368] : memref<2048x1024xf32, #tpu.memory_space<hbm>> -> memref<16x1024xf32, #tpu.memory_space<hbm>>
    %dma_wait3A_370 = arith.constant 0 : i32
    %dma_wait3A_371 = arith.constant 0 : i32
    %dma_wait3A_372 = tpu.memref_slice %arg6[%dma_wait3A_370, %dma_wait3A_371] : memref<2048x1024xf32, #tpu.memory_space<hbm>> -> memref<16x1024xf32, #tpu.memory_space<hbm>>
    tpu.wait_dma2 semaphore(%arg14 : memref<!tpu.dma_semaphore, #tpu.memory_space<semaphore_mem>>) src(%arg11 : memref<16x1024xf32, #tpu.memory_space<vmem>>) dst(%dma_wait3A_372 : memref<16x1024xf32, #tpu.memory_space<hbm>>)
    %get3A_373 = arith.constant 0 : i32
    %get3A_374 = arith.constant 1 : i32
    %get3A_375 = arith.constant 0 : i32
    %get3A_376 = arith.index_cast %get3A_373 : i32 to index
    %get3A_377 = arith.index_cast %get3A_374 : i32 to index
    %get3A_378 = arith.index_cast %get3A_375 : i32 to index
    %get3A_379 = arith.constant 0 : index
    %get3A_380 = tpu.vector_load %arg8[%get3A_376, %get3A_377, %get3A_378, %get3A_379] {strides = array<i32>} : memref<2x4x16x16xf32, #tpu.memory_space<vmem>>, vector<1x1x1x16xf32>,
    %get3A_381 = vector.shape_cast %get3A_380 : vector<1x1x1x16xf32> to vector<16xf32>
    %get3A_382 = arith.constant 0 : i32
    %get3A_383 = arith.constant 1 : i32
    %get3A_384 = arith.constant 1 : i32
    %get3A_385 = arith.index_cast %get3A_382 : i32 to index
    %get3A_386 = arith.index_cast %get3A_383 : i32 to index
    %get3A_387 = arith.index_cast %get3A_384 : i32 to index
    %get3A_388 = arith.constant 0 : index
    %get3A_389 = tpu.vector_load %arg8[%get3A_385, %get3A_386, %get3A_387, %get3A_388] {strides = array<i32>} : memref<2x4x16x16xf32, #tpu.memory_space<vmem>>, vector<1x1x1x16xf32>,
    %get3A_390 = vector.shape_cast %get3A_389 : vector<1x1x1x16xf32> to vector<16xf32>
    %get3A_391 = arith.constant 0 : i32
    %get3A_392 = arith.constant 1 : i32
    %get3A_393 = arith.constant 2 : i32
    %get3A_394 = arith.index_cast %get3A_391 : i32 to index
    %get3A_395 = arith.index_cast %get3A_392 : i32 to index
    %get3A_396 = arith.index_cast %get3A_393 : i32 to index
    %get3A_397 = arith.constant 0 : index
    %get3A_398 = tpu.vector_load %arg8[%get3A_394, %get3A_395, %get3A_396, %get3A_397] {strides = array<i32>} : memref<2x4x16x16xf32, #tpu.memory_space<vmem>>, vector<1x1x1x16xf32>,
    %get3A_399 = vector.shape_cast %get3A_398 : vector<1x1x1x16xf32> to vector<16xf32>
    %get3A_400 = arith.constant 0 : i32
    %get3A_401 = arith.constant 1 : i32
    %get3A_402 = arith.constant 3 : i32
    %get3A_403 = arith.index_cast %get3A_400 : i32 to index
    %get3A_404 = arith.index_cast %get3A_401 : i32 to index
    %get3A_405 = arith.index_cast %get3A_402 : i32 to index
    %get3A_406 = arith.constant 0 : index
    %get3A_407 = tpu.vector_load %arg8[%get3A_403, %get3A_404, %get3A_405, %get3A_406] {strides = array<i32>} : memref<2x4x16x16xf32, #tpu.memory_space<vmem>>, vector<1x1x1x16xf32>,
    %get3A_408 = vector.shape_cast %get3A_407 : vector<1x1x1x16xf32> to vector<16xf32>
    %get3A_409 = arith.constant 0 : i32
    %get3A_410 = arith.constant 1 : i32
    %get3A_411 = arith.constant 4 : i32
    %get3A_412 = arith.index_cast %get3A_409 : i32 to index
    %get3A_413 = arith.index_cast %get3A_410 : i32 to index
    %get3A_414 = arith.index_cast %get3A_411 : i32 to index
    %get3A_415 = arith.constant 0 : index
    %get3A_416 = tpu.vector_load %arg8[%get3A_412, %get3A_413, %get3A_414, %get3A_415] {strides = array<i32>} : memref<2x4x16x16xf32, #tpu.memory_space<vmem>>, vector<1x1x1x16xf32>,
    %get3A_417 = vector.shape_cast %get3A_416 : vector<1x1x1x16xf32> to vector<16xf32>
    %get3A_418 = arith.constant 0 : i32
    %get3A_419 = arith.constant 1 : i32
    %get3A_420 = arith.constant 5 : i32
    %get3A_421 = arith.index_cast %get3A_418 : i32 to index
    %get3A_422 = arith.index_cast %get3A_419 : i32 to index
    %get3A_423 = arith.index_cast %get3A_420 : i32 to index
    %get3A_424 = arith.constant 0 : index
    %get3A_425 = tpu.vector_load %arg8[%get3A_421, %get3A_422, %get3A_423, %get3A_424] {strides = array<i32>} : memref<2x4x16x16xf32, #tpu.memory_space<vmem>>, vector<1x1x1x16xf32>,
    %get3A_426 = vector.shape_cast %get3A_425 : vector<1x1x1x16xf32> to vector<16xf32>
    %get3A_427 = arith.constant 0 : i32
    %get3A_428 = arith.constant 1 : i32
    %get3A_429 = arith.constant 6 : i32
    %get3A_430 = arith.index_cast %get3A_427 : i32 to index
    %get3A_431 = arith.index_cast %get3A_428 : i32 to index
    %get3A_432 = arith.index_cast %get3A_429 : i32 to index
    %get3A_433 = arith.constant 0 : index
    %get3A_434 = tpu.vector_load %arg8[%get3A_430, %get3A_431, %get3A_432, %get3A_433] {strides = array<i32>} : memref<2x4x16x16xf32, #tpu.memory_space<vmem>>, vector<1x1x1x16xf32>,
    %get3A_435 = vector.shape_cast %get3A_434 : vector<1x1x1x16xf32> to vector<16xf32>
    %get3A_436 = arith.constant 0 : i32
    %get3A_437 = arith.constant 1 : i32
    %get3A_438 = arith.constant 7 : i32
    %get3A_439 = arith.index_cast %get3A_436 : i32 to index
    %get3A_440 = arith.index_cast %get3A_437 : i32 to index
    %get3A_441 = arith.index_cast %get3A_438 : i32 to index
    %get3A_442 = arith.constant 0 : index
    %get3A_443 = tpu.vector_load %arg8[%get3A_439, %get3A_440, %get3A_441, %get3A_442] {strides = array<i32>} : memref<2x4x16x16xf32, #tpu.memory_space<vmem>>, vector<1x1x1x16xf32>,
    %get3A_444 = vector.shape_cast %get3A_443 : vector<1x1x1x16xf32> to vector<16xf32>
    %get3A_445 = arith.constant 0 : i32
    %get3A_446 = arith.constant 1 : i32
    %get3A_447 = arith.constant 8 : i32
    %get3A_448 = arith.index_cast %get3A_445 : i32 to index
    %get3A_449 = arith.index_cast %get3A_446 : i32 to index
    %get3A_450 = arith.index_cast %get3A_447 : i32 to index
    %get3A_451 = arith.constant 0 : index
    %get3A_452 = tpu.vector_load %arg8[%get3A_448, %get3A_449, %get3A_450, %get3A_451] {strides = array<i32>} : memref<2x4x16x16xf32, #tpu.memory_space<vmem>>, vector<1x1x1x16xf32>,
    %get3A_453 = vector.shape_cast %get3A_452 : vector<1x1x1x16xf32> to vector<16xf32>
    %get3A_454 = arith.constant 0 : i32
    %get3A_455 = arith.constant 1 : i32
    %get3A_456 = arith.constant 9 : i32
    %get3A_457 = arith.index_cast %get3A_454 : i32 to index
    %get3A_458 = arith.index_cast %get3A_455 : i32 to index
    %get3A_459 = arith.index_cast %get3A_456 : i32 to index
    %get3A_460 = arith.constant 0 : index
    %get3A_461 = tpu.vector_load %arg8[%get3A_457, %get3A_458, %get3A_459, %get3A_460] {strides = array<i32>} : memref<2x4x16x16xf32, #tpu.memory_space<vmem>>, vector<1x1x1x16xf32>,
    %get3A_462 = vector.shape_cast %get3A_461 : vector<1x1x1x16xf32> to vector<16xf32>
    %get3A_463 = arith.constant 0 : i32
    %get3A_464 = arith.constant 1 : i32
    %get3A_465 = arith.constant 10 : i32
    %get3A_466 = arith.index_cast %get3A_463 : i32 to index
    %get3A_467 = arith.index_cast %get3A_464 : i32 to index
    %get3A_468 = arith.index_cast %get3A_465 : i32 to index
    %get3A_469 = arith.constant 0 : index
    %get3A_470 = tpu.vector_load %arg8[%get3A_466, %get3A_467, %get3A_468, %get3A_469] {strides = array<i32>} : memref<2x4x16x16xf32, #tpu.memory_space<vmem>>, vector<1x1x1x16xf32>,
    %get3A_471 = vector.shape_cast %get3A_470 : vector<1x1x1x16xf32> to vector<16xf32>
    %get3A_472 = arith.constant 0 : i32
    %get3A_473 = arith.constant 1 : i32
    %get3A_474 = arith.constant 11 : i32
    %get3A_475 = arith.index_cast %get3A_472 : i32 to index
    %get3A_476 = arith.index_cast %get3A_473 : i32 to index
    %get3A_477 = arith.index_cast %get3A_474 : i32 to index
    %get3A_478 = arith.constant 0 : index
    %get3A_479 = tpu.vector_load %arg8[%get3A_475, %get3A_476, %get3A_477, %get3A_478] {strides = array<i32>} : memref<2x4x16x16xf32, #tpu.memory_space<vmem>>, vector<1x1x1x16xf32>,
    %get3A_480 = vector.shape_cast %get3A_479 : vector<1x1x1x16xf32> to vector<16xf32>
    %get3A_481 = arith.constant 0 : i32
    %get3A_482 = arith.constant 1 : i32
    %get3A_483 = arith.constant 12 : i32
    %get3A_484 = arith.index_cast %get3A_481 : i32 to index
    %get3A_485 = arith.index_cast %get3A_482 : i32 to index
    %get3A_486 = arith.index_cast %get3A_483 : i32 to index
    %get3A_487 = arith.constant 0 : index
    %get3A_488 = tpu.vector_load %arg8[%get3A_484, %get3A_485, %get3A_486, %get3A_487] {strides = array<i32>} : memref<2x4x16x16xf32, #tpu.memory_space<vmem>>, vector<1x1x1x16xf32>,
    %get3A_489 = vector.shape_cast %get3A_488 : vector<1x1x1x16xf32> to vector<16xf32>
    %get3A_490 = arith.constant 0 : i32
    %get3A_491 = arith.constant 1 : i32
    %get3A_492 = arith.constant 13 : i32
    %get3A_493 = arith.index_cast %get3A_490 : i32 to index
    %get3A_494 = arith.index_cast %get3A_491 : i32 to index
    %get3A_495 = arith.index_cast %get3A_492 : i32 to index
    %get3A_496 = arith.constant 0 : index
    %get3A_497 = tpu.vector_load %arg8[%get3A_493, %get3A_494, %get3A_495, %get3A_496] {strides = array<i32>} : memref<2x4x16x16xf32, #tpu.memory_space<vmem>>, vector<1x1x1x16xf32>,
    %get3A_498 = vector.shape_cast %get3A_497 : vector<1x1x1x16xf32> to vector<16xf32>
    %get3A_499 = arith.constant 0 : i32
    %get3A_500 = arith.constant 1 : i32
    %get3A_501 = arith.constant 14 : i32
    %get3A_502 = arith.index_cast %get3A_499 : i32 to index
    %get3A_503 = arith.index_cast %get3A_500 : i32 to index
    %get3A_504 = arith.index_cast %get3A_501 : i32 to index
    %get3A_505 = arith.constant 0 : index
    %get3A_506 = tpu.vector_load %arg8[%get3A_502, %get3A_503, %get3A_504, %get3A_505] {strides = array<i32>} : memref<2x4x16x16xf32, #tpu.memory_space<vmem>>, vector<1x1x1x16xf32>,
    %get3A_507 = vector.shape_cast %get3A_506 : vector<1x1x1x16xf32> to vector<16xf32>
    %get3A_508 = arith.constant 0 : i32
    %get3A_509 = arith.constant 1 : i32
    %get3A_510 = arith.constant 15 : i32
    %get3A_511 = arith.index_cast %get3A_508 : i32 to index
    %get3A_512 = arith.index_cast %get3A_509 : i32 to index
    %get3A_513 = arith.index_cast %get3A_510 : i32 to index
    %get3A_514 = arith.constant 0 : index
    %get3A_515 = tpu.vector_load %arg8[%get3A_511, %get3A_512, %get3A_513, %get3A_514] {strides = array<i32>} : memref<2x4x16x16xf32, #tpu.memory_space<vmem>>, vector<1x1x1x16xf32>,
    %get3A_516 = vector.shape_cast %get3A_515 : vector<1x1x1x16xf32> to vector<16xf32>
    %get3A_517 = arith.constant 1 : i32
    %get3A_518 = arith.constant 1 : i32
    %get3A_519 = arith.constant 0 : i32
    %get3A_520 = arith.index_cast %get3A_517 : i32 to index
    %get3A_521 = arith.index_cast %get3A_518 : i32 to index
    %get3A_522 = arith.index_cast %get3A_519 : i32 to index
    %get3A_523 = arith.constant 0 : index
    %get3A_524 = tpu.vector_load %arg8[%get3A_520, %get3A_521, %get3A_522, %get3A_523] {strides = array<i32>} : memref<2x4x16x16xf32, #tpu.memory_space<vmem>>, vector<1x1x1x16xf32>,
    %get3A_525 = vector.shape_cast %get3A_524 : vector<1x1x1x16xf32> to vector<16xf32>
    %get3A_526 = arith.constant 1 : i32
    %get3A_527 = arith.constant 1 : i32
    %get3A_528 = arith.constant 1 : i32
    %get3A_529 = arith.index_cast %get3A_526 : i32 to index
    %get3A_530 = arith.index_cast %get3A_527 : i32 to index
    %get3A_531 = arith.index_cast %get3A_528 : i32 to index
    %get3A_532 = arith.constant 0 : index
    %get3A_533 = tpu.vector_load %arg8[%get3A_529, %get3A_530, %get3A_531, %get3A_532] {strides = array<i32>} : memref<2x4x16x16xf32, #tpu.memory_space<vmem>>, vector<1x1x1x16xf32>,
    %get3A_534 = vector.shape_cast %get3A_533 : vector<1x1x1x16xf32> to vector<16xf32>
    %get3A_535 = arith.constant 1 : i32
    %get3A_536 = arith.constant 1 : i32
    %get3A_537 = arith.constant 2 : i32
    %get3A_538 = arith.index_cast %get3A_535 : i32 to index
    %get3A_539 = arith.index_cast %get3A_536 : i32 to index
    %get3A_540 = arith.index_cast %get3A_537 : i32 to index
    %get3A_541 = arith.constant 0 : index
    %get3A_542 = tpu.vector_load %arg8[%get3A_538, %get3A_539, %get3A_540, %get3A_541] {strides = array<i32>} : memref<2x4x16x16xf32, #tpu.memory_space<vmem>>, vector<1x1x1x16xf32>,
    %get3A_543 = vector.shape_cast %get3A_542 : vector<1x1x1x16xf32> to vector<16xf32>
    %get3A_544 = arith.constant 1 : i32
    %get3A_545 = arith.constant 1 : i32
    %get3A_546 = arith.constant 3 : i32
    %get3A_547 = arith.index_cast %get3A_544 : i32 to index
    %get3A_548 = arith.index_cast %get3A_545 : i32 to index
    %get3A_549 = arith.index_cast %get3A_546 : i32 to index
    %get3A_550 = arith.constant 0 : index
    %get3A_551 = tpu.vector_load %arg8[%get3A_547, %get3A_548, %get3A_549, %get3A_550] {strides = array<i32>} : memref<2x4x16x16xf32, #tpu.memory_space<vmem>>, vector<1x1x1x16xf32>,
    %get3A_552 = vector.shape_cast %get3A_551 : vector<1x1x1x16xf32> to vector<16xf32>
    %get3A_553 = arith.constant 1 : i32
    %get3A_554 = arith.constant 1 : i32
    %get3A_555 = arith.constant 4 : i32
    %get3A_556 = arith.index_cast %get3A_553 : i32 to index
    %get3A_557 = arith.index_cast %get3A_554 : i32 to index
    %get3A_558 = arith.index_cast %get3A_555 : i32 to index
    %get3A_559 = arith.constant 0 : index
    %get3A_560 = tpu.vector_load %arg8[%get3A_556, %get3A_557, %get3A_558, %get3A_559] {strides = array<i32>} : memref<2x4x16x16xf32, #tpu.memory_space<vmem>>, vector<1x1x1x16xf32>,
    %get3A_561 = vector.shape_cast %get3A_560 : vector<1x1x1x16xf32> to vector<16xf32>
    %get3A_562 = arith.constant 1 : i32
    %get3A_563 = arith.constant 1 : i32
    %get3A_564 = arith.constant 5 : i32
    %get3A_565 = arith.index_cast %get3A_562 : i32 to index
    %get3A_566 = arith.index_cast %get3A_563 : i32 to index
    %get3A_567 = arith.index_cast %get3A_564 : i32 to index
    %get3A_568 = arith.constant 0 : index
    %get3A_569 = tpu.vector_load %arg8[%get3A_565, %get3A_566, %get3A_567, %get3A_568] {strides = array<i32>} : memref<2x4x16x16xf32, #tpu.memory_space<vmem>>, vector<1x1x1x16xf32>,
    %get3A_570 = vector.shape_cast %get3A_569 : vector<1x1x1x16xf32> to vector<16xf32>
    %get3A_571 = arith.constant 1 : i32
    %get3A_572 = arith.constant 1 : i32
    %get3A_573 = arith.constant 6 : i32
    %get3A_574 = arith.index_cast %get3A_571 : i32 to index
    %get3A_575 = arith.index_cast %get3A_572 : i32 to index
    %get3A_576 = arith.index_cast %get3A_573 : i32 to index
    %get3A_577 = arith.constant 0 : index
    %get3A_578 = tpu.vector_load %arg8[%get3A_574, %get3A_575, %get3A_576, %get3A_577] {strides = array<i32>} : memref<2x4x16x16xf32, #tpu.memory_space<vmem>>, vector<1x1x1x16xf32>,
    %get3A_579 = vector.shape_cast %get3A_578 : vector<1x1x1x16xf32> to vector<16xf32>
    %get3A_580 = arith.constant 1 : i32
    %get3A_581 = arith.constant 1 : i32
    %get3A_582 = arith.constant 7 : i32
    %get3A_583 = arith.index_cast %get3A_580 : i32 to index
    %get3A_584 = arith.index_cast %get3A_581 : i32 to index
    %get3A_585 = arith.index_cast %get3A_582 : i32 to index
    %get3A_586 = arith.constant 0 : index
    %get3A_587 = tpu.vector_load %arg8[%get3A_583, %get3A_584, %get3A_585, %get3A_586] {strides = array<i32>} : memref<2x4x16x16xf32, #tpu.memory_space<vmem>>, vector<1x1x1x16xf32>,
    %get3A_588 = vector.shape_cast %get3A_587 : vector<1x1x1x16xf32> to vector<16xf32>
    %get3A_589 = arith.constant 1 : i32
    %get3A_590 = arith.constant 1 : i32
    %get3A_591 = arith.constant 8 : i32
    %get3A_592 = arith.index_cast %get3A_589 : i32 to index
    %get3A_593 = arith.index_cast %get3A_590 : i32 to index
    %get3A_594 = arith.index_cast %get3A_591 : i32 to index
    %get3A_595 = arith.constant 0 : index
    %get3A_596 = tpu.vector_load %arg8[%get3A_592, %get3A_593, %get3A_594, %get3A_595] {strides = array<i32>} : memref<2x4x16x16xf32, #tpu.memory_space<vmem>>, vector<1x1x1x16xf32>,
    %get3A_597 = vector.shape_cast %get3A_596 : vector<1x1x1x16xf32> to vector<16xf32>
    %get3A_598 = arith.constant 1 : i32
    %get3A_599 = arith.constant 1 : i32
    %get3A_600 = arith.constant 9 : i32
    %get3A_601 = arith.index_cast %get3A_598 : i32 to index
    %get3A_602 = arith.index_cast %get3A_599 : i32 to index
    %get3A_603 = arith.index_cast %get3A_600 : i32 to index
    %get3A_604 = arith.constant 0 : index
    %get3A_605 = tpu.vector_load %arg8[%get3A_601, %get3A_602, %get3A_603, %get3A_604] {strides = array<i32>} : memref<2x4x16x16xf32, #tpu.memory_space<vmem>>, vector<1x1x1x16xf32>,
    %get3A_606 = vector.shape_cast %get3A_605 : vector<1x1x1x16xf32> to vector<16xf32>
    %get3A_607 = arith.constant 1 : i32
    %get3A_608 = arith.constant 1 : i32
    %get3A_609 = arith.constant 10 : i32
    %get3A_610 = arith.index_cast %get3A_607 : i32 to index
    %get3A_611 = arith.index_cast %get3A_608 : i32 to index
    %get3A_612 = arith.index_cast %get3A_609 : i32 to index
    %get3A_613 = arith.constant 0 : index
    %get3A_614 = tpu.vector_load %arg8[%get3A_610, %get3A_611, %get3A_612, %get3A_613] {strides = array<i32>} : memref<2x4x16x16xf32, #tpu.memory_space<vmem>>, vector<1x1x1x16xf32>,
    %get3A_615 = vector.shape_cast %get3A_614 : vector<1x1x1x16xf32> to vector<16xf32>
    %get3A_616 = arith.constant 1 : i32
    %get3A_617 = arith.constant 1 : i32
    %get3A_618 = arith.constant 11 : i32
    %get3A_619 = arith.index_cast %get3A_616 : i32 to index
    %get3A_620 = arith.index_cast %get3A_617 : i32 to index
    %get3A_621 = arith.index_cast %get3A_618 : i32 to index
    %get3A_622 = arith.constant 0 : index
    %get3A_623 = tpu.vector_load %arg8[%get3A_619, %get3A_620, %get3A_621, %get3A_622] {strides = array<i32>} : memref<2x4x16x16xf32, #tpu.memory_space<vmem>>, vector<1x1x1x16xf32>,
    %get3A_624 = vector.shape_cast %get3A_623 : vector<1x1x1x16xf32> to vector<16xf32>
    %get3A_625 = arith.constant 1 : i32
    %get3A_626 = arith.constant 1 : i32
    %get3A_627 = arith.constant 12 : i32
    %get3A_628 = arith.index_cast %get3A_625 : i32 to index
    %get3A_629 = arith.index_cast %get3A_626 : i32 to index
    %get3A_630 = arith.index_cast %get3A_627 : i32 to index
    %get3A_631 = arith.constant 0 : index
    %get3A_632 = tpu.vector_load %arg8[%get3A_628, %get3A_629, %get3A_630, %get3A_631] {strides = array<i32>} : memref<2x4x16x16xf32, #tpu.memory_space<vmem>>, vector<1x1x1x16xf32>,
    %get3A_633 = vector.shape_cast %get3A_632 : vector<1x1x1x16xf32> to vector<16xf32>
    %get3A_634 = arith.constant 1 : i32
    %get3A_635 = arith.constant 1 : i32
    %get3A_636 = arith.constant 13 : i32
    %get3A_637 = arith.index_cast %get3A_634 : i32 to index
    %get3A_638 = arith.index_cast %get3A_635 : i32 to index
    %get3A_639 = arith.index_cast %get3A_636 : i32 to index
    %get3A_640 = arith.constant 0 : index
    %get3A_641 = tpu.vector_load %arg8[%get3A_637, %get3A_638, %get3A_639, %get3A_640] {strides = array<i32>} : memref<2x4x16x16xf32, #tpu.memory_space<vmem>>, vector<1x1x1x16xf32>,
    %get3A_642 = vector.shape_cast %get3A_641 : vector<1x1x1x16xf32> to vector<16xf32>
    %get3A_643 = arith.constant 1 : i32
    %get3A_644 = arith.constant 1 : i32
    %get3A_645 = arith.constant 14 : i32
    %get3A_646 = arith.index_cast %get3A_643 : i32 to index
    %get3A_647 = arith.index_cast %get3A_644 : i32 to index
    %get3A_648 = arith.index_cast %get3A_645 : i32 to index
    %get3A_649 = arith.constant 0 : index
    %get3A_650 = tpu.vector_load %arg8[%get3A_646, %get3A_647, %get3A_648, %get3A_649] {strides = array<i32>} : memref<2x4x16x16xf32, #tpu.memory_space<vmem>>, vector<1x1x1x16xf32>,
    %get3A_651 = vector.shape_cast %get3A_650 : vector<1x1x1x16xf32> to vector<16xf32>
    %get3A_652 = arith.constant 1 : i32
    %get3A_653 = arith.constant 1 : i32
    %get3A_654 = arith.constant 15 : i32
    %get3A_655 = arith.index_cast %get3A_652 : i32 to index
    %get3A_656 = arith.index_cast %get3A_653 : i32 to index
    %get3A_657 = arith.index_cast %get3A_654 : i32 to index
    %get3A_658 = arith.constant 0 : index
    %get3A_659 = tpu.vector_load %arg8[%get3A_655, %get3A_656, %get3A_657, %get3A_658] {strides = array<i32>} : memref<2x4x16x16xf32, #tpu.memory_space<vmem>>, vector<1x1x1x16xf32>,
    %get3A_660 = vector.shape_cast %get3A_659 : vector<1x1x1x16xf32> to vector<16xf32>
    %scan3A_661 = arith.constant 0 : i32
    %scan3A_662 = arith.constant 0 : i32
    %scan3A_663 = arith.constant 64 : i32
    %scan3A_664 = arith.addi %scan3A_662, %scan3A_663 : i32
    %scan3A_665 = arith.constant 1 : i32
    scf.for %scan3A_1341 = %scan3A_662 to %scan3A_664 step %scan3A_665  : i32 {
      %mul3A_1342 = arith.constant 16 : i32
      %mul3A_1343 = arith.muli %scan3A_1341, %mul3A_1342 : i32
      %multiple_of3A = tpu.assume_multiple %mul3A_1343, 16 : i32
      %get3A_1344 = arith.constant 0 : i32
      %get3A_1345 = arith.index_cast %get3A_1344 : i32 to index
      %get3A_1346 = arith.index_cast %multiple_of3A : i32 to index
      %get3A_1347 = tpu.vector_load %arg10[%get3A_1345, %get3A_1346] {strides = array<i32>} : memref<16x1024xf32, #tpu.memory_space<vmem>>, vector<1x16xf32>,
      %get3A_1348 = vector.shape_cast %get3A_1347 : vector<1x16xf32> to vector<16xf32>
      %get3A_1349 = arith.constant 1 : i32
      %get3A_1350 = arith.constant 0 : i32
      %get3A_1351 = arith.index_cast %get3A_1349 : i32 to index
      %get3A_1352 = arith.index_cast %get3A_1350 : i32 to index
      %get3A_1353 = arith.index_cast %multiple_of3A : i32 to index
      %get3A_1354 = tpu.vector_load %arg9[%get3A_1351, %get3A_1352, %get3A_1353] {strides = array<i32>} : memref<2x32x1024xf32, #tpu.memory_space<vmem>>, vector<1x1x16xf32>,
      %get3A_1355 = vector.shape_cast %get3A_1354 : vector<1x1x16xf32> to vector<16xf32>
      %mul3A_1356 = arith.mulf %get3A_381, %get3A_1355 : vector<16xf32>
      %add3A_1357 = arith.addf %get3A_1348, %mul3A_1356 : vector<16xf32>
      %get3A_1358 = arith.constant 1 : i32
      %get3A_1359 = arith.constant 16 : i32
      %get3A_1360 = arith.index_cast %get3A_1358 : i32 to index
      %get3A_1361 = arith.index_cast %get3A_1359 : i32 to index
      %get3A_1362 = arith.index_cast %multiple_of3A : i32 to index
      %get3A_1363 = tpu.vector_load %arg9[%get3A_1360, %get3A_1361, %get3A_1362] {strides = array<i32>} : memref<2x32x1024xf32, #tpu.memory_space<vmem>>, vector<1x1x16xf32>,
      %get3A_1364 = vector.shape_cast %get3A_1363 : vector<1x1x16xf32> to vector<16xf32>
      %mul3A_1365 = arith.mulf %get3A_525, %get3A_1364 : vector<16xf32>
      %add3A_1366 = arith.addf %add3A_1357, %mul3A_1365 : vector<16xf32>
      %swap3A = arith.constant 0 : i32
      %swap3A_1367 = arith.index_cast %swap3A : i32 to index
      %swap3A_1368 = arith.index_cast %multiple_of3A : i32 to index
      %swap3A_1369 = tpu.vector_load %arg11[%swap3A_1367, %swap3A_1368] {strides = array<i32>} : memref<16x1024xf32, #tpu.memory_space<vmem>>, vector<1x16xf32>,
      %swap3A_1370 = vector.shape_cast %swap3A_1369 : vector<1x16xf32> to vector<16xf32>
      %swap3A_1371 = vector.shape_cast %add3A_1366 : vector<16xf32> to vector<1x16xf32>
      tpu.vector_store %arg11[%swap3A_1367, %swap3A_1368], %swap3A_1371 {strides = array<i32>} : memref<16x1024xf32, #tpu.memory_space<vmem>>, vector<1x16xf32>,
      %get3A_1372 = arith.constant 1 : i32
      %get3A_1373 = arith.index_cast %get3A_1372 : i32 to index
      %get3A_1374 = arith.index_cast %multiple_of3A : i32 to index
      %get3A_1375 = tpu.vector_load %arg10[%get3A_1373, %get3A_1374] {strides = array<i32>} : memref<16x1024xf32, #tpu.memory_space<vmem>>, vector<1x16xf32>,
      %get3A_1376 = vector.shape_cast %get3A_1375 : vector<1x16xf32> to vector<16xf32>
      %get3A_1377 = arith.constant 1 : i32
      %get3A_1378 = arith.constant 1 : i32
      %get3A_1379 = arith.index_cast %get3A_1377 : i32 to index
      %get3A_1380 = arith.index_cast %get3A_1378 : i32 to index
      %get3A_1381 = arith.index_cast %multiple_of3A : i32 to index
      %get3A_1382 = tpu.vector_load %arg9[%get3A_1379, %get3A_1380, %get3A_1381] {strides = array<i32>} : memref<2x32x1024xf32, #tpu.memory_space<vmem>>, vector<1x1x16xf32>,
      %get3A_1383 = vector.shape_cast %get3A_1382 : vector<1x1x16xf32> to vector<16xf32>
      %mul3A_1384 = arith.mulf %get3A_390, %get3A_1383 : vector<16xf32>
      %add3A_1385 = arith.addf %get3A_1376, %mul3A_1384 : vector<16xf32>
      %get3A_1386 = arith.constant 1 : i32
      %get3A_1387 = arith.constant 17 : i32
      %get3A_1388 = arith.index_cast %get3A_1386 : i32 to index
      %get3A_1389 = arith.index_cast %get3A_1387 : i32 to index
      %get3A_1390 = arith.index_cast %multiple_of3A : i32 to index
      %get3A_1391 = tpu.vector_load %arg9[%get3A_1388, %get3A_1389, %get3A_1390] {strides = array<i32>} : memref<2x32x1024xf32, #tpu.memory_space<vmem>>, vector<1x1x16xf32>,
      %get3A_1392 = vector.shape_cast %get3A_1391 : vector<1x1x16xf32> to vector<16xf32>
      %mul3A_1393 = arith.mulf %get3A_534, %get3A_1392 : vector<16xf32>
      %add3A_1394 = arith.addf %add3A_1385, %mul3A_1393 : vector<16xf32>
      %swap3A_1395 = arith.constant 1 : i32
      %swap3A_1396 = arith.index_cast %swap3A_1395 : i32 to index
      %swap3A_1397 = arith.index_cast %multiple_of3A : i32 to index
      %swap3A_1398 = tpu.vector_load %arg11[%swap3A_1396, %swap3A_1397] {strides = array<i32>} : memref<16x1024xf32, #tpu.memory_space<vmem>>, vector<1x16xf32>,
      %swap3A_1399 = vector.shape_cast %swap3A_1398 : vector<1x16xf32> to vector<16xf32>
      %swap3A_1400 = vector.shape_cast %add3A_1394 : vector<16xf32> to vector<1x16xf32>
      tpu.vector_store %arg11[%swap3A_1396, %swap3A_1397], %swap3A_1400 {strides = array<i32>} : memref<16x1024xf32, #tpu.memory_space<vmem>>, vector<1x16xf32>,
      %get3A_1401 = arith.constant 2 : i32
      %get3A_1402 = arith.index_cast %get3A_1401 : i32 to index
      %get3A_1403 = arith.index_cast %multiple_of3A : i32 to index
      %get3A_1404 = tpu.vector_load %arg10[%get3A_1402, %get3A_1403] {strides = array<i32>} : memref<16x1024xf32, #tpu.memory_space<vmem>>, vector<1x16xf32>,
      %get3A_1405 = vector.shape_cast %get3A_1404 : vector<1x16xf32> to vector<16xf32>
      %get3A_1406 = arith.constant 1 : i32
      %get3A_1407 = arith.constant 2 : i32
      %get3A_1408 = arith.index_cast %get3A_1406 : i32 to index
      %get3A_1409 = arith.index_cast %get3A_1407 : i32 to index
      %get3A_1410 = arith.index_cast %multiple_of3A : i32 to index
      %get3A_1411 = tpu.vector_load %arg9[%get3A_1408, %get3A_1409, %get3A_1410] {strides = array<i32>} : memref<2x32x1024xf32, #tpu.memory_space<vmem>>, vector<1x1x16xf32>,
      %get3A_1412 = vector.shape_cast %get3A_1411 : vector<1x1x16xf32> to vector<16xf32>
      %mul3A_1413 = arith.mulf %get3A_399, %get3A_1412 : vector<16xf32>
      %add3A_1414 = arith.addf %get3A_1405, %mul3A_1413 : vector<16xf32>
      %get3A_1415 = arith.constant 1 : i32
      %get3A_1416 = arith.constant 18 : i32
      %get3A_1417 = arith.index_cast %get3A_1415 : i32 to index
      %get3A_1418 = arith.index_cast %get3A_1416 : i32 to index
      %get3A_1419 = arith.index_cast %multiple_of3A : i32 to index
      %get3A_1420 = tpu.vector_load %arg9[%get3A_1417, %get3A_1418, %get3A_1419] {strides = array<i32>} : memref<2x32x1024xf32, #tpu.memory_space<vmem>>, vector<1x1x16xf32>,
      %get3A_1421 = vector.shape_cast %get3A_1420 : vector<1x1x16xf32> to vector<16xf32>
      %mul3A_1422 = arith.mulf %get3A_543, %get3A_1421 : vector<16xf32>
      %add3A_1423 = arith.addf %add3A_1414, %mul3A_1422 : vector<16xf32>
      %swap3A_1424 = arith.constant 2 : i32
      %swap3A_1425 = arith.index_cast %swap3A_1424 : i32 to index
      %swap3A_1426 = arith.index_cast %multiple_of3A : i32 to index
      %swap3A_1427 = tpu.vector_load %arg11[%swap3A_1425, %swap3A_1426] {strides = array<i32>} : memref<16x1024xf32, #tpu.memory_space<vmem>>, vector<1x16xf32>,
      %swap3A_1428 = vector.shape_cast %swap3A_1427 : vector<1x16xf32> to vector<16xf32>
      %swap3A_1429 = vector.shape_cast %add3A_1423 : vector<16xf32> to vector<1x16xf32>
      tpu.vector_store %arg11[%swap3A_1425, %swap3A_1426], %swap3A_1429 {strides = array<i32>} : memref<16x1024xf32, #tpu.memory_space<vmem>>, vector<1x16xf32>,
      %get3A_1430 = arith.constant 3 : i32
      %get3A_1431 = arith.index_cast %get3A_1430 : i32 to index
      %get3A_1432 = arith.index_cast %multiple_of3A : i32 to index
      %get3A_1433 = tpu.vector_load %arg10[%get3A_1431, %get3A_1432] {strides = array<i32>} : memref<16x1024xf32, #tpu.memory_space<vmem>>, vector<1x16xf32>,
      %get3A_1434 = vector.shape_cast %get3A_1433 : vector<1x16xf32> to vector<16xf32>
      %get3A_1435 = arith.constant 1 : i32
      %get3A_1436 = arith.constant 3 : i32
      %get3A_1437 = arith.index_cast %get3A_1435 : i32 to index
      %get3A_1438 = arith.index_cast %get3A_1436 : i32 to index
      %get3A_1439 = arith.index_cast %multiple_of3A : i32 to index
      %get3A_1440 = tpu.vector_load %arg9[%get3A_1437, %get3A_1438, %get3A_1439] {strides = array<i32>} : memref<2x32x1024xf32, #tpu.memory_space<vmem>>, vector<1x1x16xf32>,
      %get3A_1441 = vector.shape_cast %get3A_1440 : vector<1x1x16xf32> to vector<16xf32>
      %mul3A_1442 = arith.mulf %get3A_408, %get3A_1441 : vector<16xf32>
      %add3A_1443 = arith.addf %get3A_1434, %mul3A_1442 : vector<16xf32>
      %get3A_1444 = arith.constant 1 : i32
      %get3A_1445 = arith.constant 19 : i32
      %get3A_1446 = arith.index_cast %get3A_1444 : i32 to index
      %get3A_1447 = arith.index_cast %get3A_1445 : i32 to index
      %get3A_1448 = arith.index_cast %multiple_of3A : i32 to index
      %get3A_1449 = tpu.vector_load %arg9[%get3A_1446, %get3A_1447, %get3A_1448] {strides = array<i32>} : memref<2x32x1024xf32, #tpu.memory_space<vmem>>, vector<1x1x16xf32>,
      %get3A_1450 = vector.shape_cast %get3A_1449 : vector<1x1x16xf32> to vector<16xf32>
      %mul3A_1451 = arith.mulf %get3A_552, %get3A_1450 : vector<16xf32>
      %add3A_1452 = arith.addf %add3A_1443, %mul3A_1451 : vector<16xf32>
      %swap3A_1453 = arith.constant 3 : i32
      %swap3A_1454 = arith.index_cast %swap3A_1453 : i32 to index
      %swap3A_1455 = arith.index_cast %multiple_of3A : i32 to index
      %swap3A_1456 = tpu.vector_load %arg11[%swap3A_1454, %swap3A_1455] {strides = array<i32>} : memref<16x1024xf32, #tpu.memory_space<vmem>>, vector<1x16xf32>,
      %swap3A_1457 = vector.shape_cast %swap3A_1456 : vector<1x16xf32> to vector<16xf32>
      %swap3A_1458 = vector.shape_cast %add3A_1452 : vector<16xf32> to vector<1x16xf32>
      tpu.vector_store %arg11[%swap3A_1454, %swap3A_1455], %swap3A_1458 {strides = array<i32>} : memref<16x1024xf32, #tpu.memory_space<vmem>>, vector<1x16xf32>,
      %get3A_1459 = arith.constant 4 : i32
      %get3A_1460 = arith.index_cast %get3A_1459 : i32 to index
      %get3A_1461 = arith.index_cast %multiple_of3A : i32 to index
      %get3A_1462 = tpu.vector_load %arg10[%get3A_1460, %get3A_1461] {strides = array<i32>} : memref<16x1024xf32, #tpu.memory_space<vmem>>, vector<1x16xf32>,
      %get3A_1463 = vector.shape_cast %get3A_1462 : vector<1x16xf32> to vector<16xf32>
      %get3A_1464 = arith.constant 1 : i32
      %get3A_1465 = arith.constant 4 : i32
      %get3A_1466 = arith.index_cast %get3A_1464 : i32 to index
      %get3A_1467 = arith.index_cast %get3A_1465 : i32 to index
      %get3A_1468 = arith.index_cast %multiple_of3A : i32 to index
      %get3A_1469 = tpu.vector_load %arg9[%get3A_1466, %get3A_1467, %get3A_1468] {strides = array<i32>} : memref<2x32x1024xf32, #tpu.memory_space<vmem>>, vector<1x1x16xf32>,
      %get3A_1470 = vector.shape_cast %get3A_1469 : vector<1x1x16xf32> to vector<16xf32>
      %mul3A_1471 = arith.mulf %get3A_417, %get3A_1470 : vector<16xf32>
      %add3A_1472 = arith.addf %get3A_1463, %mul3A_1471 : vector<16xf32>
      %get3A_1473 = arith.constant 1 : i32
      %get3A_1474 = arith.constant 20 : i32
      %get3A_1475 = arith.index_cast %get3A_1473 : i32 to index
      %get3A_1476 = arith.index_cast %get3A_1474 : i32 to index
      %get3A_1477 = arith.index_cast %multiple_of3A : i32 to index
      %get3A_1478 = tpu.vector_load %arg9[%get3A_1475, %get3A_1476, %get3A_1477] {strides = array<i32>} : memref<2x32x1024xf32, #tpu.memory_space<vmem>>, vector<1x1x16xf32>,
      %get3A_1479 = vector.shape_cast %get3A_1478 : vector<1x1x16xf32> to vector<16xf32>
      %mul3A_1480 = arith.mulf %get3A_561, %get3A_1479 : vector<16xf32>
      %add3A_1481 = arith.addf %add3A_1472, %mul3A_1480 : vector<16xf32>
      %swap3A_1482 = arith.constant 4 : i32
      %swap3A_1483 = arith.index_cast %swap3A_1482 : i32 to index
      %swap3A_1484 = arith.index_cast %multiple_of3A : i32 to index
      %swap3A_1485 = tpu.vector_load %arg11[%swap3A_1483, %swap3A_1484] {strides = array<i32>} : memref<16x1024xf32, #tpu.memory_space<vmem>>, vector<1x16xf32>,
      %swap3A_1486 = vector.shape_cast %swap3A_1485 : vector<1x16xf32> to vector<16xf32>
      %swap3A_1487 = vector.shape_cast %add3A_1481 : vector<16xf32> to vector<1x16xf32>
      tpu.vector_store %arg11[%swap3A_1483, %swap3A_1484], %swap3A_1487 {strides = array<i32>} : memref<16x1024xf32, #tpu.memory_space<vmem>>, vector<1x16xf32>,
      %get3A_1488 = arith.constant 5 : i32
      %get3A_1489 = arith.index_cast %get3A_1488 : i32 to index
      %get3A_1490 = arith.index_cast %multiple_of3A : i32 to index
      %get3A_1491 = tpu.vector_load %arg10[%get3A_1489, %get3A_1490] {strides = array<i32>} : memref<16x1024xf32, #tpu.memory_space<vmem>>, vector<1x16xf32>,
      %get3A_1492 = vector.shape_cast %get3A_1491 : vector<1x16xf32> to vector<16xf32>
      %get3A_1493 = arith.constant 1 : i32
      %get3A_1494 = arith.constant 5 : i32
      %get3A_1495 = arith.index_cast %get3A_1493 : i32 to index
      %get3A_1496 = arith.index_cast %get3A_1494 : i32 to index
      %get3A_1497 = arith.index_cast %multiple_of3A : i32 to index
      %get3A_1498 = tpu.vector_load %arg9[%get3A_1495, %get3A_1496, %get3A_1497] {strides = array<i32>} : memref<2x32x1024xf32, #tpu.memory_space<vmem>>, vector<1x1x16xf32>,
      %get3A_1499 = vector.shape_cast %get3A_1498 : vector<1x1x16xf32> to vector<16xf32>
      %mul3A_1500 = arith.mulf %get3A_426, %get3A_1499 : vector<16xf32>
      %add3A_1501 = arith.addf %get3A_1492, %mul3A_1500 : vector<16xf32>
      %get3A_1502 = arith.constant 1 : i32
      %get3A_1503 = arith.constant 21 : i32
      %get3A_1504 = arith.index_cast %get3A_1502 : i32 to index
      %get3A_1505 = arith.index_cast %get3A_1503 : i32 to index
      %get3A_1506 = arith.index_cast %multiple_of3A : i32 to index
      %get3A_1507 = tpu.vector_load %arg9[%get3A_1504, %get3A_1505, %get3A_1506] {strides = array<i32>} : memref<2x32x1024xf32, #tpu.memory_space<vmem>>, vector<1x1x16xf32>,
      %get3A_1508 = vector.shape_cast %get3A_1507 : vector<1x1x16xf32> to vector<16xf32>
      %mul3A_1509 = arith.mulf %get3A_570, %get3A_1508 : vector<16xf32>
      %add3A_1510 = arith.addf %add3A_1501, %mul3A_1509 : vector<16xf32>
      %swap3A_1511 = arith.constant 5 : i32
      %swap3A_1512 = arith.index_cast %swap3A_1511 : i32 to index
      %swap3A_1513 = arith.index_cast %multiple_of3A : i32 to index
      %swap3A_1514 = tpu.vector_load %arg11[%swap3A_1512, %swap3A_1513] {strides = array<i32>} : memref<16x1024xf32, #tpu.memory_space<vmem>>, vector<1x16xf32>,
      %swap3A_1515 = vector.shape_cast %swap3A_1514 : vector<1x16xf32> to vector<16xf32>
      %swap3A_1516 = vector.shape_cast %add3A_1510 : vector<16xf32> to vector<1x16xf32>
      tpu.vector_store %arg11[%swap3A_1512, %swap3A_1513], %swap3A_1516 {strides = array<i32>} : memref<16x1024xf32, #tpu.memory_space<vmem>>, vector<1x16xf32>,
      %get3A_1517 = arith.constant 6 : i32
      %get3A_1518 = arith.index_cast %get3A_1517 : i32 to index
      %get3A_1519 = arith.index_cast %multiple_of3A : i32 to index
      %get3A_1520 = tpu.vector_load %arg10[%get3A_1518, %get3A_1519] {strides = array<i32>} : memref<16x1024xf32, #tpu.memory_space<vmem>>, vector<1x16xf32>,
      %get3A_1521 = vector.shape_cast %get3A_1520 : vector<1x16xf32> to vector<16xf32>
      %get3A_1522 = arith.constant 1 : i32
      %get3A_1523 = arith.constant 6 : i32
      %get3A_1524 = arith.index_cast %get3A_1522 : i32 to index
      %get3A_1525 = arith.index_cast %get3A_1523 : i32 to index
      %get3A_1526 = arith.index_cast %multiple_of3A : i32 to index
      %get3A_1527 = tpu.vector_load %arg9[%get3A_1524, %get3A_1525, %get3A_1526] {strides = array<i32>} : memref<2x32x1024xf32, #tpu.memory_space<vmem>>, vector<1x1x16xf32>,
      %get3A_1528 = vector.shape_cast %get3A_1527 : vector<1x1x16xf32> to vector<16xf32>
      %mul3A_1529 = arith.mulf %get3A_435, %get3A_1528 : vector<16xf32>
      %add3A_1530 = arith.addf %get3A_1521, %mul3A_1529 : vector<16xf32>
      %get3A_1531 = arith.constant 1 : i32
      %get3A_1532 = arith.constant 22 : i32
      %get3A_1533 = arith.index_cast %get3A_1531 : i32 to index
      %get3A_1534 = arith.index_cast %get3A_1532 : i32 to index
      %get3A_1535 = arith.index_cast %multiple_of3A : i32 to index
      %get3A_1536 = tpu.vector_load %arg9[%get3A_1533, %get3A_1534, %get3A_1535] {strides = array<i32>} : memref<2x32x1024xf32, #tpu.memory_space<vmem>>, vector<1x1x16xf32>,
      %get3A_1537 = vector.shape_cast %get3A_1536 : vector<1x1x16xf32> to vector<16xf32>
      %mul3A_1538 = arith.mulf %get3A_579, %get3A_1537 : vector<16xf32>
      %add3A_1539 = arith.addf %add3A_1530, %mul3A_1538 : vector<16xf32>
      %swap3A_1540 = arith.constant 6 : i32
      %swap3A_1541 = arith.index_cast %swap3A_1540 : i32 to index
      %swap3A_1542 = arith.index_cast %multiple_of3A : i32 to index
      %swap3A_1543 = tpu.vector_load %arg11[%swap3A_1541, %swap3A_1542] {strides = array<i32>} : memref<16x1024xf32, #tpu.memory_space<vmem>>, vector<1x16xf32>,
      %swap3A_1544 = vector.shape_cast %swap3A_1543 : vector<1x16xf32> to vector<16xf32>
      %swap3A_1545 = vector.shape_cast %add3A_1539 : vector<16xf32> to vector<1x16xf32>
      tpu.vector_store %arg11[%swap3A_1541, %swap3A_1542], %swap3A_1545 {strides = array<i32>} : memref<16x1024xf32, #tpu.memory_space<vmem>>, vector<1x16xf32>,
      %get3A_1546 = arith.constant 7 : i32
      %get3A_1547 = arith.index_cast %get3A_1546 : i32 to index
      %get3A_1548 = arith.index_cast %multiple_of3A : i32 to index
      %get3A_1549 = tpu.vector_load %arg10[%get3A_1547, %get3A_1548] {strides = array<i32>} : memref<16x1024xf32, #tpu.memory_space<vmem>>, vector<1x16xf32>,
      %get3A_1550 = vector.shape_cast %get3A_1549 : vector<1x16xf32> to vector<16xf32>
      %get3A_1551 = arith.constant 1 : i32
      %get3A_1552 = arith.constant 7 : i32
      %get3A_1553 = arith.index_cast %get3A_1551 : i32 to index
      %get3A_1554 = arith.index_cast %get3A_1552 : i32 to index
      %get3A_1555 = arith.index_cast %multiple_of3A : i32 to index
      %get3A_1556 = tpu.vector_load %arg9[%get3A_1553, %get3A_1554, %get3A_1555] {strides = array<i32>} : memref<2x32x1024xf32, #tpu.memory_space<vmem>>, vector<1x1x16xf32>,
      %get3A_1557 = vector.shape_cast %get3A_1556 : vector<1x1x16xf32> to vector<16xf32>
      %mul3A_1558 = arith.mulf %get3A_444, %get3A_1557 : vector<16xf32>
      %add3A_1559 = arith.addf %get3A_1550, %mul3A_1558 : vector<16xf32>
      %get3A_1560 = arith.constant 1 : i32
      %get3A_1561 = arith.constant 23 : i32
      %get3A_1562 = arith.index_cast %get3A_1560 : i32 to index
      %get3A_1563 = arith.index_cast %get3A_1561 : i32 to index
      %get3A_1564 = arith.index_cast %multiple_of3A : i32 to index
      %get3A_1565 = tpu.vector_load %arg9[%get3A_1562, %get3A_1563, %get3A_1564] {strides = array<i32>} : memref<2x32x1024xf32, #tpu.memory_space<vmem>>, vector<1x1x16xf32>,
      %get3A_1566 = vector.shape_cast %get3A_1565 : vector<1x1x16xf32> to vector<16xf32>
      %mul3A_1567 = arith.mulf %get3A_588, %get3A_1566 : vector<16xf32>
      %add3A_1568 = arith.addf %add3A_1559, %mul3A_1567 : vector<16xf32>
      %swap3A_1569 = arith.constant 7 : i32
      %swap3A_1570 = arith.index_cast %swap3A_1569 : i32 to index
      %swap3A_1571 = arith.index_cast %multiple_of3A : i32 to index
      %swap3A_1572 = tpu.vector_load %arg11[%swap3A_1570, %swap3A_1571] {strides = array<i32>} : memref<16x1024xf32, #tpu.memory_space<vmem>>, vector<1x16xf32>,
      %swap3A_1573 = vector.shape_cast %swap3A_1572 : vector<1x16xf32> to vector<16xf32>
      %swap3A_1574 = vector.shape_cast %add3A_1568 : vector<16xf32> to vector<1x16xf32>
      tpu.vector_store %arg11[%swap3A_1570, %swap3A_1571], %swap3A_1574 {strides = array<i32>} : memref<16x1024xf32, #tpu.memory_space<vmem>>, vector<1x16xf32>,
      %get3A_1575 = arith.constant 8 : i32
      %get3A_1576 = arith.index_cast %get3A_1575 : i32 to index
      %get3A_1577 = arith.index_cast %multiple_of3A : i32 to index
      %get3A_1578 = tpu.vector_load %arg10[%get3A_1576, %get3A_1577] {strides = array<i32>} : memref<16x1024xf32, #tpu.memory_space<vmem>>, vector<1x16xf32>,
      %get3A_1579 = vector.shape_cast %get3A_1578 : vector<1x16xf32> to vector<16xf32>
      %get3A_1580 = arith.constant 1 : i32
      %get3A_1581 = arith.constant 8 : i32
      %get3A_1582 = arith.index_cast %get3A_1580 : i32 to index
      %get3A_1583 = arith.index_cast %get3A_1581 : i32 to index
      %get3A_1584 = arith.index_cast %multiple_of3A : i32 to index
      %get3A_1585 = tpu.vector_load %arg9[%get3A_1582, %get3A_1583, %get3A_1584] {strides = array<i32>} : memref<2x32x1024xf32, #tpu.memory_space<vmem>>, vector<1x1x16xf32>,
      %get3A_1586 = vector.shape_cast %get3A_1585 : vector<1x1x16xf32> to vector<16xf32>
      %mul3A_1587 = arith.mulf %get3A_453, %get3A_1586 : vector<16xf32>
      %add3A_1588 = arith.addf %get3A_1579, %mul3A_1587 : vector<16xf32>
      %get3A_1589 = arith.constant 1 : i32
      %get3A_1590 = arith.constant 24 : i32
      %get3A_1591 = arith.index_cast %get3A_1589 : i32 to index
      %get3A_1592 = arith.index_cast %get3A_1590 : i32 to index
      %get3A_1593 = arith.index_cast %multiple_of3A : i32 to index
      %get3A_1594 = tpu.vector_load %arg9[%get3A_1591, %get3A_1592, %get3A_1593] {strides = array<i32>} : memref<2x32x1024xf32, #tpu.memory_space<vmem>>, vector<1x1x16xf32>,
      %get3A_1595 = vector.shape_cast %get3A_1594 : vector<1x1x16xf32> to vector<16xf32>
      %mul3A_1596 = arith.mulf %get3A_597, %get3A_1595 : vector<16xf32>
      %add3A_1597 = arith.addf %add3A_1588, %mul3A_1596 : vector<16xf32>
      %swap3A_1598 = arith.constant 8 : i32
      %swap3A_1599 = arith.index_cast %swap3A_1598 : i32 to index
      %swap3A_1600 = arith.index_cast %multiple_of3A : i32 to index
      %swap3A_1601 = tpu.vector_load %arg11[%swap3A_1599, %swap3A_1600] {strides = array<i32>} : memref<16x1024xf32, #tpu.memory_space<vmem>>, vector<1x16xf32>,
      %swap3A_1602 = vector.shape_cast %swap3A_1601 : vector<1x16xf32> to vector<16xf32>
      %swap3A_1603 = vector.shape_cast %add3A_1597 : vector<16xf32> to vector<1x16xf32>
      tpu.vector_store %arg11[%swap3A_1599, %swap3A_1600], %swap3A_1603 {strides = array<i32>} : memref<16x1024xf32, #tpu.memory_space<vmem>>, vector<1x16xf32>,
      %get3A_1604 = arith.constant 9 : i32
      %get3A_1605 = arith.index_cast %get3A_1604 : i32 to index
      %get3A_1606 = arith.index_cast %multiple_of3A : i32 to index
      %get3A_1607 = tpu.vector_load %arg10[%get3A_1605, %get3A_1606] {strides = array<i32>} : memref<16x1024xf32, #tpu.memory_space<vmem>>, vector<1x16xf32>,
      %get3A_1608 = vector.shape_cast %get3A_1607 : vector<1x16xf32> to vector<16xf32>
      %get3A_1609 = arith.constant 1 : i32
      %get3A_1610 = arith.constant 9 : i32
      %get3A_1611 = arith.index_cast %get3A_1609 : i32 to index
      %get3A_1612 = arith.index_cast %get3A_1610 : i32 to index
      %get3A_1613 = arith.index_cast %multiple_of3A : i32 to index
      %get3A_1614 = tpu.vector_load %arg9[%get3A_1611, %get3A_1612, %get3A_1613] {strides = array<i32>} : memref<2x32x1024xf32, #tpu.memory_space<vmem>>, vector<1x1x16xf32>,
      %get3A_1615 = vector.shape_cast %get3A_1614 : vector<1x1x16xf32> to vector<16xf32>
      %mul3A_1616 = arith.mulf %get3A_462, %get3A_1615 : vector<16xf32>
      %add3A_1617 = arith.addf %get3A_1608, %mul3A_1616 : vector<16xf32>
      %get3A_1618 = arith.constant 1 : i32
      %get3A_1619 = arith.constant 25 : i32
      %get3A_1620 = arith.index_cast %get3A_1618 : i32 to index
      %get3A_1621 = arith.index_cast %get3A_1619 : i32 to index
      %get3A_1622 = arith.index_cast %multiple_of3A : i32 to index
      %get3A_1623 = tpu.vector_load %arg9[%get3A_1620, %get3A_1621, %get3A_1622] {strides = array<i32>} : memref<2x32x1024xf32, #tpu.memory_space<vmem>>, vector<1x1x16xf32>,
      %get3A_1624 = vector.shape_cast %get3A_1623 : vector<1x1x16xf32> to vector<16xf32>
      %mul3A_1625 = arith.mulf %get3A_606, %get3A_1624 : vector<16xf32>
      %add3A_1626 = arith.addf %add3A_1617, %mul3A_1625 : vector<16xf32>
      %swap3A_1627 = arith.constant 9 : i32
      %swap3A_1628 = arith.index_cast %swap3A_1627 : i32 to index
      %swap3A_1629 = arith.index_cast %multiple_of3A : i32 to index
      %swap3A_1630 = tpu.vector_load %arg11[%swap3A_1628, %swap3A_1629] {strides = array<i32>} : memref<16x1024xf32, #tpu.memory_space<vmem>>, vector<1x16xf32>,
      %swap3A_1631 = vector.shape_cast %swap3A_1630 : vector<1x16xf32> to vector<16xf32>
      %swap3A_1632 = vector.shape_cast %add3A_1626 : vector<16xf32> to vector<1x16xf32>
      tpu.vector_store %arg11[%swap3A_1628, %swap3A_1629], %swap3A_1632 {strides = array<i32>} : memref<16x1024xf32, #tpu.memory_space<vmem>>, vector<1x16xf32>,
      %get3A_1633 = arith.constant 10 : i32
      %get3A_1634 = arith.index_cast %get3A_1633 : i32 to index
      %get3A_1635 = arith.index_cast %multiple_of3A : i32 to index
      %get3A_1636 = tpu.vector_load %arg10[%get3A_1634, %get3A_1635] {strides = array<i32>} : memref<16x1024xf32, #tpu.memory_space<vmem>>, vector<1x16xf32>,
      %get3A_1637 = vector.shape_cast %get3A_1636 : vector<1x16xf32> to vector<16xf32>
      %get3A_1638 = arith.constant 1 : i32
      %get3A_1639 = arith.constant 10 : i32
      %get3A_1640 = arith.index_cast %get3A_1638 : i32 to index
      %get3A_1641 = arith.index_cast %get3A_1639 : i32 to index
      %get3A_1642 = arith.index_cast %multiple_of3A : i32 to index
      %get3A_1643 = tpu.vector_load %arg9[%get3A_1640, %get3A_1641, %get3A_1642] {strides = array<i32>} : memref<2x32x1024xf32, #tpu.memory_space<vmem>>, vector<1x1x16xf32>,
      %get3A_1644 = vector.shape_cast %get3A_1643 : vector<1x1x16xf32> to vector<16xf32>
      %mul3A_1645 = arith.mulf %get3A_471, %get3A_1644 : vector<16xf32>
      %add3A_1646 = arith.addf %get3A_1637, %mul3A_1645 : vector<16xf32>
      %get3A_1647 = arith.constant 1 : i32
      %get3A_1648 = arith.constant 26 : i32
      %get3A_1649 = arith.index_cast %get3A_1647 : i32 to index
      %get3A_1650 = arith.index_cast %get3A_1648 : i32 to index
      %get3A_1651 = arith.index_cast %multiple_of3A : i32 to index
      %get3A_1652 = tpu.vector_load %arg9[%get3A_1649, %get3A_1650, %get3A_1651] {strides = array<i32>} : memref<2x32x1024xf32, #tpu.memory_space<vmem>>, vector<1x1x16xf32>,
      %get3A_1653 = vector.shape_cast %get3A_1652 : vector<1x1x16xf32> to vector<16xf32>
      %mul3A_1654 = arith.mulf %get3A_615, %get3A_1653 : vector<16xf32>
      %add3A_1655 = arith.addf %add3A_1646, %mul3A_1654 : vector<16xf32>
      %swap3A_1656 = arith.constant 10 : i32
      %swap3A_1657 = arith.index_cast %swap3A_1656 : i32 to index
      %swap3A_1658 = arith.index_cast %multiple_of3A : i32 to index
      %swap3A_1659 = tpu.vector_load %arg11[%swap3A_1657, %swap3A_1658] {strides = array<i32>} : memref<16x1024xf32, #tpu.memory_space<vmem>>, vector<1x16xf32>,
      %swap3A_1660 = vector.shape_cast %swap3A_1659 : vector<1x16xf32> to vector<16xf32>
      %swap3A_1661 = vector.shape_cast %add3A_1655 : vector<16xf32> to vector<1x16xf32>
      tpu.vector_store %arg11[%swap3A_1657, %swap3A_1658], %swap3A_1661 {strides = array<i32>} : memref<16x1024xf32, #tpu.memory_space<vmem>>, vector<1x16xf32>,
      %get3A_1662 = arith.constant 11 : i32
      %get3A_1663 = arith.index_cast %get3A_1662 : i32 to index
      %get3A_1664 = arith.index_cast %multiple_of3A : i32 to index
      %get3A_1665 = tpu.vector_load %arg10[%get3A_1663, %get3A_1664] {strides = array<i32>} : memref<16x1024xf32, #tpu.memory_space<vmem>>, vector<1x16xf32>,
      %get3A_1666 = vector.shape_cast %get3A_1665 : vector<1x16xf32> to vector<16xf32>
      %get3A_1667 = arith.constant 1 : i32
      %get3A_1668 = arith.constant 11 : i32
      %get3A_1669 = arith.index_cast %get3A_1667 : i32 to index
      %get3A_1670 = arith.index_cast %get3A_1668 : i32 to index
      %get3A_1671 = arith.index_cast %multiple_of3A : i32 to index
      %get3A_1672 = tpu.vector_load %arg9[%get3A_1669, %get3A_1670, %get3A_1671] {strides = array<i32>} : memref<2x32x1024xf32, #tpu.memory_space<vmem>>, vector<1x1x16xf32>,
      %get3A_1673 = vector.shape_cast %get3A_1672 : vector<1x1x16xf32> to vector<16xf32>
      %mul3A_1674 = arith.mulf %get3A_480, %get3A_1673 : vector<16xf32>
      %add3A_1675 = arith.addf %get3A_1666, %mul3A_1674 : vector<16xf32>
      %get3A_1676 = arith.constant 1 : i32
      %get3A_1677 = arith.constant 27 : i32
      %get3A_1678 = arith.index_cast %get3A_1676 : i32 to index
      %get3A_1679 = arith.index_cast %get3A_1677 : i32 to index
      %get3A_1680 = arith.index_cast %multiple_of3A : i32 to index
      %get3A_1681 = tpu.vector_load %arg9[%get3A_1678, %get3A_1679, %get3A_1680] {strides = array<i32>} : memref<2x32x1024xf32, #tpu.memory_space<vmem>>, vector<1x1x16xf32>,
      %get3A_1682 = vector.shape_cast %get3A_1681 : vector<1x1x16xf32> to vector<16xf32>
      %mul3A_1683 = arith.mulf %get3A_624, %get3A_1682 : vector<16xf32>
      %add3A_1684 = arith.addf %add3A_1675, %mul3A_1683 : vector<16xf32>
      %swap3A_1685 = arith.constant 11 : i32
      %swap3A_1686 = arith.index_cast %swap3A_1685 : i32 to index
      %swap3A_1687 = arith.index_cast %multiple_of3A : i32 to index
      %swap3A_1688 = tpu.vector_load %arg11[%swap3A_1686, %swap3A_1687] {strides = array<i32>} : memref<16x1024xf32, #tpu.memory_space<vmem>>, vector<1x16xf32>,
      %swap3A_1689 = vector.shape_cast %swap3A_1688 : vector<1x16xf32> to vector<16xf32>
      %swap3A_1690 = vector.shape_cast %add3A_1684 : vector<16xf32> to vector<1x16xf32>
      tpu.vector_store %arg11[%swap3A_1686, %swap3A_1687], %swap3A_1690 {strides = array<i32>} : memref<16x1024xf32, #tpu.memory_space<vmem>>, vector<1x16xf32>,
      %get3A_1691 = arith.constant 12 : i32
      %get3A_1692 = arith.index_cast %get3A_1691 : i32 to index
      %get3A_1693 = arith.index_cast %multiple_of3A : i32 to index
      %get3A_1694 = tpu.vector_load %arg10[%get3A_1692, %get3A_1693] {strides = array<i32>} : memref<16x1024xf32, #tpu.memory_space<vmem>>, vector<1x16xf32>,
      %get3A_1695 = vector.shape_cast %get3A_1694 : vector<1x16xf32> to vector<16xf32>
      %get3A_1696 = arith.constant 1 : i32
      %get3A_1697 = arith.constant 12 : i32
      %get3A_1698 = arith.index_cast %get3A_1696 : i32 to index
      %get3A_1699 = arith.index_cast %get3A_1697 : i32 to index
      %get3A_1700 = arith.index_cast %multiple_of3A : i32 to index
      %get3A_1701 = tpu.vector_load %arg9[%get3A_1698, %get3A_1699, %get3A_1700] {strides = array<i32>} : memref<2x32x1024xf32, #tpu.memory_space<vmem>>, vector<1x1x16xf32>,
      %get3A_1702 = vector.shape_cast %get3A_1701 : vector<1x1x16xf32> to vector<16xf32>
      %mul3A_1703 = arith.mulf %get3A_489, %get3A_1702 : vector<16xf32>
      %add3A_1704 = arith.addf %get3A_1695, %mul3A_1703 : vector<16xf32>
      %get3A_1705 = arith.constant 1 : i32
      %get3A_1706 = arith.constant 28 : i32
      %get3A_1707 = arith.index_cast %get3A_1705 : i32 to index
      %get3A_1708 = arith.index_cast %get3A_1706 : i32 to index
      %get3A_1709 = arith.index_cast %multiple_of3A : i32 to index
      %get3A_1710 = tpu.vector_load %arg9[%get3A_1707, %get3A_1708, %get3A_1709] {strides = array<i32>} : memref<2x32x1024xf32, #tpu.memory_space<vmem>>, vector<1x1x16xf32>,
      %get3A_1711 = vector.shape_cast %get3A_1710 : vector<1x1x16xf32> to vector<16xf32>
      %mul3A_1712 = arith.mulf %get3A_633, %get3A_1711 : vector<16xf32>
      %add3A_1713 = arith.addf %add3A_1704, %mul3A_1712 : vector<16xf32>
      %swap3A_1714 = arith.constant 12 : i32
      %swap3A_1715 = arith.index_cast %swap3A_1714 : i32 to index
      %swap3A_1716 = arith.index_cast %multiple_of3A : i32 to index
      %swap3A_1717 = tpu.vector_load %arg11[%swap3A_1715, %swap3A_1716] {strides = array<i32>} : memref<16x1024xf32, #tpu.memory_space<vmem>>, vector<1x16xf32>,
      %swap3A_1718 = vector.shape_cast %swap3A_1717 : vector<1x16xf32> to vector<16xf32>
      %swap3A_1719 = vector.shape_cast %add3A_1713 : vector<16xf32> to vector<1x16xf32>
      tpu.vector_store %arg11[%swap3A_1715, %swap3A_1716], %swap3A_1719 {strides = array<i32>} : memref<16x1024xf32, #tpu.memory_space<vmem>>, vector<1x16xf32>,
      %get3A_1720 = arith.constant 13 : i32
      %get3A_1721 = arith.index_cast %get3A_1720 : i32 to index
      %get3A_1722 = arith.index_cast %multiple_of3A : i32 to index
      %get3A_1723 = tpu.vector_load %arg10[%get3A_1721, %get3A_1722] {strides = array<i32>} : memref<16x1024xf32, #tpu.memory_space<vmem>>, vector<1x16xf32>,
      %get3A_1724 = vector.shape_cast %get3A_1723 : vector<1x16xf32> to vector<16xf32>
      %get3A_1725 = arith.constant 1 : i32
      %get3A_1726 = arith.constant 13 : i32
      %get3A_1727 = arith.index_cast %get3A_1725 : i32 to index
      %get3A_1728 = arith.index_cast %get3A_1726 : i32 to index
      %get3A_1729 = arith.index_cast %multiple_of3A : i32 to index
      %get3A_1730 = tpu.vector_load %arg9[%get3A_1727, %get3A_1728, %get3A_1729] {strides = array<i32>} : memref<2x32x1024xf32, #tpu.memory_space<vmem>>, vector<1x1x16xf32>,
      %get3A_1731 = vector.shape_cast %get3A_1730 : vector<1x1x16xf32> to vector<16xf32>
      %mul3A_1732 = arith.mulf %get3A_498, %get3A_1731 : vector<16xf32>
      %add3A_1733 = arith.addf %get3A_1724, %mul3A_1732 : vector<16xf32>
      %get3A_1734 = arith.constant 1 : i32
      %get3A_1735 = arith.constant 29 : i32
      %get3A_1736 = arith.index_cast %get3A_1734 : i32 to index
      %get3A_1737 = arith.index_cast %get3A_1735 : i32 to index
      %get3A_1738 = arith.index_cast %multiple_of3A : i32 to index
      %get3A_1739 = tpu.vector_load %arg9[%get3A_1736, %get3A_1737, %get3A_1738] {strides = array<i32>} : memref<2x32x1024xf32, #tpu.memory_space<vmem>>, vector<1x1x16xf32>,
      %get3A_1740 = vector.shape_cast %get3A_1739 : vector<1x1x16xf32> to vector<16xf32>
      %mul3A_1741 = arith.mulf %get3A_642, %get3A_1740 : vector<16xf32>
      %add3A_1742 = arith.addf %add3A_1733, %mul3A_1741 : vector<16xf32>
      %swap3A_1743 = arith.constant 13 : i32
      %swap3A_1744 = arith.index_cast %swap3A_1743 : i32 to index
      %swap3A_1745 = arith.index_cast %multiple_of3A : i32 to index
      %swap3A_1746 = tpu.vector_load %arg11[%swap3A_1744, %swap3A_1745] {strides = array<i32>} : memref<16x1024xf32, #tpu.memory_space<vmem>>, vector<1x16xf32>,
      %swap3A_1747 = vector.shape_cast %swap3A_1746 : vector<1x16xf32> to vector<16xf32>
      %swap3A_1748 = vector.shape_cast %add3A_1742 : vector<16xf32> to vector<1x16xf32>
      tpu.vector_store %arg11[%swap3A_1744, %swap3A_1745], %swap3A_1748 {strides = array<i32>} : memref<16x1024xf32, #tpu.memory_space<vmem>>, vector<1x16xf32>,
      %get3A_1749 = arith.constant 14 : i32
      %get3A_1750 = arith.index_cast %get3A_1749 : i32 to index
      %get3A_1751 = arith.index_cast %multiple_of3A : i32 to index
      %get3A_1752 = tpu.vector_load %arg10[%get3A_1750, %get3A_1751] {strides = array<i32>} : memref<16x1024xf32, #tpu.memory_space<vmem>>, vector<1x16xf32>,
      %get3A_1753 = vector.shape_cast %get3A_1752 : vector<1x16xf32> to vector<16xf32>
      %get3A_1754 = arith.constant 1 : i32
      %get3A_1755 = arith.constant 14 : i32
      %get3A_1756 = arith.index_cast %get3A_1754 : i32 to index
      %get3A_1757 = arith.index_cast %get3A_1755 : i32 to index
      %get3A_1758 = arith.index_cast %multiple_of3A : i32 to index
      %get3A_1759 = tpu.vector_load %arg9[%get3A_1756, %get3A_1757, %get3A_1758] {strides = array<i32>} : memref<2x32x1024xf32, #tpu.memory_space<vmem>>, vector<1x1x16xf32>,
      %get3A_1760 = vector.shape_cast %get3A_1759 : vector<1x1x16xf32> to vector<16xf32>
      %mul3A_1761 = arith.mulf %get3A_507, %get3A_1760 : vector<16xf32>
      %add3A_1762 = arith.addf %get3A_1753, %mul3A_1761 : vector<16xf32>
      %get3A_1763 = arith.constant 1 : i32
      %get3A_1764 = arith.constant 30 : i32
      %get3A_1765 = arith.index_cast %get3A_1763 : i32 to index
      %get3A_1766 = arith.index_cast %get3A_1764 : i32 to index
      %get3A_1767 = arith.index_cast %multiple_of3A : i32 to index
      %get3A_1768 = tpu.vector_load %arg9[%get3A_1765, %get3A_1766, %get3A_1767] {strides = array<i32>} : memref<2x32x1024xf32, #tpu.memory_space<vmem>>, vector<1x1x16xf32>,
      %get3A_1769 = vector.shape_cast %get3A_1768 : vector<1x1x16xf32> to vector<16xf32>
      %mul3A_1770 = arith.mulf %get3A_651, %get3A_1769 : vector<16xf32>
      %add3A_1771 = arith.addf %add3A_1762, %mul3A_1770 : vector<16xf32>
      %swap3A_1772 = arith.constant 14 : i32
      %swap3A_1773 = arith.index_cast %swap3A_1772 : i32 to index
      %swap3A_1774 = arith.index_cast %multiple_of3A : i32 to index
      %swap3A_1775 = tpu.vector_load %arg11[%swap3A_1773, %swap3A_1774] {strides = array<i32>} : memref<16x1024xf32, #tpu.memory_space<vmem>>, vector<1x16xf32>,
      %swap3A_1776 = vector.shape_cast %swap3A_1775 : vector<1x16xf32> to vector<16xf32>
      %swap3A_1777 = vector.shape_cast %add3A_1771 : vector<16xf32> to vector<1x16xf32>
      tpu.vector_store %arg11[%swap3A_1773, %swap3A_1774], %swap3A_1777 {strides = array<i32>} : memref<16x1024xf32, #tpu.memory_space<vmem>>, vector<1x16xf32>,
      %get3A_1778 = arith.constant 15 : i32
      %get3A_1779 = arith.index_cast %get3A_1778 : i32 to index
      %get3A_1780 = arith.index_cast %multiple_of3A : i32 to index
      %get3A_1781 = tpu.vector_load %arg10[%get3A_1779, %get3A_1780] {strides = array<i32>} : memref<16x1024xf32, #tpu.memory_space<vmem>>, vector<1x16xf32>,
      %get3A_1782 = vector.shape_cast %get3A_1781 : vector<1x16xf32> to vector<16xf32>
      %get3A_1783 = arith.constant 1 : i32
      %get3A_1784 = arith.constant 15 : i32
      %get3A_1785 = arith.index_cast %get3A_1783 : i32 to index
      %get3A_1786 = arith.index_cast %get3A_1784 : i32 to index
      %get3A_1787 = arith.index_cast %multiple_of3A : i32 to index
      %get3A_1788 = tpu.vector_load %arg9[%get3A_1785, %get3A_1786, %get3A_1787] {strides = array<i32>} : memref<2x32x1024xf32, #tpu.memory_space<vmem>>, vector<1x1x16xf32>,
      %get3A_1789 = vector.shape_cast %get3A_1788 : vector<1x1x16xf32> to vector<16xf32>
      %mul3A_1790 = arith.mulf %get3A_516, %get3A_1789 : vector<16xf32>
      %add3A_1791 = arith.addf %get3A_1782, %mul3A_1790 : vector<16xf32>
      %get3A_1792 = arith.constant 1 : i32
      %get3A_1793 = arith.constant 31 : i32
      %get3A_1794 = arith.index_cast %get3A_1792 : i32 to index
      %get3A_1795 = arith.index_cast %get3A_1793 : i32 to index
      %get3A_1796 = arith.index_cast %multiple_of3A : i32 to index
      %get3A_1797 = tpu.vector_load %arg9[%get3A_1794, %get3A_1795, %get3A_1796] {strides = array<i32>} : memref<2x32x1024xf32, #tpu.memory_space<vmem>>, vector<1x1x16xf32>,
      %get3A_1798 = vector.shape_cast %get3A_1797 : vector<1x1x16xf32> to vector<16xf32>
      %mul3A_1799 = arith.mulf %get3A_660, %get3A_1798 : vector<16xf32>
      %add3A_1800 = arith.addf %add3A_1791, %mul3A_1799 : vector<16xf32>
      %swap3A_1801 = arith.constant 15 : i32
      %swap3A_1802 = arith.index_cast %swap3A_1801 : i32 to index
      %swap3A_1803 = arith.index_cast %multiple_of3A : i32 to index
      %swap3A_1804 = tpu.vector_load %arg11[%swap3A_1802, %swap3A_1803] {strides = array<i32>} : memref<16x1024xf32, #tpu.memory_space<vmem>>, vector<1x16xf32>,
      %swap3A_1805 = vector.shape_cast %swap3A_1804 : vector<1x16xf32> to vector<16xf32>
      %swap3A_1806 = vector.shape_cast %add3A_1800 : vector<16xf32> to vector<1x16xf32>
      tpu.vector_store %arg11[%swap3A_1802, %swap3A_1803], %swap3A_1806 {strides = array<i32>} : memref<16x1024xf32, #tpu.memory_space<vmem>>, vector<1x16xf32>,
    }
    %scan3A_666 = arith.constant 64 : i32
    %mul3A_667 = arith.constant 64 : i32
    %mul3A_668 = arith.muli %add3A, %mul3A_667 : i32
    %add3A_669 = arith.constant 16 : i32
    %add3A_670 = arith.addi %mul3A_668, %add3A_669 : i32
    %dma_start3A_671 = arith.constant 0 : i32
    %dma_start3A_672 = tpu.memref_slice %arg6[%add3A_670, %dma_start3A_671] : memref<2048x1024xf32, #tpu.memory_space<hbm>> -> memref<16x1024xf32, #tpu.memory_space<hbm>>
    %dma_start3A_673 = arith.constant 0 : i32
    %dma_start3A_674 = tpu.memref_slice %arg6[%add3A_670, %dma_start3A_673] : memref<2048x1024xf32, #tpu.memory_space<hbm>> -> memref<16x1024xf32, #tpu.memory_space<hbm>>
    tpu.enqueue_dma source(%arg11 : memref<16x1024xf32, #tpu.memory_space<vmem>>) target(%dma_start3A_674 : memref<16x1024xf32, #tpu.memory_space<hbm>>) target_semaphore(%arg14 : memref<!tpu.dma_semaphore, #tpu.memory_space<semaphore_mem>>)
    %dma_start3A_675 = arith.constant 3 : i32
    %dma_start3A_676 = arith.constant 1 : i32
    %dma_start3A_677 = arith.constant 0 : i32
    %dma_start3A_678 = arith.constant 0 : i32
    %dma_start3A_679 = tpu.memref_slice %arg9[%dma_start3A_676, %dma_start3A_677, %dma_start3A_678] : memref<2x32x1024xf32, #tpu.memory_space<vmem>> -> memref<1x32x1024xf32, #tpu.memory_space<vmem>>
    %dma_start3A_680 = tpu.memref_squeeze %dma_start3A_679 : memref<1x32x1024xf32, #tpu.memory_space<vmem>> -> memref<32x1024xf32, #tpu.memory_space<vmem>>
    %dma_start3A_681 = arith.constant 0 : i32
    %dma_start3A_682 = tpu.memref_slice %arg7[%dma_start3A_675, %dma_start3A_681] : memref<4x32xi32, #tpu.memory_space<vmem>> -> memref<1x32xi32, #tpu.memory_space<vmem>>
    %dma_start3A_683 = tpu.memref_squeeze %dma_start3A_682 : memref<1x32xi32, #tpu.memory_space<vmem>> -> memref<32xi32, #tpu.memory_space<vmem>>
    %dma_start3A_684 = arith.constant 0 : i32
    %dma_start3A_685 = arith.constant 0 : i32
    %dma_start3A_686 = tpu.memref_slice %arg2[%dma_start3A_684, %dma_start3A_685] : memref<6144x1024xf32, #tpu.memory_space<hbm>> -> memref<6144x1024xf32, #tpu.memory_space<hbm>>
    tpu.enqueue_indirect_dma source(%dma_start3A_686 : memref<6144x1024xf32, #tpu.memory_space<hbm>>) target(%dma_start3A_680 : memref<32x1024xf32, #tpu.memory_space<vmem>>) offsets(%dma_start3A_683 : memref<32xi32, #tpu.memory_space<vmem>>) semaphore(%arg13 : memref<!tpu.dma_semaphore, #tpu.memory_space<semaphore_mem>>)
    %mul3A_687 = arith.constant 64 : i32
    %mul3A_688 = arith.muli %add3A, %mul3A_687 : i32
    %add3A_689 = arith.constant 32 : i32
    %add3A_690 = arith.addi %mul3A_688, %add3A_689 : i32
    "tpu.region"() ({
      %run_scoped3A = tpu.sem_alloc : memref<!tpu.dma_semaphore, #tpu.memory_space<semaphore_mem>>
      %dma_start3A_1341 = arith.constant 0 : i32
      %dma_start3A_1342 = tpu.memref_slice %arg3[%add3A_690, %dma_start3A_1341] : memref<2048x1024xf32, #tpu.memory_space<hbm>> -> memref<16x1024xf32, #tpu.memory_space<hbm>>
      %dma_start3A_1343 = arith.constant 0 : i32
      %dma_start3A_1344 = tpu.memref_slice %arg3[%add3A_690, %dma_start3A_1343] : memref<2048x1024xf32, #tpu.memory_space<hbm>> -> memref<16x1024xf32, #tpu.memory_space<hbm>>
      tpu.enqueue_dma source(%dma_start3A_1344 : memref<16x1024xf32, #tpu.memory_space<hbm>>) target(%arg10 : memref<16x1024xf32, #tpu.memory_space<vmem>>) target_semaphore(%run_scoped3A : memref<!tpu.dma_semaphore, #tpu.memory_space<semaphore_mem>>)
      %dma_wait3A_1345 = arith.constant 0 : i32
      %dma_wait3A_1346 = tpu.memref_slice %arg3[%add3A_690, %dma_wait3A_1345] : memref<2048x1024xf32, #tpu.memory_space<hbm>> -> memref<16x1024xf32, #tpu.memory_space<hbm>>
      %dma_wait3A_1347 = arith.constant 0 : i32
      %dma_wait3A_1348 = tpu.memref_slice %arg3[%add3A_690, %dma_wait3A_1347] : memref<2048x1024xf32, #tpu.memory_space<hbm>> -> memref<16x1024xf32, #tpu.memory_space<hbm>>
      tpu.wait_dma2 semaphore(%run_scoped3A : memref<!tpu.dma_semaphore, #tpu.memory_space<semaphore_mem>>) src(%dma_wait3A_1348 : memref<16x1024xf32, #tpu.memory_space<hbm>>) dst(%arg10 : memref<16x1024xf32, #tpu.memory_space<vmem>>)
      tpu.yield
    }) : () -> ()
    %dma_wait3A_691 = arith.constant 2 : i32
    %dma_wait3A_692 = arith.constant 0 : i32
    %dma_wait3A_693 = arith.constant 0 : i32
    %dma_wait3A_694 = arith.constant 0 : i32
    %dma_wait3A_695 = tpu.memref_slice %arg9[%dma_wait3A_692, %dma_wait3A_693, %dma_wait3A_694] : memref<2x32x1024xf32, #tpu.memory_space<vmem>> -> memref<1x32x1024xf32, #tpu.memory_space<vmem>>
    %dma_wait3A_696 = tpu.memref_squeeze %dma_wait3A_695 : memref<1x32x1024xf32, #tpu.memory_space<vmem>> -> memref<32x1024xf32, #tpu.memory_space<vmem>>
    %dma_wait3A_697 = arith.constant 0 : i32
    %dma_wait3A_698 = tpu.memref_slice %arg7[%dma_wait3A_691, %dma_wait3A_697] : memref<4x32xi32, #tpu.memory_space<vmem>> -> memref<1x32xi32, #tpu.memory_space<vmem>>
    %dma_wait3A_699 = tpu.memref_squeeze %dma_wait3A_698 : memref<1x32xi32, #tpu.memory_space<vmem>> -> memref<32xi32, #tpu.memory_space<vmem>>
    %dma_wait3A_700 = arith.constant 0 : i32
    %dma_wait3A_701 = arith.constant 0 : i32
    %dma_wait3A_702 = tpu.memref_slice %arg2[%dma_wait3A_700, %dma_wait3A_701] : memref<6144x1024xf32, #tpu.memory_space<hbm>> -> memref<6144x1024xf32, #tpu.memory_space<hbm>>
    tpu.wait_indirect_dma semaphore(%arg12 : memref<!tpu.dma_semaphore, #tpu.memory_space<semaphore_mem>>) src(%dma_wait3A_702 : memref<6144x1024xf32, #tpu.memory_space<hbm>>) dst(%dma_wait3A_696 : memref<32x1024xf32, #tpu.memory_space<vmem>>)
    %dma_wait3A_703 = arith.constant 0 : i32
    %dma_wait3A_704 = arith.constant 0 : i32
    %dma_wait3A_705 = tpu.memref_slice %arg6[%dma_wait3A_703, %dma_wait3A_704] : memref<2048x1024xf32, #tpu.memory_space<hbm>> -> memref<16x1024xf32, #tpu.memory_space<hbm>>
    %dma_wait3A_706 = arith.constant 0 : i32
    %dma_wait3A_707 = arith.constant 0 : i32
    %dma_wait3A_708 = tpu.memref_slice %arg6[%dma_wait3A_706, %dma_wait3A_707] : memref<2048x1024xf32, #tpu.memory_space<hbm>> -> memref<16x1024xf32, #tpu.memory_space<hbm>>
    tpu.wait_dma2 semaphore(%arg14 : memref<!tpu.dma_semaphore, #tpu.memory_space<semaphore_mem>>) src(%arg11 : memref<16x1024xf32, #tpu.memory_space<vmem>>) dst(%dma_wait3A_708 : memref<16x1024xf32, #tpu.memory_space<hbm>>)
    %get3A_709 = arith.constant 0 : i32
    %get3A_710 = arith.constant 2 : i32
    %get3A_711 = arith.constant 0 : i32
    %get3A_712 = arith.index_cast %get3A_709 : i32 to index
    %get3A_713 = arith.index_cast %get3A_710 : i32 to index
    %get3A_714 = arith.index_cast %get3A_711 : i32 to index
    %get3A_715 = arith.constant 0 : index
    %get3A_716 = tpu.vector_load %arg8[%get3A_712, %get3A_713, %get3A_714, %get3A_715] {strides = array<i32>} : memref<2x4x16x16xf32, #tpu.memory_space<vmem>>, vector<1x1x1x16xf32>,
    %get3A_717 = vector.shape_cast %get3A_716 : vector<1x1x1x16xf32> to vector<16xf32>
    %get3A_718 = arith.constant 0 : i32
    %get3A_719 = arith.constant 2 : i32
    %get3A_720 = arith.constant 1 : i32
    %get3A_721 = arith.index_cast %get3A_718 : i32 to index
    %get3A_722 = arith.index_cast %get3A_719 : i32 to index
    %get3A_723 = arith.index_cast %get3A_720 : i32 to index
    %get3A_724 = arith.constant 0 : index
    %get3A_725 = tpu.vector_load %arg8[%get3A_721, %get3A_722, %get3A_723, %get3A_724] {strides = array<i32>} : memref<2x4x16x16xf32, #tpu.memory_space<vmem>>, vector<1x1x1x16xf32>,
    %get3A_726 = vector.shape_cast %get3A_725 : vector<1x1x1x16xf32> to vector<16xf32>
    %get3A_727 = arith.constant 0 : i32
    %get3A_728 = arith.constant 2 : i32
    %get3A_729 = arith.constant 2 : i32
    %get3A_730 = arith.index_cast %get3A_727 : i32 to index
    %get3A_731 = arith.index_cast %get3A_728 : i32 to index
    %get3A_732 = arith.index_cast %get3A_729 : i32 to index
    %get3A_733 = arith.constant 0 : index
    %get3A_734 = tpu.vector_load %arg8[%get3A_730, %get3A_731, %get3A_732, %get3A_733] {strides = array<i32>} : memref<2x4x16x16xf32, #tpu.memory_space<vmem>>, vector<1x1x1x16xf32>,
    %get3A_735 = vector.shape_cast %get3A_734 : vector<1x1x1x16xf32> to vector<16xf32>
    %get3A_736 = arith.constant 0 : i32
    %get3A_737 = arith.constant 2 : i32
    %get3A_738 = arith.constant 3 : i32
    %get3A_739 = arith.index_cast %get3A_736 : i32 to index
    %get3A_740 = arith.index_cast %get3A_737 : i32 to index
    %get3A_741 = arith.index_cast %get3A_738 : i32 to index
    %get3A_742 = arith.constant 0 : index
    %get3A_743 = tpu.vector_load %arg8[%get3A_739, %get3A_740, %get3A_741, %get3A_742] {strides = array<i32>} : memref<2x4x16x16xf32, #tpu.memory_space<vmem>>, vector<1x1x1x16xf32>,
    %get3A_744 = vector.shape_cast %get3A_743 : vector<1x1x1x16xf32> to vector<16xf32>
    %get3A_745 = arith.constant 0 : i32
    %get3A_746 = arith.constant 2 : i32
    %get3A_747 = arith.constant 4 : i32
    %get3A_748 = arith.index_cast %get3A_745 : i32 to index
    %get3A_749 = arith.index_cast %get3A_746 : i32 to index
    %get3A_750 = arith.index_cast %get3A_747 : i32 to index
    %get3A_751 = arith.constant 0 : index
    %get3A_752 = tpu.vector_load %arg8[%get3A_748, %get3A_749, %get3A_750, %get3A_751] {strides = array<i32>} : memref<2x4x16x16xf32, #tpu.memory_space<vmem>>, vector<1x1x1x16xf32>,
    %get3A_753 = vector.shape_cast %get3A_752 : vector<1x1x1x16xf32> to vector<16xf32>
    %get3A_754 = arith.constant 0 : i32
    %get3A_755 = arith.constant 2 : i32
    %get3A_756 = arith.constant 5 : i32
    %get3A_757 = arith.index_cast %get3A_754 : i32 to index
    %get3A_758 = arith.index_cast %get3A_755 : i32 to index
    %get3A_759 = arith.index_cast %get3A_756 : i32 to index
    %get3A_760 = arith.constant 0 : index
    %get3A_761 = tpu.vector_load %arg8[%get3A_757, %get3A_758, %get3A_759, %get3A_760] {strides = array<i32>} : memref<2x4x16x16xf32, #tpu.memory_space<vmem>>, vector<1x1x1x16xf32>,
    %get3A_762 = vector.shape_cast %get3A_761 : vector<1x1x1x16xf32> to vector<16xf32>
    %get3A_763 = arith.constant 0 : i32
    %get3A_764 = arith.constant 2 : i32
    %get3A_765 = arith.constant 6 : i32
    %get3A_766 = arith.index_cast %get3A_763 : i32 to index
    %get3A_767 = arith.index_cast %get3A_764 : i32 to index
    %get3A_768 = arith.index_cast %get3A_765 : i32 to index
    %get3A_769 = arith.constant 0 : index
    %get3A_770 = tpu.vector_load %arg8[%get3A_766, %get3A_767, %get3A_768, %get3A_769] {strides = array<i32>} : memref<2x4x16x16xf32, #tpu.memory_space<vmem>>, vector<1x1x1x16xf32>,
    %get3A_771 = vector.shape_cast %get3A_770 : vector<1x1x1x16xf32> to vector<16xf32>
    %get3A_772 = arith.constant 0 : i32
    %get3A_773 = arith.constant 2 : i32
    %get3A_774 = arith.constant 7 : i32
    %get3A_775 = arith.index_cast %get3A_772 : i32 to index
    %get3A_776 = arith.index_cast %get3A_773 : i32 to index
    %get3A_777 = arith.index_cast %get3A_774 : i32 to index
    %get3A_778 = arith.constant 0 : index
    %get3A_779 = tpu.vector_load %arg8[%get3A_775, %get3A_776, %get3A_777, %get3A_778] {strides = array<i32>} : memref<2x4x16x16xf32, #tpu.memory_space<vmem>>, vector<1x1x1x16xf32>,
    %get3A_780 = vector.shape_cast %get3A_779 : vector<1x1x1x16xf32> to vector<16xf32>
    %get3A_781 = arith.constant 0 : i32
    %get3A_782 = arith.constant 2 : i32
    %get3A_783 = arith.constant 8 : i32
    %get3A_784 = arith.index_cast %get3A_781 : i32 to index
    %get3A_785 = arith.index_cast %get3A_782 : i32 to index
    %get3A_786 = arith.index_cast %get3A_783 : i32 to index
    %get3A_787 = arith.constant 0 : index
    %get3A_788 = tpu.vector_load %arg8[%get3A_784, %get3A_785, %get3A_786, %get3A_787] {strides = array<i32>} : memref<2x4x16x16xf32, #tpu.memory_space<vmem>>, vector<1x1x1x16xf32>,
    %get3A_789 = vector.shape_cast %get3A_788 : vector<1x1x1x16xf32> to vector<16xf32>
    %get3A_790 = arith.constant 0 : i32
    %get3A_791 = arith.constant 2 : i32
    %get3A_792 = arith.constant 9 : i32
    %get3A_793 = arith.index_cast %get3A_790 : i32 to index
    %get3A_794 = arith.index_cast %get3A_791 : i32 to index
    %get3A_795 = arith.index_cast %get3A_792 : i32 to index
    %get3A_796 = arith.constant 0 : index
    %get3A_797 = tpu.vector_load %arg8[%get3A_793, %get3A_794, %get3A_795, %get3A_796] {strides = array<i32>} : memref<2x4x16x16xf32, #tpu.memory_space<vmem>>, vector<1x1x1x16xf32>,
    %get3A_798 = vector.shape_cast %get3A_797 : vector<1x1x1x16xf32> to vector<16xf32>
    %get3A_799 = arith.constant 0 : i32
    %get3A_800 = arith.constant 2 : i32
    %get3A_801 = arith.constant 10 : i32
    %get3A_802 = arith.index_cast %get3A_799 : i32 to index
    %get3A_803 = arith.index_cast %get3A_800 : i32 to index
    %get3A_804 = arith.index_cast %get3A_801 : i32 to index
    %get3A_805 = arith.constant 0 : index
    %get3A_806 = tpu.vector_load %arg8[%get3A_802, %get3A_803, %get3A_804, %get3A_805] {strides = array<i32>} : memref<2x4x16x16xf32, #tpu.memory_space<vmem>>, vector<1x1x1x16xf32>,
    %get3A_807 = vector.shape_cast %get3A_806 : vector<1x1x1x16xf32> to vector<16xf32>
    %get3A_808 = arith.constant 0 : i32
    %get3A_809 = arith.constant 2 : i32
    %get3A_810 = arith.constant 11 : i32
    %get3A_811 = arith.index_cast %get3A_808 : i32 to index
    %get3A_812 = arith.index_cast %get3A_809 : i32 to index
    %get3A_813 = arith.index_cast %get3A_810 : i32 to index
    %get3A_814 = arith.constant 0 : index
    %get3A_815 = tpu.vector_load %arg8[%get3A_811, %get3A_812, %get3A_813, %get3A_814] {strides = array<i32>} : memref<2x4x16x16xf32, #tpu.memory_space<vmem>>, vector<1x1x1x16xf32>,
    %get3A_816 = vector.shape_cast %get3A_815 : vector<1x1x1x16xf32> to vector<16xf32>
    %get3A_817 = arith.constant 0 : i32
    %get3A_818 = arith.constant 2 : i32
    %get3A_819 = arith.constant 12 : i32
    %get3A_820 = arith.index_cast %get3A_817 : i32 to index
    %get3A_821 = arith.index_cast %get3A_818 : i32 to index
    %get3A_822 = arith.index_cast %get3A_819 : i32 to index
    %get3A_823 = arith.constant 0 : index
    %get3A_824 = tpu.vector_load %arg8[%get3A_820, %get3A_821, %get3A_822, %get3A_823] {strides = array<i32>} : memref<2x4x16x16xf32, #tpu.memory_space<vmem>>, vector<1x1x1x16xf32>,
    %get3A_825 = vector.shape_cast %get3A_824 : vector<1x1x1x16xf32> to vector<16xf32>
    %get3A_826 = arith.constant 0 : i32
    %get3A_827 = arith.constant 2 : i32
    %get3A_828 = arith.constant 13 : i32
    %get3A_829 = arith.index_cast %get3A_826 : i32 to index
    %get3A_830 = arith.index_cast %get3A_827 : i32 to index
    %get3A_831 = arith.index_cast %get3A_828 : i32 to index
    %get3A_832 = arith.constant 0 : index
    %get3A_833 = tpu.vector_load %arg8[%get3A_829, %get3A_830, %get3A_831, %get3A_832] {strides = array<i32>} : memref<2x4x16x16xf32, #tpu.memory_space<vmem>>, vector<1x1x1x16xf32>,
    %get3A_834 = vector.shape_cast %get3A_833 : vector<1x1x1x16xf32> to vector<16xf32>
    %get3A_835 = arith.constant 0 : i32
    %get3A_836 = arith.constant 2 : i32
    %get3A_837 = arith.constant 14 : i32
    %get3A_838 = arith.index_cast %get3A_835 : i32 to index
    %get3A_839 = arith.index_cast %get3A_836 : i32 to index
    %get3A_840 = arith.index_cast %get3A_837 : i32 to index
    %get3A_841 = arith.constant 0 : index
    %get3A_842 = tpu.vector_load %arg8[%get3A_838, %get3A_839, %get3A_840, %get3A_841] {strides = array<i32>} : memref<2x4x16x16xf32, #tpu.memory_space<vmem>>, vector<1x1x1x16xf32>,
    %get3A_843 = vector.shape_cast %get3A_842 : vector<1x1x1x16xf32> to vector<16xf32>
    %get3A_844 = arith.constant 0 : i32
    %get3A_845 = arith.constant 2 : i32
    %get3A_846 = arith.constant 15 : i32
    %get3A_847 = arith.index_cast %get3A_844 : i32 to index
    %get3A_848 = arith.index_cast %get3A_845 : i32 to index
    %get3A_849 = arith.index_cast %get3A_846 : i32 to index
    %get3A_850 = arith.constant 0 : index
    %get3A_851 = tpu.vector_load %arg8[%get3A_847, %get3A_848, %get3A_849, %get3A_850] {strides = array<i32>} : memref<2x4x16x16xf32, #tpu.memory_space<vmem>>, vector<1x1x1x16xf32>,
    %get3A_852 = vector.shape_cast %get3A_851 : vector<1x1x1x16xf32> to vector<16xf32>
    %get3A_853 = arith.constant 1 : i32
    %get3A_854 = arith.constant 2 : i32
    %get3A_855 = arith.constant 0 : i32
    %get3A_856 = arith.index_cast %get3A_853 : i32 to index
    %get3A_857 = arith.index_cast %get3A_854 : i32 to index
    %get3A_858 = arith.index_cast %get3A_855 : i32 to index
    %get3A_859 = arith.constant 0 : index
    %get3A_860 = tpu.vector_load %arg8[%get3A_856, %get3A_857, %get3A_858, %get3A_859] {strides = array<i32>} : memref<2x4x16x16xf32, #tpu.memory_space<vmem>>, vector<1x1x1x16xf32>,
    %get3A_861 = vector.shape_cast %get3A_860 : vector<1x1x1x16xf32> to vector<16xf32>
    %get3A_862 = arith.constant 1 : i32
    %get3A_863 = arith.constant 2 : i32
    %get3A_864 = arith.constant 1 : i32
    %get3A_865 = arith.index_cast %get3A_862 : i32 to index
    %get3A_866 = arith.index_cast %get3A_863 : i32 to index
    %get3A_867 = arith.index_cast %get3A_864 : i32 to index
    %get3A_868 = arith.constant 0 : index
    %get3A_869 = tpu.vector_load %arg8[%get3A_865, %get3A_866, %get3A_867, %get3A_868] {strides = array<i32>} : memref<2x4x16x16xf32, #tpu.memory_space<vmem>>, vector<1x1x1x16xf32>,
    %get3A_870 = vector.shape_cast %get3A_869 : vector<1x1x1x16xf32> to vector<16xf32>
    %get3A_871 = arith.constant 1 : i32
    %get3A_872 = arith.constant 2 : i32
    %get3A_873 = arith.constant 2 : i32
    %get3A_874 = arith.index_cast %get3A_871 : i32 to index
    %get3A_875 = arith.index_cast %get3A_872 : i32 to index
    %get3A_876 = arith.index_cast %get3A_873 : i32 to index
    %get3A_877 = arith.constant 0 : index
    %get3A_878 = tpu.vector_load %arg8[%get3A_874, %get3A_875, %get3A_876, %get3A_877] {strides = array<i32>} : memref<2x4x16x16xf32, #tpu.memory_space<vmem>>, vector<1x1x1x16xf32>,
    %get3A_879 = vector.shape_cast %get3A_878 : vector<1x1x1x16xf32> to vector<16xf32>
    %get3A_880 = arith.constant 1 : i32
    %get3A_881 = arith.constant 2 : i32
    %get3A_882 = arith.constant 3 : i32
    %get3A_883 = arith.index_cast %get3A_880 : i32 to index
    %get3A_884 = arith.index_cast %get3A_881 : i32 to index
    %get3A_885 = arith.index_cast %get3A_882 : i32 to index
    %get3A_886 = arith.constant 0 : index
    %get3A_887 = tpu.vector_load %arg8[%get3A_883, %get3A_884, %get3A_885, %get3A_886] {strides = array<i32>} : memref<2x4x16x16xf32, #tpu.memory_space<vmem>>, vector<1x1x1x16xf32>,
    %get3A_888 = vector.shape_cast %get3A_887 : vector<1x1x1x16xf32> to vector<16xf32>
    %get3A_889 = arith.constant 1 : i32
    %get3A_890 = arith.constant 2 : i32
    %get3A_891 = arith.constant 4 : i32
    %get3A_892 = arith.index_cast %get3A_889 : i32 to index
    %get3A_893 = arith.index_cast %get3A_890 : i32 to index
    %get3A_894 = arith.index_cast %get3A_891 : i32 to index
    %get3A_895 = arith.constant 0 : index
    %get3A_896 = tpu.vector_load %arg8[%get3A_892, %get3A_893, %get3A_894, %get3A_895] {strides = array<i32>} : memref<2x4x16x16xf32, #tpu.memory_space<vmem>>, vector<1x1x1x16xf32>,
    %get3A_897 = vector.shape_cast %get3A_896 : vector<1x1x1x16xf32> to vector<16xf32>
    %get3A_898 = arith.constant 1 : i32
    %get3A_899 = arith.constant 2 : i32
    %get3A_900 = arith.constant 5 : i32
    %get3A_901 = arith.index_cast %get3A_898 : i32 to index
    %get3A_902 = arith.index_cast %get3A_899 : i32 to index
    %get3A_903 = arith.index_cast %get3A_900 : i32 to index
    %get3A_904 = arith.constant 0 : index
    %get3A_905 = tpu.vector_load %arg8[%get3A_901, %get3A_902, %get3A_903, %get3A_904] {strides = array<i32>} : memref<2x4x16x16xf32, #tpu.memory_space<vmem>>, vector<1x1x1x16xf32>,
    %get3A_906 = vector.shape_cast %get3A_905 : vector<1x1x1x16xf32> to vector<16xf32>
    %get3A_907 = arith.constant 1 : i32
    %get3A_908 = arith.constant 2 : i32
    %get3A_909 = arith.constant 6 : i32
    %get3A_910 = arith.index_cast %get3A_907 : i32 to index
    %get3A_911 = arith.index_cast %get3A_908 : i32 to index
    %get3A_912 = arith.index_cast %get3A_909 : i32 to index
    %get3A_913 = arith.constant 0 : index
    %get3A_914 = tpu.vector_load %arg8[%get3A_910, %get3A_911, %get3A_912, %get3A_913] {strides = array<i32>} : memref<2x4x16x16xf32, #tpu.memory_space<vmem>>, vector<1x1x1x16xf32>,
    %get3A_915 = vector.shape_cast %get3A_914 : vector<1x1x1x16xf32> to vector<16xf32>
    %get3A_916 = arith.constant 1 : i32
    %get3A_917 = arith.constant 2 : i32
    %get3A_918 = arith.constant 7 : i32
    %get3A_919 = arith.index_cast %get3A_916 : i32 to index
    %get3A_920 = arith.index_cast %get3A_917 : i32 to index
    %get3A_921 = arith.index_cast %get3A_918 : i32 to index
    %get3A_922 = arith.constant 0 : index
    %get3A_923 = tpu.vector_load %arg8[%get3A_919, %get3A_920, %get3A_921, %get3A_922] {strides = array<i32>} : memref<2x4x16x16xf32, #tpu.memory_space<vmem>>, vector<1x1x1x16xf32>,
    %get3A_924 = vector.shape_cast %get3A_923 : vector<1x1x1x16xf32> to vector<16xf32>
    %get3A_925 = arith.constant 1 : i32
    %get3A_926 = arith.constant 2 : i32
    %get3A_927 = arith.constant 8 : i32
    %get3A_928 = arith.index_cast %get3A_925 : i32 to index
    %get3A_929 = arith.index_cast %get3A_926 : i32 to index
    %get3A_930 = arith.index_cast %get3A_927 : i32 to index
    %get3A_931 = arith.constant 0 : index
    %get3A_932 = tpu.vector_load %arg8[%get3A_928, %get3A_929, %get3A_930, %get3A_931] {strides = array<i32>} : memref<2x4x16x16xf32, #tpu.memory_space<vmem>>, vector<1x1x1x16xf32>,
    %get3A_933 = vector.shape_cast %get3A_932 : vector<1x1x1x16xf32> to vector<16xf32>
    %get3A_934 = arith.constant 1 : i32
    %get3A_935 = arith.constant 2 : i32
    %get3A_936 = arith.constant 9 : i32
    %get3A_937 = arith.index_cast %get3A_934 : i32 to index
    %get3A_938 = arith.index_cast %get3A_935 : i32 to index
    %get3A_939 = arith.index_cast %get3A_936 : i32 to index
    %get3A_940 = arith.constant 0 : index
    %get3A_941 = tpu.vector_load %arg8[%get3A_937, %get3A_938, %get3A_939, %get3A_940] {strides = array<i32>} : memref<2x4x16x16xf32, #tpu.memory_space<vmem>>, vector<1x1x1x16xf32>,
    %get3A_942 = vector.shape_cast %get3A_941 : vector<1x1x1x16xf32> to vector<16xf32>
    %get3A_943 = arith.constant 1 : i32
    %get3A_944 = arith.constant 2 : i32
    %get3A_945 = arith.constant 10 : i32
    %get3A_946 = arith.index_cast %get3A_943 : i32 to index
    %get3A_947 = arith.index_cast %get3A_944 : i32 to index
    %get3A_948 = arith.index_cast %get3A_945 : i32 to index
    %get3A_949 = arith.constant 0 : index
    %get3A_950 = tpu.vector_load %arg8[%get3A_946, %get3A_947, %get3A_948, %get3A_949] {strides = array<i32>} : memref<2x4x16x16xf32, #tpu.memory_space<vmem>>, vector<1x1x1x16xf32>,
    %get3A_951 = vector.shape_cast %get3A_950 : vector<1x1x1x16xf32> to vector<16xf32>
    %get3A_952 = arith.constant 1 : i32
    %get3A_953 = arith.constant 2 : i32
    %get3A_954 = arith.constant 11 : i32
    %get3A_955 = arith.index_cast %get3A_952 : i32 to index
    %get3A_956 = arith.index_cast %get3A_953 : i32 to index
    %get3A_957 = arith.index_cast %get3A_954 : i32 to index
    %get3A_958 = arith.constant 0 : index
    %get3A_959 = tpu.vector_load %arg8[%get3A_955, %get3A_956, %get3A_957, %get3A_958] {strides = array<i32>} : memref<2x4x16x16xf32, #tpu.memory_space<vmem>>, vector<1x1x1x16xf32>,
    %get3A_960 = vector.shape_cast %get3A_959 : vector<1x1x1x16xf32> to vector<16xf32>
    %get3A_961 = arith.constant 1 : i32
    %get3A_962 = arith.constant 2 : i32
    %get3A_963 = arith.constant 12 : i32
    %get3A_964 = arith.index_cast %get3A_961 : i32 to index
    %get3A_965 = arith.index_cast %get3A_962 : i32 to index
    %get3A_966 = arith.index_cast %get3A_963 : i32 to index
    %get3A_967 = arith.constant 0 : index
    %get3A_968 = tpu.vector_load %arg8[%get3A_964, %get3A_965, %get3A_966, %get3A_967] {strides = array<i32>} : memref<2x4x16x16xf32, #tpu.memory_space<vmem>>, vector<1x1x1x16xf32>,
    %get3A_969 = vector.shape_cast %get3A_968 : vector<1x1x1x16xf32> to vector<16xf32>
    %get3A_970 = arith.constant 1 : i32
    %get3A_971 = arith.constant 2 : i32
    %get3A_972 = arith.constant 13 : i32
    %get3A_973 = arith.index_cast %get3A_970 : i32 to index
    %get3A_974 = arith.index_cast %get3A_971 : i32 to index
    %get3A_975 = arith.index_cast %get3A_972 : i32 to index
    %get3A_976 = arith.constant 0 : index
    %get3A_977 = tpu.vector_load %arg8[%get3A_973, %get3A_974, %get3A_975, %get3A_976] {strides = array<i32>} : memref<2x4x16x16xf32, #tpu.memory_space<vmem>>, vector<1x1x1x16xf32>,
    %get3A_978 = vector.shape_cast %get3A_977 : vector<1x1x1x16xf32> to vector<16xf32>
    %get3A_979 = arith.constant 1 : i32
    %get3A_980 = arith.constant 2 : i32
    %get3A_981 = arith.constant 14 : i32
    %get3A_982 = arith.index_cast %get3A_979 : i32 to index
    %get3A_983 = arith.index_cast %get3A_980 : i32 to index
    %get3A_984 = arith.index_cast %get3A_981 : i32 to index
    %get3A_985 = arith.constant 0 : index
    %get3A_986 = tpu.vector_load %arg8[%get3A_982, %get3A_983, %get3A_984, %get3A_985] {strides = array<i32>} : memref<2x4x16x16xf32, #tpu.memory_space<vmem>>, vector<1x1x1x16xf32>,
    %get3A_987 = vector.shape_cast %get3A_986 : vector<1x1x1x16xf32> to vector<16xf32>
    %get3A_988 = arith.constant 1 : i32
    %get3A_989 = arith.constant 2 : i32
    %get3A_990 = arith.constant 15 : i32
    %get3A_991 = arith.index_cast %get3A_988 : i32 to index
    %get3A_992 = arith.index_cast %get3A_989 : i32 to index
    %get3A_993 = arith.index_cast %get3A_990 : i32 to index
    %get3A_994 = arith.constant 0 : index
    %get3A_995 = tpu.vector_load %arg8[%get3A_991, %get3A_992, %get3A_993, %get3A_994] {strides = array<i32>} : memref<2x4x16x16xf32, #tpu.memory_space<vmem>>, vector<1x1x1x16xf32>,
    %get3A_996 = vector.shape_cast %get3A_995 : vector<1x1x1x16xf32> to vector<16xf32>
    %scan3A_997 = arith.constant 0 : i32
    %scan3A_998 = arith.constant 0 : i32
    %scan3A_999 = arith.constant 64 : i32
    %scan3A_1000 = arith.addi %scan3A_998, %scan3A_999 : i32
    %scan3A_1001 = arith.constant 1 : i32
    scf.for %scan3A_1341 = %scan3A_998 to %scan3A_1000 step %scan3A_1001  : i32 {
      %mul3A_1342 = arith.constant 16 : i32
      %mul3A_1343 = arith.muli %scan3A_1341, %mul3A_1342 : i32
      %multiple_of3A = tpu.assume_multiple %mul3A_1343, 16 : i32
      %get3A_1344 = arith.constant 0 : i32
      %get3A_1345 = arith.index_cast %get3A_1344 : i32 to index
      %get3A_1346 = arith.index_cast %multiple_of3A : i32 to index
      %get3A_1347 = tpu.vector_load %arg10[%get3A_1345, %get3A_1346] {strides = array<i32>} : memref<16x1024xf32, #tpu.memory_space<vmem>>, vector<1x16xf32>,
      %get3A_1348 = vector.shape_cast %get3A_1347 : vector<1x16xf32> to vector<16xf32>
      %get3A_1349 = arith.constant 0 : i32
      %get3A_1350 = arith.constant 0 : i32
      %get3A_1351 = arith.index_cast %get3A_1349 : i32 to index
      %get3A_1352 = arith.index_cast %get3A_1350 : i32 to index
      %get3A_1353 = arith.index_cast %multiple_of3A : i32 to index
      %get3A_1354 = tpu.vector_load %arg9[%get3A_1351, %get3A_1352, %get3A_1353] {strides = array<i32>} : memref<2x32x1024xf32, #tpu.memory_space<vmem>>, vector<1x1x16xf32>,
      %get3A_1355 = vector.shape_cast %get3A_1354 : vector<1x1x16xf32> to vector<16xf32>
      %mul3A_1356 = arith.mulf %get3A_717, %get3A_1355 : vector<16xf32>
      %add3A_1357 = arith.addf %get3A_1348, %mul3A_1356 : vector<16xf32>
      %get3A_1358 = arith.constant 0 : i32
      %get3A_1359 = arith.constant 16 : i32
      %get3A_1360 = arith.index_cast %get3A_1358 : i32 to index
      %get3A_1361 = arith.index_cast %get3A_1359 : i32 to index
      %get3A_1362 = arith.index_cast %multiple_of3A : i32 to index
      %get3A_1363 = tpu.vector_load %arg9[%get3A_1360, %get3A_1361, %get3A_1362] {strides = array<i32>} : memref<2x32x1024xf32, #tpu.memory_space<vmem>>, vector<1x1x16xf32>,
      %get3A_1364 = vector.shape_cast %get3A_1363 : vector<1x1x16xf32> to vector<16xf32>
      %mul3A_1365 = arith.mulf %get3A_861, %get3A_1364 : vector<16xf32>
      %add3A_1366 = arith.addf %add3A_1357, %mul3A_1365 : vector<16xf32>
      %swap3A = arith.constant 0 : i32
      %swap3A_1367 = arith.index_cast %swap3A : i32 to index
      %swap3A_1368 = arith.index_cast %multiple_of3A : i32 to index
      %swap3A_1369 = tpu.vector_load %arg11[%swap3A_1367, %swap3A_1368] {strides = array<i32>} : memref<16x1024xf32, #tpu.memory_space<vmem>>, vector<1x16xf32>,
      %swap3A_1370 = vector.shape_cast %swap3A_1369 : vector<1x16xf32> to vector<16xf32>
      %swap3A_1371 = vector.shape_cast %add3A_1366 : vector<16xf32> to vector<1x16xf32>
      tpu.vector_store %arg11[%swap3A_1367, %swap3A_1368], %swap3A_1371 {strides = array<i32>} : memref<16x1024xf32, #tpu.memory_space<vmem>>, vector<1x16xf32>,
      %get3A_1372 = arith.constant 1 : i32
      %get3A_1373 = arith.index_cast %get3A_1372 : i32 to index
      %get3A_1374 = arith.index_cast %multiple_of3A : i32 to index
      %get3A_1375 = tpu.vector_load %arg10[%get3A_1373, %get3A_1374] {strides = array<i32>} : memref<16x1024xf32, #tpu.memory_space<vmem>>, vector<1x16xf32>,
      %get3A_1376 = vector.shape_cast %get3A_1375 : vector<1x16xf32> to vector<16xf32>
      %get3A_1377 = arith.constant 0 : i32
      %get3A_1378 = arith.constant 1 : i32
      %get3A_1379 = arith.index_cast %get3A_1377 : i32 to index
      %get3A_1380 = arith.index_cast %get3A_1378 : i32 to index
      %get3A_1381 = arith.index_cast %multiple_of3A : i32 to index
      %get3A_1382 = tpu.vector_load %arg9[%get3A_1379, %get3A_1380, %get3A_1381] {strides = array<i32>} : memref<2x32x1024xf32, #tpu.memory_space<vmem>>, vector<1x1x16xf32>,
      %get3A_1383 = vector.shape_cast %get3A_1382 : vector<1x1x16xf32> to vector<16xf32>
      %mul3A_1384 = arith.mulf %get3A_726, %get3A_1383 : vector<16xf32>
      %add3A_1385 = arith.addf %get3A_1376, %mul3A_1384 : vector<16xf32>
      %get3A_1386 = arith.constant 0 : i32
      %get3A_1387 = arith.constant 17 : i32
      %get3A_1388 = arith.index_cast %get3A_1386 : i32 to index
      %get3A_1389 = arith.index_cast %get3A_1387 : i32 to index
      %get3A_1390 = arith.index_cast %multiple_of3A : i32 to index
      %get3A_1391 = tpu.vector_load %arg9[%get3A_1388, %get3A_1389, %get3A_1390] {strides = array<i32>} : memref<2x32x1024xf32, #tpu.memory_space<vmem>>, vector<1x1x16xf32>,
      %get3A_1392 = vector.shape_cast %get3A_1391 : vector<1x1x16xf32> to vector<16xf32>
      %mul3A_1393 = arith.mulf %get3A_870, %get3A_1392 : vector<16xf32>
      %add3A_1394 = arith.addf %add3A_1385, %mul3A_1393 : vector<16xf32>
      %swap3A_1395 = arith.constant 1 : i32
      %swap3A_1396 = arith.index_cast %swap3A_1395 : i32 to index
      %swap3A_1397 = arith.index_cast %multiple_of3A : i32 to index
      %swap3A_1398 = tpu.vector_load %arg11[%swap3A_1396, %swap3A_1397] {strides = array<i32>} : memref<16x1024xf32, #tpu.memory_space<vmem>>, vector<1x16xf32>,
      %swap3A_1399 = vector.shape_cast %swap3A_1398 : vector<1x16xf32> to vector<16xf32>
      %swap3A_1400 = vector.shape_cast %add3A_1394 : vector<16xf32> to vector<1x16xf32>
      tpu.vector_store %arg11[%swap3A_1396, %swap3A_1397], %swap3A_1400 {strides = array<i32>} : memref<16x1024xf32, #tpu.memory_space<vmem>>, vector<1x16xf32>,
      %get3A_1401 = arith.constant 2 : i32
      %get3A_1402 = arith.index_cast %get3A_1401 : i32 to index
      %get3A_1403 = arith.index_cast %multiple_of3A : i32 to index
      %get3A_1404 = tpu.vector_load %arg10[%get3A_1402, %get3A_1403] {strides = array<i32>} : memref<16x1024xf32, #tpu.memory_space<vmem>>, vector<1x16xf32>,
      %get3A_1405 = vector.shape_cast %get3A_1404 : vector<1x16xf32> to vector<16xf32>
      %get3A_1406 = arith.constant 0 : i32
      %get3A_1407 = arith.constant 2 : i32
      %get3A_1408 = arith.index_cast %get3A_1406 : i32 to index
      %get3A_1409 = arith.index_cast %get3A_1407 : i32 to index
      %get3A_1410 = arith.index_cast %multiple_of3A : i32 to index
      %get3A_1411 = tpu.vector_load %arg9[%get3A_1408, %get3A_1409, %get3A_1410] {strides = array<i32>} : memref<2x32x1024xf32, #tpu.memory_space<vmem>>, vector<1x1x16xf32>,
      %get3A_1412 = vector.shape_cast %get3A_1411 : vector<1x1x16xf32> to vector<16xf32>
      %mul3A_1413 = arith.mulf %get3A_735, %get3A_1412 : vector<16xf32>
      %add3A_1414 = arith.addf %get3A_1405, %mul3A_1413 : vector<16xf32>
      %get3A_1415 = arith.constant 0 : i32
      %get3A_1416 = arith.constant 18 : i32
      %get3A_1417 = arith.index_cast %get3A_1415 : i32 to index
      %get3A_1418 = arith.index_cast %get3A_1416 : i32 to index
      %get3A_1419 = arith.index_cast %multiple_of3A : i32 to index
      %get3A_1420 = tpu.vector_load %arg9[%get3A_1417, %get3A_1418, %get3A_1419] {strides = array<i32>} : memref<2x32x1024xf32, #tpu.memory_space<vmem>>, vector<1x1x16xf32>,
      %get3A_1421 = vector.shape_cast %get3A_1420 : vector<1x1x16xf32> to vector<16xf32>
      %mul3A_1422 = arith.mulf %get3A_879, %get3A_1421 : vector<16xf32>
      %add3A_1423 = arith.addf %add3A_1414, %mul3A_1422 : vector<16xf32>
      %swap3A_1424 = arith.constant 2 : i32
      %swap3A_1425 = arith.index_cast %swap3A_1424 : i32 to index
      %swap3A_1426 = arith.index_cast %multiple_of3A : i32 to index
      %swap3A_1427 = tpu.vector_load %arg11[%swap3A_1425, %swap3A_1426] {strides = array<i32>} : memref<16x1024xf32, #tpu.memory_space<vmem>>, vector<1x16xf32>,
      %swap3A_1428 = vector.shape_cast %swap3A_1427 : vector<1x16xf32> to vector<16xf32>
      %swap3A_1429 = vector.shape_cast %add3A_1423 : vector<16xf32> to vector<1x16xf32>
      tpu.vector_store %arg11[%swap3A_1425, %swap3A_1426], %swap3A_1429 {strides = array<i32>} : memref<16x1024xf32, #tpu.memory_space<vmem>>, vector<1x16xf32>,
      %get3A_1430 = arith.constant 3 : i32
      %get3A_1431 = arith.index_cast %get3A_1430 : i32 to index
      %get3A_1432 = arith.index_cast %multiple_of3A : i32 to index
      %get3A_1433 = tpu.vector_load %arg10[%get3A_1431, %get3A_1432] {strides = array<i32>} : memref<16x1024xf32, #tpu.memory_space<vmem>>, vector<1x16xf32>,
      %get3A_1434 = vector.shape_cast %get3A_1433 : vector<1x16xf32> to vector<16xf32>
      %get3A_1435 = arith.constant 0 : i32
      %get3A_1436 = arith.constant 3 : i32
      %get3A_1437 = arith.index_cast %get3A_1435 : i32 to index
      %get3A_1438 = arith.index_cast %get3A_1436 : i32 to index
      %get3A_1439 = arith.index_cast %multiple_of3A : i32 to index
      %get3A_1440 = tpu.vector_load %arg9[%get3A_1437, %get3A_1438, %get3A_1439] {strides = array<i32>} : memref<2x32x1024xf32, #tpu.memory_space<vmem>>, vector<1x1x16xf32>,
      %get3A_1441 = vector.shape_cast %get3A_1440 : vector<1x1x16xf32> to vector<16xf32>
      %mul3A_1442 = arith.mulf %get3A_744, %get3A_1441 : vector<16xf32>
      %add3A_1443 = arith.addf %get3A_1434, %mul3A_1442 : vector<16xf32>
      %get3A_1444 = arith.constant 0 : i32
      %get3A_1445 = arith.constant 19 : i32
      %get3A_1446 = arith.index_cast %get3A_1444 : i32 to index
      %get3A_1447 = arith.index_cast %get3A_1445 : i32 to index
      %get3A_1448 = arith.index_cast %multiple_of3A : i32 to index
      %get3A_1449 = tpu.vector_load %arg9[%get3A_1446, %get3A_1447, %get3A_1448] {strides = array<i32>} : memref<2x32x1024xf32, #tpu.memory_space<vmem>>, vector<1x1x16xf32>,
      %get3A_1450 = vector.shape_cast %get3A_1449 : vector<1x1x16xf32> to vector<16xf32>
      %mul3A_1451 = arith.mulf %get3A_888, %get3A_1450 : vector<16xf32>
      %add3A_1452 = arith.addf %add3A_1443, %mul3A_1451 : vector<16xf32>
      %swap3A_1453 = arith.constant 3 : i32
      %swap3A_1454 = arith.index_cast %swap3A_1453 : i32 to index
      %swap3A_1455 = arith.index_cast %multiple_of3A : i32 to index
      %swap3A_1456 = tpu.vector_load %arg11[%swap3A_1454, %swap3A_1455] {strides = array<i32>} : memref<16x1024xf32, #tpu.memory_space<vmem>>, vector<1x16xf32>,
      %swap3A_1457 = vector.shape_cast %swap3A_1456 : vector<1x16xf32> to vector<16xf32>
      %swap3A_1458 = vector.shape_cast %add3A_1452 : vector<16xf32> to vector<1x16xf32>
      tpu.vector_store %arg11[%swap3A_1454, %swap3A_1455], %swap3A_1458 {strides = array<i32>} : memref<16x1024xf32, #tpu.memory_space<vmem>>, vector<1x16xf32>,
      %get3A_1459 = arith.constant 4 : i32
      %get3A_1460 = arith.index_cast %get3A_1459 : i32 to index
      %get3A_1461 = arith.index_cast %multiple_of3A : i32 to index
      %get3A_1462 = tpu.vector_load %arg10[%get3A_1460, %get3A_1461] {strides = array<i32>} : memref<16x1024xf32, #tpu.memory_space<vmem>>, vector<1x16xf32>,
      %get3A_1463 = vector.shape_cast %get3A_1462 : vector<1x16xf32> to vector<16xf32>
      %get3A_1464 = arith.constant 0 : i32
      %get3A_1465 = arith.constant 4 : i32
      %get3A_1466 = arith.index_cast %get3A_1464 : i32 to index
      %get3A_1467 = arith.index_cast %get3A_1465 : i32 to index
      %get3A_1468 = arith.index_cast %multiple_of3A : i32 to index
      %get3A_1469 = tpu.vector_load %arg9[%get3A_1466, %get3A_1467, %get3A_1468] {strides = array<i32>} : memref<2x32x1024xf32, #tpu.memory_space<vmem>>, vector<1x1x16xf32>,
      %get3A_1470 = vector.shape_cast %get3A_1469 : vector<1x1x16xf32> to vector<16xf32>
      %mul3A_1471 = arith.mulf %get3A_753, %get3A_1470 : vector<16xf32>
      %add3A_1472 = arith.addf %get3A_1463, %mul3A_1471 : vector<16xf32>
      %get3A_1473 = arith.constant 0 : i32
      %get3A_1474 = arith.constant 20 : i32
      %get3A_1475 = arith.index_cast %get3A_1473 : i32 to index
      %get3A_1476 = arith.index_cast %get3A_1474 : i32 to index
      %get3A_1477 = arith.index_cast %multiple_of3A : i32 to index
      %get3A_1478 = tpu.vector_load %arg9[%get3A_1475, %get3A_1476, %get3A_1477] {strides = array<i32>} : memref<2x32x1024xf32, #tpu.memory_space<vmem>>, vector<1x1x16xf32>,
      %get3A_1479 = vector.shape_cast %get3A_1478 : vector<1x1x16xf32> to vector<16xf32>
      %mul3A_1480 = arith.mulf %get3A_897, %get3A_1479 : vector<16xf32>
      %add3A_1481 = arith.addf %add3A_1472, %mul3A_1480 : vector<16xf32>
      %swap3A_1482 = arith.constant 4 : i32
      %swap3A_1483 = arith.index_cast %swap3A_1482 : i32 to index
      %swap3A_1484 = arith.index_cast %multiple_of3A : i32 to index
      %swap3A_1485 = tpu.vector_load %arg11[%swap3A_1483, %swap3A_1484] {strides = array<i32>} : memref<16x1024xf32, #tpu.memory_space<vmem>>, vector<1x16xf32>,
      %swap3A_1486 = vector.shape_cast %swap3A_1485 : vector<1x16xf32> to vector<16xf32>
      %swap3A_1487 = vector.shape_cast %add3A_1481 : vector<16xf32> to vector<1x16xf32>
      tpu.vector_store %arg11[%swap3A_1483, %swap3A_1484], %swap3A_1487 {strides = array<i32>} : memref<16x1024xf32, #tpu.memory_space<vmem>>, vector<1x16xf32>,
      %get3A_1488 = arith.constant 5 : i32
      %get3A_1489 = arith.index_cast %get3A_1488 : i32 to index
      %get3A_1490 = arith.index_cast %multiple_of3A : i32 to index
      %get3A_1491 = tpu.vector_load %arg10[%get3A_1489, %get3A_1490] {strides = array<i32>} : memref<16x1024xf32, #tpu.memory_space<vmem>>, vector<1x16xf32>,
      %get3A_1492 = vector.shape_cast %get3A_1491 : vector<1x16xf32> to vector<16xf32>
      %get3A_1493 = arith.constant 0 : i32
      %get3A_1494 = arith.constant 5 : i32
      %get3A_1495 = arith.index_cast %get3A_1493 : i32 to index
      %get3A_1496 = arith.index_cast %get3A_1494 : i32 to index
      %get3A_1497 = arith.index_cast %multiple_of3A : i32 to index
      %get3A_1498 = tpu.vector_load %arg9[%get3A_1495, %get3A_1496, %get3A_1497] {strides = array<i32>} : memref<2x32x1024xf32, #tpu.memory_space<vmem>>, vector<1x1x16xf32>,
      %get3A_1499 = vector.shape_cast %get3A_1498 : vector<1x1x16xf32> to vector<16xf32>
      %mul3A_1500 = arith.mulf %get3A_762, %get3A_1499 : vector<16xf32>
      %add3A_1501 = arith.addf %get3A_1492, %mul3A_1500 : vector<16xf32>
      %get3A_1502 = arith.constant 0 : i32
      %get3A_1503 = arith.constant 21 : i32
      %get3A_1504 = arith.index_cast %get3A_1502 : i32 to index
      %get3A_1505 = arith.index_cast %get3A_1503 : i32 to index
      %get3A_1506 = arith.index_cast %multiple_of3A : i32 to index
      %get3A_1507 = tpu.vector_load %arg9[%get3A_1504, %get3A_1505, %get3A_1506] {strides = array<i32>} : memref<2x32x1024xf32, #tpu.memory_space<vmem>>, vector<1x1x16xf32>,
      %get3A_1508 = vector.shape_cast %get3A_1507 : vector<1x1x16xf32> to vector<16xf32>
      %mul3A_1509 = arith.mulf %get3A_906, %get3A_1508 : vector<16xf32>
      %add3A_1510 = arith.addf %add3A_1501, %mul3A_1509 : vector<16xf32>
      %swap3A_1511 = arith.constant 5 : i32
      %swap3A_1512 = arith.index_cast %swap3A_1511 : i32 to index
      %swap3A_1513 = arith.index_cast %multiple_of3A : i32 to index
      %swap3A_1514 = tpu.vector_load %arg11[%swap3A_1512, %swap3A_1513] {strides = array<i32>} : memref<16x1024xf32, #tpu.memory_space<vmem>>, vector<1x16xf32>,
      %swap3A_1515 = vector.shape_cast %swap3A_1514 : vector<1x16xf32> to vector<16xf32>
      %swap3A_1516 = vector.shape_cast %add3A_1510 : vector<16xf32> to vector<1x16xf32>
      tpu.vector_store %arg11[%swap3A_1512, %swap3A_1513], %swap3A_1516 {strides = array<i32>} : memref<16x1024xf32, #tpu.memory_space<vmem>>, vector<1x16xf32>,
      %get3A_1517 = arith.constant 6 : i32
      %get3A_1518 = arith.index_cast %get3A_1517 : i32 to index
      %get3A_1519 = arith.index_cast %multiple_of3A : i32 to index
      %get3A_1520 = tpu.vector_load %arg10[%get3A_1518, %get3A_1519] {strides = array<i32>} : memref<16x1024xf32, #tpu.memory_space<vmem>>, vector<1x16xf32>,
      %get3A_1521 = vector.shape_cast %get3A_1520 : vector<1x16xf32> to vector<16xf32>
      %get3A_1522 = arith.constant 0 : i32
      %get3A_1523 = arith.constant 6 : i32
      %get3A_1524 = arith.index_cast %get3A_1522 : i32 to index
      %get3A_1525 = arith.index_cast %get3A_1523 : i32 to index
      %get3A_1526 = arith.index_cast %multiple_of3A : i32 to index
      %get3A_1527 = tpu.vector_load %arg9[%get3A_1524, %get3A_1525, %get3A_1526] {strides = array<i32>} : memref<2x32x1024xf32, #tpu.memory_space<vmem>>, vector<1x1x16xf32>,
      %get3A_1528 = vector.shape_cast %get3A_1527 : vector<1x1x16xf32> to vector<16xf32>
      %mul3A_1529 = arith.mulf %get3A_771, %get3A_1528 : vector<16xf32>
      %add3A_1530 = arith.addf %get3A_1521, %mul3A_1529 : vector<16xf32>
      %get3A_1531 = arith.constant 0 : i32
      %get3A_1532 = arith.constant 22 : i32
      %get3A_1533 = arith.index_cast %get3A_1531 : i32 to index
      %get3A_1534 = arith.index_cast %get3A_1532 : i32 to index
      %get3A_1535 = arith.index_cast %multiple_of3A : i32 to index
      %get3A_1536 = tpu.vector_load %arg9[%get3A_1533, %get3A_1534, %get3A_1535] {strides = array<i32>} : memref<2x32x1024xf32, #tpu.memory_space<vmem>>, vector<1x1x16xf32>,
      %get3A_1537 = vector.shape_cast %get3A_1536 : vector<1x1x16xf32> to vector<16xf32>
      %mul3A_1538 = arith.mulf %get3A_915, %get3A_1537 : vector<16xf32>
      %add3A_1539 = arith.addf %add3A_1530, %mul3A_1538 : vector<16xf32>
      %swap3A_1540 = arith.constant 6 : i32
      %swap3A_1541 = arith.index_cast %swap3A_1540 : i32 to index
      %swap3A_1542 = arith.index_cast %multiple_of3A : i32 to index
      %swap3A_1543 = tpu.vector_load %arg11[%swap3A_1541, %swap3A_1542] {strides = array<i32>} : memref<16x1024xf32, #tpu.memory_space<vmem>>, vector<1x16xf32>,
      %swap3A_1544 = vector.shape_cast %swap3A_1543 : vector<1x16xf32> to vector<16xf32>
      %swap3A_1545 = vector.shape_cast %add3A_1539 : vector<16xf32> to vector<1x16xf32>
      tpu.vector_store %arg11[%swap3A_1541, %swap3A_1542], %swap3A_1545 {strides = array<i32>} : memref<16x1024xf32, #tpu.memory_space<vmem>>, vector<1x16xf32>,
      %get3A_1546 = arith.constant 7 : i32
      %get3A_1547 = arith.index_cast %get3A_1546 : i32 to index
      %get3A_1548 = arith.index_cast %multiple_of3A : i32 to index
      %get3A_1549 = tpu.vector_load %arg10[%get3A_1547, %get3A_1548] {strides = array<i32>} : memref<16x1024xf32, #tpu.memory_space<vmem>>, vector<1x16xf32>,
      %get3A_1550 = vector.shape_cast %get3A_1549 : vector<1x16xf32> to vector<16xf32>
      %get3A_1551 = arith.constant 0 : i32
      %get3A_1552 = arith.constant 7 : i32
      %get3A_1553 = arith.index_cast %get3A_1551 : i32 to index
      %get3A_1554 = arith.index_cast %get3A_1552 : i32 to index
      %get3A_1555 = arith.index_cast %multiple_of3A : i32 to index
      %get3A_1556 = tpu.vector_load %arg9[%get3A_1553, %get3A_1554, %get3A_1555] {strides = array<i32>} : memref<2x32x1024xf32, #tpu.memory_space<vmem>>, vector<1x1x16xf32>,
      %get3A_1557 = vector.shape_cast %get3A_1556 : vector<1x1x16xf32> to vector<16xf32>
      %mul3A_1558 = arith.mulf %get3A_780, %get3A_1557 : vector<16xf32>
      %add3A_1559 = arith.addf %get3A_1550, %mul3A_1558 : vector<16xf32>
      %get3A_1560 = arith.constant 0 : i32
      %get3A_1561 = arith.constant 23 : i32
      %get3A_1562 = arith.index_cast %get3A_1560 : i32 to index
      %get3A_1563 = arith.index_cast %get3A_1561 : i32 to index
      %get3A_1564 = arith.index_cast %multiple_of3A : i32 to index
      %get3A_1565 = tpu.vector_load %arg9[%get3A_1562, %get3A_1563, %get3A_1564] {strides = array<i32>} : memref<2x32x1024xf32, #tpu.memory_space<vmem>>, vector<1x1x16xf32>,
      %get3A_1566 = vector.shape_cast %get3A_1565 : vector<1x1x16xf32> to vector<16xf32>
      %mul3A_1567 = arith.mulf %get3A_924, %get3A_1566 : vector<16xf32>
      %add3A_1568 = arith.addf %add3A_1559, %mul3A_1567 : vector<16xf32>
      %swap3A_1569 = arith.constant 7 : i32
      %swap3A_1570 = arith.index_cast %swap3A_1569 : i32 to index
      %swap3A_1571 = arith.index_cast %multiple_of3A : i32 to index
      %swap3A_1572 = tpu.vector_load %arg11[%swap3A_1570, %swap3A_1571] {strides = array<i32>} : memref<16x1024xf32, #tpu.memory_space<vmem>>, vector<1x16xf32>,
      %swap3A_1573 = vector.shape_cast %swap3A_1572 : vector<1x16xf32> to vector<16xf32>
      %swap3A_1574 = vector.shape_cast %add3A_1568 : vector<16xf32> to vector<1x16xf32>
      tpu.vector_store %arg11[%swap3A_1570, %swap3A_1571], %swap3A_1574 {strides = array<i32>} : memref<16x1024xf32, #tpu.memory_space<vmem>>, vector<1x16xf32>,
      %get3A_1575 = arith.constant 8 : i32
      %get3A_1576 = arith.index_cast %get3A_1575 : i32 to index
      %get3A_1577 = arith.index_cast %multiple_of3A : i32 to index
      %get3A_1578 = tpu.vector_load %arg10[%get3A_1576, %get3A_1577] {strides = array<i32>} : memref<16x1024xf32, #tpu.memory_space<vmem>>, vector<1x16xf32>,
      %get3A_1579 = vector.shape_cast %get3A_1578 : vector<1x16xf32> to vector<16xf32>
      %get3A_1580 = arith.constant 0 : i32
      %get3A_1581 = arith.constant 8 : i32
      %get3A_1582 = arith.index_cast %get3A_1580 : i32 to index
      %get3A_1583 = arith.index_cast %get3A_1581 : i32 to index
      %get3A_1584 = arith.index_cast %multiple_of3A : i32 to index
      %get3A_1585 = tpu.vector_load %arg9[%get3A_1582, %get3A_1583, %get3A_1584] {strides = array<i32>} : memref<2x32x1024xf32, #tpu.memory_space<vmem>>, vector<1x1x16xf32>,
      %get3A_1586 = vector.shape_cast %get3A_1585 : vector<1x1x16xf32> to vector<16xf32>
      %mul3A_1587 = arith.mulf %get3A_789, %get3A_1586 : vector<16xf32>
      %add3A_1588 = arith.addf %get3A_1579, %mul3A_1587 : vector<16xf32>
      %get3A_1589 = arith.constant 0 : i32
      %get3A_1590 = arith.constant 24 : i32
      %get3A_1591 = arith.index_cast %get3A_1589 : i32 to index
      %get3A_1592 = arith.index_cast %get3A_1590 : i32 to index
      %get3A_1593 = arith.index_cast %multiple_of3A : i32 to index
      %get3A_1594 = tpu.vector_load %arg9[%get3A_1591, %get3A_1592, %get3A_1593] {strides = array<i32>} : memref<2x32x1024xf32, #tpu.memory_space<vmem>>, vector<1x1x16xf32>,
      %get3A_1595 = vector.shape_cast %get3A_1594 : vector<1x1x16xf32> to vector<16xf32>
      %mul3A_1596 = arith.mulf %get3A_933, %get3A_1595 : vector<16xf32>
      %add3A_1597 = arith.addf %add3A_1588, %mul3A_1596 : vector<16xf32>
      %swap3A_1598 = arith.constant 8 : i32
      %swap3A_1599 = arith.index_cast %swap3A_1598 : i32 to index
      %swap3A_1600 = arith.index_cast %multiple_of3A : i32 to index
      %swap3A_1601 = tpu.vector_load %arg11[%swap3A_1599, %swap3A_1600] {strides = array<i32>} : memref<16x1024xf32, #tpu.memory_space<vmem>>, vector<1x16xf32>,
      %swap3A_1602 = vector.shape_cast %swap3A_1601 : vector<1x16xf32> to vector<16xf32>
      %swap3A_1603 = vector.shape_cast %add3A_1597 : vector<16xf32> to vector<1x16xf32>
      tpu.vector_store %arg11[%swap3A_1599, %swap3A_1600], %swap3A_1603 {strides = array<i32>} : memref<16x1024xf32, #tpu.memory_space<vmem>>, vector<1x16xf32>,
      %get3A_1604 = arith.constant 9 : i32
      %get3A_1605 = arith.index_cast %get3A_1604 : i32 to index
      %get3A_1606 = arith.index_cast %multiple_of3A : i32 to index
      %get3A_1607 = tpu.vector_load %arg10[%get3A_1605, %get3A_1606] {strides = array<i32>} : memref<16x1024xf32, #tpu.memory_space<vmem>>, vector<1x16xf32>,
      %get3A_1608 = vector.shape_cast %get3A_1607 : vector<1x16xf32> to vector<16xf32>
      %get3A_1609 = arith.constant 0 : i32
      %get3A_1610 = arith.constant 9 : i32
      %get3A_1611 = arith.index_cast %get3A_1609 : i32 to index
      %get3A_1612 = arith.index_cast %get3A_1610 : i32 to index
      %get3A_1613 = arith.index_cast %multiple_of3A : i32 to index
      %get3A_1614 = tpu.vector_load %arg9[%get3A_1611, %get3A_1612, %get3A_1613] {strides = array<i32>} : memref<2x32x1024xf32, #tpu.memory_space<vmem>>, vector<1x1x16xf32>,
      %get3A_1615 = vector.shape_cast %get3A_1614 : vector<1x1x16xf32> to vector<16xf32>
      %mul3A_1616 = arith.mulf %get3A_798, %get3A_1615 : vector<16xf32>
      %add3A_1617 = arith.addf %get3A_1608, %mul3A_1616 : vector<16xf32>
      %get3A_1618 = arith.constant 0 : i32
      %get3A_1619 = arith.constant 25 : i32
      %get3A_1620 = arith.index_cast %get3A_1618 : i32 to index
      %get3A_1621 = arith.index_cast %get3A_1619 : i32 to index
      %get3A_1622 = arith.index_cast %multiple_of3A : i32 to index
      %get3A_1623 = tpu.vector_load %arg9[%get3A_1620, %get3A_1621, %get3A_1622] {strides = array<i32>} : memref<2x32x1024xf32, #tpu.memory_space<vmem>>, vector<1x1x16xf32>,
      %get3A_1624 = vector.shape_cast %get3A_1623 : vector<1x1x16xf32> to vector<16xf32>
      %mul3A_1625 = arith.mulf %get3A_942, %get3A_1624 : vector<16xf32>
      %add3A_1626 = arith.addf %add3A_1617, %mul3A_1625 : vector<16xf32>
      %swap3A_1627 = arith.constant 9 : i32
      %swap3A_1628 = arith.index_cast %swap3A_1627 : i32 to index
      %swap3A_1629 = arith.index_cast %multiple_of3A : i32 to index
      %swap3A_1630 = tpu.vector_load %arg11[%swap3A_1628, %swap3A_1629] {strides = array<i32>} : memref<16x1024xf32, #tpu.memory_space<vmem>>, vector<1x16xf32>,
      %swap3A_1631 = vector.shape_cast %swap3A_1630 : vector<1x16xf32> to vector<16xf32>
      %swap3A_1632 = vector.shape_cast %add3A_1626 : vector<16xf32> to vector<1x16xf32>
      tpu.vector_store %arg11[%swap3A_1628, %swap3A_1629], %swap3A_1632 {strides = array<i32>} : memref<16x1024xf32, #tpu.memory_space<vmem>>, vector<1x16xf32>,
      %get3A_1633 = arith.constant 10 : i32
      %get3A_1634 = arith.index_cast %get3A_1633 : i32 to index
      %get3A_1635 = arith.index_cast %multiple_of3A : i32 to index
      %get3A_1636 = tpu.vector_load %arg10[%get3A_1634, %get3A_1635] {strides = array<i32>} : memref<16x1024xf32, #tpu.memory_space<vmem>>, vector<1x16xf32>,
      %get3A_1637 = vector.shape_cast %get3A_1636 : vector<1x16xf32> to vector<16xf32>
      %get3A_1638 = arith.constant 0 : i32
      %get3A_1639 = arith.constant 10 : i32
      %get3A_1640 = arith.index_cast %get3A_1638 : i32 to index
      %get3A_1641 = arith.index_cast %get3A_1639 : i32 to index
      %get3A_1642 = arith.index_cast %multiple_of3A : i32 to index
      %get3A_1643 = tpu.vector_load %arg9[%get3A_1640, %get3A_1641, %get3A_1642] {strides = array<i32>} : memref<2x32x1024xf32, #tpu.memory_space<vmem>>, vector<1x1x16xf32>,
      %get3A_1644 = vector.shape_cast %get3A_1643 : vector<1x1x16xf32> to vector<16xf32>
      %mul3A_1645 = arith.mulf %get3A_807, %get3A_1644 : vector<16xf32>
      %add3A_1646 = arith.addf %get3A_1637, %mul3A_1645 : vector<16xf32>
      %get3A_1647 = arith.constant 0 : i32
      %get3A_1648 = arith.constant 26 : i32
      %get3A_1649 = arith.index_cast %get3A_1647 : i32 to index
      %get3A_1650 = arith.index_cast %get3A_1648 : i32 to index
      %get3A_1651 = arith.index_cast %multiple_of3A : i32 to index
      %get3A_1652 = tpu.vector_load %arg9[%get3A_1649, %get3A_1650, %get3A_1651] {strides = array<i32>} : memref<2x32x1024xf32, #tpu.memory_space<vmem>>, vector<1x1x16xf32>,
      %get3A_1653 = vector.shape_cast %get3A_1652 : vector<1x1x16xf32> to vector<16xf32>
      %mul3A_1654 = arith.mulf %get3A_951, %get3A_1653 : vector<16xf32>
      %add3A_1655 = arith.addf %add3A_1646, %mul3A_1654 : vector<16xf32>
      %swap3A_1656 = arith.constant 10 : i32
      %swap3A_1657 = arith.index_cast %swap3A_1656 : i32 to index
      %swap3A_1658 = arith.index_cast %multiple_of3A : i32 to index
      %swap3A_1659 = tpu.vector_load %arg11[%swap3A_1657, %swap3A_1658] {strides = array<i32>} : memref<16x1024xf32, #tpu.memory_space<vmem>>, vector<1x16xf32>,
      %swap3A_1660 = vector.shape_cast %swap3A_1659 : vector<1x16xf32> to vector<16xf32>
      %swap3A_1661 = vector.shape_cast %add3A_1655 : vector<16xf32> to vector<1x16xf32>
      tpu.vector_store %arg11[%swap3A_1657, %swap3A_1658], %swap3A_1661 {strides = array<i32>} : memref<16x1024xf32, #tpu.memory_space<vmem>>, vector<1x16xf32>,
      %get3A_1662 = arith.constant 11 : i32
      %get3A_1663 = arith.index_cast %get3A_1662 : i32 to index
      %get3A_1664 = arith.index_cast %multiple_of3A : i32 to index
      %get3A_1665 = tpu.vector_load %arg10[%get3A_1663, %get3A_1664] {strides = array<i32>} : memref<16x1024xf32, #tpu.memory_space<vmem>>, vector<1x16xf32>,
      %get3A_1666 = vector.shape_cast %get3A_1665 : vector<1x16xf32> to vector<16xf32>
      %get3A_1667 = arith.constant 0 : i32
      %get3A_1668 = arith.constant 11 : i32
      %get3A_1669 = arith.index_cast %get3A_1667 : i32 to index
      %get3A_1670 = arith.index_cast %get3A_1668 : i32 to index
      %get3A_1671 = arith.index_cast %multiple_of3A : i32 to index
      %get3A_1672 = tpu.vector_load %arg9[%get3A_1669, %get3A_1670, %get3A_1671] {strides = array<i32>} : memref<2x32x1024xf32, #tpu.memory_space<vmem>>, vector<1x1x16xf32>,
      %get3A_1673 = vector.shape_cast %get3A_1672 : vector<1x1x16xf32> to vector<16xf32>
      %mul3A_1674 = arith.mulf %get3A_816, %get3A_1673 : vector<16xf32>
      %add3A_1675 = arith.addf %get3A_1666, %mul3A_1674 : vector<16xf32>
      %get3A_1676 = arith.constant 0 : i32
      %get3A_1677 = arith.constant 27 : i32
      %get3A_1678 = arith.index_cast %get3A_1676 : i32 to index
      %get3A_1679 = arith.index_cast %get3A_1677 : i32 to index
      %get3A_1680 = arith.index_cast %multiple_of3A : i32 to index
      %get3A_1681 = tpu.vector_load %arg9[%get3A_1678, %get3A_1679, %get3A_1680] {strides = array<i32>} : memref<2x32x1024xf32, #tpu.memory_space<vmem>>, vector<1x1x16xf32>,
      %get3A_1682 = vector.shape_cast %get3A_1681 : vector<1x1x16xf32> to vector<16xf32>
      %mul3A_1683 = arith.mulf %get3A_960, %get3A_1682 : vector<16xf32>
      %add3A_1684 = arith.addf %add3A_1675, %mul3A_1683 : vector<16xf32>
      %swap3A_1685 = arith.constant 11 : i32
      %swap3A_1686 = arith.index_cast %swap3A_1685 : i32 to index
      %swap3A_1687 = arith.index_cast %multiple_of3A : i32 to index
      %swap3A_1688 = tpu.vector_load %arg11[%swap3A_1686, %swap3A_1687] {strides = array<i32>} : memref<16x1024xf32, #tpu.memory_space<vmem>>, vector<1x16xf32>,
      %swap3A_1689 = vector.shape_cast %swap3A_1688 : vector<1x16xf32> to vector<16xf32>
      %swap3A_1690 = vector.shape_cast %add3A_1684 : vector<16xf32> to vector<1x16xf32>
      tpu.vector_store %arg11[%swap3A_1686, %swap3A_1687], %swap3A_1690 {strides = array<i32>} : memref<16x1024xf32, #tpu.memory_space<vmem>>, vector<1x16xf32>,
      %get3A_1691 = arith.constant 12 : i32
      %get3A_1692 = arith.index_cast %get3A_1691 : i32 to index
      %get3A_1693 = arith.index_cast %multiple_of3A : i32 to index
      %get3A_1694 = tpu.vector_load %arg10[%get3A_1692, %get3A_1693] {strides = array<i32>} : memref<16x1024xf32, #tpu.memory_space<vmem>>, vector<1x16xf32>,
      %get3A_1695 = vector.shape_cast %get3A_1694 : vector<1x16xf32> to vector<16xf32>
      %get3A_1696 = arith.constant 0 : i32
      %get3A_1697 = arith.constant 12 : i32
      %get3A_1698 = arith.index_cast %get3A_1696 : i32 to index
      %get3A_1699 = arith.index_cast %get3A_1697 : i32 to index
      %get3A_1700 = arith.index_cast %multiple_of3A : i32 to index
      %get3A_1701 = tpu.vector_load %arg9[%get3A_1698, %get3A_1699, %get3A_1700] {strides = array<i32>} : memref<2x32x1024xf32, #tpu.memory_space<vmem>>, vector<1x1x16xf32>,
      %get3A_1702 = vector.shape_cast %get3A_1701 : vector<1x1x16xf32> to vector<16xf32>
      %mul3A_1703 = arith.mulf %get3A_825, %get3A_1702 : vector<16xf32>
      %add3A_1704 = arith.addf %get3A_1695, %mul3A_1703 : vector<16xf32>
      %get3A_1705 = arith.constant 0 : i32
      %get3A_1706 = arith.constant 28 : i32
      %get3A_1707 = arith.index_cast %get3A_1705 : i32 to index
      %get3A_1708 = arith.index_cast %get3A_1706 : i32 to index
      %get3A_1709 = arith.index_cast %multiple_of3A : i32 to index
      %get3A_1710 = tpu.vector_load %arg9[%get3A_1707, %get3A_1708, %get3A_1709] {strides = array<i32>} : memref<2x32x1024xf32, #tpu.memory_space<vmem>>, vector<1x1x16xf32>,
      %get3A_1711 = vector.shape_cast %get3A_1710 : vector<1x1x16xf32> to vector<16xf32>
      %mul3A_1712 = arith.mulf %get3A_969, %get3A_1711 : vector<16xf32>
      %add3A_1713 = arith.addf %add3A_1704, %mul3A_1712 : vector<16xf32>
      %swap3A_1714 = arith.constant 12 : i32
      %swap3A_1715 = arith.index_cast %swap3A_1714 : i32 to index
      %swap3A_1716 = arith.index_cast %multiple_of3A : i32 to index
      %swap3A_1717 = tpu.vector_load %arg11[%swap3A_1715, %swap3A_1716] {strides = array<i32>} : memref<16x1024xf32, #tpu.memory_space<vmem>>, vector<1x16xf32>,
      %swap3A_1718 = vector.shape_cast %swap3A_1717 : vector<1x16xf32> to vector<16xf32>
      %swap3A_1719 = vector.shape_cast %add3A_1713 : vector<16xf32> to vector<1x16xf32>
      tpu.vector_store %arg11[%swap3A_1715, %swap3A_1716], %swap3A_1719 {strides = array<i32>} : memref<16x1024xf32, #tpu.memory_space<vmem>>, vector<1x16xf32>,
      %get3A_1720 = arith.constant 13 : i32
      %get3A_1721 = arith.index_cast %get3A_1720 : i32 to index
      %get3A_1722 = arith.index_cast %multiple_of3A : i32 to index
      %get3A_1723 = tpu.vector_load %arg10[%get3A_1721, %get3A_1722] {strides = array<i32>} : memref<16x1024xf32, #tpu.memory_space<vmem>>, vector<1x16xf32>,
      %get3A_1724 = vector.shape_cast %get3A_1723 : vector<1x16xf32> to vector<16xf32>
      %get3A_1725 = arith.constant 0 : i32
      %get3A_1726 = arith.constant 13 : i32
      %get3A_1727 = arith.index_cast %get3A_1725 : i32 to index
      %get3A_1728 = arith.index_cast %get3A_1726 : i32 to index
      %get3A_1729 = arith.index_cast %multiple_of3A : i32 to index
      %get3A_1730 = tpu.vector_load %arg9[%get3A_1727, %get3A_1728, %get3A_1729] {strides = array<i32>} : memref<2x32x1024xf32, #tpu.memory_space<vmem>>, vector<1x1x16xf32>,
      %get3A_1731 = vector.shape_cast %get3A_1730 : vector<1x1x16xf32> to vector<16xf32>
      %mul3A_1732 = arith.mulf %get3A_834, %get3A_1731 : vector<16xf32>
      %add3A_1733 = arith.addf %get3A_1724, %mul3A_1732 : vector<16xf32>
      %get3A_1734 = arith.constant 0 : i32
      %get3A_1735 = arith.constant 29 : i32
      %get3A_1736 = arith.index_cast %get3A_1734 : i32 to index
      %get3A_1737 = arith.index_cast %get3A_1735 : i32 to index
      %get3A_1738 = arith.index_cast %multiple_of3A : i32 to index
      %get3A_1739 = tpu.vector_load %arg9[%get3A_1736, %get3A_1737, %get3A_1738] {strides = array<i32>} : memref<2x32x1024xf32, #tpu.memory_space<vmem>>, vector<1x1x16xf32>,
      %get3A_1740 = vector.shape_cast %get3A_1739 : vector<1x1x16xf32> to vector<16xf32>
      %mul3A_1741 = arith.mulf %get3A_978, %get3A_1740 : vector<16xf32>
      %add3A_1742 = arith.addf %add3A_1733, %mul3A_1741 : vector<16xf32>
      %swap3A_1743 = arith.constant 13 : i32
      %swap3A_1744 = arith.index_cast %swap3A_1743 : i32 to index
      %swap3A_1745 = arith.index_cast %multiple_of3A : i32 to index
      %swap3A_1746 = tpu.vector_load %arg11[%swap3A_1744, %swap3A_1745] {strides = array<i32>} : memref<16x1024xf32, #tpu.memory_space<vmem>>, vector<1x16xf32>,
      %swap3A_1747 = vector.shape_cast %swap3A_1746 : vector<1x16xf32> to vector<16xf32>
      %swap3A_1748 = vector.shape_cast %add3A_1742 : vector<16xf32> to vector<1x16xf32>
      tpu.vector_store %arg11[%swap3A_1744, %swap3A_1745], %swap3A_1748 {strides = array<i32>} : memref<16x1024xf32, #tpu.memory_space<vmem>>, vector<1x16xf32>,
      %get3A_1749 = arith.constant 14 : i32
      %get3A_1750 = arith.index_cast %get3A_1749 : i32 to index
      %get3A_1751 = arith.index_cast %multiple_of3A : i32 to index
      %get3A_1752 = tpu.vector_load %arg10[%get3A_1750, %get3A_1751] {strides = array<i32>} : memref<16x1024xf32, #tpu.memory_space<vmem>>, vector<1x16xf32>,
      %get3A_1753 = vector.shape_cast %get3A_1752 : vector<1x16xf32> to vector<16xf32>
      %get3A_1754 = arith.constant 0 : i32
      %get3A_1755 = arith.constant 14 : i32
      %get3A_1756 = arith.index_cast %get3A_1754 : i32 to index
      %get3A_1757 = arith.index_cast %get3A_1755 : i32 to index
      %get3A_1758 = arith.index_cast %multiple_of3A : i32 to index
      %get3A_1759 = tpu.vector_load %arg9[%get3A_1756, %get3A_1757, %get3A_1758] {strides = array<i32>} : memref<2x32x1024xf32, #tpu.memory_space<vmem>>, vector<1x1x16xf32>,
      %get3A_1760 = vector.shape_cast %get3A_1759 : vector<1x1x16xf32> to vector<16xf32>
      %mul3A_1761 = arith.mulf %get3A_843, %get3A_1760 : vector<16xf32>
      %add3A_1762 = arith.addf %get3A_1753, %mul3A_1761 : vector<16xf32>
      %get3A_1763 = arith.constant 0 : i32
      %get3A_1764 = arith.constant 30 : i32
      %get3A_1765 = arith.index_cast %get3A_1763 : i32 to index
      %get3A_1766 = arith.index_cast %get3A_1764 : i32 to index
      %get3A_1767 = arith.index_cast %multiple_of3A : i32 to index
      %get3A_1768 = tpu.vector_load %arg9[%get3A_1765, %get3A_1766, %get3A_1767] {strides = array<i32>} : memref<2x32x1024xf32, #tpu.memory_space<vmem>>, vector<1x1x16xf32>,
      %get3A_1769 = vector.shape_cast %get3A_1768 : vector<1x1x16xf32> to vector<16xf32>
      %mul3A_1770 = arith.mulf %get3A_987, %get3A_1769 : vector<16xf32>
      %add3A_1771 = arith.addf %add3A_1762, %mul3A_1770 : vector<16xf32>
      %swap3A_1772 = arith.constant 14 : i32
      %swap3A_1773 = arith.index_cast %swap3A_1772 : i32 to index
      %swap3A_1774 = arith.index_cast %multiple_of3A : i32 to index
      %swap3A_1775 = tpu.vector_load %arg11[%swap3A_1773, %swap3A_1774] {strides = array<i32>} : memref<16x1024xf32, #tpu.memory_space<vmem>>, vector<1x16xf32>,
      %swap3A_1776 = vector.shape_cast %swap3A_1775 : vector<1x16xf32> to vector<16xf32>
      %swap3A_1777 = vector.shape_cast %add3A_1771 : vector<16xf32> to vector<1x16xf32>
      tpu.vector_store %arg11[%swap3A_1773, %swap3A_1774], %swap3A_1777 {strides = array<i32>} : memref<16x1024xf32, #tpu.memory_space<vmem>>, vector<1x16xf32>,
      %get3A_1778 = arith.constant 15 : i32
      %get3A_1779 = arith.index_cast %get3A_1778 : i32 to index
      %get3A_1780 = arith.index_cast %multiple_of3A : i32 to index
      %get3A_1781 = tpu.vector_load %arg10[%get3A_1779, %get3A_1780] {strides = array<i32>} : memref<16x1024xf32, #tpu.memory_space<vmem>>, vector<1x16xf32>,
      %get3A_1782 = vector.shape_cast %get3A_1781 : vector<1x16xf32> to vector<16xf32>
      %get3A_1783 = arith.constant 0 : i32
      %get3A_1784 = arith.constant 15 : i32
      %get3A_1785 = arith.index_cast %get3A_1783 : i32 to index
      %get3A_1786 = arith.index_cast %get3A_1784 : i32 to index
      %get3A_1787 = arith.index_cast %multiple_of3A : i32 to index
      %get3A_1788 = tpu.vector_load %arg9[%get3A_1785, %get3A_1786, %get3A_1787] {strides = array<i32>} : memref<2x32x1024xf32, #tpu.memory_space<vmem>>, vector<1x1x16xf32>,
      %get3A_1789 = vector.shape_cast %get3A_1788 : vector<1x1x16xf32> to vector<16xf32>
      %mul3A_1790 = arith.mulf %get3A_852, %get3A_1789 : vector<16xf32>
      %add3A_1791 = arith.addf %get3A_1782, %mul3A_1790 : vector<16xf32>
      %get3A_1792 = arith.constant 0 : i32
      %get3A_1793 = arith.constant 31 : i32
      %get3A_1794 = arith.index_cast %get3A_1792 : i32 to index
      %get3A_1795 = arith.index_cast %get3A_1793 : i32 to index
      %get3A_1796 = arith.index_cast %multiple_of3A : i32 to index
      %get3A_1797 = tpu.vector_load %arg9[%get3A_1794, %get3A_1795, %get3A_1796] {strides = array<i32>} : memref<2x32x1024xf32, #tpu.memory_space<vmem>>, vector<1x1x16xf32>,
      %get3A_1798 = vector.shape_cast %get3A_1797 : vector<1x1x16xf32> to vector<16xf32>
      %mul3A_1799 = arith.mulf %get3A_996, %get3A_1798 : vector<16xf32>
      %add3A_1800 = arith.addf %add3A_1791, %mul3A_1799 : vector<16xf32>
      %swap3A_1801 = arith.constant 15 : i32
      %swap3A_1802 = arith.index_cast %swap3A_1801 : i32 to index
      %swap3A_1803 = arith.index_cast %multiple_of3A : i32 to index
      %swap3A_1804 = tpu.vector_load %arg11[%swap3A_1802, %swap3A_1803] {strides = array<i32>} : memref<16x1024xf32, #tpu.memory_space<vmem>>, vector<1x16xf32>,
      %swap3A_1805 = vector.shape_cast %swap3A_1804 : vector<1x16xf32> to vector<16xf32>
      %swap3A_1806 = vector.shape_cast %add3A_1800 : vector<16xf32> to vector<1x16xf32>
      tpu.vector_store %arg11[%swap3A_1802, %swap3A_1803], %swap3A_1806 {strides = array<i32>} : memref<16x1024xf32, #tpu.memory_space<vmem>>, vector<1x16xf32>,
    }
    %scan3A_1002 = arith.constant 64 : i32
    %mul3A_1003 = arith.constant 64 : i32
    %mul3A_1004 = arith.muli %add3A, %mul3A_1003 : i32
    %add3A_1005 = arith.constant 32 : i32
    %add3A_1006 = arith.addi %mul3A_1004, %add3A_1005 : i32
    %dma_start3A_1007 = arith.constant 0 : i32
    %dma_start3A_1008 = tpu.memref_slice %arg6[%add3A_1006, %dma_start3A_1007] : memref<2048x1024xf32, #tpu.memory_space<hbm>> -> memref<16x1024xf32, #tpu.memory_space<hbm>>
    %dma_start3A_1009 = arith.constant 0 : i32
    %dma_start3A_1010 = tpu.memref_slice %arg6[%add3A_1006, %dma_start3A_1009] : memref<2048x1024xf32, #tpu.memory_space<hbm>> -> memref<16x1024xf32, #tpu.memory_space<hbm>>
    tpu.enqueue_dma source(%arg11 : memref<16x1024xf32, #tpu.memory_space<vmem>>) target(%dma_start3A_1010 : memref<16x1024xf32, #tpu.memory_space<hbm>>) target_semaphore(%arg14 : memref<!tpu.dma_semaphore, #tpu.memory_space<semaphore_mem>>)
    %mul3A_1011 = arith.constant 64 : i32
    %mul3A_1012 = arith.muli %add3A, %mul3A_1011 : i32
    %add3A_1013 = arith.constant 48 : i32
    %add3A_1014 = arith.addi %mul3A_1012, %add3A_1013 : i32
    "tpu.region"() ({
      %run_scoped3A = tpu.sem_alloc : memref<!tpu.dma_semaphore, #tpu.memory_space<semaphore_mem>>
      %dma_start3A_1341 = arith.constant 0 : i32
      %dma_start3A_1342 = tpu.memref_slice %arg3[%add3A_1014, %dma_start3A_1341] : memref<2048x1024xf32, #tpu.memory_space<hbm>> -> memref<16x1024xf32, #tpu.memory_space<hbm>>
      %dma_start3A_1343 = arith.constant 0 : i32
      %dma_start3A_1344 = tpu.memref_slice %arg3[%add3A_1014, %dma_start3A_1343] : memref<2048x1024xf32, #tpu.memory_space<hbm>> -> memref<16x1024xf32, #tpu.memory_space<hbm>>
      tpu.enqueue_dma source(%dma_start3A_1344 : memref<16x1024xf32, #tpu.memory_space<hbm>>) target(%arg10 : memref<16x1024xf32, #tpu.memory_space<vmem>>) target_semaphore(%run_scoped3A : memref<!tpu.dma_semaphore, #tpu.memory_space<semaphore_mem>>)
      %dma_wait3A_1345 = arith.constant 0 : i32
      %dma_wait3A_1346 = tpu.memref_slice %arg3[%add3A_1014, %dma_wait3A_1345] : memref<2048x1024xf32, #tpu.memory_space<hbm>> -> memref<16x1024xf32, #tpu.memory_space<hbm>>
      %dma_wait3A_1347 = arith.constant 0 : i32
      %dma_wait3A_1348 = tpu.memref_slice %arg3[%add3A_1014, %dma_wait3A_1347] : memref<2048x1024xf32, #tpu.memory_space<hbm>> -> memref<16x1024xf32, #tpu.memory_space<hbm>>
      tpu.wait_dma2 semaphore(%run_scoped3A : memref<!tpu.dma_semaphore, #tpu.memory_space<semaphore_mem>>) src(%dma_wait3A_1348 : memref<16x1024xf32, #tpu.memory_space<hbm>>) dst(%arg10 : memref<16x1024xf32, #tpu.memory_space<vmem>>)
      tpu.yield
    }) : () -> ()
    %dma_wait3A_1015 = arith.constant 3 : i32
    %dma_wait3A_1016 = arith.constant 1 : i32
    %dma_wait3A_1017 = arith.constant 0 : i32
    %dma_wait3A_1018 = arith.constant 0 : i32
    %dma_wait3A_1019 = tpu.memref_slice %arg9[%dma_wait3A_1016, %dma_wait3A_1017, %dma_wait3A_1018] : memref<2x32x1024xf32, #tpu.memory_space<vmem>> -> memref<1x32x1024xf32, #tpu.memory_space<vmem>>
    %dma_wait3A_1020 = tpu.memref_squeeze %dma_wait3A_1019 : memref<1x32x1024xf32, #tpu.memory_space<vmem>> -> memref<32x1024xf32, #tpu.memory_space<vmem>>
    %dma_wait3A_1021 = arith.constant 0 : i32
    %dma_wait3A_1022 = tpu.memref_slice %arg7[%dma_wait3A_1015, %dma_wait3A_1021] : memref<4x32xi32, #tpu.memory_space<vmem>> -> memref<1x32xi32, #tpu.memory_space<vmem>>
    %dma_wait3A_1023 = tpu.memref_squeeze %dma_wait3A_1022 : memref<1x32xi32, #tpu.memory_space<vmem>> -> memref<32xi32, #tpu.memory_space<vmem>>
    %dma_wait3A_1024 = arith.constant 0 : i32
    %dma_wait3A_1025 = arith.constant 0 : i32
    %dma_wait3A_1026 = tpu.memref_slice %arg2[%dma_wait3A_1024, %dma_wait3A_1025] : memref<6144x1024xf32, #tpu.memory_space<hbm>> -> memref<6144x1024xf32, #tpu.memory_space<hbm>>
    tpu.wait_indirect_dma semaphore(%arg13 : memref<!tpu.dma_semaphore, #tpu.memory_space<semaphore_mem>>) src(%dma_wait3A_1026 : memref<6144x1024xf32, #tpu.memory_space<hbm>>) dst(%dma_wait3A_1020 : memref<32x1024xf32, #tpu.memory_space<vmem>>)
    %dma_wait3A_1027 = arith.constant 0 : i32
    %dma_wait3A_1028 = arith.constant 0 : i32
    %dma_wait3A_1029 = tpu.memref_slice %arg6[%dma_wait3A_1027, %dma_wait3A_1028] : memref<2048x1024xf32, #tpu.memory_space<hbm>> -> memref<16x1024xf32, #tpu.memory_space<hbm>>
    %dma_wait3A_1030 = arith.constant 0 : i32
    %dma_wait3A_1031 = arith.constant 0 : i32
    %dma_wait3A_1032 = tpu.memref_slice %arg6[%dma_wait3A_1030, %dma_wait3A_1031] : memref<2048x1024xf32, #tpu.memory_space<hbm>> -> memref<16x1024xf32, #tpu.memory_space<hbm>>
    tpu.wait_dma2 semaphore(%arg14 : memref<!tpu.dma_semaphore, #tpu.memory_space<semaphore_mem>>) src(%arg11 : memref<16x1024xf32, #tpu.memory_space<vmem>>) dst(%dma_wait3A_1032 : memref<16x1024xf32, #tpu.memory_space<hbm>>)
    %get3A_1033 = arith.constant 0 : i32
    %get3A_1034 = arith.constant 3 : i32
    %get3A_1035 = arith.constant 0 : i32
    %get3A_1036 = arith.index_cast %get3A_1033 : i32 to index
    %get3A_1037 = arith.index_cast %get3A_1034 : i32 to index
    %get3A_1038 = arith.index_cast %get3A_1035 : i32 to index
    %get3A_1039 = arith.constant 0 : index
    %get3A_1040 = tpu.vector_load %arg8[%get3A_1036, %get3A_1037, %get3A_1038, %get3A_1039] {strides = array<i32>} : memref<2x4x16x16xf32, #tpu.memory_space<vmem>>, vector<1x1x1x16xf32>,
    %get3A_1041 = vector.shape_cast %get3A_1040 : vector<1x1x1x16xf32> to vector<16xf32>
    %get3A_1042 = arith.constant 0 : i32
    %get3A_1043 = arith.constant 3 : i32
    %get3A_1044 = arith.constant 1 : i32
    %get3A_1045 = arith.index_cast %get3A_1042 : i32 to index
    %get3A_1046 = arith.index_cast %get3A_1043 : i32 to index
    %get3A_1047 = arith.index_cast %get3A_1044 : i32 to index
    %get3A_1048 = arith.constant 0 : index
    %get3A_1049 = tpu.vector_load %arg8[%get3A_1045, %get3A_1046, %get3A_1047, %get3A_1048] {strides = array<i32>} : memref<2x4x16x16xf32, #tpu.memory_space<vmem>>, vector<1x1x1x16xf32>,
    %get3A_1050 = vector.shape_cast %get3A_1049 : vector<1x1x1x16xf32> to vector<16xf32>
    %get3A_1051 = arith.constant 0 : i32
    %get3A_1052 = arith.constant 3 : i32
    %get3A_1053 = arith.constant 2 : i32
    %get3A_1054 = arith.index_cast %get3A_1051 : i32 to index
    %get3A_1055 = arith.index_cast %get3A_1052 : i32 to index
    %get3A_1056 = arith.index_cast %get3A_1053 : i32 to index
    %get3A_1057 = arith.constant 0 : index
    %get3A_1058 = tpu.vector_load %arg8[%get3A_1054, %get3A_1055, %get3A_1056, %get3A_1057] {strides = array<i32>} : memref<2x4x16x16xf32, #tpu.memory_space<vmem>>, vector<1x1x1x16xf32>,
    %get3A_1059 = vector.shape_cast %get3A_1058 : vector<1x1x1x16xf32> to vector<16xf32>
    %get3A_1060 = arith.constant 0 : i32
    %get3A_1061 = arith.constant 3 : i32
    %get3A_1062 = arith.constant 3 : i32
    %get3A_1063 = arith.index_cast %get3A_1060 : i32 to index
    %get3A_1064 = arith.index_cast %get3A_1061 : i32 to index
    %get3A_1065 = arith.index_cast %get3A_1062 : i32 to index
    %get3A_1066 = arith.constant 0 : index
    %get3A_1067 = tpu.vector_load %arg8[%get3A_1063, %get3A_1064, %get3A_1065, %get3A_1066] {strides = array<i32>} : memref<2x4x16x16xf32, #tpu.memory_space<vmem>>, vector<1x1x1x16xf32>,
    %get3A_1068 = vector.shape_cast %get3A_1067 : vector<1x1x1x16xf32> to vector<16xf32>
    %get3A_1069 = arith.constant 0 : i32
    %get3A_1070 = arith.constant 3 : i32
    %get3A_1071 = arith.constant 4 : i32
    %get3A_1072 = arith.index_cast %get3A_1069 : i32 to index
    %get3A_1073 = arith.index_cast %get3A_1070 : i32 to index
    %get3A_1074 = arith.index_cast %get3A_1071 : i32 to index
    %get3A_1075 = arith.constant 0 : index
    %get3A_1076 = tpu.vector_load %arg8[%get3A_1072, %get3A_1073, %get3A_1074, %get3A_1075] {strides = array<i32>} : memref<2x4x16x16xf32, #tpu.memory_space<vmem>>, vector<1x1x1x16xf32>,
    %get3A_1077 = vector.shape_cast %get3A_1076 : vector<1x1x1x16xf32> to vector<16xf32>
    %get3A_1078 = arith.constant 0 : i32
    %get3A_1079 = arith.constant 3 : i32
    %get3A_1080 = arith.constant 5 : i32
    %get3A_1081 = arith.index_cast %get3A_1078 : i32 to index
    %get3A_1082 = arith.index_cast %get3A_1079 : i32 to index
    %get3A_1083 = arith.index_cast %get3A_1080 : i32 to index
    %get3A_1084 = arith.constant 0 : index
    %get3A_1085 = tpu.vector_load %arg8[%get3A_1081, %get3A_1082, %get3A_1083, %get3A_1084] {strides = array<i32>} : memref<2x4x16x16xf32, #tpu.memory_space<vmem>>, vector<1x1x1x16xf32>,
    %get3A_1086 = vector.shape_cast %get3A_1085 : vector<1x1x1x16xf32> to vector<16xf32>
    %get3A_1087 = arith.constant 0 : i32
    %get3A_1088 = arith.constant 3 : i32
    %get3A_1089 = arith.constant 6 : i32
    %get3A_1090 = arith.index_cast %get3A_1087 : i32 to index
    %get3A_1091 = arith.index_cast %get3A_1088 : i32 to index
    %get3A_1092 = arith.index_cast %get3A_1089 : i32 to index
    %get3A_1093 = arith.constant 0 : index
    %get3A_1094 = tpu.vector_load %arg8[%get3A_1090, %get3A_1091, %get3A_1092, %get3A_1093] {strides = array<i32>} : memref<2x4x16x16xf32, #tpu.memory_space<vmem>>, vector<1x1x1x16xf32>,
    %get3A_1095 = vector.shape_cast %get3A_1094 : vector<1x1x1x16xf32> to vector<16xf32>
    %get3A_1096 = arith.constant 0 : i32
    %get3A_1097 = arith.constant 3 : i32
    %get3A_1098 = arith.constant 7 : i32
    %get3A_1099 = arith.index_cast %get3A_1096 : i32 to index
    %get3A_1100 = arith.index_cast %get3A_1097 : i32 to index
    %get3A_1101 = arith.index_cast %get3A_1098 : i32 to index
    %get3A_1102 = arith.constant 0 : index
    %get3A_1103 = tpu.vector_load %arg8[%get3A_1099, %get3A_1100, %get3A_1101, %get3A_1102] {strides = array<i32>} : memref<2x4x16x16xf32, #tpu.memory_space<vmem>>, vector<1x1x1x16xf32>,
    %get3A_1104 = vector.shape_cast %get3A_1103 : vector<1x1x1x16xf32> to vector<16xf32>
    %get3A_1105 = arith.constant 0 : i32
    %get3A_1106 = arith.constant 3 : i32
    %get3A_1107 = arith.constant 8 : i32
    %get3A_1108 = arith.index_cast %get3A_1105 : i32 to index
    %get3A_1109 = arith.index_cast %get3A_1106 : i32 to index
    %get3A_1110 = arith.index_cast %get3A_1107 : i32 to index
    %get3A_1111 = arith.constant 0 : index
    %get3A_1112 = tpu.vector_load %arg8[%get3A_1108, %get3A_1109, %get3A_1110, %get3A_1111] {strides = array<i32>} : memref<2x4x16x16xf32, #tpu.memory_space<vmem>>, vector<1x1x1x16xf32>,
    %get3A_1113 = vector.shape_cast %get3A_1112 : vector<1x1x1x16xf32> to vector<16xf32>
    %get3A_1114 = arith.constant 0 : i32
    %get3A_1115 = arith.constant 3 : i32
    %get3A_1116 = arith.constant 9 : i32
    %get3A_1117 = arith.index_cast %get3A_1114 : i32 to index
    %get3A_1118 = arith.index_cast %get3A_1115 : i32 to index
    %get3A_1119 = arith.index_cast %get3A_1116 : i32 to index
    %get3A_1120 = arith.constant 0 : index
    %get3A_1121 = tpu.vector_load %arg8[%get3A_1117, %get3A_1118, %get3A_1119, %get3A_1120] {strides = array<i32>} : memref<2x4x16x16xf32, #tpu.memory_space<vmem>>, vector<1x1x1x16xf32>,
    %get3A_1122 = vector.shape_cast %get3A_1121 : vector<1x1x1x16xf32> to vector<16xf32>
    %get3A_1123 = arith.constant 0 : i32
    %get3A_1124 = arith.constant 3 : i32
    %get3A_1125 = arith.constant 10 : i32
    %get3A_1126 = arith.index_cast %get3A_1123 : i32 to index
    %get3A_1127 = arith.index_cast %get3A_1124 : i32 to index
    %get3A_1128 = arith.index_cast %get3A_1125 : i32 to index
    %get3A_1129 = arith.constant 0 : index
    %get3A_1130 = tpu.vector_load %arg8[%get3A_1126, %get3A_1127, %get3A_1128, %get3A_1129] {strides = array<i32>} : memref<2x4x16x16xf32, #tpu.memory_space<vmem>>, vector<1x1x1x16xf32>,
    %get3A_1131 = vector.shape_cast %get3A_1130 : vector<1x1x1x16xf32> to vector<16xf32>
    %get3A_1132 = arith.constant 0 : i32
    %get3A_1133 = arith.constant 3 : i32
    %get3A_1134 = arith.constant 11 : i32
    %get3A_1135 = arith.index_cast %get3A_1132 : i32 to index
    %get3A_1136 = arith.index_cast %get3A_1133 : i32 to index
    %get3A_1137 = arith.index_cast %get3A_1134 : i32 to index
    %get3A_1138 = arith.constant 0 : index
    %get3A_1139 = tpu.vector_load %arg8[%get3A_1135, %get3A_1136, %get3A_1137, %get3A_1138] {strides = array<i32>} : memref<2x4x16x16xf32, #tpu.memory_space<vmem>>, vector<1x1x1x16xf32>,
    %get3A_1140 = vector.shape_cast %get3A_1139 : vector<1x1x1x16xf32> to vector<16xf32>
    %get3A_1141 = arith.constant 0 : i32
    %get3A_1142 = arith.constant 3 : i32
    %get3A_1143 = arith.constant 12 : i32
    %get3A_1144 = arith.index_cast %get3A_1141 : i32 to index
    %get3A_1145 = arith.index_cast %get3A_1142 : i32 to index
    %get3A_1146 = arith.index_cast %get3A_1143 : i32 to index
    %get3A_1147 = arith.constant 0 : index
    %get3A_1148 = tpu.vector_load %arg8[%get3A_1144, %get3A_1145, %get3A_1146, %get3A_1147] {strides = array<i32>} : memref<2x4x16x16xf32, #tpu.memory_space<vmem>>, vector<1x1x1x16xf32>,
    %get3A_1149 = vector.shape_cast %get3A_1148 : vector<1x1x1x16xf32> to vector<16xf32>
    %get3A_1150 = arith.constant 0 : i32
    %get3A_1151 = arith.constant 3 : i32
    %get3A_1152 = arith.constant 13 : i32
    %get3A_1153 = arith.index_cast %get3A_1150 : i32 to index
    %get3A_1154 = arith.index_cast %get3A_1151 : i32 to index
    %get3A_1155 = arith.index_cast %get3A_1152 : i32 to index
    %get3A_1156 = arith.constant 0 : index
    %get3A_1157 = tpu.vector_load %arg8[%get3A_1153, %get3A_1154, %get3A_1155, %get3A_1156] {strides = array<i32>} : memref<2x4x16x16xf32, #tpu.memory_space<vmem>>, vector<1x1x1x16xf32>,
    %get3A_1158 = vector.shape_cast %get3A_1157 : vector<1x1x1x16xf32> to vector<16xf32>
    %get3A_1159 = arith.constant 0 : i32
    %get3A_1160 = arith.constant 3 : i32
    %get3A_1161 = arith.constant 14 : i32
    %get3A_1162 = arith.index_cast %get3A_1159 : i32 to index
    %get3A_1163 = arith.index_cast %get3A_1160 : i32 to index
    %get3A_1164 = arith.index_cast %get3A_1161 : i32 to index
    %get3A_1165 = arith.constant 0 : index
    %get3A_1166 = tpu.vector_load %arg8[%get3A_1162, %get3A_1163, %get3A_1164, %get3A_1165] {strides = array<i32>} : memref<2x4x16x16xf32, #tpu.memory_space<vmem>>, vector<1x1x1x16xf32>,
    %get3A_1167 = vector.shape_cast %get3A_1166 : vector<1x1x1x16xf32> to vector<16xf32>
    %get3A_1168 = arith.constant 0 : i32
    %get3A_1169 = arith.constant 3 : i32
    %get3A_1170 = arith.constant 15 : i32
    %get3A_1171 = arith.index_cast %get3A_1168 : i32 to index
    %get3A_1172 = arith.index_cast %get3A_1169 : i32 to index
    %get3A_1173 = arith.index_cast %get3A_1170 : i32 to index
    %get3A_1174 = arith.constant 0 : index
    %get3A_1175 = tpu.vector_load %arg8[%get3A_1171, %get3A_1172, %get3A_1173, %get3A_1174] {strides = array<i32>} : memref<2x4x16x16xf32, #tpu.memory_space<vmem>>, vector<1x1x1x16xf32>,
    %get3A_1176 = vector.shape_cast %get3A_1175 : vector<1x1x1x16xf32> to vector<16xf32>
    %get3A_1177 = arith.constant 1 : i32
    %get3A_1178 = arith.constant 3 : i32
    %get3A_1179 = arith.constant 0 : i32
    %get3A_1180 = arith.index_cast %get3A_1177 : i32 to index
    %get3A_1181 = arith.index_cast %get3A_1178 : i32 to index
    %get3A_1182 = arith.index_cast %get3A_1179 : i32 to index
    %get3A_1183 = arith.constant 0 : index
    %get3A_1184 = tpu.vector_load %arg8[%get3A_1180, %get3A_1181, %get3A_1182, %get3A_1183] {strides = array<i32>} : memref<2x4x16x16xf32, #tpu.memory_space<vmem>>, vector<1x1x1x16xf32>,
    %get3A_1185 = vector.shape_cast %get3A_1184 : vector<1x1x1x16xf32> to vector<16xf32>
    %get3A_1186 = arith.constant 1 : i32
    %get3A_1187 = arith.constant 3 : i32
    %get3A_1188 = arith.constant 1 : i32
    %get3A_1189 = arith.index_cast %get3A_1186 : i32 to index
    %get3A_1190 = arith.index_cast %get3A_1187 : i32 to index
    %get3A_1191 = arith.index_cast %get3A_1188 : i32 to index
    %get3A_1192 = arith.constant 0 : index
    %get3A_1193 = tpu.vector_load %arg8[%get3A_1189, %get3A_1190, %get3A_1191, %get3A_1192] {strides = array<i32>} : memref<2x4x16x16xf32, #tpu.memory_space<vmem>>, vector<1x1x1x16xf32>,
    %get3A_1194 = vector.shape_cast %get3A_1193 : vector<1x1x1x16xf32> to vector<16xf32>
    %get3A_1195 = arith.constant 1 : i32
    %get3A_1196 = arith.constant 3 : i32
    %get3A_1197 = arith.constant 2 : i32
    %get3A_1198 = arith.index_cast %get3A_1195 : i32 to index
    %get3A_1199 = arith.index_cast %get3A_1196 : i32 to index
    %get3A_1200 = arith.index_cast %get3A_1197 : i32 to index
    %get3A_1201 = arith.constant 0 : index
    %get3A_1202 = tpu.vector_load %arg8[%get3A_1198, %get3A_1199, %get3A_1200, %get3A_1201] {strides = array<i32>} : memref<2x4x16x16xf32, #tpu.memory_space<vmem>>, vector<1x1x1x16xf32>,
    %get3A_1203 = vector.shape_cast %get3A_1202 : vector<1x1x1x16xf32> to vector<16xf32>
    %get3A_1204 = arith.constant 1 : i32
    %get3A_1205 = arith.constant 3 : i32
    %get3A_1206 = arith.constant 3 : i32
    %get3A_1207 = arith.index_cast %get3A_1204 : i32 to index
    %get3A_1208 = arith.index_cast %get3A_1205 : i32 to index
    %get3A_1209 = arith.index_cast %get3A_1206 : i32 to index
    %get3A_1210 = arith.constant 0 : index
    %get3A_1211 = tpu.vector_load %arg8[%get3A_1207, %get3A_1208, %get3A_1209, %get3A_1210] {strides = array<i32>} : memref<2x4x16x16xf32, #tpu.memory_space<vmem>>, vector<1x1x1x16xf32>,
    %get3A_1212 = vector.shape_cast %get3A_1211 : vector<1x1x1x16xf32> to vector<16xf32>
    %get3A_1213 = arith.constant 1 : i32
    %get3A_1214 = arith.constant 3 : i32
    %get3A_1215 = arith.constant 4 : i32
    %get3A_1216 = arith.index_cast %get3A_1213 : i32 to index
    %get3A_1217 = arith.index_cast %get3A_1214 : i32 to index
    %get3A_1218 = arith.index_cast %get3A_1215 : i32 to index
    %get3A_1219 = arith.constant 0 : index
    %get3A_1220 = tpu.vector_load %arg8[%get3A_1216, %get3A_1217, %get3A_1218, %get3A_1219] {strides = array<i32>} : memref<2x4x16x16xf32, #tpu.memory_space<vmem>>, vector<1x1x1x16xf32>,
    %get3A_1221 = vector.shape_cast %get3A_1220 : vector<1x1x1x16xf32> to vector<16xf32>
    %get3A_1222 = arith.constant 1 : i32
    %get3A_1223 = arith.constant 3 : i32
    %get3A_1224 = arith.constant 5 : i32
    %get3A_1225 = arith.index_cast %get3A_1222 : i32 to index
    %get3A_1226 = arith.index_cast %get3A_1223 : i32 to index
    %get3A_1227 = arith.index_cast %get3A_1224 : i32 to index
    %get3A_1228 = arith.constant 0 : index
    %get3A_1229 = tpu.vector_load %arg8[%get3A_1225, %get3A_1226, %get3A_1227, %get3A_1228] {strides = array<i32>} : memref<2x4x16x16xf32, #tpu.memory_space<vmem>>, vector<1x1x1x16xf32>,
    %get3A_1230 = vector.shape_cast %get3A_1229 : vector<1x1x1x16xf32> to vector<16xf32>
    %get3A_1231 = arith.constant 1 : i32
    %get3A_1232 = arith.constant 3 : i32
    %get3A_1233 = arith.constant 6 : i32
    %get3A_1234 = arith.index_cast %get3A_1231 : i32 to index
    %get3A_1235 = arith.index_cast %get3A_1232 : i32 to index
    %get3A_1236 = arith.index_cast %get3A_1233 : i32 to index
    %get3A_1237 = arith.constant 0 : index
    %get3A_1238 = tpu.vector_load %arg8[%get3A_1234, %get3A_1235, %get3A_1236, %get3A_1237] {strides = array<i32>} : memref<2x4x16x16xf32, #tpu.memory_space<vmem>>, vector<1x1x1x16xf32>,
    %get3A_1239 = vector.shape_cast %get3A_1238 : vector<1x1x1x16xf32> to vector<16xf32>
    %get3A_1240 = arith.constant 1 : i32
    %get3A_1241 = arith.constant 3 : i32
    %get3A_1242 = arith.constant 7 : i32
    %get3A_1243 = arith.index_cast %get3A_1240 : i32 to index
    %get3A_1244 = arith.index_cast %get3A_1241 : i32 to index
    %get3A_1245 = arith.index_cast %get3A_1242 : i32 to index
    %get3A_1246 = arith.constant 0 : index
    %get3A_1247 = tpu.vector_load %arg8[%get3A_1243, %get3A_1244, %get3A_1245, %get3A_1246] {strides = array<i32>} : memref<2x4x16x16xf32, #tpu.memory_space<vmem>>, vector<1x1x1x16xf32>,
    %get3A_1248 = vector.shape_cast %get3A_1247 : vector<1x1x1x16xf32> to vector<16xf32>
    %get3A_1249 = arith.constant 1 : i32
    %get3A_1250 = arith.constant 3 : i32
    %get3A_1251 = arith.constant 8 : i32
    %get3A_1252 = arith.index_cast %get3A_1249 : i32 to index
    %get3A_1253 = arith.index_cast %get3A_1250 : i32 to index
    %get3A_1254 = arith.index_cast %get3A_1251 : i32 to index
    %get3A_1255 = arith.constant 0 : index
    %get3A_1256 = tpu.vector_load %arg8[%get3A_1252, %get3A_1253, %get3A_1254, %get3A_1255] {strides = array<i32>} : memref<2x4x16x16xf32, #tpu.memory_space<vmem>>, vector<1x1x1x16xf32>,
    %get3A_1257 = vector.shape_cast %get3A_1256 : vector<1x1x1x16xf32> to vector<16xf32>
    %get3A_1258 = arith.constant 1 : i32
    %get3A_1259 = arith.constant 3 : i32
    %get3A_1260 = arith.constant 9 : i32
    %get3A_1261 = arith.index_cast %get3A_1258 : i32 to index
    %get3A_1262 = arith.index_cast %get3A_1259 : i32 to index
    %get3A_1263 = arith.index_cast %get3A_1260 : i32 to index
    %get3A_1264 = arith.constant 0 : index
    %get3A_1265 = tpu.vector_load %arg8[%get3A_1261, %get3A_1262, %get3A_1263, %get3A_1264] {strides = array<i32>} : memref<2x4x16x16xf32, #tpu.memory_space<vmem>>, vector<1x1x1x16xf32>,
    %get3A_1266 = vector.shape_cast %get3A_1265 : vector<1x1x1x16xf32> to vector<16xf32>
    %get3A_1267 = arith.constant 1 : i32
    %get3A_1268 = arith.constant 3 : i32
    %get3A_1269 = arith.constant 10 : i32
    %get3A_1270 = arith.index_cast %get3A_1267 : i32 to index
    %get3A_1271 = arith.index_cast %get3A_1268 : i32 to index
    %get3A_1272 = arith.index_cast %get3A_1269 : i32 to index
    %get3A_1273 = arith.constant 0 : index
    %get3A_1274 = tpu.vector_load %arg8[%get3A_1270, %get3A_1271, %get3A_1272, %get3A_1273] {strides = array<i32>} : memref<2x4x16x16xf32, #tpu.memory_space<vmem>>, vector<1x1x1x16xf32>,
    %get3A_1275 = vector.shape_cast %get3A_1274 : vector<1x1x1x16xf32> to vector<16xf32>
    %get3A_1276 = arith.constant 1 : i32
    %get3A_1277 = arith.constant 3 : i32
    %get3A_1278 = arith.constant 11 : i32
    %get3A_1279 = arith.index_cast %get3A_1276 : i32 to index
    %get3A_1280 = arith.index_cast %get3A_1277 : i32 to index
    %get3A_1281 = arith.index_cast %get3A_1278 : i32 to index
    %get3A_1282 = arith.constant 0 : index
    %get3A_1283 = tpu.vector_load %arg8[%get3A_1279, %get3A_1280, %get3A_1281, %get3A_1282] {strides = array<i32>} : memref<2x4x16x16xf32, #tpu.memory_space<vmem>>, vector<1x1x1x16xf32>,
    %get3A_1284 = vector.shape_cast %get3A_1283 : vector<1x1x1x16xf32> to vector<16xf32>
    %get3A_1285 = arith.constant 1 : i32
    %get3A_1286 = arith.constant 3 : i32
    %get3A_1287 = arith.constant 12 : i32
    %get3A_1288 = arith.index_cast %get3A_1285 : i32 to index
    %get3A_1289 = arith.index_cast %get3A_1286 : i32 to index
    %get3A_1290 = arith.index_cast %get3A_1287 : i32 to index
    %get3A_1291 = arith.constant 0 : index
    %get3A_1292 = tpu.vector_load %arg8[%get3A_1288, %get3A_1289, %get3A_1290, %get3A_1291] {strides = array<i32>} : memref<2x4x16x16xf32, #tpu.memory_space<vmem>>, vector<1x1x1x16xf32>,
    %get3A_1293 = vector.shape_cast %get3A_1292 : vector<1x1x1x16xf32> to vector<16xf32>
    %get3A_1294 = arith.constant 1 : i32
    %get3A_1295 = arith.constant 3 : i32
    %get3A_1296 = arith.constant 13 : i32
    %get3A_1297 = arith.index_cast %get3A_1294 : i32 to index
    %get3A_1298 = arith.index_cast %get3A_1295 : i32 to index
    %get3A_1299 = arith.index_cast %get3A_1296 : i32 to index
    %get3A_1300 = arith.constant 0 : index
    %get3A_1301 = tpu.vector_load %arg8[%get3A_1297, %get3A_1298, %get3A_1299, %get3A_1300] {strides = array<i32>} : memref<2x4x16x16xf32, #tpu.memory_space<vmem>>, vector<1x1x1x16xf32>,
    %get3A_1302 = vector.shape_cast %get3A_1301 : vector<1x1x1x16xf32> to vector<16xf32>
    %get3A_1303 = arith.constant 1 : i32
    %get3A_1304 = arith.constant 3 : i32
    %get3A_1305 = arith.constant 14 : i32
    %get3A_1306 = arith.index_cast %get3A_1303 : i32 to index
    %get3A_1307 = arith.index_cast %get3A_1304 : i32 to index
    %get3A_1308 = arith.index_cast %get3A_1305 : i32 to index
    %get3A_1309 = arith.constant 0 : index
    %get3A_1310 = tpu.vector_load %arg8[%get3A_1306, %get3A_1307, %get3A_1308, %get3A_1309] {strides = array<i32>} : memref<2x4x16x16xf32, #tpu.memory_space<vmem>>, vector<1x1x1x16xf32>,
    %get3A_1311 = vector.shape_cast %get3A_1310 : vector<1x1x1x16xf32> to vector<16xf32>
    %get3A_1312 = arith.constant 1 : i32
    %get3A_1313 = arith.constant 3 : i32
    %get3A_1314 = arith.constant 15 : i32
    %get3A_1315 = arith.index_cast %get3A_1312 : i32 to index
    %get3A_1316 = arith.index_cast %get3A_1313 : i32 to index
    %get3A_1317 = arith.index_cast %get3A_1314 : i32 to index
    %get3A_1318 = arith.constant 0 : index
    %get3A_1319 = tpu.vector_load %arg8[%get3A_1315, %get3A_1316, %get3A_1317, %get3A_1318] {strides = array<i32>} : memref<2x4x16x16xf32, #tpu.memory_space<vmem>>, vector<1x1x1x16xf32>,
    %get3A_1320 = vector.shape_cast %get3A_1319 : vector<1x1x1x16xf32> to vector<16xf32>
    %scan3A_1321 = arith.constant 0 : i32
    %scan3A_1322 = arith.constant 0 : i32
    %scan3A_1323 = arith.constant 64 : i32
    %scan3A_1324 = arith.addi %scan3A_1322, %scan3A_1323 : i32
    %scan3A_1325 = arith.constant 1 : i32
    scf.for %scan3A_1341 = %scan3A_1322 to %scan3A_1324 step %scan3A_1325  : i32 {
      %mul3A_1342 = arith.constant 16 : i32
      %mul3A_1343 = arith.muli %scan3A_1341, %mul3A_1342 : i32
      %multiple_of3A = tpu.assume_multiple %mul3A_1343, 16 : i32
      %get3A_1344 = arith.constant 0 : i32
      %get3A_1345 = arith.index_cast %get3A_1344 : i32 to index
      %get3A_1346 = arith.index_cast %multiple_of3A : i32 to index
      %get3A_1347 = tpu.vector_load %arg10[%get3A_1345, %get3A_1346] {strides = array<i32>} : memref<16x1024xf32, #tpu.memory_space<vmem>>, vector<1x16xf32>,
      %get3A_1348 = vector.shape_cast %get3A_1347 : vector<1x16xf32> to vector<16xf32>
      %get3A_1349 = arith.constant 1 : i32
      %get3A_1350 = arith.constant 0 : i32
      %get3A_1351 = arith.index_cast %get3A_1349 : i32 to index
      %get3A_1352 = arith.index_cast %get3A_1350 : i32 to index
      %get3A_1353 = arith.index_cast %multiple_of3A : i32 to index
      %get3A_1354 = tpu.vector_load %arg9[%get3A_1351, %get3A_1352, %get3A_1353] {strides = array<i32>} : memref<2x32x1024xf32, #tpu.memory_space<vmem>>, vector<1x1x16xf32>,
      %get3A_1355 = vector.shape_cast %get3A_1354 : vector<1x1x16xf32> to vector<16xf32>
      %mul3A_1356 = arith.mulf %get3A_1041, %get3A_1355 : vector<16xf32>
      %add3A_1357 = arith.addf %get3A_1348, %mul3A_1356 : vector<16xf32>
      %get3A_1358 = arith.constant 1 : i32
      %get3A_1359 = arith.constant 16 : i32
      %get3A_1360 = arith.index_cast %get3A_1358 : i32 to index
      %get3A_1361 = arith.index_cast %get3A_1359 : i32 to index
      %get3A_1362 = arith.index_cast %multiple_of3A : i32 to index
      %get3A_1363 = tpu.vector_load %arg9[%get3A_1360, %get3A_1361, %get3A_1362] {strides = array<i32>} : memref<2x32x1024xf32, #tpu.memory_space<vmem>>, vector<1x1x16xf32>,
      %get3A_1364 = vector.shape_cast %get3A_1363 : vector<1x1x16xf32> to vector<16xf32>
      %mul3A_1365 = arith.mulf %get3A_1185, %get3A_1364 : vector<16xf32>
      %add3A_1366 = arith.addf %add3A_1357, %mul3A_1365 : vector<16xf32>
      %swap3A = arith.constant 0 : i32
      %swap3A_1367 = arith.index_cast %swap3A : i32 to index
      %swap3A_1368 = arith.index_cast %multiple_of3A : i32 to index
      %swap3A_1369 = tpu.vector_load %arg11[%swap3A_1367, %swap3A_1368] {strides = array<i32>} : memref<16x1024xf32, #tpu.memory_space<vmem>>, vector<1x16xf32>,
      %swap3A_1370 = vector.shape_cast %swap3A_1369 : vector<1x16xf32> to vector<16xf32>
      %swap3A_1371 = vector.shape_cast %add3A_1366 : vector<16xf32> to vector<1x16xf32>
      tpu.vector_store %arg11[%swap3A_1367, %swap3A_1368], %swap3A_1371 {strides = array<i32>} : memref<16x1024xf32, #tpu.memory_space<vmem>>, vector<1x16xf32>,
      %get3A_1372 = arith.constant 1 : i32
      %get3A_1373 = arith.index_cast %get3A_1372 : i32 to index
      %get3A_1374 = arith.index_cast %multiple_of3A : i32 to index
      %get3A_1375 = tpu.vector_load %arg10[%get3A_1373, %get3A_1374] {strides = array<i32>} : memref<16x1024xf32, #tpu.memory_space<vmem>>, vector<1x16xf32>,
      %get3A_1376 = vector.shape_cast %get3A_1375 : vector<1x16xf32> to vector<16xf32>
      %get3A_1377 = arith.constant 1 : i32
      %get3A_1378 = arith.constant 1 : i32
      %get3A_1379 = arith.index_cast %get3A_1377 : i32 to index
      %get3A_1380 = arith.index_cast %get3A_1378 : i32 to index
      %get3A_1381 = arith.index_cast %multiple_of3A : i32 to index
      %get3A_1382 = tpu.vector_load %arg9[%get3A_1379, %get3A_1380, %get3A_1381] {strides = array<i32>} : memref<2x32x1024xf32, #tpu.memory_space<vmem>>, vector<1x1x16xf32>,
      %get3A_1383 = vector.shape_cast %get3A_1382 : vector<1x1x16xf32> to vector<16xf32>
      %mul3A_1384 = arith.mulf %get3A_1050, %get3A_1383 : vector<16xf32>
      %add3A_1385 = arith.addf %get3A_1376, %mul3A_1384 : vector<16xf32>
      %get3A_1386 = arith.constant 1 : i32
      %get3A_1387 = arith.constant 17 : i32
      %get3A_1388 = arith.index_cast %get3A_1386 : i32 to index
      %get3A_1389 = arith.index_cast %get3A_1387 : i32 to index
      %get3A_1390 = arith.index_cast %multiple_of3A : i32 to index
      %get3A_1391 = tpu.vector_load %arg9[%get3A_1388, %get3A_1389, %get3A_1390] {strides = array<i32>} : memref<2x32x1024xf32, #tpu.memory_space<vmem>>, vector<1x1x16xf32>,
      %get3A_1392 = vector.shape_cast %get3A_1391 : vector<1x1x16xf32> to vector<16xf32>
      %mul3A_1393 = arith.mulf %get3A_1194, %get3A_1392 : vector<16xf32>
      %add3A_1394 = arith.addf %add3A_1385, %mul3A_1393 : vector<16xf32>
      %swap3A_1395 = arith.constant 1 : i32
      %swap3A_1396 = arith.index_cast %swap3A_1395 : i32 to index
      %swap3A_1397 = arith.index_cast %multiple_of3A : i32 to index
      %swap3A_1398 = tpu.vector_load %arg11[%swap3A_1396, %swap3A_1397] {strides = array<i32>} : memref<16x1024xf32, #tpu.memory_space<vmem>>, vector<1x16xf32>,
      %swap3A_1399 = vector.shape_cast %swap3A_1398 : vector<1x16xf32> to vector<16xf32>
      %swap3A_1400 = vector.shape_cast %add3A_1394 : vector<16xf32> to vector<1x16xf32>
      tpu.vector_store %arg11[%swap3A_1396, %swap3A_1397], %swap3A_1400 {strides = array<i32>} : memref<16x1024xf32, #tpu.memory_space<vmem>>, vector<1x16xf32>,
      %get3A_1401 = arith.constant 2 : i32
      %get3A_1402 = arith.index_cast %get3A_1401 : i32 to index
      %get3A_1403 = arith.index_cast %multiple_of3A : i32 to index
      %get3A_1404 = tpu.vector_load %arg10[%get3A_1402, %get3A_1403] {strides = array<i32>} : memref<16x1024xf32, #tpu.memory_space<vmem>>, vector<1x16xf32>,
      %get3A_1405 = vector.shape_cast %get3A_1404 : vector<1x16xf32> to vector<16xf32>
      %get3A_1406 = arith.constant 1 : i32
      %get3A_1407 = arith.constant 2 : i32
      %get3A_1408 = arith.index_cast %get3A_1406 : i32 to index
      %get3A_1409 = arith.index_cast %get3A_1407 : i32 to index
      %get3A_1410 = arith.index_cast %multiple_of3A : i32 to index
      %get3A_1411 = tpu.vector_load %arg9[%get3A_1408, %get3A_1409, %get3A_1410] {strides = array<i32>} : memref<2x32x1024xf32, #tpu.memory_space<vmem>>, vector<1x1x16xf32>,
      %get3A_1412 = vector.shape_cast %get3A_1411 : vector<1x1x16xf32> to vector<16xf32>
      %mul3A_1413 = arith.mulf %get3A_1059, %get3A_1412 : vector<16xf32>
      %add3A_1414 = arith.addf %get3A_1405, %mul3A_1413 : vector<16xf32>
      %get3A_1415 = arith.constant 1 : i32
      %get3A_1416 = arith.constant 18 : i32
      %get3A_1417 = arith.index_cast %get3A_1415 : i32 to index
      %get3A_1418 = arith.index_cast %get3A_1416 : i32 to index
      %get3A_1419 = arith.index_cast %multiple_of3A : i32 to index
      %get3A_1420 = tpu.vector_load %arg9[%get3A_1417, %get3A_1418, %get3A_1419] {strides = array<i32>} : memref<2x32x1024xf32, #tpu.memory_space<vmem>>, vector<1x1x16xf32>,
      %get3A_1421 = vector.shape_cast %get3A_1420 : vector<1x1x16xf32> to vector<16xf32>
      %mul3A_1422 = arith.mulf %get3A_1203, %get3A_1421 : vector<16xf32>
      %add3A_1423 = arith.addf %add3A_1414, %mul3A_1422 : vector<16xf32>
      %swap3A_1424 = arith.constant 2 : i32
      %swap3A_1425 = arith.index_cast %swap3A_1424 : i32 to index
      %swap3A_1426 = arith.index_cast %multiple_of3A : i32 to index
      %swap3A_1427 = tpu.vector_load %arg11[%swap3A_1425, %swap3A_1426] {strides = array<i32>} : memref<16x1024xf32, #tpu.memory_space<vmem>>, vector<1x16xf32>,
      %swap3A_1428 = vector.shape_cast %swap3A_1427 : vector<1x16xf32> to vector<16xf32>
      %swap3A_1429 = vector.shape_cast %add3A_1423 : vector<16xf32> to vector<1x16xf32>
      tpu.vector_store %arg11[%swap3A_1425, %swap3A_1426], %swap3A_1429 {strides = array<i32>} : memref<16x1024xf32, #tpu.memory_space<vmem>>, vector<1x16xf32>,
      %get3A_1430 = arith.constant 3 : i32
      %get3A_1431 = arith.index_cast %get3A_1430 : i32 to index
      %get3A_1432 = arith.index_cast %multiple_of3A : i32 to index
      %get3A_1433 = tpu.vector_load %arg10[%get3A_1431, %get3A_1432] {strides = array<i32>} : memref<16x1024xf32, #tpu.memory_space<vmem>>, vector<1x16xf32>,
      %get3A_1434 = vector.shape_cast %get3A_1433 : vector<1x16xf32> to vector<16xf32>
      %get3A_1435 = arith.constant 1 : i32
      %get3A_1436 = arith.constant 3 : i32
      %get3A_1437 = arith.index_cast %get3A_1435 : i32 to index
      %get3A_1438 = arith.index_cast %get3A_1436 : i32 to index
      %get3A_1439 = arith.index_cast %multiple_of3A : i32 to index
      %get3A_1440 = tpu.vector_load %arg9[%get3A_1437, %get3A_1438, %get3A_1439] {strides = array<i32>} : memref<2x32x1024xf32, #tpu.memory_space<vmem>>, vector<1x1x16xf32>,
      %get3A_1441 = vector.shape_cast %get3A_1440 : vector<1x1x16xf32> to vector<16xf32>
      %mul3A_1442 = arith.mulf %get3A_1068, %get3A_1441 : vector<16xf32>
      %add3A_1443 = arith.addf %get3A_1434, %mul3A_1442 : vector<16xf32>
      %get3A_1444 = arith.constant 1 : i32
      %get3A_1445 = arith.constant 19 : i32
      %get3A_1446 = arith.index_cast %get3A_1444 : i32 to index
      %get3A_1447 = arith.index_cast %get3A_1445 : i32 to index
      %get3A_1448 = arith.index_cast %multiple_of3A : i32 to index
      %get3A_1449 = tpu.vector_load %arg9[%get3A_1446, %get3A_1447, %get3A_1448] {strides = array<i32>} : memref<2x32x1024xf32, #tpu.memory_space<vmem>>, vector<1x1x16xf32>,
      %get3A_1450 = vector.shape_cast %get3A_1449 : vector<1x1x16xf32> to vector<16xf32>
      %mul3A_1451 = arith.mulf %get3A_1212, %get3A_1450 : vector<16xf32>
      %add3A_1452 = arith.addf %add3A_1443, %mul3A_1451 : vector<16xf32>
      %swap3A_1453 = arith.constant 3 : i32
      %swap3A_1454 = arith.index_cast %swap3A_1453 : i32 to index
      %swap3A_1455 = arith.index_cast %multiple_of3A : i32 to index
      %swap3A_1456 = tpu.vector_load %arg11[%swap3A_1454, %swap3A_1455] {strides = array<i32>} : memref<16x1024xf32, #tpu.memory_space<vmem>>, vector<1x16xf32>,
      %swap3A_1457 = vector.shape_cast %swap3A_1456 : vector<1x16xf32> to vector<16xf32>
      %swap3A_1458 = vector.shape_cast %add3A_1452 : vector<16xf32> to vector<1x16xf32>
      tpu.vector_store %arg11[%swap3A_1454, %swap3A_1455], %swap3A_1458 {strides = array<i32>} : memref<16x1024xf32, #tpu.memory_space<vmem>>, vector<1x16xf32>,
      %get3A_1459 = arith.constant 4 : i32
      %get3A_1460 = arith.index_cast %get3A_1459 : i32 to index
      %get3A_1461 = arith.index_cast %multiple_of3A : i32 to index
      %get3A_1462 = tpu.vector_load %arg10[%get3A_1460, %get3A_1461] {strides = array<i32>} : memref<16x1024xf32, #tpu.memory_space<vmem>>, vector<1x16xf32>,
      %get3A_1463 = vector.shape_cast %get3A_1462 : vector<1x16xf32> to vector<16xf32>
      %get3A_1464 = arith.constant 1 : i32
      %get3A_1465 = arith.constant 4 : i32
      %get3A_1466 = arith.index_cast %get3A_1464 : i32 to index
      %get3A_1467 = arith.index_cast %get3A_1465 : i32 to index
      %get3A_1468 = arith.index_cast %multiple_of3A : i32 to index
      %get3A_1469 = tpu.vector_load %arg9[%get3A_1466, %get3A_1467, %get3A_1468] {strides = array<i32>} : memref<2x32x1024xf32, #tpu.memory_space<vmem>>, vector<1x1x16xf32>,
      %get3A_1470 = vector.shape_cast %get3A_1469 : vector<1x1x16xf32> to vector<16xf32>
      %mul3A_1471 = arith.mulf %get3A_1077, %get3A_1470 : vector<16xf32>
      %add3A_1472 = arith.addf %get3A_1463, %mul3A_1471 : vector<16xf32>
      %get3A_1473 = arith.constant 1 : i32
      %get3A_1474 = arith.constant 20 : i32
      %get3A_1475 = arith.index_cast %get3A_1473 : i32 to index
      %get3A_1476 = arith.index_cast %get3A_1474 : i32 to index
      %get3A_1477 = arith.index_cast %multiple_of3A : i32 to index
      %get3A_1478 = tpu.vector_load %arg9[%get3A_1475, %get3A_1476, %get3A_1477] {strides = array<i32>} : memref<2x32x1024xf32, #tpu.memory_space<vmem>>, vector<1x1x16xf32>,
      %get3A_1479 = vector.shape_cast %get3A_1478 : vector<1x1x16xf32> to vector<16xf32>
      %mul3A_1480 = arith.mulf %get3A_1221, %get3A_1479 : vector<16xf32>
      %add3A_1481 = arith.addf %add3A_1472, %mul3A_1480 : vector<16xf32>
      %swap3A_1482 = arith.constant 4 : i32
      %swap3A_1483 = arith.index_cast %swap3A_1482 : i32 to index
      %swap3A_1484 = arith.index_cast %multiple_of3A : i32 to index
      %swap3A_1485 = tpu.vector_load %arg11[%swap3A_1483, %swap3A_1484] {strides = array<i32>} : memref<16x1024xf32, #tpu.memory_space<vmem>>, vector<1x16xf32>,
      %swap3A_1486 = vector.shape_cast %swap3A_1485 : vector<1x16xf32> to vector<16xf32>
      %swap3A_1487 = vector.shape_cast %add3A_1481 : vector<16xf32> to vector<1x16xf32>
      tpu.vector_store %arg11[%swap3A_1483, %swap3A_1484], %swap3A_1487 {strides = array<i32>} : memref<16x1024xf32, #tpu.memory_space<vmem>>, vector<1x16xf32>,
      %get3A_1488 = arith.constant 5 : i32
      %get3A_1489 = arith.index_cast %get3A_1488 : i32 to index
      %get3A_1490 = arith.index_cast %multiple_of3A : i32 to index
      %get3A_1491 = tpu.vector_load %arg10[%get3A_1489, %get3A_1490] {strides = array<i32>} : memref<16x1024xf32, #tpu.memory_space<vmem>>, vector<1x16xf32>,
      %get3A_1492 = vector.shape_cast %get3A_1491 : vector<1x16xf32> to vector<16xf32>
      %get3A_1493 = arith.constant 1 : i32
      %get3A_1494 = arith.constant 5 : i32
      %get3A_1495 = arith.index_cast %get3A_1493 : i32 to index
      %get3A_1496 = arith.index_cast %get3A_1494 : i32 to index
      %get3A_1497 = arith.index_cast %multiple_of3A : i32 to index
      %get3A_1498 = tpu.vector_load %arg9[%get3A_1495, %get3A_1496, %get3A_1497] {strides = array<i32>} : memref<2x32x1024xf32, #tpu.memory_space<vmem>>, vector<1x1x16xf32>,
      %get3A_1499 = vector.shape_cast %get3A_1498 : vector<1x1x16xf32> to vector<16xf32>
      %mul3A_1500 = arith.mulf %get3A_1086, %get3A_1499 : vector<16xf32>
      %add3A_1501 = arith.addf %get3A_1492, %mul3A_1500 : vector<16xf32>
      %get3A_1502 = arith.constant 1 : i32
      %get3A_1503 = arith.constant 21 : i32
      %get3A_1504 = arith.index_cast %get3A_1502 : i32 to index
      %get3A_1505 = arith.index_cast %get3A_1503 : i32 to index
      %get3A_1506 = arith.index_cast %multiple_of3A : i32 to index
      %get3A_1507 = tpu.vector_load %arg9[%get3A_1504, %get3A_1505, %get3A_1506] {strides = array<i32>} : memref<2x32x1024xf32, #tpu.memory_space<vmem>>, vector<1x1x16xf32>,
      %get3A_1508 = vector.shape_cast %get3A_1507 : vector<1x1x16xf32> to vector<16xf32>
      %mul3A_1509 = arith.mulf %get3A_1230, %get3A_1508 : vector<16xf32>
      %add3A_1510 = arith.addf %add3A_1501, %mul3A_1509 : vector<16xf32>
      %swap3A_1511 = arith.constant 5 : i32
      %swap3A_1512 = arith.index_cast %swap3A_1511 : i32 to index
      %swap3A_1513 = arith.index_cast %multiple_of3A : i32 to index
      %swap3A_1514 = tpu.vector_load %arg11[%swap3A_1512, %swap3A_1513] {strides = array<i32>} : memref<16x1024xf32, #tpu.memory_space<vmem>>, vector<1x16xf32>,
      %swap3A_1515 = vector.shape_cast %swap3A_1514 : vector<1x16xf32> to vector<16xf32>
      %swap3A_1516 = vector.shape_cast %add3A_1510 : vector<16xf32> to vector<1x16xf32>
      tpu.vector_store %arg11[%swap3A_1512, %swap3A_1513], %swap3A_1516 {strides = array<i32>} : memref<16x1024xf32, #tpu.memory_space<vmem>>, vector<1x16xf32>,
      %get3A_1517 = arith.constant 6 : i32
      %get3A_1518 = arith.index_cast %get3A_1517 : i32 to index
      %get3A_1519 = arith.index_cast %multiple_of3A : i32 to index
      %get3A_1520 = tpu.vector_load %arg10[%get3A_1518, %get3A_1519] {strides = array<i32>} : memref<16x1024xf32, #tpu.memory_space<vmem>>, vector<1x16xf32>,
      %get3A_1521 = vector.shape_cast %get3A_1520 : vector<1x16xf32> to vector<16xf32>
      %get3A_1522 = arith.constant 1 : i32
      %get3A_1523 = arith.constant 6 : i32
      %get3A_1524 = arith.index_cast %get3A_1522 : i32 to index
      %get3A_1525 = arith.index_cast %get3A_1523 : i32 to index
      %get3A_1526 = arith.index_cast %multiple_of3A : i32 to index
      %get3A_1527 = tpu.vector_load %arg9[%get3A_1524, %get3A_1525, %get3A_1526] {strides = array<i32>} : memref<2x32x1024xf32, #tpu.memory_space<vmem>>, vector<1x1x16xf32>,
      %get3A_1528 = vector.shape_cast %get3A_1527 : vector<1x1x16xf32> to vector<16xf32>
      %mul3A_1529 = arith.mulf %get3A_1095, %get3A_1528 : vector<16xf32>
      %add3A_1530 = arith.addf %get3A_1521, %mul3A_1529 : vector<16xf32>
      %get3A_1531 = arith.constant 1 : i32
      %get3A_1532 = arith.constant 22 : i32
      %get3A_1533 = arith.index_cast %get3A_1531 : i32 to index
      %get3A_1534 = arith.index_cast %get3A_1532 : i32 to index
      %get3A_1535 = arith.index_cast %multiple_of3A : i32 to index
      %get3A_1536 = tpu.vector_load %arg9[%get3A_1533, %get3A_1534, %get3A_1535] {strides = array<i32>} : memref<2x32x1024xf32, #tpu.memory_space<vmem>>, vector<1x1x16xf32>,
      %get3A_1537 = vector.shape_cast %get3A_1536 : vector<1x1x16xf32> to vector<16xf32>
      %mul3A_1538 = arith.mulf %get3A_1239, %get3A_1537 : vector<16xf32>
      %add3A_1539 = arith.addf %add3A_1530, %mul3A_1538 : vector<16xf32>
      %swap3A_1540 = arith.constant 6 : i32
      %swap3A_1541 = arith.index_cast %swap3A_1540 : i32 to index
      %swap3A_1542 = arith.index_cast %multiple_of3A : i32 to index
      %swap3A_1543 = tpu.vector_load %arg11[%swap3A_1541, %swap3A_1542] {strides = array<i32>} : memref<16x1024xf32, #tpu.memory_space<vmem>>, vector<1x16xf32>,
      %swap3A_1544 = vector.shape_cast %swap3A_1543 : vector<1x16xf32> to vector<16xf32>
      %swap3A_1545 = vector.shape_cast %add3A_1539 : vector<16xf32> to vector<1x16xf32>
      tpu.vector_store %arg11[%swap3A_1541, %swap3A_1542], %swap3A_1545 {strides = array<i32>} : memref<16x1024xf32, #tpu.memory_space<vmem>>, vector<1x16xf32>,
      %get3A_1546 = arith.constant 7 : i32
      %get3A_1547 = arith.index_cast %get3A_1546 : i32 to index
      %get3A_1548 = arith.index_cast %multiple_of3A : i32 to index
      %get3A_1549 = tpu.vector_load %arg10[%get3A_1547, %get3A_1548] {strides = array<i32>} : memref<16x1024xf32, #tpu.memory_space<vmem>>, vector<1x16xf32>,
      %get3A_1550 = vector.shape_cast %get3A_1549 : vector<1x16xf32> to vector<16xf32>
      %get3A_1551 = arith.constant 1 : i32
      %get3A_1552 = arith.constant 7 : i32
      %get3A_1553 = arith.index_cast %get3A_1551 : i32 to index
      %get3A_1554 = arith.index_cast %get3A_1552 : i32 to index
      %get3A_1555 = arith.index_cast %multiple_of3A : i32 to index
      %get3A_1556 = tpu.vector_load %arg9[%get3A_1553, %get3A_1554, %get3A_1555] {strides = array<i32>} : memref<2x32x1024xf32, #tpu.memory_space<vmem>>, vector<1x1x16xf32>,
      %get3A_1557 = vector.shape_cast %get3A_1556 : vector<1x1x16xf32> to vector<16xf32>
      %mul3A_1558 = arith.mulf %get3A_1104, %get3A_1557 : vector<16xf32>
      %add3A_1559 = arith.addf %get3A_1550, %mul3A_1558 : vector<16xf32>
      %get3A_1560 = arith.constant 1 : i32
      %get3A_1561 = arith.constant 23 : i32
      %get3A_1562 = arith.index_cast %get3A_1560 : i32 to index
      %get3A_1563 = arith.index_cast %get3A_1561 : i32 to index
      %get3A_1564 = arith.index_cast %multiple_of3A : i32 to index
      %get3A_1565 = tpu.vector_load %arg9[%get3A_1562, %get3A_1563, %get3A_1564] {strides = array<i32>} : memref<2x32x1024xf32, #tpu.memory_space<vmem>>, vector<1x1x16xf32>,
      %get3A_1566 = vector.shape_cast %get3A_1565 : vector<1x1x16xf32> to vector<16xf32>
      %mul3A_1567 = arith.mulf %get3A_1248, %get3A_1566 : vector<16xf32>
      %add3A_1568 = arith.addf %add3A_1559, %mul3A_1567 : vector<16xf32>
      %swap3A_1569 = arith.constant 7 : i32
      %swap3A_1570 = arith.index_cast %swap3A_1569 : i32 to index
      %swap3A_1571 = arith.index_cast %multiple_of3A : i32 to index
      %swap3A_1572 = tpu.vector_load %arg11[%swap3A_1570, %swap3A_1571] {strides = array<i32>} : memref<16x1024xf32, #tpu.memory_space<vmem>>, vector<1x16xf32>,
      %swap3A_1573 = vector.shape_cast %swap3A_1572 : vector<1x16xf32> to vector<16xf32>
      %swap3A_1574 = vector.shape_cast %add3A_1568 : vector<16xf32> to vector<1x16xf32>
      tpu.vector_store %arg11[%swap3A_1570, %swap3A_1571], %swap3A_1574 {strides = array<i32>} : memref<16x1024xf32, #tpu.memory_space<vmem>>, vector<1x16xf32>,
      %get3A_1575 = arith.constant 8 : i32
      %get3A_1576 = arith.index_cast %get3A_1575 : i32 to index
      %get3A_1577 = arith.index_cast %multiple_of3A : i32 to index
      %get3A_1578 = tpu.vector_load %arg10[%get3A_1576, %get3A_1577] {strides = array<i32>} : memref<16x1024xf32, #tpu.memory_space<vmem>>, vector<1x16xf32>,
      %get3A_1579 = vector.shape_cast %get3A_1578 : vector<1x16xf32> to vector<16xf32>
      %get3A_1580 = arith.constant 1 : i32
      %get3A_1581 = arith.constant 8 : i32
      %get3A_1582 = arith.index_cast %get3A_1580 : i32 to index
      %get3A_1583 = arith.index_cast %get3A_1581 : i32 to index
      %get3A_1584 = arith.index_cast %multiple_of3A : i32 to index
      %get3A_1585 = tpu.vector_load %arg9[%get3A_1582, %get3A_1583, %get3A_1584] {strides = array<i32>} : memref<2x32x1024xf32, #tpu.memory_space<vmem>>, vector<1x1x16xf32>,
      %get3A_1586 = vector.shape_cast %get3A_1585 : vector<1x1x16xf32> to vector<16xf32>
      %mul3A_1587 = arith.mulf %get3A_1113, %get3A_1586 : vector<16xf32>
      %add3A_1588 = arith.addf %get3A_1579, %mul3A_1587 : vector<16xf32>
      %get3A_1589 = arith.constant 1 : i32
      %get3A_1590 = arith.constant 24 : i32
      %get3A_1591 = arith.index_cast %get3A_1589 : i32 to index
      %get3A_1592 = arith.index_cast %get3A_1590 : i32 to index
      %get3A_1593 = arith.index_cast %multiple_of3A : i32 to index
      %get3A_1594 = tpu.vector_load %arg9[%get3A_1591, %get3A_1592, %get3A_1593] {strides = array<i32>} : memref<2x32x1024xf32, #tpu.memory_space<vmem>>, vector<1x1x16xf32>,
      %get3A_1595 = vector.shape_cast %get3A_1594 : vector<1x1x16xf32> to vector<16xf32>
      %mul3A_1596 = arith.mulf %get3A_1257, %get3A_1595 : vector<16xf32>
      %add3A_1597 = arith.addf %add3A_1588, %mul3A_1596 : vector<16xf32>
      %swap3A_1598 = arith.constant 8 : i32
      %swap3A_1599 = arith.index_cast %swap3A_1598 : i32 to index
      %swap3A_1600 = arith.index_cast %multiple_of3A : i32 to index
      %swap3A_1601 = tpu.vector_load %arg11[%swap3A_1599, %swap3A_1600] {strides = array<i32>} : memref<16x1024xf32, #tpu.memory_space<vmem>>, vector<1x16xf32>,
      %swap3A_1602 = vector.shape_cast %swap3A_1601 : vector<1x16xf32> to vector<16xf32>
      %swap3A_1603 = vector.shape_cast %add3A_1597 : vector<16xf32> to vector<1x16xf32>
      tpu.vector_store %arg11[%swap3A_1599, %swap3A_1600], %swap3A_1603 {strides = array<i32>} : memref<16x1024xf32, #tpu.memory_space<vmem>>, vector<1x16xf32>,
      %get3A_1604 = arith.constant 9 : i32
      %get3A_1605 = arith.index_cast %get3A_1604 : i32 to index
      %get3A_1606 = arith.index_cast %multiple_of3A : i32 to index
      %get3A_1607 = tpu.vector_load %arg10[%get3A_1605, %get3A_1606] {strides = array<i32>} : memref<16x1024xf32, #tpu.memory_space<vmem>>, vector<1x16xf32>,
      %get3A_1608 = vector.shape_cast %get3A_1607 : vector<1x16xf32> to vector<16xf32>
      %get3A_1609 = arith.constant 1 : i32
      %get3A_1610 = arith.constant 9 : i32
      %get3A_1611 = arith.index_cast %get3A_1609 : i32 to index
      %get3A_1612 = arith.index_cast %get3A_1610 : i32 to index
      %get3A_1613 = arith.index_cast %multiple_of3A : i32 to index
      %get3A_1614 = tpu.vector_load %arg9[%get3A_1611, %get3A_1612, %get3A_1613] {strides = array<i32>} : memref<2x32x1024xf32, #tpu.memory_space<vmem>>, vector<1x1x16xf32>,
      %get3A_1615 = vector.shape_cast %get3A_1614 : vector<1x1x16xf32> to vector<16xf32>
      %mul3A_1616 = arith.mulf %get3A_1122, %get3A_1615 : vector<16xf32>
      %add3A_1617 = arith.addf %get3A_1608, %mul3A_1616 : vector<16xf32>
      %get3A_1618 = arith.constant 1 : i32
      %get3A_1619 = arith.constant 25 : i32
      %get3A_1620 = arith.index_cast %get3A_1618 : i32 to index
      %get3A_1621 = arith.index_cast %get3A_1619 : i32 to index
      %get3A_1622 = arith.index_cast %multiple_of3A : i32 to index
      %get3A_1623 = tpu.vector_load %arg9[%get3A_1620, %get3A_1621, %get3A_1622] {strides = array<i32>} : memref<2x32x1024xf32, #tpu.memory_space<vmem>>, vector<1x1x16xf32>,
      %get3A_1624 = vector.shape_cast %get3A_1623 : vector<1x1x16xf32> to vector<16xf32>
      %mul3A_1625 = arith.mulf %get3A_1266, %get3A_1624 : vector<16xf32>
      %add3A_1626 = arith.addf %add3A_1617, %mul3A_1625 : vector<16xf32>
      %swap3A_1627 = arith.constant 9 : i32
      %swap3A_1628 = arith.index_cast %swap3A_1627 : i32 to index
      %swap3A_1629 = arith.index_cast %multiple_of3A : i32 to index
      %swap3A_1630 = tpu.vector_load %arg11[%swap3A_1628, %swap3A_1629] {strides = array<i32>} : memref<16x1024xf32, #tpu.memory_space<vmem>>, vector<1x16xf32>,
      %swap3A_1631 = vector.shape_cast %swap3A_1630 : vector<1x16xf32> to vector<16xf32>
      %swap3A_1632 = vector.shape_cast %add3A_1626 : vector<16xf32> to vector<1x16xf32>
      tpu.vector_store %arg11[%swap3A_1628, %swap3A_1629], %swap3A_1632 {strides = array<i32>} : memref<16x1024xf32, #tpu.memory_space<vmem>>, vector<1x16xf32>,
      %get3A_1633 = arith.constant 10 : i32
      %get3A_1634 = arith.index_cast %get3A_1633 : i32 to index
      %get3A_1635 = arith.index_cast %multiple_of3A : i32 to index
      %get3A_1636 = tpu.vector_load %arg10[%get3A_1634, %get3A_1635] {strides = array<i32>} : memref<16x1024xf32, #tpu.memory_space<vmem>>, vector<1x16xf32>,
      %get3A_1637 = vector.shape_cast %get3A_1636 : vector<1x16xf32> to vector<16xf32>
      %get3A_1638 = arith.constant 1 : i32
      %get3A_1639 = arith.constant 10 : i32
      %get3A_1640 = arith.index_cast %get3A_1638 : i32 to index
      %get3A_1641 = arith.index_cast %get3A_1639 : i32 to index
      %get3A_1642 = arith.index_cast %multiple_of3A : i32 to index
      %get3A_1643 = tpu.vector_load %arg9[%get3A_1640, %get3A_1641, %get3A_1642] {strides = array<i32>} : memref<2x32x1024xf32, #tpu.memory_space<vmem>>, vector<1x1x16xf32>,
      %get3A_1644 = vector.shape_cast %get3A_1643 : vector<1x1x16xf32> to vector<16xf32>
      %mul3A_1645 = arith.mulf %get3A_1131, %get3A_1644 : vector<16xf32>
      %add3A_1646 = arith.addf %get3A_1637, %mul3A_1645 : vector<16xf32>
      %get3A_1647 = arith.constant 1 : i32
      %get3A_1648 = arith.constant 26 : i32
      %get3A_1649 = arith.index_cast %get3A_1647 : i32 to index
      %get3A_1650 = arith.index_cast %get3A_1648 : i32 to index
      %get3A_1651 = arith.index_cast %multiple_of3A : i32 to index
      %get3A_1652 = tpu.vector_load %arg9[%get3A_1649, %get3A_1650, %get3A_1651] {strides = array<i32>} : memref<2x32x1024xf32, #tpu.memory_space<vmem>>, vector<1x1x16xf32>,
      %get3A_1653 = vector.shape_cast %get3A_1652 : vector<1x1x16xf32> to vector<16xf32>
      %mul3A_1654 = arith.mulf %get3A_1275, %get3A_1653 : vector<16xf32>
      %add3A_1655 = arith.addf %add3A_1646, %mul3A_1654 : vector<16xf32>
      %swap3A_1656 = arith.constant 10 : i32
      %swap3A_1657 = arith.index_cast %swap3A_1656 : i32 to index
      %swap3A_1658 = arith.index_cast %multiple_of3A : i32 to index
      %swap3A_1659 = tpu.vector_load %arg11[%swap3A_1657, %swap3A_1658] {strides = array<i32>} : memref<16x1024xf32, #tpu.memory_space<vmem>>, vector<1x16xf32>,
      %swap3A_1660 = vector.shape_cast %swap3A_1659 : vector<1x16xf32> to vector<16xf32>
      %swap3A_1661 = vector.shape_cast %add3A_1655 : vector<16xf32> to vector<1x16xf32>
      tpu.vector_store %arg11[%swap3A_1657, %swap3A_1658], %swap3A_1661 {strides = array<i32>} : memref<16x1024xf32, #tpu.memory_space<vmem>>, vector<1x16xf32>,
      %get3A_1662 = arith.constant 11 : i32
      %get3A_1663 = arith.index_cast %get3A_1662 : i32 to index
      %get3A_1664 = arith.index_cast %multiple_of3A : i32 to index
      %get3A_1665 = tpu.vector_load %arg10[%get3A_1663, %get3A_1664] {strides = array<i32>} : memref<16x1024xf32, #tpu.memory_space<vmem>>, vector<1x16xf32>,
      %get3A_1666 = vector.shape_cast %get3A_1665 : vector<1x16xf32> to vector<16xf32>
      %get3A_1667 = arith.constant 1 : i32
      %get3A_1668 = arith.constant 11 : i32
      %get3A_1669 = arith.index_cast %get3A_1667 : i32 to index
      %get3A_1670 = arith.index_cast %get3A_1668 : i32 to index
      %get3A_1671 = arith.index_cast %multiple_of3A : i32 to index
      %get3A_1672 = tpu.vector_load %arg9[%get3A_1669, %get3A_1670, %get3A_1671] {strides = array<i32>} : memref<2x32x1024xf32, #tpu.memory_space<vmem>>, vector<1x1x16xf32>,
      %get3A_1673 = vector.shape_cast %get3A_1672 : vector<1x1x16xf32> to vector<16xf32>
      %mul3A_1674 = arith.mulf %get3A_1140, %get3A_1673 : vector<16xf32>
      %add3A_1675 = arith.addf %get3A_1666, %mul3A_1674 : vector<16xf32>
      %get3A_1676 = arith.constant 1 : i32
      %get3A_1677 = arith.constant 27 : i32
      %get3A_1678 = arith.index_cast %get3A_1676 : i32 to index
      %get3A_1679 = arith.index_cast %get3A_1677 : i32 to index
      %get3A_1680 = arith.index_cast %multiple_of3A : i32 to index
      %get3A_1681 = tpu.vector_load %arg9[%get3A_1678, %get3A_1679, %get3A_1680] {strides = array<i32>} : memref<2x32x1024xf32, #tpu.memory_space<vmem>>, vector<1x1x16xf32>,
      %get3A_1682 = vector.shape_cast %get3A_1681 : vector<1x1x16xf32> to vector<16xf32>
      %mul3A_1683 = arith.mulf %get3A_1284, %get3A_1682 : vector<16xf32>
      %add3A_1684 = arith.addf %add3A_1675, %mul3A_1683 : vector<16xf32>
      %swap3A_1685 = arith.constant 11 : i32
      %swap3A_1686 = arith.index_cast %swap3A_1685 : i32 to index
      %swap3A_1687 = arith.index_cast %multiple_of3A : i32 to index
      %swap3A_1688 = tpu.vector_load %arg11[%swap3A_1686, %swap3A_1687] {strides = array<i32>} : memref<16x1024xf32, #tpu.memory_space<vmem>>, vector<1x16xf32>,
      %swap3A_1689 = vector.shape_cast %swap3A_1688 : vector<1x16xf32> to vector<16xf32>
      %swap3A_1690 = vector.shape_cast %add3A_1684 : vector<16xf32> to vector<1x16xf32>
      tpu.vector_store %arg11[%swap3A_1686, %swap3A_1687], %swap3A_1690 {strides = array<i32>} : memref<16x1024xf32, #tpu.memory_space<vmem>>, vector<1x16xf32>,
      %get3A_1691 = arith.constant 12 : i32
      %get3A_1692 = arith.index_cast %get3A_1691 : i32 to index
      %get3A_1693 = arith.index_cast %multiple_of3A : i32 to index
      %get3A_1694 = tpu.vector_load %arg10[%get3A_1692, %get3A_1693] {strides = array<i32>} : memref<16x1024xf32, #tpu.memory_space<vmem>>, vector<1x16xf32>,
      %get3A_1695 = vector.shape_cast %get3A_1694 : vector<1x16xf32> to vector<16xf32>
      %get3A_1696 = arith.constant 1 : i32
      %get3A_1697 = arith.constant 12 : i32
      %get3A_1698 = arith.index_cast %get3A_1696 : i32 to index
      %get3A_1699 = arith.index_cast %get3A_1697 : i32 to index
      %get3A_1700 = arith.index_cast %multiple_of3A : i32 to index
      %get3A_1701 = tpu.vector_load %arg9[%get3A_1698, %get3A_1699, %get3A_1700] {strides = array<i32>} : memref<2x32x1024xf32, #tpu.memory_space<vmem>>, vector<1x1x16xf32>,
      %get3A_1702 = vector.shape_cast %get3A_1701 : vector<1x1x16xf32> to vector<16xf32>
      %mul3A_1703 = arith.mulf %get3A_1149, %get3A_1702 : vector<16xf32>
      %add3A_1704 = arith.addf %get3A_1695, %mul3A_1703 : vector<16xf32>
      %get3A_1705 = arith.constant 1 : i32
      %get3A_1706 = arith.constant 28 : i32
      %get3A_1707 = arith.index_cast %get3A_1705 : i32 to index
      %get3A_1708 = arith.index_cast %get3A_1706 : i32 to index
      %get3A_1709 = arith.index_cast %multiple_of3A : i32 to index
      %get3A_1710 = tpu.vector_load %arg9[%get3A_1707, %get3A_1708, %get3A_1709] {strides = array<i32>} : memref<2x32x1024xf32, #tpu.memory_space<vmem>>, vector<1x1x16xf32>,
      %get3A_1711 = vector.shape_cast %get3A_1710 : vector<1x1x16xf32> to vector<16xf32>
      %mul3A_1712 = arith.mulf %get3A_1293, %get3A_1711 : vector<16xf32>
      %add3A_1713 = arith.addf %add3A_1704, %mul3A_1712 : vector<16xf32>
      %swap3A_1714 = arith.constant 12 : i32
      %swap3A_1715 = arith.index_cast %swap3A_1714 : i32 to index
      %swap3A_1716 = arith.index_cast %multiple_of3A : i32 to index
      %swap3A_1717 = tpu.vector_load %arg11[%swap3A_1715, %swap3A_1716] {strides = array<i32>} : memref<16x1024xf32, #tpu.memory_space<vmem>>, vector<1x16xf32>,
      %swap3A_1718 = vector.shape_cast %swap3A_1717 : vector<1x16xf32> to vector<16xf32>
      %swap3A_1719 = vector.shape_cast %add3A_1713 : vector<16xf32> to vector<1x16xf32>
      tpu.vector_store %arg11[%swap3A_1715, %swap3A_1716], %swap3A_1719 {strides = array<i32>} : memref<16x1024xf32, #tpu.memory_space<vmem>>, vector<1x16xf32>,
      %get3A_1720 = arith.constant 13 : i32
      %get3A_1721 = arith.index_cast %get3A_1720 : i32 to index
      %get3A_1722 = arith.index_cast %multiple_of3A : i32 to index
      %get3A_1723 = tpu.vector_load %arg10[%get3A_1721, %get3A_1722] {strides = array<i32>} : memref<16x1024xf32, #tpu.memory_space<vmem>>, vector<1x16xf32>,
      %get3A_1724 = vector.shape_cast %get3A_1723 : vector<1x16xf32> to vector<16xf32>
      %get3A_1725 = arith.constant 1 : i32
      %get3A_1726 = arith.constant 13 : i32
      %get3A_1727 = arith.index_cast %get3A_1725 : i32 to index
      %get3A_1728 = arith.index_cast %get3A_1726 : i32 to index
      %get3A_1729 = arith.index_cast %multiple_of3A : i32 to index
      %get3A_1730 = tpu.vector_load %arg9[%get3A_1727, %get3A_1728, %get3A_1729] {strides = array<i32>} : memref<2x32x1024xf32, #tpu.memory_space<vmem>>, vector<1x1x16xf32>,
      %get3A_1731 = vector.shape_cast %get3A_1730 : vector<1x1x16xf32> to vector<16xf32>
      %mul3A_1732 = arith.mulf %get3A_1158, %get3A_1731 : vector<16xf32>
      %add3A_1733 = arith.addf %get3A_1724, %mul3A_1732 : vector<16xf32>
      %get3A_1734 = arith.constant 1 : i32
      %get3A_1735 = arith.constant 29 : i32
      %get3A_1736 = arith.index_cast %get3A_1734 : i32 to index
      %get3A_1737 = arith.index_cast %get3A_1735 : i32 to index
      %get3A_1738 = arith.index_cast %multiple_of3A : i32 to index
      %get3A_1739 = tpu.vector_load %arg9[%get3A_1736, %get3A_1737, %get3A_1738] {strides = array<i32>} : memref<2x32x1024xf32, #tpu.memory_space<vmem>>, vector<1x1x16xf32>,
      %get3A_1740 = vector.shape_cast %get3A_1739 : vector<1x1x16xf32> to vector<16xf32>
      %mul3A_1741 = arith.mulf %get3A_1302, %get3A_1740 : vector<16xf32>
      %add3A_1742 = arith.addf %add3A_1733, %mul3A_1741 : vector<16xf32>
      %swap3A_1743 = arith.constant 13 : i32
      %swap3A_1744 = arith.index_cast %swap3A_1743 : i32 to index
      %swap3A_1745 = arith.index_cast %multiple_of3A : i32 to index
      %swap3A_1746 = tpu.vector_load %arg11[%swap3A_1744, %swap3A_1745] {strides = array<i32>} : memref<16x1024xf32, #tpu.memory_space<vmem>>, vector<1x16xf32>,
      %swap3A_1747 = vector.shape_cast %swap3A_1746 : vector<1x16xf32> to vector<16xf32>
      %swap3A_1748 = vector.shape_cast %add3A_1742 : vector<16xf32> to vector<1x16xf32>
      tpu.vector_store %arg11[%swap3A_1744, %swap3A_1745], %swap3A_1748 {strides = array<i32>} : memref<16x1024xf32, #tpu.memory_space<vmem>>, vector<1x16xf32>,
      %get3A_1749 = arith.constant 14 : i32
      %get3A_1750 = arith.index_cast %get3A_1749 : i32 to index
      %get3A_1751 = arith.index_cast %multiple_of3A : i32 to index
      %get3A_1752 = tpu.vector_load %arg10[%get3A_1750, %get3A_1751] {strides = array<i32>} : memref<16x1024xf32, #tpu.memory_space<vmem>>, vector<1x16xf32>,
      %get3A_1753 = vector.shape_cast %get3A_1752 : vector<1x16xf32> to vector<16xf32>
      %get3A_1754 = arith.constant 1 : i32
      %get3A_1755 = arith.constant 14 : i32
      %get3A_1756 = arith.index_cast %get3A_1754 : i32 to index
      %get3A_1757 = arith.index_cast %get3A_1755 : i32 to index
      %get3A_1758 = arith.index_cast %multiple_of3A : i32 to index
      %get3A_1759 = tpu.vector_load %arg9[%get3A_1756, %get3A_1757, %get3A_1758] {strides = array<i32>} : memref<2x32x1024xf32, #tpu.memory_space<vmem>>, vector<1x1x16xf32>,
      %get3A_1760 = vector.shape_cast %get3A_1759 : vector<1x1x16xf32> to vector<16xf32>
      %mul3A_1761 = arith.mulf %get3A_1167, %get3A_1760 : vector<16xf32>
      %add3A_1762 = arith.addf %get3A_1753, %mul3A_1761 : vector<16xf32>
      %get3A_1763 = arith.constant 1 : i32
      %get3A_1764 = arith.constant 30 : i32
      %get3A_1765 = arith.index_cast %get3A_1763 : i32 to index
      %get3A_1766 = arith.index_cast %get3A_1764 : i32 to index
      %get3A_1767 = arith.index_cast %multiple_of3A : i32 to index
      %get3A_1768 = tpu.vector_load %arg9[%get3A_1765, %get3A_1766, %get3A_1767] {strides = array<i32>} : memref<2x32x1024xf32, #tpu.memory_space<vmem>>, vector<1x1x16xf32>,
      %get3A_1769 = vector.shape_cast %get3A_1768 : vector<1x1x16xf32> to vector<16xf32>
      %mul3A_1770 = arith.mulf %get3A_1311, %get3A_1769 : vector<16xf32>
      %add3A_1771 = arith.addf %add3A_1762, %mul3A_1770 : vector<16xf32>
      %swap3A_1772 = arith.constant 14 : i32
      %swap3A_1773 = arith.index_cast %swap3A_1772 : i32 to index
      %swap3A_1774 = arith.index_cast %multiple_of3A : i32 to index
      %swap3A_1775 = tpu.vector_load %arg11[%swap3A_1773, %swap3A_1774] {strides = array<i32>} : memref<16x1024xf32, #tpu.memory_space<vmem>>, vector<1x16xf32>,
      %swap3A_1776 = vector.shape_cast %swap3A_1775 : vector<1x16xf32> to vector<16xf32>
      %swap3A_1777 = vector.shape_cast %add3A_1771 : vector<16xf32> to vector<1x16xf32>
      tpu.vector_store %arg11[%swap3A_1773, %swap3A_1774], %swap3A_1777 {strides = array<i32>} : memref<16x1024xf32, #tpu.memory_space<vmem>>, vector<1x16xf32>,
      %get3A_1778 = arith.constant 15 : i32
      %get3A_1779 = arith.index_cast %get3A_1778 : i32 to index
      %get3A_1780 = arith.index_cast %multiple_of3A : i32 to index
      %get3A_1781 = tpu.vector_load %arg10[%get3A_1779, %get3A_1780] {strides = array<i32>} : memref<16x1024xf32, #tpu.memory_space<vmem>>, vector<1x16xf32>,
      %get3A_1782 = vector.shape_cast %get3A_1781 : vector<1x16xf32> to vector<16xf32>
      %get3A_1783 = arith.constant 1 : i32
      %get3A_1784 = arith.constant 15 : i32
      %get3A_1785 = arith.index_cast %get3A_1783 : i32 to index
      %get3A_1786 = arith.index_cast %get3A_1784 : i32 to index
      %get3A_1787 = arith.index_cast %multiple_of3A : i32 to index
      %get3A_1788 = tpu.vector_load %arg9[%get3A_1785, %get3A_1786, %get3A_1787] {strides = array<i32>} : memref<2x32x1024xf32, #tpu.memory_space<vmem>>, vector<1x1x16xf32>,
      %get3A_1789 = vector.shape_cast %get3A_1788 : vector<1x1x16xf32> to vector<16xf32>
      %mul3A_1790 = arith.mulf %get3A_1176, %get3A_1789 : vector<16xf32>
      %add3A_1791 = arith.addf %get3A_1782, %mul3A_1790 : vector<16xf32>
      %get3A_1792 = arith.constant 1 : i32
      %get3A_1793 = arith.constant 31 : i32
      %get3A_1794 = arith.index_cast %get3A_1792 : i32 to index
      %get3A_1795 = arith.index_cast %get3A_1793 : i32 to index
      %get3A_1796 = arith.index_cast %multiple_of3A : i32 to index
      %get3A_1797 = tpu.vector_load %arg9[%get3A_1794, %get3A_1795, %get3A_1796] {strides = array<i32>} : memref<2x32x1024xf32, #tpu.memory_space<vmem>>, vector<1x1x16xf32>,
      %get3A_1798 = vector.shape_cast %get3A_1797 : vector<1x1x16xf32> to vector<16xf32>
      %mul3A_1799 = arith.mulf %get3A_1320, %get3A_1798 : vector<16xf32>
      %add3A_1800 = arith.addf %add3A_1791, %mul3A_1799 : vector<16xf32>
      %swap3A_1801 = arith.constant 15 : i32
      %swap3A_1802 = arith.index_cast %swap3A_1801 : i32 to index
      %swap3A_1803 = arith.index_cast %multiple_of3A : i32 to index
      %swap3A_1804 = tpu.vector_load %arg11[%swap3A_1802, %swap3A_1803] {strides = array<i32>} : memref<16x1024xf32, #tpu.memory_space<vmem>>, vector<1x16xf32>,
      %swap3A_1805 = vector.shape_cast %swap3A_1804 : vector<1x16xf32> to vector<16xf32>
      %swap3A_1806 = vector.shape_cast %add3A_1800 : vector<16xf32> to vector<1x16xf32>
      tpu.vector_store %arg11[%swap3A_1802, %swap3A_1803], %swap3A_1806 {strides = array<i32>} : memref<16x1024xf32, #tpu.memory_space<vmem>>, vector<1x16xf32>,
    }
    %scan3A_1326 = arith.constant 64 : i32
    %mul3A_1327 = arith.constant 64 : i32
    %mul3A_1328 = arith.muli %add3A, %mul3A_1327 : i32
    %add3A_1329 = arith.constant 48 : i32
    %add3A_1330 = arith.addi %mul3A_1328, %add3A_1329 : i32
    %dma_start3A_1331 = arith.constant 0 : i32
    %dma_start3A_1332 = tpu.memref_slice %arg6[%add3A_1330, %dma_start3A_1331] : memref<2048x1024xf32, #tpu.memory_space<hbm>> -> memref<16x1024xf32, #tpu.memory_space<hbm>>
    %dma_start3A_1333 = arith.constant 0 : i32
    %dma_start3A_1334 = tpu.memref_slice %arg6[%add3A_1330, %dma_start3A_1333] : memref<2048x1024xf32, #tpu.memory_space<hbm>> -> memref<16x1024xf32, #tpu.memory_space<hbm>>
    tpu.enqueue_dma source(%arg11 : memref<16x1024xf32, #tpu.memory_space<vmem>>) target(%dma_start3A_1334 : memref<16x1024xf32, #tpu.memory_space<hbm>>) target_semaphore(%arg14 : memref<!tpu.dma_semaphore, #tpu.memory_space<semaphore_mem>>)
    %dma_wait3A_1335 = arith.constant 0 : i32
    %dma_wait3A_1336 = arith.constant 0 : i32
    %dma_wait3A_1337 = tpu.memref_slice %arg6[%dma_wait3A_1335, %dma_wait3A_1336] : memref<2048x1024xf32, #tpu.memory_space<hbm>> -> memref<16x1024xf32, #tpu.memory_space<hbm>>
    %dma_wait3A_1338 = arith.constant 0 : i32
    %dma_wait3A_1339 = arith.constant 0 : i32
    %dma_wait3A_1340 = tpu.memref_slice %arg6[%dma_wait3A_1338, %dma_wait3A_1339] : memref<2048x1024xf32, #tpu.memory_space<hbm>> -> memref<16x1024xf32, #tpu.memory_space<hbm>>
    tpu.wait_dma2 semaphore(%arg14 : memref<!tpu.dma_semaphore, #tpu.memory_space<semaphore_mem>>) src(%arg11 : memref<16x1024xf32, #tpu.memory_space<vmem>>) dst(%dma_wait3A_1340 : memref<16x1024xf32, #tpu.memory_space<hbm>>)
    return
  }
}

#map = affine_map<(d0, d1) -> (0, 0)>
#map1 = affine_map<(d0, d1) -> (0, 0, 0)>
module attributes {stable_mosaic.version = 14 : i64} {
  func.func @_dispatch_body(%arg0: i32, %arg1: i32, %arg2: memref<2048x1024xf32, #tpu.memory_space<hbm>>, %arg3: memref<32x8x16xi32, #tpu.memory_space<hbm>>, %arg4: memref<6144x1024xf32, #tpu.memory_space<hbm>>, %arg5: memref<8x16xi32, #tpu.memory_space<vmem>>, %arg6: memref<2x16x1024xf32, #tpu.memory_space<vmem>>, %arg7: memref<!tpu.dma_semaphore, #tpu.memory_space<semaphore_mem>>, %arg8: memref<!tpu.dma_semaphore, #tpu.memory_space<semaphore_mem>>) attributes {dimension_semantics = [#tpu.dimension_semantics<core_parallel>, #tpu.dimension_semantics<subcore_parallel>], iteration_bounds = array<i64: 2, 16>, scalar_prefetch = 0 : i64, scratch_operands = 4 : i64, tpu.core_type = #tpu.core_type<sc_vector_subcore>, window_params = [{transform_indices = #map}, {transform_indices = #map1}, {transform_indices = #map}]} {
    %mul3A = arith.constant 2 : i32
    %mul3A_0 = arith.muli %arg1, %mul3A : i32
    %add3A = arith.addi %mul3A_0, %arg0 : i32
    %jit3A = arith.constant 16 : i32
    %eq3A = arith.constant 0 : i32
    %eq3A_1 = arith.cmpi eq, %jit3A, %eq3A : i32
    %jit3A_2 = arith.constant 1 : i32
    %select_n3A = arith.select %eq3A_1, %jit3A_2, %jit3A : i32
    %rem3A = arith.remsi %add3A, %select_n3A : i32
    %ne3A = arith.constant 0 : i32
    %ne3A_3 = arith.cmpi ne, %rem3A, %ne3A : i32
    %lt3A = arith.constant 0 : i32
    %lt3A_4 = arith.cmpi slt, %rem3A, %lt3A : i32
    %lt3A_5 = arith.constant 0 : i32
    %lt3A_6 = arith.cmpi slt, %select_n3A, %lt3A_5 : i32
    %ne3A_7 = arith.xori %lt3A_4, %lt3A_6 : i1
    %and3A = arith.andi %ne3A_7, %ne3A_3 : i1
    %add3A_8 = arith.addi %rem3A, %select_n3A : i32
    %select_n3A_9 = arith.select %and3A, %add3A_8, %rem3A : i32
    %mul3A_10 = arith.constant 128 : i32
    %mul3A_11 = arith.muli %select_n3A_9, %mul3A_10 : i32
    "tpu.region"() ({
      %run_scoped3A_240 = tpu.sem_alloc : memref<!tpu.dma_semaphore, #tpu.memory_space<semaphore_mem>>
      %dma_start3A_241 = arith.constant 0 : i32
      %dma_start3A_242 = arith.constant 0 : i32
      %dma_start3A_243 = tpu.memref_slice %arg3[%add3A, %dma_start3A_241, %dma_start3A_242] : memref<32x8x16xi32, #tpu.memory_space<hbm>> -> memref<1x8x16xi32, #tpu.memory_space<hbm>>
      %dma_start3A_244 = tpu.memref_squeeze %dma_start3A_243 : memref<1x8x16xi32, #tpu.memory_space<hbm>> -> memref<8x16xi32, #tpu.memory_space<hbm>>
      %dma_start3A_245 = arith.constant 0 : i32
      %dma_start3A_246 = arith.constant 0 : i32
      %dma_start3A_247 = tpu.memref_slice %arg3[%add3A, %dma_start3A_245, %dma_start3A_246] : memref<32x8x16xi32, #tpu.memory_space<hbm>> -> memref<1x8x16xi32, #tpu.memory_space<hbm>>
      %dma_start3A_248 = tpu.memref_squeeze %dma_start3A_247 : memref<1x8x16xi32, #tpu.memory_space<hbm>> -> memref<8x16xi32, #tpu.memory_space<hbm>>
      tpu.enqueue_dma source(%dma_start3A_248 : memref<8x16xi32, #tpu.memory_space<hbm>>) target(%arg5 : memref<8x16xi32, #tpu.memory_space<vmem>>) target_semaphore(%run_scoped3A_240 : memref<!tpu.dma_semaphore, #tpu.memory_space<semaphore_mem>>)
      %dma_wait3A_249 = arith.constant 0 : i32
      %dma_wait3A_250 = arith.constant 0 : i32
      %dma_wait3A_251 = tpu.memref_slice %arg3[%add3A, %dma_wait3A_249, %dma_wait3A_250] : memref<32x8x16xi32, #tpu.memory_space<hbm>> -> memref<1x8x16xi32, #tpu.memory_space<hbm>>
      %dma_wait3A_252 = tpu.memref_squeeze %dma_wait3A_251 : memref<1x8x16xi32, #tpu.memory_space<hbm>> -> memref<8x16xi32, #tpu.memory_space<hbm>>
      %dma_wait3A_253 = arith.constant 0 : i32
      %dma_wait3A_254 = arith.constant 0 : i32
      %dma_wait3A_255 = tpu.memref_slice %arg3[%add3A, %dma_wait3A_253, %dma_wait3A_254] : memref<32x8x16xi32, #tpu.memory_space<hbm>> -> memref<1x8x16xi32, #tpu.memory_space<hbm>>
      %dma_wait3A_256 = tpu.memref_squeeze %dma_wait3A_255 : memref<1x8x16xi32, #tpu.memory_space<hbm>> -> memref<8x16xi32, #tpu.memory_space<hbm>>
      tpu.wait_dma2 semaphore(%run_scoped3A_240 : memref<!tpu.dma_semaphore, #tpu.memory_space<semaphore_mem>>) src(%dma_wait3A_256 : memref<8x16xi32, #tpu.memory_space<hbm>>) dst(%arg5 : memref<8x16xi32, #tpu.memory_space<vmem>>)
      tpu.yield
    }) : () -> ()
    %add3A_12 = arith.constant 0 : i32
    %add3A_13 = arith.addi %mul3A_11, %add3A_12 : i32
    %run_scoped3A = arith.constant 0 : i32
    "tpu.region"() ({
      %run_scoped3A_240 = tpu.sem_alloc : memref<!tpu.dma_semaphore, #tpu.memory_space<semaphore_mem>>
      %dma_start3A_241 = arith.constant 0 : i32
      %dma_start3A_242 = arith.constant 0 : i32
      %dma_start3A_243 = tpu.memref_slice %arg6[%run_scoped3A, %dma_start3A_241, %dma_start3A_242] : memref<2x16x1024xf32, #tpu.memory_space<vmem>> -> memref<1x16x1024xf32, #tpu.memory_space<vmem>>
      %dma_start3A_244 = tpu.memref_squeeze %dma_start3A_243 : memref<1x16x1024xf32, #tpu.memory_space<vmem>> -> memref<16x1024xf32, #tpu.memory_space<vmem>>
      %dma_start3A_245 = arith.constant 0 : i32
      %dma_start3A_246 = tpu.memref_slice %arg2[%add3A_13, %dma_start3A_245] : memref<2048x1024xf32, #tpu.memory_space<hbm>> -> memref<16x1024xf32, #tpu.memory_space<hbm>>
      %dma_start3A_247 = arith.constant 0 : i32
      %dma_start3A_248 = arith.constant 0 : i32
      %dma_start3A_249 = tpu.memref_slice %arg6[%run_scoped3A, %dma_start3A_247, %dma_start3A_248] : memref<2x16x1024xf32, #tpu.memory_space<vmem>> -> memref<1x16x1024xf32, #tpu.memory_space<vmem>>
      %dma_start3A_250 = tpu.memref_squeeze %dma_start3A_249 : memref<1x16x1024xf32, #tpu.memory_space<vmem>> -> memref<16x1024xf32, #tpu.memory_space<vmem>>
      %dma_start3A_251 = arith.constant 0 : i32
      %dma_start3A_252 = tpu.memref_slice %arg2[%add3A_13, %dma_start3A_251] : memref<2048x1024xf32, #tpu.memory_space<hbm>> -> memref<16x1024xf32, #tpu.memory_space<hbm>>
      tpu.enqueue_dma source(%dma_start3A_252 : memref<16x1024xf32, #tpu.memory_space<hbm>>) target(%dma_start3A_250 : memref<16x1024xf32, #tpu.memory_space<vmem>>) target_semaphore(%run_scoped3A_240 : memref<!tpu.dma_semaphore, #tpu.memory_space<semaphore_mem>>)
      %dma_wait3A_253 = arith.constant 0 : i32
      %dma_wait3A_254 = arith.constant 0 : i32
      %dma_wait3A_255 = tpu.memref_slice %arg6[%run_scoped3A, %dma_wait3A_253, %dma_wait3A_254] : memref<2x16x1024xf32, #tpu.memory_space<vmem>> -> memref<1x16x1024xf32, #tpu.memory_space<vmem>>
      %dma_wait3A_256 = tpu.memref_squeeze %dma_wait3A_255 : memref<1x16x1024xf32, #tpu.memory_space<vmem>> -> memref<16x1024xf32, #tpu.memory_space<vmem>>
      %dma_wait3A_257 = arith.constant 0 : i32
      %dma_wait3A_258 = tpu.memref_slice %arg2[%add3A_13, %dma_wait3A_257] : memref<2048x1024xf32, #tpu.memory_space<hbm>> -> memref<16x1024xf32, #tpu.memory_space<hbm>>
      %dma_wait3A_259 = arith.constant 0 : i32
      %dma_wait3A_260 = arith.constant 0 : i32
      %dma_wait3A_261 = tpu.memref_slice %arg6[%run_scoped3A, %dma_wait3A_259, %dma_wait3A_260] : memref<2x16x1024xf32, #tpu.memory_space<vmem>> -> memref<1x16x1024xf32, #tpu.memory_space<vmem>>
      %dma_wait3A_262 = tpu.memref_squeeze %dma_wait3A_261 : memref<1x16x1024xf32, #tpu.memory_space<vmem>> -> memref<16x1024xf32, #tpu.memory_space<vmem>>
      %dma_wait3A_263 = arith.constant 0 : i32
      %dma_wait3A_264 = tpu.memref_slice %arg2[%add3A_13, %dma_wait3A_263] : memref<2048x1024xf32, #tpu.memory_space<hbm>> -> memref<16x1024xf32, #tpu.memory_space<hbm>>
      tpu.wait_dma2 semaphore(%run_scoped3A_240 : memref<!tpu.dma_semaphore, #tpu.memory_space<semaphore_mem>>) src(%dma_wait3A_264 : memref<16x1024xf32, #tpu.memory_space<hbm>>) dst(%dma_wait3A_262 : memref<16x1024xf32, #tpu.memory_space<vmem>>)
      tpu.yield
    }) : () -> ()
    %get3A = arith.constant 0 : i32
    %get3A_14 = arith.index_cast %get3A : i32 to index
    %get3A_15 = arith.constant 0 : index
    %get3A_16 = tpu.vector_load %arg5[%get3A_14, %get3A_15] {strides = array<i32>} : memref<8x16xi32, #tpu.memory_space<vmem>>, vector<1x16xi32>,
    %get3A_17 = vector.shape_cast %get3A_16 : vector<1x16xi32> to vector<16xi32>
    %dma_start3A = arith.constant 0 : i32
    %dma_start3A_18 = arith.constant 0 : i32
    %dma_start3A_19 = arith.constant 0 : i32
    %dma_start3A_20 = tpu.memref_slice %arg6[%dma_start3A, %dma_start3A_18, %dma_start3A_19] : memref<2x16x1024xf32, #tpu.memory_space<vmem>> -> memref<1x16x1024xf32, #tpu.memory_space<vmem>>
    %dma_start3A_21 = tpu.memref_squeeze %dma_start3A_20 : memref<1x16x1024xf32, #tpu.memory_space<vmem>> -> memref<16x1024xf32, #tpu.memory_space<vmem>>
    %dma_start3A_22 = arith.constant 0 : i32
    %dma_start3A_23 = arith.constant 0 : i32
    %dma_start3A_24 = tpu.memref_slice %arg4[%dma_start3A_22, %dma_start3A_23] : memref<6144x1024xf32, #tpu.memory_space<hbm>> -> memref<6144x1024xf32, #tpu.memory_space<hbm>>
    tpu.enqueue_indirect_dma source(%dma_start3A_21 : memref<16x1024xf32, #tpu.memory_space<vmem>>) target(%dma_start3A_24 : memref<6144x1024xf32, #tpu.memory_space<hbm>>) offsets(%get3A_17 : vector<16xi32>) semaphore(%arg7 : memref<!tpu.dma_semaphore, #tpu.memory_space<semaphore_mem>>)
    %add3A_25 = arith.constant 16 : i32
    %add3A_26 = arith.addi %mul3A_11, %add3A_25 : i32
    %run_scoped3A_27 = arith.constant 1 : i32
    "tpu.region"() ({
      %run_scoped3A_240 = tpu.sem_alloc : memref<!tpu.dma_semaphore, #tpu.memory_space<semaphore_mem>>
      %dma_start3A_241 = arith.constant 0 : i32
      %dma_start3A_242 = arith.constant 0 : i32
      %dma_start3A_243 = tpu.memref_slice %arg6[%run_scoped3A_27, %dma_start3A_241, %dma_start3A_242] : memref<2x16x1024xf32, #tpu.memory_space<vmem>> -> memref<1x16x1024xf32, #tpu.memory_space<vmem>>
      %dma_start3A_244 = tpu.memref_squeeze %dma_start3A_243 : memref<1x16x1024xf32, #tpu.memory_space<vmem>> -> memref<16x1024xf32, #tpu.memory_space<vmem>>
      %dma_start3A_245 = arith.constant 0 : i32
      %dma_start3A_246 = tpu.memref_slice %arg2[%add3A_26, %dma_start3A_245] : memref<2048x1024xf32, #tpu.memory_space<hbm>> -> memref<16x1024xf32, #tpu.memory_space<hbm>>
      %dma_start3A_247 = arith.constant 0 : i32
      %dma_start3A_248 = arith.constant 0 : i32
      %dma_start3A_249 = tpu.memref_slice %arg6[%run_scoped3A_27, %dma_start3A_247, %dma_start3A_248] : memref<2x16x1024xf32, #tpu.memory_space<vmem>> -> memref<1x16x1024xf32, #tpu.memory_space<vmem>>
      %dma_start3A_250 = tpu.memref_squeeze %dma_start3A_249 : memref<1x16x1024xf32, #tpu.memory_space<vmem>> -> memref<16x1024xf32, #tpu.memory_space<vmem>>
      %dma_start3A_251 = arith.constant 0 : i32
      %dma_start3A_252 = tpu.memref_slice %arg2[%add3A_26, %dma_start3A_251] : memref<2048x1024xf32, #tpu.memory_space<hbm>> -> memref<16x1024xf32, #tpu.memory_space<hbm>>
      tpu.enqueue_dma source(%dma_start3A_252 : memref<16x1024xf32, #tpu.memory_space<hbm>>) target(%dma_start3A_250 : memref<16x1024xf32, #tpu.memory_space<vmem>>) target_semaphore(%run_scoped3A_240 : memref<!tpu.dma_semaphore, #tpu.memory_space<semaphore_mem>>)
      %dma_wait3A_253 = arith.constant 0 : i32
      %dma_wait3A_254 = arith.constant 0 : i32
      %dma_wait3A_255 = tpu.memref_slice %arg6[%run_scoped3A_27, %dma_wait3A_253, %dma_wait3A_254] : memref<2x16x1024xf32, #tpu.memory_space<vmem>> -> memref<1x16x1024xf32, #tpu.memory_space<vmem>>
      %dma_wait3A_256 = tpu.memref_squeeze %dma_wait3A_255 : memref<1x16x1024xf32, #tpu.memory_space<vmem>> -> memref<16x1024xf32, #tpu.memory_space<vmem>>
      %dma_wait3A_257 = arith.constant 0 : i32
      %dma_wait3A_258 = tpu.memref_slice %arg2[%add3A_26, %dma_wait3A_257] : memref<2048x1024xf32, #tpu.memory_space<hbm>> -> memref<16x1024xf32, #tpu.memory_space<hbm>>
      %dma_wait3A_259 = arith.constant 0 : i32
      %dma_wait3A_260 = arith.constant 0 : i32
      %dma_wait3A_261 = tpu.memref_slice %arg6[%run_scoped3A_27, %dma_wait3A_259, %dma_wait3A_260] : memref<2x16x1024xf32, #tpu.memory_space<vmem>> -> memref<1x16x1024xf32, #tpu.memory_space<vmem>>
      %dma_wait3A_262 = tpu.memref_squeeze %dma_wait3A_261 : memref<1x16x1024xf32, #tpu.memory_space<vmem>> -> memref<16x1024xf32, #tpu.memory_space<vmem>>
      %dma_wait3A_263 = arith.constant 0 : i32
      %dma_wait3A_264 = tpu.memref_slice %arg2[%add3A_26, %dma_wait3A_263] : memref<2048x1024xf32, #tpu.memory_space<hbm>> -> memref<16x1024xf32, #tpu.memory_space<hbm>>
      tpu.wait_dma2 semaphore(%run_scoped3A_240 : memref<!tpu.dma_semaphore, #tpu.memory_space<semaphore_mem>>) src(%dma_wait3A_264 : memref<16x1024xf32, #tpu.memory_space<hbm>>) dst(%dma_wait3A_262 : memref<16x1024xf32, #tpu.memory_space<vmem>>)
      tpu.yield
    }) : () -> ()
    %get3A_28 = arith.constant 1 : i32
    %get3A_29 = arith.index_cast %get3A_28 : i32 to index
    %get3A_30 = arith.constant 0 : index
    %get3A_31 = tpu.vector_load %arg5[%get3A_29, %get3A_30] {strides = array<i32>} : memref<8x16xi32, #tpu.memory_space<vmem>>, vector<1x16xi32>,
    %get3A_32 = vector.shape_cast %get3A_31 : vector<1x16xi32> to vector<16xi32>
    %dma_start3A_33 = arith.constant 1 : i32
    %dma_start3A_34 = arith.constant 0 : i32
    %dma_start3A_35 = arith.constant 0 : i32
    %dma_start3A_36 = tpu.memref_slice %arg6[%dma_start3A_33, %dma_start3A_34, %dma_start3A_35] : memref<2x16x1024xf32, #tpu.memory_space<vmem>> -> memref<1x16x1024xf32, #tpu.memory_space<vmem>>
    %dma_start3A_37 = tpu.memref_squeeze %dma_start3A_36 : memref<1x16x1024xf32, #tpu.memory_space<vmem>> -> memref<16x1024xf32, #tpu.memory_space<vmem>>
    %dma_start3A_38 = arith.constant 0 : i32
    %dma_start3A_39 = arith.constant 0 : i32
    %dma_start3A_40 = tpu.memref_slice %arg4[%dma_start3A_38, %dma_start3A_39] : memref<6144x1024xf32, #tpu.memory_space<hbm>> -> memref<6144x1024xf32, #tpu.memory_space<hbm>>
    tpu.enqueue_indirect_dma source(%dma_start3A_37 : memref<16x1024xf32, #tpu.memory_space<vmem>>) target(%dma_start3A_40 : memref<6144x1024xf32, #tpu.memory_space<hbm>>) offsets(%get3A_32 : vector<16xi32>) semaphore(%arg8 : memref<!tpu.dma_semaphore, #tpu.memory_space<semaphore_mem>>)
    %get3A_41 = arith.constant 0 : i32
    %get3A_42 = arith.index_cast %get3A_41 : i32 to index
    %get3A_43 = arith.constant 0 : index
    %get3A_44 = tpu.vector_load %arg5[%get3A_42, %get3A_43] {strides = array<i32>} : memref<8x16xi32, #tpu.memory_space<vmem>>, vector<1x16xi32>,
    %get3A_45 = vector.shape_cast %get3A_44 : vector<1x16xi32> to vector<16xi32>
    %dma_wait3A = arith.constant 0 : i32
    %dma_wait3A_46 = arith.constant 0 : i32
    %dma_wait3A_47 = arith.constant 0 : i32
    %dma_wait3A_48 = tpu.memref_slice %arg6[%dma_wait3A, %dma_wait3A_46, %dma_wait3A_47] : memref<2x16x1024xf32, #tpu.memory_space<vmem>> -> memref<1x16x1024xf32, #tpu.memory_space<vmem>>
    %dma_wait3A_49 = tpu.memref_squeeze %dma_wait3A_48 : memref<1x16x1024xf32, #tpu.memory_space<vmem>> -> memref<16x1024xf32, #tpu.memory_space<vmem>>
    %dma_wait3A_50 = arith.constant 0 : i32
    %dma_wait3A_51 = arith.constant 0 : i32
    %dma_wait3A_52 = tpu.memref_slice %arg4[%dma_wait3A_50, %dma_wait3A_51] : memref<6144x1024xf32, #tpu.memory_space<hbm>> -> memref<6144x1024xf32, #tpu.memory_space<hbm>>
    tpu.wait_indirect_dma semaphore(%arg7 : memref<!tpu.dma_semaphore, #tpu.memory_space<semaphore_mem>>) src(%dma_wait3A_49 : memref<16x1024xf32, #tpu.memory_space<vmem>>) dst(%dma_wait3A_52 : memref<6144x1024xf32, #tpu.memory_space<hbm>>)
    %add3A_53 = arith.constant 32 : i32
    %add3A_54 = arith.addi %mul3A_11, %add3A_53 : i32
    %run_scoped3A_55 = arith.constant 0 : i32
    "tpu.region"() ({
      %run_scoped3A_240 = tpu.sem_alloc : memref<!tpu.dma_semaphore, #tpu.memory_space<semaphore_mem>>
      %dma_start3A_241 = arith.constant 0 : i32
      %dma_start3A_242 = arith.constant 0 : i32
      %dma_start3A_243 = tpu.memref_slice %arg6[%run_scoped3A_55, %dma_start3A_241, %dma_start3A_242] : memref<2x16x1024xf32, #tpu.memory_space<vmem>> -> memref<1x16x1024xf32, #tpu.memory_space<vmem>>
      %dma_start3A_244 = tpu.memref_squeeze %dma_start3A_243 : memref<1x16x1024xf32, #tpu.memory_space<vmem>> -> memref<16x1024xf32, #tpu.memory_space<vmem>>
      %dma_start3A_245 = arith.constant 0 : i32
      %dma_start3A_246 = tpu.memref_slice %arg2[%add3A_54, %dma_start3A_245] : memref<2048x1024xf32, #tpu.memory_space<hbm>> -> memref<16x1024xf32, #tpu.memory_space<hbm>>
      %dma_start3A_247 = arith.constant 0 : i32
      %dma_start3A_248 = arith.constant 0 : i32
      %dma_start3A_249 = tpu.memref_slice %arg6[%run_scoped3A_55, %dma_start3A_247, %dma_start3A_248] : memref<2x16x1024xf32, #tpu.memory_space<vmem>> -> memref<1x16x1024xf32, #tpu.memory_space<vmem>>
      %dma_start3A_250 = tpu.memref_squeeze %dma_start3A_249 : memref<1x16x1024xf32, #tpu.memory_space<vmem>> -> memref<16x1024xf32, #tpu.memory_space<vmem>>
      %dma_start3A_251 = arith.constant 0 : i32
      %dma_start3A_252 = tpu.memref_slice %arg2[%add3A_54, %dma_start3A_251] : memref<2048x1024xf32, #tpu.memory_space<hbm>> -> memref<16x1024xf32, #tpu.memory_space<hbm>>
      tpu.enqueue_dma source(%dma_start3A_252 : memref<16x1024xf32, #tpu.memory_space<hbm>>) target(%dma_start3A_250 : memref<16x1024xf32, #tpu.memory_space<vmem>>) target_semaphore(%run_scoped3A_240 : memref<!tpu.dma_semaphore, #tpu.memory_space<semaphore_mem>>)
      %dma_wait3A_253 = arith.constant 0 : i32
      %dma_wait3A_254 = arith.constant 0 : i32
      %dma_wait3A_255 = tpu.memref_slice %arg6[%run_scoped3A_55, %dma_wait3A_253, %dma_wait3A_254] : memref<2x16x1024xf32, #tpu.memory_space<vmem>> -> memref<1x16x1024xf32, #tpu.memory_space<vmem>>
      %dma_wait3A_256 = tpu.memref_squeeze %dma_wait3A_255 : memref<1x16x1024xf32, #tpu.memory_space<vmem>> -> memref<16x1024xf32, #tpu.memory_space<vmem>>
      %dma_wait3A_257 = arith.constant 0 : i32
      %dma_wait3A_258 = tpu.memref_slice %arg2[%add3A_54, %dma_wait3A_257] : memref<2048x1024xf32, #tpu.memory_space<hbm>> -> memref<16x1024xf32, #tpu.memory_space<hbm>>
      %dma_wait3A_259 = arith.constant 0 : i32
      %dma_wait3A_260 = arith.constant 0 : i32
      %dma_wait3A_261 = tpu.memref_slice %arg6[%run_scoped3A_55, %dma_wait3A_259, %dma_wait3A_260] : memref<2x16x1024xf32, #tpu.memory_space<vmem>> -> memref<1x16x1024xf32, #tpu.memory_space<vmem>>
      %dma_wait3A_262 = tpu.memref_squeeze %dma_wait3A_261 : memref<1x16x1024xf32, #tpu.memory_space<vmem>> -> memref<16x1024xf32, #tpu.memory_space<vmem>>
      %dma_wait3A_263 = arith.constant 0 : i32
      %dma_wait3A_264 = tpu.memref_slice %arg2[%add3A_54, %dma_wait3A_263] : memref<2048x1024xf32, #tpu.memory_space<hbm>> -> memref<16x1024xf32, #tpu.memory_space<hbm>>
      tpu.wait_dma2 semaphore(%run_scoped3A_240 : memref<!tpu.dma_semaphore, #tpu.memory_space<semaphore_mem>>) src(%dma_wait3A_264 : memref<16x1024xf32, #tpu.memory_space<hbm>>) dst(%dma_wait3A_262 : memref<16x1024xf32, #tpu.memory_space<vmem>>)
      tpu.yield
    }) : () -> ()
    %get3A_56 = arith.constant 2 : i32
    %get3A_57 = arith.index_cast %get3A_56 : i32 to index
    %get3A_58 = arith.constant 0 : index
    %get3A_59 = tpu.vector_load %arg5[%get3A_57, %get3A_58] {strides = array<i32>} : memref<8x16xi32, #tpu.memory_space<vmem>>, vector<1x16xi32>,
    %get3A_60 = vector.shape_cast %get3A_59 : vector<1x16xi32> to vector<16xi32>
    %dma_start3A_61 = arith.constant 0 : i32
    %dma_start3A_62 = arith.constant 0 : i32
    %dma_start3A_63 = arith.constant 0 : i32
    %dma_start3A_64 = tpu.memref_slice %arg6[%dma_start3A_61, %dma_start3A_62, %dma_start3A_63] : memref<2x16x1024xf32, #tpu.memory_space<vmem>> -> memref<1x16x1024xf32, #tpu.memory_space<vmem>>
    %dma_start3A_65 = tpu.memref_squeeze %dma_start3A_64 : memref<1x16x1024xf32, #tpu.memory_space<vmem>> -> memref<16x1024xf32, #tpu.memory_space<vmem>>
    %dma_start3A_66 = arith.constant 0 : i32
    %dma_start3A_67 = arith.constant 0 : i32
    %dma_start3A_68 = tpu.memref_slice %arg4[%dma_start3A_66, %dma_start3A_67] : memref<6144x1024xf32, #tpu.memory_space<hbm>> -> memref<6144x1024xf32, #tpu.memory_space<hbm>>
    tpu.enqueue_indirect_dma source(%dma_start3A_65 : memref<16x1024xf32, #tpu.memory_space<vmem>>) target(%dma_start3A_68 : memref<6144x1024xf32, #tpu.memory_space<hbm>>) offsets(%get3A_60 : vector<16xi32>) semaphore(%arg7 : memref<!tpu.dma_semaphore, #tpu.memory_space<semaphore_mem>>)
    %get3A_69 = arith.constant 1 : i32
    %get3A_70 = arith.index_cast %get3A_69 : i32 to index
    %get3A_71 = arith.constant 0 : index
    %get3A_72 = tpu.vector_load %arg5[%get3A_70, %get3A_71] {strides = array<i32>} : memref<8x16xi32, #tpu.memory_space<vmem>>, vector<1x16xi32>,
    %get3A_73 = vector.shape_cast %get3A_72 : vector<1x16xi32> to vector<16xi32>
    %dma_wait3A_74 = arith.constant 1 : i32
    %dma_wait3A_75 = arith.constant 0 : i32
    %dma_wait3A_76 = arith.constant 0 : i32
    %dma_wait3A_77 = tpu.memref_slice %arg6[%dma_wait3A_74, %dma_wait3A_75, %dma_wait3A_76] : memref<2x16x1024xf32, #tpu.memory_space<vmem>> -> memref<1x16x1024xf32, #tpu.memory_space<vmem>>
    %dma_wait3A_78 = tpu.memref_squeeze %dma_wait3A_77 : memref<1x16x1024xf32, #tpu.memory_space<vmem>> -> memref<16x1024xf32, #tpu.memory_space<vmem>>
    %dma_wait3A_79 = arith.constant 0 : i32
    %dma_wait3A_80 = arith.constant 0 : i32
    %dma_wait3A_81 = tpu.memref_slice %arg4[%dma_wait3A_79, %dma_wait3A_80] : memref<6144x1024xf32, #tpu.memory_space<hbm>> -> memref<6144x1024xf32, #tpu.memory_space<hbm>>
    tpu.wait_indirect_dma semaphore(%arg8 : memref<!tpu.dma_semaphore, #tpu.memory_space<semaphore_mem>>) src(%dma_wait3A_78 : memref<16x1024xf32, #tpu.memory_space<vmem>>) dst(%dma_wait3A_81 : memref<6144x1024xf32, #tpu.memory_space<hbm>>)
    %add3A_82 = arith.constant 48 : i32
    %add3A_83 = arith.addi %mul3A_11, %add3A_82 : i32
    %run_scoped3A_84 = arith.constant 1 : i32
    "tpu.region"() ({
      %run_scoped3A_240 = tpu.sem_alloc : memref<!tpu.dma_semaphore, #tpu.memory_space<semaphore_mem>>
      %dma_start3A_241 = arith.constant 0 : i32
      %dma_start3A_242 = arith.constant 0 : i32
      %dma_start3A_243 = tpu.memref_slice %arg6[%run_scoped3A_84, %dma_start3A_241, %dma_start3A_242] : memref<2x16x1024xf32, #tpu.memory_space<vmem>> -> memref<1x16x1024xf32, #tpu.memory_space<vmem>>
      %dma_start3A_244 = tpu.memref_squeeze %dma_start3A_243 : memref<1x16x1024xf32, #tpu.memory_space<vmem>> -> memref<16x1024xf32, #tpu.memory_space<vmem>>
      %dma_start3A_245 = arith.constant 0 : i32
      %dma_start3A_246 = tpu.memref_slice %arg2[%add3A_83, %dma_start3A_245] : memref<2048x1024xf32, #tpu.memory_space<hbm>> -> memref<16x1024xf32, #tpu.memory_space<hbm>>
      %dma_start3A_247 = arith.constant 0 : i32
      %dma_start3A_248 = arith.constant 0 : i32
      %dma_start3A_249 = tpu.memref_slice %arg6[%run_scoped3A_84, %dma_start3A_247, %dma_start3A_248] : memref<2x16x1024xf32, #tpu.memory_space<vmem>> -> memref<1x16x1024xf32, #tpu.memory_space<vmem>>
      %dma_start3A_250 = tpu.memref_squeeze %dma_start3A_249 : memref<1x16x1024xf32, #tpu.memory_space<vmem>> -> memref<16x1024xf32, #tpu.memory_space<vmem>>
      %dma_start3A_251 = arith.constant 0 : i32
      %dma_start3A_252 = tpu.memref_slice %arg2[%add3A_83, %dma_start3A_251] : memref<2048x1024xf32, #tpu.memory_space<hbm>> -> memref<16x1024xf32, #tpu.memory_space<hbm>>
      tpu.enqueue_dma source(%dma_start3A_252 : memref<16x1024xf32, #tpu.memory_space<hbm>>) target(%dma_start3A_250 : memref<16x1024xf32, #tpu.memory_space<vmem>>) target_semaphore(%run_scoped3A_240 : memref<!tpu.dma_semaphore, #tpu.memory_space<semaphore_mem>>)
      %dma_wait3A_253 = arith.constant 0 : i32
      %dma_wait3A_254 = arith.constant 0 : i32
      %dma_wait3A_255 = tpu.memref_slice %arg6[%run_scoped3A_84, %dma_wait3A_253, %dma_wait3A_254] : memref<2x16x1024xf32, #tpu.memory_space<vmem>> -> memref<1x16x1024xf32, #tpu.memory_space<vmem>>
      %dma_wait3A_256 = tpu.memref_squeeze %dma_wait3A_255 : memref<1x16x1024xf32, #tpu.memory_space<vmem>> -> memref<16x1024xf32, #tpu.memory_space<vmem>>
      %dma_wait3A_257 = arith.constant 0 : i32
      %dma_wait3A_258 = tpu.memref_slice %arg2[%add3A_83, %dma_wait3A_257] : memref<2048x1024xf32, #tpu.memory_space<hbm>> -> memref<16x1024xf32, #tpu.memory_space<hbm>>
      %dma_wait3A_259 = arith.constant 0 : i32
      %dma_wait3A_260 = arith.constant 0 : i32
      %dma_wait3A_261 = tpu.memref_slice %arg6[%run_scoped3A_84, %dma_wait3A_259, %dma_wait3A_260] : memref<2x16x1024xf32, #tpu.memory_space<vmem>> -> memref<1x16x1024xf32, #tpu.memory_space<vmem>>
      %dma_wait3A_262 = tpu.memref_squeeze %dma_wait3A_261 : memref<1x16x1024xf32, #tpu.memory_space<vmem>> -> memref<16x1024xf32, #tpu.memory_space<vmem>>
      %dma_wait3A_263 = arith.constant 0 : i32
      %dma_wait3A_264 = tpu.memref_slice %arg2[%add3A_83, %dma_wait3A_263] : memref<2048x1024xf32, #tpu.memory_space<hbm>> -> memref<16x1024xf32, #tpu.memory_space<hbm>>
      tpu.wait_dma2 semaphore(%run_scoped3A_240 : memref<!tpu.dma_semaphore, #tpu.memory_space<semaphore_mem>>) src(%dma_wait3A_264 : memref<16x1024xf32, #tpu.memory_space<hbm>>) dst(%dma_wait3A_262 : memref<16x1024xf32, #tpu.memory_space<vmem>>)
      tpu.yield
    }) : () -> ()
    %get3A_85 = arith.constant 3 : i32
    %get3A_86 = arith.index_cast %get3A_85 : i32 to index
    %get3A_87 = arith.constant 0 : index
    %get3A_88 = tpu.vector_load %arg5[%get3A_86, %get3A_87] {strides = array<i32>} : memref<8x16xi32, #tpu.memory_space<vmem>>, vector<1x16xi32>,
    %get3A_89 = vector.shape_cast %get3A_88 : vector<1x16xi32> to vector<16xi32>
    %dma_start3A_90 = arith.constant 1 : i32
    %dma_start3A_91 = arith.constant 0 : i32
    %dma_start3A_92 = arith.constant 0 : i32
    %dma_start3A_93 = tpu.memref_slice %arg6[%dma_start3A_90, %dma_start3A_91, %dma_start3A_92] : memref<2x16x1024xf32, #tpu.memory_space<vmem>> -> memref<1x16x1024xf32, #tpu.memory_space<vmem>>
    %dma_start3A_94 = tpu.memref_squeeze %dma_start3A_93 : memref<1x16x1024xf32, #tpu.memory_space<vmem>> -> memref<16x1024xf32, #tpu.memory_space<vmem>>
    %dma_start3A_95 = arith.constant 0 : i32
    %dma_start3A_96 = arith.constant 0 : i32
    %dma_start3A_97 = tpu.memref_slice %arg4[%dma_start3A_95, %dma_start3A_96] : memref<6144x1024xf32, #tpu.memory_space<hbm>> -> memref<6144x1024xf32, #tpu.memory_space<hbm>>
    tpu.enqueue_indirect_dma source(%dma_start3A_94 : memref<16x1024xf32, #tpu.memory_space<vmem>>) target(%dma_start3A_97 : memref<6144x1024xf32, #tpu.memory_space<hbm>>) offsets(%get3A_89 : vector<16xi32>) semaphore(%arg8 : memref<!tpu.dma_semaphore, #tpu.memory_space<semaphore_mem>>)
    %get3A_98 = arith.constant 0 : i32
    %get3A_99 = arith.index_cast %get3A_98 : i32 to index
    %get3A_100 = arith.constant 0 : index
    %get3A_101 = tpu.vector_load %arg5[%get3A_99, %get3A_100] {strides = array<i32>} : memref<8x16xi32, #tpu.memory_space<vmem>>, vector<1x16xi32>,
    %get3A_102 = vector.shape_cast %get3A_101 : vector<1x16xi32> to vector<16xi32>
    %dma_wait3A_103 = arith.constant 0 : i32
    %dma_wait3A_104 = arith.constant 0 : i32
    %dma_wait3A_105 = arith.constant 0 : i32
    %dma_wait3A_106 = tpu.memref_slice %arg6[%dma_wait3A_103, %dma_wait3A_104, %dma_wait3A_105] : memref<2x16x1024xf32, #tpu.memory_space<vmem>> -> memref<1x16x1024xf32, #tpu.memory_space<vmem>>
    %dma_wait3A_107 = tpu.memref_squeeze %dma_wait3A_106 : memref<1x16x1024xf32, #tpu.memory_space<vmem>> -> memref<16x1024xf32, #tpu.memory_space<vmem>>
    %dma_wait3A_108 = arith.constant 0 : i32
    %dma_wait3A_109 = arith.constant 0 : i32
    %dma_wait3A_110 = tpu.memref_slice %arg4[%dma_wait3A_108, %dma_wait3A_109] : memref<6144x1024xf32, #tpu.memory_space<hbm>> -> memref<6144x1024xf32, #tpu.memory_space<hbm>>
    tpu.wait_indirect_dma semaphore(%arg7 : memref<!tpu.dma_semaphore, #tpu.memory_space<semaphore_mem>>) src(%dma_wait3A_107 : memref<16x1024xf32, #tpu.memory_space<vmem>>) dst(%dma_wait3A_110 : memref<6144x1024xf32, #tpu.memory_space<hbm>>)
    %add3A_111 = arith.constant 64 : i32
    %add3A_112 = arith.addi %mul3A_11, %add3A_111 : i32
    %run_scoped3A_113 = arith.constant 0 : i32
    "tpu.region"() ({
      %run_scoped3A_240 = tpu.sem_alloc : memref<!tpu.dma_semaphore, #tpu.memory_space<semaphore_mem>>
      %dma_start3A_241 = arith.constant 0 : i32
      %dma_start3A_242 = arith.constant 0 : i32
      %dma_start3A_243 = tpu.memref_slice %arg6[%run_scoped3A_113, %dma_start3A_241, %dma_start3A_242] : memref<2x16x1024xf32, #tpu.memory_space<vmem>> -> memref<1x16x1024xf32, #tpu.memory_space<vmem>>
      %dma_start3A_244 = tpu.memref_squeeze %dma_start3A_243 : memref<1x16x1024xf32, #tpu.memory_space<vmem>> -> memref<16x1024xf32, #tpu.memory_space<vmem>>
      %dma_start3A_245 = arith.constant 0 : i32
      %dma_start3A_246 = tpu.memref_slice %arg2[%add3A_112, %dma_start3A_245] : memref<2048x1024xf32, #tpu.memory_space<hbm>> -> memref<16x1024xf32, #tpu.memory_space<hbm>>
      %dma_start3A_247 = arith.constant 0 : i32
      %dma_start3A_248 = arith.constant 0 : i32
      %dma_start3A_249 = tpu.memref_slice %arg6[%run_scoped3A_113, %dma_start3A_247, %dma_start3A_248] : memref<2x16x1024xf32, #tpu.memory_space<vmem>> -> memref<1x16x1024xf32, #tpu.memory_space<vmem>>
      %dma_start3A_250 = tpu.memref_squeeze %dma_start3A_249 : memref<1x16x1024xf32, #tpu.memory_space<vmem>> -> memref<16x1024xf32, #tpu.memory_space<vmem>>
      %dma_start3A_251 = arith.constant 0 : i32
      %dma_start3A_252 = tpu.memref_slice %arg2[%add3A_112, %dma_start3A_251] : memref<2048x1024xf32, #tpu.memory_space<hbm>> -> memref<16x1024xf32, #tpu.memory_space<hbm>>
      tpu.enqueue_dma source(%dma_start3A_252 : memref<16x1024xf32, #tpu.memory_space<hbm>>) target(%dma_start3A_250 : memref<16x1024xf32, #tpu.memory_space<vmem>>) target_semaphore(%run_scoped3A_240 : memref<!tpu.dma_semaphore, #tpu.memory_space<semaphore_mem>>)
      %dma_wait3A_253 = arith.constant 0 : i32
      %dma_wait3A_254 = arith.constant 0 : i32
      %dma_wait3A_255 = tpu.memref_slice %arg6[%run_scoped3A_113, %dma_wait3A_253, %dma_wait3A_254] : memref<2x16x1024xf32, #tpu.memory_space<vmem>> -> memref<1x16x1024xf32, #tpu.memory_space<vmem>>
      %dma_wait3A_256 = tpu.memref_squeeze %dma_wait3A_255 : memref<1x16x1024xf32, #tpu.memory_space<vmem>> -> memref<16x1024xf32, #tpu.memory_space<vmem>>
      %dma_wait3A_257 = arith.constant 0 : i32
      %dma_wait3A_258 = tpu.memref_slice %arg2[%add3A_112, %dma_wait3A_257] : memref<2048x1024xf32, #tpu.memory_space<hbm>> -> memref<16x1024xf32, #tpu.memory_space<hbm>>
      %dma_wait3A_259 = arith.constant 0 : i32
      %dma_wait3A_260 = arith.constant 0 : i32
      %dma_wait3A_261 = tpu.memref_slice %arg6[%run_scoped3A_113, %dma_wait3A_259, %dma_wait3A_260] : memref<2x16x1024xf32, #tpu.memory_space<vmem>> -> memref<1x16x1024xf32, #tpu.memory_space<vmem>>
      %dma_wait3A_262 = tpu.memref_squeeze %dma_wait3A_261 : memref<1x16x1024xf32, #tpu.memory_space<vmem>> -> memref<16x1024xf32, #tpu.memory_space<vmem>>
      %dma_wait3A_263 = arith.constant 0 : i32
      %dma_wait3A_264 = tpu.memref_slice %arg2[%add3A_112, %dma_wait3A_263] : memref<2048x1024xf32, #tpu.memory_space<hbm>> -> memref<16x1024xf32, #tpu.memory_space<hbm>>
      tpu.wait_dma2 semaphore(%run_scoped3A_240 : memref<!tpu.dma_semaphore, #tpu.memory_space<semaphore_mem>>) src(%dma_wait3A_264 : memref<16x1024xf32, #tpu.memory_space<hbm>>) dst(%dma_wait3A_262 : memref<16x1024xf32, #tpu.memory_space<vmem>>)
      tpu.yield
    }) : () -> ()
    %get3A_114 = arith.constant 4 : i32
    %get3A_115 = arith.index_cast %get3A_114 : i32 to index
    %get3A_116 = arith.constant 0 : index
    %get3A_117 = tpu.vector_load %arg5[%get3A_115, %get3A_116] {strides = array<i32>} : memref<8x16xi32, #tpu.memory_space<vmem>>, vector<1x16xi32>,
    %get3A_118 = vector.shape_cast %get3A_117 : vector<1x16xi32> to vector<16xi32>
    %dma_start3A_119 = arith.constant 0 : i32
    %dma_start3A_120 = arith.constant 0 : i32
    %dma_start3A_121 = arith.constant 0 : i32
    %dma_start3A_122 = tpu.memref_slice %arg6[%dma_start3A_119, %dma_start3A_120, %dma_start3A_121] : memref<2x16x1024xf32, #tpu.memory_space<vmem>> -> memref<1x16x1024xf32, #tpu.memory_space<vmem>>
    %dma_start3A_123 = tpu.memref_squeeze %dma_start3A_122 : memref<1x16x1024xf32, #tpu.memory_space<vmem>> -> memref<16x1024xf32, #tpu.memory_space<vmem>>
    %dma_start3A_124 = arith.constant 0 : i32
    %dma_start3A_125 = arith.constant 0 : i32
    %dma_start3A_126 = tpu.memref_slice %arg4[%dma_start3A_124, %dma_start3A_125] : memref<6144x1024xf32, #tpu.memory_space<hbm>> -> memref<6144x1024xf32, #tpu.memory_space<hbm>>
    tpu.enqueue_indirect_dma source(%dma_start3A_123 : memref<16x1024xf32, #tpu.memory_space<vmem>>) target(%dma_start3A_126 : memref<6144x1024xf32, #tpu.memory_space<hbm>>) offsets(%get3A_118 : vector<16xi32>) semaphore(%arg7 : memref<!tpu.dma_semaphore, #tpu.memory_space<semaphore_mem>>)
    %get3A_127 = arith.constant 1 : i32
    %get3A_128 = arith.index_cast %get3A_127 : i32 to index
    %get3A_129 = arith.constant 0 : index
    %get3A_130 = tpu.vector_load %arg5[%get3A_128, %get3A_129] {strides = array<i32>} : memref<8x16xi32, #tpu.memory_space<vmem>>, vector<1x16xi32>,
    %get3A_131 = vector.shape_cast %get3A_130 : vector<1x16xi32> to vector<16xi32>
    %dma_wait3A_132 = arith.constant 1 : i32
    %dma_wait3A_133 = arith.constant 0 : i32
    %dma_wait3A_134 = arith.constant 0 : i32
    %dma_wait3A_135 = tpu.memref_slice %arg6[%dma_wait3A_132, %dma_wait3A_133, %dma_wait3A_134] : memref<2x16x1024xf32, #tpu.memory_space<vmem>> -> memref<1x16x1024xf32, #tpu.memory_space<vmem>>
    %dma_wait3A_136 = tpu.memref_squeeze %dma_wait3A_135 : memref<1x16x1024xf32, #tpu.memory_space<vmem>> -> memref<16x1024xf32, #tpu.memory_space<vmem>>
    %dma_wait3A_137 = arith.constant 0 : i32
    %dma_wait3A_138 = arith.constant 0 : i32
    %dma_wait3A_139 = tpu.memref_slice %arg4[%dma_wait3A_137, %dma_wait3A_138] : memref<6144x1024xf32, #tpu.memory_space<hbm>> -> memref<6144x1024xf32, #tpu.memory_space<hbm>>
    tpu.wait_indirect_dma semaphore(%arg8 : memref<!tpu.dma_semaphore, #tpu.memory_space<semaphore_mem>>) src(%dma_wait3A_136 : memref<16x1024xf32, #tpu.memory_space<vmem>>) dst(%dma_wait3A_139 : memref<6144x1024xf32, #tpu.memory_space<hbm>>)
    %add3A_140 = arith.constant 80 : i32
    %add3A_141 = arith.addi %mul3A_11, %add3A_140 : i32
    %run_scoped3A_142 = arith.constant 1 : i32
    "tpu.region"() ({
      %run_scoped3A_240 = tpu.sem_alloc : memref<!tpu.dma_semaphore, #tpu.memory_space<semaphore_mem>>
      %dma_start3A_241 = arith.constant 0 : i32
      %dma_start3A_242 = arith.constant 0 : i32
      %dma_start3A_243 = tpu.memref_slice %arg6[%run_scoped3A_142, %dma_start3A_241, %dma_start3A_242] : memref<2x16x1024xf32, #tpu.memory_space<vmem>> -> memref<1x16x1024xf32, #tpu.memory_space<vmem>>
      %dma_start3A_244 = tpu.memref_squeeze %dma_start3A_243 : memref<1x16x1024xf32, #tpu.memory_space<vmem>> -> memref<16x1024xf32, #tpu.memory_space<vmem>>
      %dma_start3A_245 = arith.constant 0 : i32
      %dma_start3A_246 = tpu.memref_slice %arg2[%add3A_141, %dma_start3A_245] : memref<2048x1024xf32, #tpu.memory_space<hbm>> -> memref<16x1024xf32, #tpu.memory_space<hbm>>
      %dma_start3A_247 = arith.constant 0 : i32
      %dma_start3A_248 = arith.constant 0 : i32
      %dma_start3A_249 = tpu.memref_slice %arg6[%run_scoped3A_142, %dma_start3A_247, %dma_start3A_248] : memref<2x16x1024xf32, #tpu.memory_space<vmem>> -> memref<1x16x1024xf32, #tpu.memory_space<vmem>>
      %dma_start3A_250 = tpu.memref_squeeze %dma_start3A_249 : memref<1x16x1024xf32, #tpu.memory_space<vmem>> -> memref<16x1024xf32, #tpu.memory_space<vmem>>
      %dma_start3A_251 = arith.constant 0 : i32
      %dma_start3A_252 = tpu.memref_slice %arg2[%add3A_141, %dma_start3A_251] : memref<2048x1024xf32, #tpu.memory_space<hbm>> -> memref<16x1024xf32, #tpu.memory_space<hbm>>
      tpu.enqueue_dma source(%dma_start3A_252 : memref<16x1024xf32, #tpu.memory_space<hbm>>) target(%dma_start3A_250 : memref<16x1024xf32, #tpu.memory_space<vmem>>) target_semaphore(%run_scoped3A_240 : memref<!tpu.dma_semaphore, #tpu.memory_space<semaphore_mem>>)
      %dma_wait3A_253 = arith.constant 0 : i32
      %dma_wait3A_254 = arith.constant 0 : i32
      %dma_wait3A_255 = tpu.memref_slice %arg6[%run_scoped3A_142, %dma_wait3A_253, %dma_wait3A_254] : memref<2x16x1024xf32, #tpu.memory_space<vmem>> -> memref<1x16x1024xf32, #tpu.memory_space<vmem>>
      %dma_wait3A_256 = tpu.memref_squeeze %dma_wait3A_255 : memref<1x16x1024xf32, #tpu.memory_space<vmem>> -> memref<16x1024xf32, #tpu.memory_space<vmem>>
      %dma_wait3A_257 = arith.constant 0 : i32
      %dma_wait3A_258 = tpu.memref_slice %arg2[%add3A_141, %dma_wait3A_257] : memref<2048x1024xf32, #tpu.memory_space<hbm>> -> memref<16x1024xf32, #tpu.memory_space<hbm>>
      %dma_wait3A_259 = arith.constant 0 : i32
      %dma_wait3A_260 = arith.constant 0 : i32
      %dma_wait3A_261 = tpu.memref_slice %arg6[%run_scoped3A_142, %dma_wait3A_259, %dma_wait3A_260] : memref<2x16x1024xf32, #tpu.memory_space<vmem>> -> memref<1x16x1024xf32, #tpu.memory_space<vmem>>
      %dma_wait3A_262 = tpu.memref_squeeze %dma_wait3A_261 : memref<1x16x1024xf32, #tpu.memory_space<vmem>> -> memref<16x1024xf32, #tpu.memory_space<vmem>>
      %dma_wait3A_263 = arith.constant 0 : i32
      %dma_wait3A_264 = tpu.memref_slice %arg2[%add3A_141, %dma_wait3A_263] : memref<2048x1024xf32, #tpu.memory_space<hbm>> -> memref<16x1024xf32, #tpu.memory_space<hbm>>
      tpu.wait_dma2 semaphore(%run_scoped3A_240 : memref<!tpu.dma_semaphore, #tpu.memory_space<semaphore_mem>>) src(%dma_wait3A_264 : memref<16x1024xf32, #tpu.memory_space<hbm>>) dst(%dma_wait3A_262 : memref<16x1024xf32, #tpu.memory_space<vmem>>)
      tpu.yield
    }) : () -> ()
    %get3A_143 = arith.constant 5 : i32
    %get3A_144 = arith.index_cast %get3A_143 : i32 to index
    %get3A_145 = arith.constant 0 : index
    %get3A_146 = tpu.vector_load %arg5[%get3A_144, %get3A_145] {strides = array<i32>} : memref<8x16xi32, #tpu.memory_space<vmem>>, vector<1x16xi32>,
    %get3A_147 = vector.shape_cast %get3A_146 : vector<1x16xi32> to vector<16xi32>
    %dma_start3A_148 = arith.constant 1 : i32
    %dma_start3A_149 = arith.constant 0 : i32
    %dma_start3A_150 = arith.constant 0 : i32
    %dma_start3A_151 = tpu.memref_slice %arg6[%dma_start3A_148, %dma_start3A_149, %dma_start3A_150] : memref<2x16x1024xf32, #tpu.memory_space<vmem>> -> memref<1x16x1024xf32, #tpu.memory_space<vmem>>
    %dma_start3A_152 = tpu.memref_squeeze %dma_start3A_151 : memref<1x16x1024xf32, #tpu.memory_space<vmem>> -> memref<16x1024xf32, #tpu.memory_space<vmem>>
    %dma_start3A_153 = arith.constant 0 : i32
    %dma_start3A_154 = arith.constant 0 : i32
    %dma_start3A_155 = tpu.memref_slice %arg4[%dma_start3A_153, %dma_start3A_154] : memref<6144x1024xf32, #tpu.memory_space<hbm>> -> memref<6144x1024xf32, #tpu.memory_space<hbm>>
    tpu.enqueue_indirect_dma source(%dma_start3A_152 : memref<16x1024xf32, #tpu.memory_space<vmem>>) target(%dma_start3A_155 : memref<6144x1024xf32, #tpu.memory_space<hbm>>) offsets(%get3A_147 : vector<16xi32>) semaphore(%arg8 : memref<!tpu.dma_semaphore, #tpu.memory_space<semaphore_mem>>)
    %get3A_156 = arith.constant 0 : i32
    %get3A_157 = arith.index_cast %get3A_156 : i32 to index
    %get3A_158 = arith.constant 0 : index
    %get3A_159 = tpu.vector_load %arg5[%get3A_157, %get3A_158] {strides = array<i32>} : memref<8x16xi32, #tpu.memory_space<vmem>>, vector<1x16xi32>,
    %get3A_160 = vector.shape_cast %get3A_159 : vector<1x16xi32> to vector<16xi32>
    %dma_wait3A_161 = arith.constant 0 : i32
    %dma_wait3A_162 = arith.constant 0 : i32
    %dma_wait3A_163 = arith.constant 0 : i32
    %dma_wait3A_164 = tpu.memref_slice %arg6[%dma_wait3A_161, %dma_wait3A_162, %dma_wait3A_163] : memref<2x16x1024xf32, #tpu.memory_space<vmem>> -> memref<1x16x1024xf32, #tpu.memory_space<vmem>>
    %dma_wait3A_165 = tpu.memref_squeeze %dma_wait3A_164 : memref<1x16x1024xf32, #tpu.memory_space<vmem>> -> memref<16x1024xf32, #tpu.memory_space<vmem>>
    %dma_wait3A_166 = arith.constant 0 : i32
    %dma_wait3A_167 = arith.constant 0 : i32
    %dma_wait3A_168 = tpu.memref_slice %arg4[%dma_wait3A_166, %dma_wait3A_167] : memref<6144x1024xf32, #tpu.memory_space<hbm>> -> memref<6144x1024xf32, #tpu.memory_space<hbm>>
    tpu.wait_indirect_dma semaphore(%arg7 : memref<!tpu.dma_semaphore, #tpu.memory_space<semaphore_mem>>) src(%dma_wait3A_165 : memref<16x1024xf32, #tpu.memory_space<vmem>>) dst(%dma_wait3A_168 : memref<6144x1024xf32, #tpu.memory_space<hbm>>)
    %add3A_169 = arith.constant 96 : i32
    %add3A_170 = arith.addi %mul3A_11, %add3A_169 : i32
    %run_scoped3A_171 = arith.constant 0 : i32
    "tpu.region"() ({
      %run_scoped3A_240 = tpu.sem_alloc : memref<!tpu.dma_semaphore, #tpu.memory_space<semaphore_mem>>
      %dma_start3A_241 = arith.constant 0 : i32
      %dma_start3A_242 = arith.constant 0 : i32
      %dma_start3A_243 = tpu.memref_slice %arg6[%run_scoped3A_171, %dma_start3A_241, %dma_start3A_242] : memref<2x16x1024xf32, #tpu.memory_space<vmem>> -> memref<1x16x1024xf32, #tpu.memory_space<vmem>>
      %dma_start3A_244 = tpu.memref_squeeze %dma_start3A_243 : memref<1x16x1024xf32, #tpu.memory_space<vmem>> -> memref<16x1024xf32, #tpu.memory_space<vmem>>
      %dma_start3A_245 = arith.constant 0 : i32
      %dma_start3A_246 = tpu.memref_slice %arg2[%add3A_170, %dma_start3A_245] : memref<2048x1024xf32, #tpu.memory_space<hbm>> -> memref<16x1024xf32, #tpu.memory_space<hbm>>
      %dma_start3A_247 = arith.constant 0 : i32
      %dma_start3A_248 = arith.constant 0 : i32
      %dma_start3A_249 = tpu.memref_slice %arg6[%run_scoped3A_171, %dma_start3A_247, %dma_start3A_248] : memref<2x16x1024xf32, #tpu.memory_space<vmem>> -> memref<1x16x1024xf32, #tpu.memory_space<vmem>>
      %dma_start3A_250 = tpu.memref_squeeze %dma_start3A_249 : memref<1x16x1024xf32, #tpu.memory_space<vmem>> -> memref<16x1024xf32, #tpu.memory_space<vmem>>
      %dma_start3A_251 = arith.constant 0 : i32
      %dma_start3A_252 = tpu.memref_slice %arg2[%add3A_170, %dma_start3A_251] : memref<2048x1024xf32, #tpu.memory_space<hbm>> -> memref<16x1024xf32, #tpu.memory_space<hbm>>
      tpu.enqueue_dma source(%dma_start3A_252 : memref<16x1024xf32, #tpu.memory_space<hbm>>) target(%dma_start3A_250 : memref<16x1024xf32, #tpu.memory_space<vmem>>) target_semaphore(%run_scoped3A_240 : memref<!tpu.dma_semaphore, #tpu.memory_space<semaphore_mem>>)
      %dma_wait3A_253 = arith.constant 0 : i32
      %dma_wait3A_254 = arith.constant 0 : i32
      %dma_wait3A_255 = tpu.memref_slice %arg6[%run_scoped3A_171, %dma_wait3A_253, %dma_wait3A_254] : memref<2x16x1024xf32, #tpu.memory_space<vmem>> -> memref<1x16x1024xf32, #tpu.memory_space<vmem>>
      %dma_wait3A_256 = tpu.memref_squeeze %dma_wait3A_255 : memref<1x16x1024xf32, #tpu.memory_space<vmem>> -> memref<16x1024xf32, #tpu.memory_space<vmem>>
      %dma_wait3A_257 = arith.constant 0 : i32
      %dma_wait3A_258 = tpu.memref_slice %arg2[%add3A_170, %dma_wait3A_257] : memref<2048x1024xf32, #tpu.memory_space<hbm>> -> memref<16x1024xf32, #tpu.memory_space<hbm>>
      %dma_wait3A_259 = arith.constant 0 : i32
      %dma_wait3A_260 = arith.constant 0 : i32
      %dma_wait3A_261 = tpu.memref_slice %arg6[%run_scoped3A_171, %dma_wait3A_259, %dma_wait3A_260] : memref<2x16x1024xf32, #tpu.memory_space<vmem>> -> memref<1x16x1024xf32, #tpu.memory_space<vmem>>
      %dma_wait3A_262 = tpu.memref_squeeze %dma_wait3A_261 : memref<1x16x1024xf32, #tpu.memory_space<vmem>> -> memref<16x1024xf32, #tpu.memory_space<vmem>>
      %dma_wait3A_263 = arith.constant 0 : i32
      %dma_wait3A_264 = tpu.memref_slice %arg2[%add3A_170, %dma_wait3A_263] : memref<2048x1024xf32, #tpu.memory_space<hbm>> -> memref<16x1024xf32, #tpu.memory_space<hbm>>
      tpu.wait_dma2 semaphore(%run_scoped3A_240 : memref<!tpu.dma_semaphore, #tpu.memory_space<semaphore_mem>>) src(%dma_wait3A_264 : memref<16x1024xf32, #tpu.memory_space<hbm>>) dst(%dma_wait3A_262 : memref<16x1024xf32, #tpu.memory_space<vmem>>)
      tpu.yield
    }) : () -> ()
    %get3A_172 = arith.constant 6 : i32
    %get3A_173 = arith.index_cast %get3A_172 : i32 to index
    %get3A_174 = arith.constant 0 : index
    %get3A_175 = tpu.vector_load %arg5[%get3A_173, %get3A_174] {strides = array<i32>} : memref<8x16xi32, #tpu.memory_space<vmem>>, vector<1x16xi32>,
    %get3A_176 = vector.shape_cast %get3A_175 : vector<1x16xi32> to vector<16xi32>
    %dma_start3A_177 = arith.constant 0 : i32
    %dma_start3A_178 = arith.constant 0 : i32
    %dma_start3A_179 = arith.constant 0 : i32
    %dma_start3A_180 = tpu.memref_slice %arg6[%dma_start3A_177, %dma_start3A_178, %dma_start3A_179] : memref<2x16x1024xf32, #tpu.memory_space<vmem>> -> memref<1x16x1024xf32, #tpu.memory_space<vmem>>
    %dma_start3A_181 = tpu.memref_squeeze %dma_start3A_180 : memref<1x16x1024xf32, #tpu.memory_space<vmem>> -> memref<16x1024xf32, #tpu.memory_space<vmem>>
    %dma_start3A_182 = arith.constant 0 : i32
    %dma_start3A_183 = arith.constant 0 : i32
    %dma_start3A_184 = tpu.memref_slice %arg4[%dma_start3A_182, %dma_start3A_183] : memref<6144x1024xf32, #tpu.memory_space<hbm>> -> memref<6144x1024xf32, #tpu.memory_space<hbm>>
    tpu.enqueue_indirect_dma source(%dma_start3A_181 : memref<16x1024xf32, #tpu.memory_space<vmem>>) target(%dma_start3A_184 : memref<6144x1024xf32, #tpu.memory_space<hbm>>) offsets(%get3A_176 : vector<16xi32>) semaphore(%arg7 : memref<!tpu.dma_semaphore, #tpu.memory_space<semaphore_mem>>)
    %get3A_185 = arith.constant 1 : i32
    %get3A_186 = arith.index_cast %get3A_185 : i32 to index
    %get3A_187 = arith.constant 0 : index
    %get3A_188 = tpu.vector_load %arg5[%get3A_186, %get3A_187] {strides = array<i32>} : memref<8x16xi32, #tpu.memory_space<vmem>>, vector<1x16xi32>,
    %get3A_189 = vector.shape_cast %get3A_188 : vector<1x16xi32> to vector<16xi32>
    %dma_wait3A_190 = arith.constant 1 : i32
    %dma_wait3A_191 = arith.constant 0 : i32
    %dma_wait3A_192 = arith.constant 0 : i32
    %dma_wait3A_193 = tpu.memref_slice %arg6[%dma_wait3A_190, %dma_wait3A_191, %dma_wait3A_192] : memref<2x16x1024xf32, #tpu.memory_space<vmem>> -> memref<1x16x1024xf32, #tpu.memory_space<vmem>>
    %dma_wait3A_194 = tpu.memref_squeeze %dma_wait3A_193 : memref<1x16x1024xf32, #tpu.memory_space<vmem>> -> memref<16x1024xf32, #tpu.memory_space<vmem>>
    %dma_wait3A_195 = arith.constant 0 : i32
    %dma_wait3A_196 = arith.constant 0 : i32
    %dma_wait3A_197 = tpu.memref_slice %arg4[%dma_wait3A_195, %dma_wait3A_196] : memref<6144x1024xf32, #tpu.memory_space<hbm>> -> memref<6144x1024xf32, #tpu.memory_space<hbm>>
    tpu.wait_indirect_dma semaphore(%arg8 : memref<!tpu.dma_semaphore, #tpu.memory_space<semaphore_mem>>) src(%dma_wait3A_194 : memref<16x1024xf32, #tpu.memory_space<vmem>>) dst(%dma_wait3A_197 : memref<6144x1024xf32, #tpu.memory_space<hbm>>)
    %add3A_198 = arith.constant 112 : i32
    %add3A_199 = arith.addi %mul3A_11, %add3A_198 : i32
    %run_scoped3A_200 = arith.constant 1 : i32
    "tpu.region"() ({
      %run_scoped3A_240 = tpu.sem_alloc : memref<!tpu.dma_semaphore, #tpu.memory_space<semaphore_mem>>
      %dma_start3A_241 = arith.constant 0 : i32
      %dma_start3A_242 = arith.constant 0 : i32
      %dma_start3A_243 = tpu.memref_slice %arg6[%run_scoped3A_200, %dma_start3A_241, %dma_start3A_242] : memref<2x16x1024xf32, #tpu.memory_space<vmem>> -> memref<1x16x1024xf32, #tpu.memory_space<vmem>>
      %dma_start3A_244 = tpu.memref_squeeze %dma_start3A_243 : memref<1x16x1024xf32, #tpu.memory_space<vmem>> -> memref<16x1024xf32, #tpu.memory_space<vmem>>
      %dma_start3A_245 = arith.constant 0 : i32
      %dma_start3A_246 = tpu.memref_slice %arg2[%add3A_199, %dma_start3A_245] : memref<2048x1024xf32, #tpu.memory_space<hbm>> -> memref<16x1024xf32, #tpu.memory_space<hbm>>
      %dma_start3A_247 = arith.constant 0 : i32
      %dma_start3A_248 = arith.constant 0 : i32
      %dma_start3A_249 = tpu.memref_slice %arg6[%run_scoped3A_200, %dma_start3A_247, %dma_start3A_248] : memref<2x16x1024xf32, #tpu.memory_space<vmem>> -> memref<1x16x1024xf32, #tpu.memory_space<vmem>>
      %dma_start3A_250 = tpu.memref_squeeze %dma_start3A_249 : memref<1x16x1024xf32, #tpu.memory_space<vmem>> -> memref<16x1024xf32, #tpu.memory_space<vmem>>
      %dma_start3A_251 = arith.constant 0 : i32
      %dma_start3A_252 = tpu.memref_slice %arg2[%add3A_199, %dma_start3A_251] : memref<2048x1024xf32, #tpu.memory_space<hbm>> -> memref<16x1024xf32, #tpu.memory_space<hbm>>
      tpu.enqueue_dma source(%dma_start3A_252 : memref<16x1024xf32, #tpu.memory_space<hbm>>) target(%dma_start3A_250 : memref<16x1024xf32, #tpu.memory_space<vmem>>) target_semaphore(%run_scoped3A_240 : memref<!tpu.dma_semaphore, #tpu.memory_space<semaphore_mem>>)
      %dma_wait3A_253 = arith.constant 0 : i32
      %dma_wait3A_254 = arith.constant 0 : i32
      %dma_wait3A_255 = tpu.memref_slice %arg6[%run_scoped3A_200, %dma_wait3A_253, %dma_wait3A_254] : memref<2x16x1024xf32, #tpu.memory_space<vmem>> -> memref<1x16x1024xf32, #tpu.memory_space<vmem>>
      %dma_wait3A_256 = tpu.memref_squeeze %dma_wait3A_255 : memref<1x16x1024xf32, #tpu.memory_space<vmem>> -> memref<16x1024xf32, #tpu.memory_space<vmem>>
      %dma_wait3A_257 = arith.constant 0 : i32
      %dma_wait3A_258 = tpu.memref_slice %arg2[%add3A_199, %dma_wait3A_257] : memref<2048x1024xf32, #tpu.memory_space<hbm>> -> memref<16x1024xf32, #tpu.memory_space<hbm>>
      %dma_wait3A_259 = arith.constant 0 : i32
      %dma_wait3A_260 = arith.constant 0 : i32
      %dma_wait3A_261 = tpu.memref_slice %arg6[%run_scoped3A_200, %dma_wait3A_259, %dma_wait3A_260] : memref<2x16x1024xf32, #tpu.memory_space<vmem>> -> memref<1x16x1024xf32, #tpu.memory_space<vmem>>
      %dma_wait3A_262 = tpu.memref_squeeze %dma_wait3A_261 : memref<1x16x1024xf32, #tpu.memory_space<vmem>> -> memref<16x1024xf32, #tpu.memory_space<vmem>>
      %dma_wait3A_263 = arith.constant 0 : i32
      %dma_wait3A_264 = tpu.memref_slice %arg2[%add3A_199, %dma_wait3A_263] : memref<2048x1024xf32, #tpu.memory_space<hbm>> -> memref<16x1024xf32, #tpu.memory_space<hbm>>
      tpu.wait_dma2 semaphore(%run_scoped3A_240 : memref<!tpu.dma_semaphore, #tpu.memory_space<semaphore_mem>>) src(%dma_wait3A_264 : memref<16x1024xf32, #tpu.memory_space<hbm>>) dst(%dma_wait3A_262 : memref<16x1024xf32, #tpu.memory_space<vmem>>)
      tpu.yield
    }) : () -> ()
    %get3A_201 = arith.constant 7 : i32
    %get3A_202 = arith.index_cast %get3A_201 : i32 to index
    %get3A_203 = arith.constant 0 : index
    %get3A_204 = tpu.vector_load %arg5[%get3A_202, %get3A_203] {strides = array<i32>} : memref<8x16xi32, #tpu.memory_space<vmem>>, vector<1x16xi32>,
    %get3A_205 = vector.shape_cast %get3A_204 : vector<1x16xi32> to vector<16xi32>
    %dma_start3A_206 = arith.constant 1 : i32
    %dma_start3A_207 = arith.constant 0 : i32
    %dma_start3A_208 = arith.constant 0 : i32
    %dma_start3A_209 = tpu.memref_slice %arg6[%dma_start3A_206, %dma_start3A_207, %dma_start3A_208] : memref<2x16x1024xf32, #tpu.memory_space<vmem>> -> memref<1x16x1024xf32, #tpu.memory_space<vmem>>
    %dma_start3A_210 = tpu.memref_squeeze %dma_start3A_209 : memref<1x16x1024xf32, #tpu.memory_space<vmem>> -> memref<16x1024xf32, #tpu.memory_space<vmem>>
    %dma_start3A_211 = arith.constant 0 : i32
    %dma_start3A_212 = arith.constant 0 : i32
    %dma_start3A_213 = tpu.memref_slice %arg4[%dma_start3A_211, %dma_start3A_212] : memref<6144x1024xf32, #tpu.memory_space<hbm>> -> memref<6144x1024xf32, #tpu.memory_space<hbm>>
    tpu.enqueue_indirect_dma source(%dma_start3A_210 : memref<16x1024xf32, #tpu.memory_space<vmem>>) target(%dma_start3A_213 : memref<6144x1024xf32, #tpu.memory_space<hbm>>) offsets(%get3A_205 : vector<16xi32>) semaphore(%arg8 : memref<!tpu.dma_semaphore, #tpu.memory_space<semaphore_mem>>)
    %get3A_214 = arith.constant 0 : i32
    %get3A_215 = arith.index_cast %get3A_214 : i32 to index
    %get3A_216 = arith.constant 0 : index
    %get3A_217 = tpu.vector_load %arg5[%get3A_215, %get3A_216] {strides = array<i32>} : memref<8x16xi32, #tpu.memory_space<vmem>>, vector<1x16xi32>,
    %get3A_218 = vector.shape_cast %get3A_217 : vector<1x16xi32> to vector<16xi32>
    %dma_wait3A_219 = arith.constant 0 : i32
    %dma_wait3A_220 = arith.constant 0 : i32
    %dma_wait3A_221 = arith.constant 0 : i32
    %dma_wait3A_222 = tpu.memref_slice %arg6[%dma_wait3A_219, %dma_wait3A_220, %dma_wait3A_221] : memref<2x16x1024xf32, #tpu.memory_space<vmem>> -> memref<1x16x1024xf32, #tpu.memory_space<vmem>>
    %dma_wait3A_223 = tpu.memref_squeeze %dma_wait3A_222 : memref<1x16x1024xf32, #tpu.memory_space<vmem>> -> memref<16x1024xf32, #tpu.memory_space<vmem>>
    %dma_wait3A_224 = arith.constant 0 : i32
    %dma_wait3A_225 = arith.constant 0 : i32
    %dma_wait3A_226 = tpu.memref_slice %arg4[%dma_wait3A_224, %dma_wait3A_225] : memref<6144x1024xf32, #tpu.memory_space<hbm>> -> memref<6144x1024xf32, #tpu.memory_space<hbm>>
    tpu.wait_indirect_dma semaphore(%arg7 : memref<!tpu.dma_semaphore, #tpu.memory_space<semaphore_mem>>) src(%dma_wait3A_223 : memref<16x1024xf32, #tpu.memory_space<vmem>>) dst(%dma_wait3A_226 : memref<6144x1024xf32, #tpu.memory_space<hbm>>)
    %get3A_227 = arith.constant 1 : i32
    %get3A_228 = arith.index_cast %get3A_227 : i32 to index
    %get3A_229 = arith.constant 0 : index
    %get3A_230 = tpu.vector_load %arg5[%get3A_228, %get3A_229] {strides = array<i32>} : memref<8x16xi32, #tpu.memory_space<vmem>>, vector<1x16xi32>,
    %get3A_231 = vector.shape_cast %get3A_230 : vector<1x16xi32> to vector<16xi32>
    %dma_wait3A_232 = arith.constant 1 : i32
    %dma_wait3A_233 = arith.constant 0 : i32
    %dma_wait3A_234 = arith.constant 0 : i32
    %dma_wait3A_235 = tpu.memref_slice %arg6[%dma_wait3A_232, %dma_wait3A_233, %dma_wait3A_234] : memref<2x16x1024xf32, #tpu.memory_space<vmem>> -> memref<1x16x1024xf32, #tpu.memory_space<vmem>>
    %dma_wait3A_236 = tpu.memref_squeeze %dma_wait3A_235 : memref<1x16x1024xf32, #tpu.memory_space<vmem>> -> memref<16x1024xf32, #tpu.memory_space<vmem>>
    %dma_wait3A_237 = arith.constant 0 : i32
    %dma_wait3A_238 = arith.constant 0 : i32
    %dma_wait3A_239 = tpu.memref_slice %arg4[%dma_wait3A_237, %dma_wait3A_238] : memref<6144x1024xf32, #tpu.memory_space<hbm>> -> memref<6144x1024xf32, #tpu.memory_space<hbm>>
    tpu.wait_indirect_dma semaphore(%arg8 : memref<!tpu.dma_semaphore, #tpu.memory_space<semaphore_mem>>) src(%dma_wait3A_236 : memref<16x1024xf32, #tpu.memory_space<vmem>>) dst(%dma_wait3A_239 : memref<6144x1024xf32, #tpu.memory_space<hbm>>)
    return
  }
}

module attributes {stable_mosaic.version = 14 : i64} {
  func.func @_router_body(%arg0: memref<2048x1024xf32, #tpu.memory_space<vmem>>, %arg1: memref<8x1024xf32, #tpu.memory_space<vmem>>, %arg2: memref<1x8xf32, #tpu.memory_space<vmem>>, %arg3: memref<2048x8xf32, #tpu.memory_space<vmem>>, %arg4: memref<2048x2xi32, #tpu.memory_space<vmem>>, %arg5: memref<2048x2xf32, #tpu.memory_space<vmem>>, %arg6: memref<24x1xi32, #tpu.memory_space<vmem>>, %arg7: memref<1x1xi32, #tpu.memory_space<vmem>>) attributes {dimension_semantics = [], scalar_prefetch = 0 : i64, scratch_operands = 0 : i64, tpu.core_type = #tpu.core_type<tc>} {
    %get3A = arith.constant 0 : index
    %get3A_0 = arith.constant 0 : index
    %get3A_1 = vector.load %arg0[%get3A, %get3A_0] : memref<2048x1024xf32, #tpu.memory_space<vmem>>, vector<2048x1024xf32>
    %get3A_2 = arith.constant 0 : index
    %get3A_3 = arith.constant 0 : index
    %get3A_4 = vector.load %arg1[%get3A_2, %get3A_3] : memref<8x1024xf32, #tpu.memory_space<vmem>>, vector<8x1024xf32>
    %dot_general3A = arith.constant dense<0.000000e+00> : vector<2048x8xf32>
    %dot_general3A_5 = tpu.matmul %get3A_1, %get3A_4, %dot_general3A {dimension_numbers = #tpu.dot_dimension_numbers<[1], [1], [0], [0], [0, 0, 1, 0], [], []>, transpose_lhs_hint = false} : vector<2048x1024xf32>, vector<8x1024xf32>, vector<2048x8xf32> -> vector<2048x8xf32>
    %get3A_6 = arith.constant 0 : index
    %get3A_7 = arith.constant 0 : index
    %get3A_8 = vector.load %arg2[%get3A_6, %get3A_7] : memref<1x8xf32, #tpu.memory_space<vmem>>, vector<1x8xf32>
    %add3A = vector.broadcast %get3A_8 : vector<1x8xf32> to vector<2048x8xf32>
    %add3A_9 = arith.addf %dot_general3A_5, %add3A : vector<2048x8xf32>
    %reduce_max3A = arith.constant dense<0xFF800000> : vector<2048xf32>
    %reduce_max3A_10 = vector.multi_reduction <maximumf>, %add3A_9, %reduce_max3A [1] : vector<2048x8xf32> to vector<2048xf32>
    %broadcast_in_dim3A = vector.shape_cast %reduce_max3A_10 : vector<2048xf32> to vector<2048x1xf32>
    %sub3A = vector.broadcast %broadcast_in_dim3A : vector<2048x1xf32> to vector<2048x8xf32>
    %sub3A_11 = arith.subf %add3A_9, %sub3A : vector<2048x8xf32>
    %exp3A = math.exp %sub3A_11 : vector<2048x8xf32>
    %reduce_sum3A = arith.constant dense<0.000000e+00> : vector<2048xf32>
    %reduce_sum3A_12 = vector.multi_reduction <add>, %exp3A, %reduce_sum3A [1] : vector<2048x8xf32> to vector<2048xf32>
    %broadcast_in_dim3A_13 = vector.shape_cast %reduce_sum3A_12 : vector<2048xf32> to vector<2048x1xf32>
    %div3A = vector.broadcast %broadcast_in_dim3A_13 : vector<2048x1xf32> to vector<2048x8xf32>
    %div3A_14 = arith.divf %exp3A, %div3A : vector<2048x8xf32>
    %swap3A = arith.constant 0 : index
    %swap3A_15 = arith.constant 0 : index
    %swap3A_16 = vector.load %arg3[%swap3A, %swap3A_15] : memref<2048x8xf32, #tpu.memory_space<vmem>>, vector<2048x8xf32>
    tpu.vector_store %arg3[%swap3A, %swap3A_15], %div3A_14 {strides = array<i32>} : memref<2048x8xf32, #tpu.memory_space<vmem>>, vector<2048x8xf32>,
    %iota3A = tpu.iota {dimensions = array<i32: 1>} : vector<2048x8xi32>
    %reduce_max3A_17 = arith.constant dense<0xFF800000> : vector<2048xf32>
    %reduce_max3A_18 = vector.multi_reduction <maximumf>, %div3A_14, %reduce_max3A_17 [1] : vector<2048x8xf32> to vector<2048xf32>
    %broadcast_in_dim3A_19 = vector.shape_cast %reduce_max3A_18 : vector<2048xf32> to vector<2048x1xf32>
    %eq3A = vector.broadcast %broadcast_in_dim3A_19 : vector<2048x1xf32> to vector<2048x8xf32>
    %eq3A_20 = arith.cmpf oeq, %div3A_14, %eq3A : vector<2048x8xf32>
    %jit3A = arith.constant 8 : i32
    %broadcast_in_dim3A_21 = vector.broadcast %jit3A : i32 to vector<2048x8xi32>
    %select_n3A = arith.select %eq3A_20, %iota3A, %broadcast_in_dim3A_21 : vector<2048x8xi1>, vector<2048x8xi32>
    %reduce_min3A = arith.constant dense<2147483647> : vector<2048xi32>
    %reduce_min3A_22 = vector.multi_reduction <minsi>, %select_n3A, %reduce_min3A [1] : vector<2048x8xi32> to vector<2048xi32>
    %broadcast_in_dim3A_23 = vector.shape_cast %reduce_min3A_22 : vector<2048xi32> to vector<2048x1xi32>
    %eq3A_24 = vector.broadcast %broadcast_in_dim3A_23 : vector<2048x1xi32> to vector<2048x8xi32>
    %eq3A_25 = arith.cmpi eq, %iota3A, %eq3A_24 : vector<2048x8xi32>
    %jit3A_26 = arith.constant 0xFF800000 : f32
    %broadcast_in_dim3A_27 = vector.broadcast %jit3A_26 : f32 to vector<2048x8xf32>
    %select_n3A_28 = arith.select %eq3A_25, %broadcast_in_dim3A_27, %div3A_14 : vector<2048x8xi1>, vector<2048x8xf32>
    %reduce_max3A_29 = arith.constant dense<0xFF800000> : vector<2048xf32>
    %reduce_max3A_30 = vector.multi_reduction <maximumf>, %select_n3A_28, %reduce_max3A_29 [1] : vector<2048x8xf32> to vector<2048xf32>
    %broadcast_in_dim3A_31 = vector.shape_cast %reduce_max3A_30 : vector<2048xf32> to vector<2048x1xf32>
    %eq3A_32 = vector.broadcast %broadcast_in_dim3A_31 : vector<2048x1xf32> to vector<2048x8xf32>
    %eq3A_33 = arith.cmpf oeq, %select_n3A_28, %eq3A_32 : vector<2048x8xf32>
    %jit3A_34 = arith.constant 8 : i32
    %broadcast_in_dim3A_35 = vector.broadcast %jit3A_34 : i32 to vector<2048x8xi32>
    %select_n3A_36 = arith.select %eq3A_33, %iota3A, %broadcast_in_dim3A_35 : vector<2048x8xi1>, vector<2048x8xi32>
    %reduce_min3A_37 = arith.constant dense<2147483647> : vector<2048xi32>
    %reduce_min3A_38 = vector.multi_reduction <minsi>, %select_n3A_36, %reduce_min3A_37 [1] : vector<2048x8xi32> to vector<2048xi32>
    %broadcast_in_dim3A_39 = vector.shape_cast %reduce_min3A_38 : vector<2048xi32> to vector<2048x1xi32>
    %add3A_40 = arith.addf %broadcast_in_dim3A_19, %broadcast_in_dim3A_31 : vector<2048x1xf32>
    %div3A_41 = arith.divf %broadcast_in_dim3A_19, %add3A_40 : vector<2048x1xf32>
    %div3A_42 = arith.divf %broadcast_in_dim3A_31, %add3A_40 : vector<2048x1xf32>
    %concatenate3A = tpu.concatenate %div3A_41, %div3A_42 in 1 : vector<2048x1xf32>, vector<2048x1xf32> -> vector<2048x2xf32>
    %swap3A_43 = arith.constant 0 : index
    %swap3A_44 = arith.constant 0 : index
    %swap3A_45 = vector.load %arg5[%swap3A_43, %swap3A_44] : memref<2048x2xf32, #tpu.memory_space<vmem>>, vector<2048x2xf32>
    tpu.vector_store %arg5[%swap3A_43, %swap3A_44], %concatenate3A {strides = array<i32>} : memref<2048x2xf32, #tpu.memory_space<vmem>>, vector<2048x2xf32>,
    %eq3A_46 = vector.broadcast %broadcast_in_dim3A_23 : vector<2048x1xi32> to vector<2048x8xi32>
    %eq3A_47 = arith.cmpi eq, %iota3A, %eq3A_46 : vector<2048x8xi32>
    %convert_element_type3A = arith.extui %eq3A_47 : vector<2048x8xi1> to vector<2048x8xi32>
    %convert_element_type3A_48 = arith.sitofp %convert_element_type3A : vector<2048x8xi32> to vector<2048x8xf32>
    %eq3A_49 = vector.broadcast %broadcast_in_dim3A_39 : vector<2048x1xi32> to vector<2048x8xi32>
    %eq3A_50 = arith.cmpi eq, %iota3A, %eq3A_49 : vector<2048x8xi32>
    %convert_element_type3A_51 = arith.extui %eq3A_50 : vector<2048x8xi1> to vector<2048x8xi32>
    %convert_element_type3A_52 = arith.sitofp %convert_element_type3A_51 : vector<2048x8xi32> to vector<2048x8xf32>
    %iota3A_53 = tpu.iota {dimensions = array<i32: 0>} : vector<256x256xi32>
    %iota3A_54 = tpu.iota {dimensions = array<i32: 1>} : vector<256x256xi32>
    %lt3A = arith.cmpi slt, %iota3A_54, %iota3A_53 : vector<256x256xi32>
    %convert_element_type3A_55 = arith.extui %lt3A : vector<256x256xi1> to vector<256x256xi32>
    %convert_element_type3A_56 = arith.sitofp %convert_element_type3A_55 : vector<256x256xi32> to vector<256x256xf32>
    %broadcast_in_dim3A_57 = arith.constant 0.000000e+00 : f32
    %broadcast_in_dim3A_58 = vector.broadcast %broadcast_in_dim3A_57 : f32 to vector<1x8xf32>
    %slice3A = vector.extract_strided_slice %convert_element_type3A_48 {offsets = [0, 0], sizes = [256, 8], strides = [1, 1]} : vector<2048x8xf32> to vector<256x8xf32>
    %dot_general3A_59 = arith.constant dense<0.000000e+00> : vector<256x8xf32>
    %dot_general3A_60 = tpu.matmul %convert_element_type3A_56, %slice3A, %dot_general3A_59 {dimension_numbers = #tpu.dot_dimension_numbers<[1], [0], [0], [1], [0, 0, 1, 1], [], []>, transpose_lhs_hint = false} : vector<256x256xf32>, vector<256x8xf32>, vector<256x8xf32> -> vector<256x8xf32>
    %add3A_61 = vector.broadcast %broadcast_in_dim3A_58 : vector<1x8xf32> to vector<256x8xf32>
    %add3A_62 = arith.addf %dot_general3A_60, %add3A_61 : vector<256x8xf32>
    %reduce_sum3A_63 = arith.constant dense<0.000000e+00> : vector<8xf32>
    %reduce_sum3A_64 = vector.multi_reduction <add>, %slice3A, %reduce_sum3A_63 [0] : vector<256x8xf32> to vector<8xf32>
    %broadcast_in_dim3A_65 = vector.shape_cast %reduce_sum3A_64 : vector<8xf32> to vector<1x8xf32>
    %add3A_66 = arith.addf %broadcast_in_dim3A_58, %broadcast_in_dim3A_65 : vector<1x8xf32>
    %slice3A_67 = vector.extract_strided_slice %convert_element_type3A_48 {offsets = [256, 0], sizes = [256, 8], strides = [1, 1]} : vector<2048x8xf32> to vector<256x8xf32>
    %dot_general3A_68 = arith.constant dense<0.000000e+00> : vector<256x8xf32>
    %dot_general3A_69 = tpu.matmul %convert_element_type3A_56, %slice3A_67, %dot_general3A_68 {dimension_numbers = #tpu.dot_dimension_numbers<[1], [0], [0], [1], [0, 0, 1, 1], [], []>, transpose_lhs_hint = false} : vector<256x256xf32>, vector<256x8xf32>, vector<256x8xf32> -> vector<256x8xf32>
    %add3A_70 = vector.broadcast %add3A_66 : vector<1x8xf32> to vector<256x8xf32>
    %add3A_71 = arith.addf %dot_general3A_69, %add3A_70 : vector<256x8xf32>
    %reduce_sum3A_72 = arith.constant dense<0.000000e+00> : vector<8xf32>
    %reduce_sum3A_73 = vector.multi_reduction <add>, %slice3A_67, %reduce_sum3A_72 [0] : vector<256x8xf32> to vector<8xf32>
    %broadcast_in_dim3A_74 = vector.shape_cast %reduce_sum3A_73 : vector<8xf32> to vector<1x8xf32>
    %add3A_75 = arith.addf %add3A_66, %broadcast_in_dim3A_74 : vector<1x8xf32>
    %slice3A_76 = vector.extract_strided_slice %convert_element_type3A_48 {offsets = [512, 0], sizes = [256, 8], strides = [1, 1]} : vector<2048x8xf32> to vector<256x8xf32>
    %dot_general3A_77 = arith.constant dense<0.000000e+00> : vector<256x8xf32>
    %dot_general3A_78 = tpu.matmul %convert_element_type3A_56, %slice3A_76, %dot_general3A_77 {dimension_numbers = #tpu.dot_dimension_numbers<[1], [0], [0], [1], [0, 0, 1, 1], [], []>, transpose_lhs_hint = false} : vector<256x256xf32>, vector<256x8xf32>, vector<256x8xf32> -> vector<256x8xf32>
    %add3A_79 = vector.broadcast %add3A_75 : vector<1x8xf32> to vector<256x8xf32>
    %add3A_80 = arith.addf %dot_general3A_78, %add3A_79 : vector<256x8xf32>
    %reduce_sum3A_81 = arith.constant dense<0.000000e+00> : vector<8xf32>
    %reduce_sum3A_82 = vector.multi_reduction <add>, %slice3A_76, %reduce_sum3A_81 [0] : vector<256x8xf32> to vector<8xf32>
    %broadcast_in_dim3A_83 = vector.shape_cast %reduce_sum3A_82 : vector<8xf32> to vector<1x8xf32>
    %add3A_84 = arith.addf %add3A_75, %broadcast_in_dim3A_83 : vector<1x8xf32>
    %slice3A_85 = vector.extract_strided_slice %convert_element_type3A_48 {offsets = [768, 0], sizes = [256, 8], strides = [1, 1]} : vector<2048x8xf32> to vector<256x8xf32>
    %dot_general3A_86 = arith.constant dense<0.000000e+00> : vector<256x8xf32>
    %dot_general3A_87 = tpu.matmul %convert_element_type3A_56, %slice3A_85, %dot_general3A_86 {dimension_numbers = #tpu.dot_dimension_numbers<[1], [0], [0], [1], [0, 0, 1, 1], [], []>, transpose_lhs_hint = false} : vector<256x256xf32>, vector<256x8xf32>, vector<256x8xf32> -> vector<256x8xf32>
    %add3A_88 = vector.broadcast %add3A_84 : vector<1x8xf32> to vector<256x8xf32>
    %add3A_89 = arith.addf %dot_general3A_87, %add3A_88 : vector<256x8xf32>
    %reduce_sum3A_90 = arith.constant dense<0.000000e+00> : vector<8xf32>
    %reduce_sum3A_91 = vector.multi_reduction <add>, %slice3A_85, %reduce_sum3A_90 [0] : vector<256x8xf32> to vector<8xf32>
    %broadcast_in_dim3A_92 = vector.shape_cast %reduce_sum3A_91 : vector<8xf32> to vector<1x8xf32>
    %add3A_93 = arith.addf %add3A_84, %broadcast_in_dim3A_92 : vector<1x8xf32>
    %slice3A_94 = vector.extract_strided_slice %convert_element_type3A_48 {offsets = [1024, 0], sizes = [256, 8], strides = [1, 1]} : vector<2048x8xf32> to vector<256x8xf32>
    %dot_general3A_95 = arith.constant dense<0.000000e+00> : vector<256x8xf32>
    %dot_general3A_96 = tpu.matmul %convert_element_type3A_56, %slice3A_94, %dot_general3A_95 {dimension_numbers = #tpu.dot_dimension_numbers<[1], [0], [0], [1], [0, 0, 1, 1], [], []>, transpose_lhs_hint = false} : vector<256x256xf32>, vector<256x8xf32>, vector<256x8xf32> -> vector<256x8xf32>
    %add3A_97 = vector.broadcast %add3A_93 : vector<1x8xf32> to vector<256x8xf32>
    %add3A_98 = arith.addf %dot_general3A_96, %add3A_97 : vector<256x8xf32>
    %reduce_sum3A_99 = arith.constant dense<0.000000e+00> : vector<8xf32>
    %reduce_sum3A_100 = vector.multi_reduction <add>, %slice3A_94, %reduce_sum3A_99 [0] : vector<256x8xf32> to vector<8xf32>
    %broadcast_in_dim3A_101 = vector.shape_cast %reduce_sum3A_100 : vector<8xf32> to vector<1x8xf32>
    %add3A_102 = arith.addf %add3A_93, %broadcast_in_dim3A_101 : vector<1x8xf32>
    %slice3A_103 = vector.extract_strided_slice %convert_element_type3A_48 {offsets = [1280, 0], sizes = [256, 8], strides = [1, 1]} : vector<2048x8xf32> to vector<256x8xf32>
    %dot_general3A_104 = arith.constant dense<0.000000e+00> : vector<256x8xf32>
    %dot_general3A_105 = tpu.matmul %convert_element_type3A_56, %slice3A_103, %dot_general3A_104 {dimension_numbers = #tpu.dot_dimension_numbers<[1], [0], [0], [1], [0, 0, 1, 1], [], []>, transpose_lhs_hint = false} : vector<256x256xf32>, vector<256x8xf32>, vector<256x8xf32> -> vector<256x8xf32>
    %add3A_106 = vector.broadcast %add3A_102 : vector<1x8xf32> to vector<256x8xf32>
    %add3A_107 = arith.addf %dot_general3A_105, %add3A_106 : vector<256x8xf32>
    %reduce_sum3A_108 = arith.constant dense<0.000000e+00> : vector<8xf32>
    %reduce_sum3A_109 = vector.multi_reduction <add>, %slice3A_103, %reduce_sum3A_108 [0] : vector<256x8xf32> to vector<8xf32>
    %broadcast_in_dim3A_110 = vector.shape_cast %reduce_sum3A_109 : vector<8xf32> to vector<1x8xf32>
    %add3A_111 = arith.addf %add3A_102, %broadcast_in_dim3A_110 : vector<1x8xf32>
    %slice3A_112 = vector.extract_strided_slice %convert_element_type3A_48 {offsets = [1536, 0], sizes = [256, 8], strides = [1, 1]} : vector<2048x8xf32> to vector<256x8xf32>
    %dot_general3A_113 = arith.constant dense<0.000000e+00> : vector<256x8xf32>
    %dot_general3A_114 = tpu.matmul %convert_element_type3A_56, %slice3A_112, %dot_general3A_113 {dimension_numbers = #tpu.dot_dimension_numbers<[1], [0], [0], [1], [0, 0, 1, 1], [], []>, transpose_lhs_hint = false} : vector<256x256xf32>, vector<256x8xf32>, vector<256x8xf32> -> vector<256x8xf32>
    %add3A_115 = vector.broadcast %add3A_111 : vector<1x8xf32> to vector<256x8xf32>
    %add3A_116 = arith.addf %dot_general3A_114, %add3A_115 : vector<256x8xf32>
    %reduce_sum3A_117 = arith.constant dense<0.000000e+00> : vector<8xf32>
    %reduce_sum3A_118 = vector.multi_reduction <add>, %slice3A_112, %reduce_sum3A_117 [0] : vector<256x8xf32> to vector<8xf32>
    %broadcast_in_dim3A_119 = vector.shape_cast %reduce_sum3A_118 : vector<8xf32> to vector<1x8xf32>
    %add3A_120 = arith.addf %add3A_111, %broadcast_in_dim3A_119 : vector<1x8xf32>
    %slice3A_121 = vector.extract_strided_slice %convert_element_type3A_48 {offsets = [1792, 0], sizes = [256, 8], strides = [1, 1]} : vector<2048x8xf32> to vector<256x8xf32>
    %dot_general3A_122 = arith.constant dense<0.000000e+00> : vector<256x8xf32>
    %dot_general3A_123 = tpu.matmul %convert_element_type3A_56, %slice3A_121, %dot_general3A_122 {dimension_numbers = #tpu.dot_dimension_numbers<[1], [0], [0], [1], [0, 0, 1, 1], [], []>, transpose_lhs_hint = false} : vector<256x256xf32>, vector<256x8xf32>, vector<256x8xf32> -> vector<256x8xf32>
    %add3A_124 = vector.broadcast %add3A_120 : vector<1x8xf32> to vector<256x8xf32>
    %add3A_125 = arith.addf %dot_general3A_123, %add3A_124 : vector<256x8xf32>
    %reduce_sum3A_126 = arith.constant dense<0.000000e+00> : vector<8xf32>
    %reduce_sum3A_127 = vector.multi_reduction <add>, %slice3A_121, %reduce_sum3A_126 [0] : vector<256x8xf32> to vector<8xf32>
    %broadcast_in_dim3A_128 = vector.shape_cast %reduce_sum3A_127 : vector<8xf32> to vector<1x8xf32>
    %add3A_129 = arith.addf %add3A_120, %broadcast_in_dim3A_128 : vector<1x8xf32>
    %concatenate3A_130 = tpu.concatenate %add3A_62, %add3A_71, %add3A_80, %add3A_89, %add3A_98, %add3A_107, %add3A_116, %add3A_125 in 0 : vector<256x8xf32>, vector<256x8xf32>, vector<256x8xf32>, vector<256x8xf32>, vector<256x8xf32>, vector<256x8xf32>, vector<256x8xf32>, vector<256x8xf32> -> vector<2048x8xf32>
    %broadcast_in_dim3A_131 = arith.constant 0.000000e+00 : f32
    %broadcast_in_dim3A_132 = vector.broadcast %broadcast_in_dim3A_131 : f32 to vector<1x8xf32>
    %slice3A_133 = vector.extract_strided_slice %convert_element_type3A_52 {offsets = [0, 0], sizes = [256, 8], strides = [1, 1]} : vector<2048x8xf32> to vector<256x8xf32>
    %dot_general3A_134 = arith.constant dense<0.000000e+00> : vector<256x8xf32>
    %dot_general3A_135 = tpu.matmul %convert_element_type3A_56, %slice3A_133, %dot_general3A_134 {dimension_numbers = #tpu.dot_dimension_numbers<[1], [0], [0], [1], [0, 0, 1, 1], [], []>, transpose_lhs_hint = false} : vector<256x256xf32>, vector<256x8xf32>, vector<256x8xf32> -> vector<256x8xf32>
    %add3A_136 = vector.broadcast %broadcast_in_dim3A_132 : vector<1x8xf32> to vector<256x8xf32>
    %add3A_137 = arith.addf %dot_general3A_135, %add3A_136 : vector<256x8xf32>
    %reduce_sum3A_138 = arith.constant dense<0.000000e+00> : vector<8xf32>
    %reduce_sum3A_139 = vector.multi_reduction <add>, %slice3A_133, %reduce_sum3A_138 [0] : vector<256x8xf32> to vector<8xf32>
    %broadcast_in_dim3A_140 = vector.shape_cast %reduce_sum3A_139 : vector<8xf32> to vector<1x8xf32>
    %add3A_141 = arith.addf %broadcast_in_dim3A_132, %broadcast_in_dim3A_140 : vector<1x8xf32>
    %slice3A_142 = vector.extract_strided_slice %convert_element_type3A_52 {offsets = [256, 0], sizes = [256, 8], strides = [1, 1]} : vector<2048x8xf32> to vector<256x8xf32>
    %dot_general3A_143 = arith.constant dense<0.000000e+00> : vector<256x8xf32>
    %dot_general3A_144 = tpu.matmul %convert_element_type3A_56, %slice3A_142, %dot_general3A_143 {dimension_numbers = #tpu.dot_dimension_numbers<[1], [0], [0], [1], [0, 0, 1, 1], [], []>, transpose_lhs_hint = false} : vector<256x256xf32>, vector<256x8xf32>, vector<256x8xf32> -> vector<256x8xf32>
    %add3A_145 = vector.broadcast %add3A_141 : vector<1x8xf32> to vector<256x8xf32>
    %add3A_146 = arith.addf %dot_general3A_144, %add3A_145 : vector<256x8xf32>
    %reduce_sum3A_147 = arith.constant dense<0.000000e+00> : vector<8xf32>
    %reduce_sum3A_148 = vector.multi_reduction <add>, %slice3A_142, %reduce_sum3A_147 [0] : vector<256x8xf32> to vector<8xf32>
    %broadcast_in_dim3A_149 = vector.shape_cast %reduce_sum3A_148 : vector<8xf32> to vector<1x8xf32>
    %add3A_150 = arith.addf %add3A_141, %broadcast_in_dim3A_149 : vector<1x8xf32>
    %slice3A_151 = vector.extract_strided_slice %convert_element_type3A_52 {offsets = [512, 0], sizes = [256, 8], strides = [1, 1]} : vector<2048x8xf32> to vector<256x8xf32>
    %dot_general3A_152 = arith.constant dense<0.000000e+00> : vector<256x8xf32>
    %dot_general3A_153 = tpu.matmul %convert_element_type3A_56, %slice3A_151, %dot_general3A_152 {dimension_numbers = #tpu.dot_dimension_numbers<[1], [0], [0], [1], [0, 0, 1, 1], [], []>, transpose_lhs_hint = false} : vector<256x256xf32>, vector<256x8xf32>, vector<256x8xf32> -> vector<256x8xf32>
    %add3A_154 = vector.broadcast %add3A_150 : vector<1x8xf32> to vector<256x8xf32>
    %add3A_155 = arith.addf %dot_general3A_153, %add3A_154 : vector<256x8xf32>
    %reduce_sum3A_156 = arith.constant dense<0.000000e+00> : vector<8xf32>
    %reduce_sum3A_157 = vector.multi_reduction <add>, %slice3A_151, %reduce_sum3A_156 [0] : vector<256x8xf32> to vector<8xf32>
    %broadcast_in_dim3A_158 = vector.shape_cast %reduce_sum3A_157 : vector<8xf32> to vector<1x8xf32>
    %add3A_159 = arith.addf %add3A_150, %broadcast_in_dim3A_158 : vector<1x8xf32>
    %slice3A_160 = vector.extract_strided_slice %convert_element_type3A_52 {offsets = [768, 0], sizes = [256, 8], strides = [1, 1]} : vector<2048x8xf32> to vector<256x8xf32>
    %dot_general3A_161 = arith.constant dense<0.000000e+00> : vector<256x8xf32>
    %dot_general3A_162 = tpu.matmul %convert_element_type3A_56, %slice3A_160, %dot_general3A_161 {dimension_numbers = #tpu.dot_dimension_numbers<[1], [0], [0], [1], [0, 0, 1, 1], [], []>, transpose_lhs_hint = false} : vector<256x256xf32>, vector<256x8xf32>, vector<256x8xf32> -> vector<256x8xf32>
    %add3A_163 = vector.broadcast %add3A_159 : vector<1x8xf32> to vector<256x8xf32>
    %add3A_164 = arith.addf %dot_general3A_162, %add3A_163 : vector<256x8xf32>
    %reduce_sum3A_165 = arith.constant dense<0.000000e+00> : vector<8xf32>
    %reduce_sum3A_166 = vector.multi_reduction <add>, %slice3A_160, %reduce_sum3A_165 [0] : vector<256x8xf32> to vector<8xf32>
    %broadcast_in_dim3A_167 = vector.shape_cast %reduce_sum3A_166 : vector<8xf32> to vector<1x8xf32>
    %add3A_168 = arith.addf %add3A_159, %broadcast_in_dim3A_167 : vector<1x8xf32>
    %slice3A_169 = vector.extract_strided_slice %convert_element_type3A_52 {offsets = [1024, 0], sizes = [256, 8], strides = [1, 1]} : vector<2048x8xf32> to vector<256x8xf32>
    %dot_general3A_170 = arith.constant dense<0.000000e+00> : vector<256x8xf32>
    %dot_general3A_171 = tpu.matmul %convert_element_type3A_56, %slice3A_169, %dot_general3A_170 {dimension_numbers = #tpu.dot_dimension_numbers<[1], [0], [0], [1], [0, 0, 1, 1], [], []>, transpose_lhs_hint = false} : vector<256x256xf32>, vector<256x8xf32>, vector<256x8xf32> -> vector<256x8xf32>
    %add3A_172 = vector.broadcast %add3A_168 : vector<1x8xf32> to vector<256x8xf32>
    %add3A_173 = arith.addf %dot_general3A_171, %add3A_172 : vector<256x8xf32>
    %reduce_sum3A_174 = arith.constant dense<0.000000e+00> : vector<8xf32>
    %reduce_sum3A_175 = vector.multi_reduction <add>, %slice3A_169, %reduce_sum3A_174 [0] : vector<256x8xf32> to vector<8xf32>
    %broadcast_in_dim3A_176 = vector.shape_cast %reduce_sum3A_175 : vector<8xf32> to vector<1x8xf32>
    %add3A_177 = arith.addf %add3A_168, %broadcast_in_dim3A_176 : vector<1x8xf32>
    %slice3A_178 = vector.extract_strided_slice %convert_element_type3A_52 {offsets = [1280, 0], sizes = [256, 8], strides = [1, 1]} : vector<2048x8xf32> to vector<256x8xf32>
    %dot_general3A_179 = arith.constant dense<0.000000e+00> : vector<256x8xf32>
    %dot_general3A_180 = tpu.matmul %convert_element_type3A_56, %slice3A_178, %dot_general3A_179 {dimension_numbers = #tpu.dot_dimension_numbers<[1], [0], [0], [1], [0, 0, 1, 1], [], []>, transpose_lhs_hint = false} : vector<256x256xf32>, vector<256x8xf32>, vector<256x8xf32> -> vector<256x8xf32>
    %add3A_181 = vector.broadcast %add3A_177 : vector<1x8xf32> to vector<256x8xf32>
    %add3A_182 = arith.addf %dot_general3A_180, %add3A_181 : vector<256x8xf32>
    %reduce_sum3A_183 = arith.constant dense<0.000000e+00> : vector<8xf32>
    %reduce_sum3A_184 = vector.multi_reduction <add>, %slice3A_178, %reduce_sum3A_183 [0] : vector<256x8xf32> to vector<8xf32>
    %broadcast_in_dim3A_185 = vector.shape_cast %reduce_sum3A_184 : vector<8xf32> to vector<1x8xf32>
    %add3A_186 = arith.addf %add3A_177, %broadcast_in_dim3A_185 : vector<1x8xf32>
    %slice3A_187 = vector.extract_strided_slice %convert_element_type3A_52 {offsets = [1536, 0], sizes = [256, 8], strides = [1, 1]} : vector<2048x8xf32> to vector<256x8xf32>
    %dot_general3A_188 = arith.constant dense<0.000000e+00> : vector<256x8xf32>
    %dot_general3A_189 = tpu.matmul %convert_element_type3A_56, %slice3A_187, %dot_general3A_188 {dimension_numbers = #tpu.dot_dimension_numbers<[1], [0], [0], [1], [0, 0, 1, 1], [], []>, transpose_lhs_hint = false} : vector<256x256xf32>, vector<256x8xf32>, vector<256x8xf32> -> vector<256x8xf32>
    %add3A_190 = vector.broadcast %add3A_186 : vector<1x8xf32> to vector<256x8xf32>
    %add3A_191 = arith.addf %dot_general3A_189, %add3A_190 : vector<256x8xf32>
    %reduce_sum3A_192 = arith.constant dense<0.000000e+00> : vector<8xf32>
    %reduce_sum3A_193 = vector.multi_reduction <add>, %slice3A_187, %reduce_sum3A_192 [0] : vector<256x8xf32> to vector<8xf32>
    %broadcast_in_dim3A_194 = vector.shape_cast %reduce_sum3A_193 : vector<8xf32> to vector<1x8xf32>
    %add3A_195 = arith.addf %add3A_186, %broadcast_in_dim3A_194 : vector<1x8xf32>
    %slice3A_196 = vector.extract_strided_slice %convert_element_type3A_52 {offsets = [1792, 0], sizes = [256, 8], strides = [1, 1]} : vector<2048x8xf32> to vector<256x8xf32>
    %dot_general3A_197 = arith.constant dense<0.000000e+00> : vector<256x8xf32>
    %dot_general3A_198 = tpu.matmul %convert_element_type3A_56, %slice3A_196, %dot_general3A_197 {dimension_numbers = #tpu.dot_dimension_numbers<[1], [0], [0], [1], [0, 0, 1, 1], [], []>, transpose_lhs_hint = false} : vector<256x256xf32>, vector<256x8xf32>, vector<256x8xf32> -> vector<256x8xf32>
    %add3A_199 = vector.broadcast %add3A_195 : vector<1x8xf32> to vector<256x8xf32>
    %add3A_200 = arith.addf %dot_general3A_198, %add3A_199 : vector<256x8xf32>
    %reduce_sum3A_201 = arith.constant dense<0.000000e+00> : vector<8xf32>
    %reduce_sum3A_202 = vector.multi_reduction <add>, %slice3A_196, %reduce_sum3A_201 [0] : vector<256x8xf32> to vector<8xf32>
    %broadcast_in_dim3A_203 = vector.shape_cast %reduce_sum3A_202 : vector<8xf32> to vector<1x8xf32>
    %add3A_204 = arith.addf %add3A_195, %broadcast_in_dim3A_203 : vector<1x8xf32>
    %concatenate3A_205 = tpu.concatenate %add3A_137, %add3A_146, %add3A_155, %add3A_164, %add3A_173, %add3A_182, %add3A_191, %add3A_200 in 0 : vector<256x8xf32>, vector<256x8xf32>, vector<256x8xf32>, vector<256x8xf32>, vector<256x8xf32>, vector<256x8xf32>, vector<256x8xf32>, vector<256x8xf32> -> vector<2048x8xf32>
    %mul3A = arith.mulf %concatenate3A_130, %convert_element_type3A_48 : vector<2048x8xf32>
    %reduce_sum3A_206 = arith.constant dense<0.000000e+00> : vector<2048xf32>
    %reduce_sum3A_207 = vector.multi_reduction <add>, %mul3A, %reduce_sum3A_206 [1] : vector<2048x8xf32> to vector<2048xf32>
    %broadcast_in_dim3A_208 = vector.shape_cast %reduce_sum3A_207 : vector<2048xf32> to vector<2048x1xf32>
    %mul3A_209 = arith.mulf %concatenate3A_205, %convert_element_type3A_52 : vector<2048x8xf32>
    %reduce_sum3A_210 = arith.constant dense<0.000000e+00> : vector<2048xf32>
    %reduce_sum3A_211 = vector.multi_reduction <add>, %mul3A_209, %reduce_sum3A_210 [1] : vector<2048x8xf32> to vector<2048xf32>
    %broadcast_in_dim3A_212 = vector.shape_cast %reduce_sum3A_211 : vector<2048xf32> to vector<2048x1xf32>
    %mul3A_213 = vector.broadcast %add3A_129 : vector<1x8xf32> to vector<2048x8xf32>
    %mul3A_214 = arith.mulf %convert_element_type3A_52, %mul3A_213 : vector<2048x8xf32>
    %reduce_sum3A_215 = arith.constant dense<0.000000e+00> : vector<2048xf32>
    %reduce_sum3A_216 = vector.multi_reduction <add>, %mul3A_214, %reduce_sum3A_215 [1] : vector<2048x8xf32> to vector<2048xf32>
    %broadcast_in_dim3A_217 = vector.shape_cast %reduce_sum3A_216 : vector<2048xf32> to vector<2048x1xf32>
    %add3A_218 = arith.addf %add3A_129, %add3A_204 : vector<1x8xf32>
    %div3A_219 = arith.constant 2.560000e+02 : f32
    %div3A_220 = vector.broadcast %div3A_219 : f32 to vector<1x8xf32>
    %div3A_221 = arith.divf %add3A_218, %div3A_220 : vector<1x8xf32>
    %ceil3A = math.ceil %div3A_221 : vector<1x8xf32>
    %mul3A_222 = arith.constant 2.560000e+02 : f32
    %mul3A_223 = vector.broadcast %mul3A_222 : f32 to vector<1x8xf32>
    %mul3A_224 = arith.mulf %ceil3A, %mul3A_223 : vector<1x8xf32>
    %iota3A_225 = tpu.iota {dimensions = array<i32: 0>} : vector<8x8xi32>
    %iota3A_226 = tpu.iota {dimensions = array<i32: 1>} : vector<8x8xi32>
    %lt3A_227 = arith.cmpi slt, %iota3A_225, %iota3A_226 : vector<8x8xi32>
    %convert_element_type3A_228 = arith.extui %lt3A_227 : vector<8x8xi1> to vector<8x8xi32>
    %convert_element_type3A_229 = arith.sitofp %convert_element_type3A_228 : vector<8x8xi32> to vector<8x8xf32>
    %dot_general3A_230 = arith.constant dense<0.000000e+00> : vector<1x8xf32>
    %dot_general3A_231 = tpu.matmul %mul3A_224, %convert_element_type3A_229, %dot_general3A_230 {dimension_numbers = #tpu.dot_dimension_numbers<[1], [0], [0], [1], [0, 0, 1, 1], [], []>, transpose_lhs_hint = false} : vector<1x8xf32>, vector<8x8xf32>, vector<1x8xf32> -> vector<1x8xf32>
    %mul3A_232 = vector.broadcast %dot_general3A_231 : vector<1x8xf32> to vector<2048x8xf32>
    %mul3A_233 = arith.mulf %convert_element_type3A_48, %mul3A_232 : vector<2048x8xf32>
    %reduce_sum3A_234 = arith.constant dense<0.000000e+00> : vector<2048xf32>
    %reduce_sum3A_235 = vector.multi_reduction <add>, %mul3A_233, %reduce_sum3A_234 [1] : vector<2048x8xf32> to vector<2048xf32>
    %broadcast_in_dim3A_236 = vector.shape_cast %reduce_sum3A_235 : vector<2048xf32> to vector<2048x1xf32>
    %mul3A_237 = vector.broadcast %dot_general3A_231 : vector<1x8xf32> to vector<2048x8xf32>
    %mul3A_238 = arith.mulf %convert_element_type3A_52, %mul3A_237 : vector<2048x8xf32>
    %reduce_sum3A_239 = arith.constant dense<0.000000e+00> : vector<2048xf32>
    %reduce_sum3A_240 = vector.multi_reduction <add>, %mul3A_238, %reduce_sum3A_239 [1] : vector<2048x8xf32> to vector<2048xf32>
    %broadcast_in_dim3A_241 = vector.shape_cast %reduce_sum3A_240 : vector<2048xf32> to vector<2048x1xf32>
    %convert_element_type3A_242 = arith.fptosi %broadcast_in_dim3A_236 : vector<2048x1xf32> to vector<2048x1xi32>
    %convert_element_type3A_243 = arith.fptosi %broadcast_in_dim3A_208 : vector<2048x1xf32> to vector<2048x1xi32>
    %add3A_244 = arith.addi %convert_element_type3A_242, %convert_element_type3A_243 : vector<2048x1xi32>
    %add3A_245 = arith.addf %broadcast_in_dim3A_241, %broadcast_in_dim3A_217 : vector<2048x1xf32>
    %convert_element_type3A_246 = arith.fptosi %add3A_245 : vector<2048x1xf32> to vector<2048x1xi32>
    %convert_element_type3A_247 = arith.fptosi %broadcast_in_dim3A_212 : vector<2048x1xf32> to vector<2048x1xi32>
    %add3A_248 = arith.addi %convert_element_type3A_246, %convert_element_type3A_247 : vector<2048x1xi32>
    %concatenate3A_249 = tpu.concatenate %add3A_244, %add3A_248 in 1 : vector<2048x1xi32>, vector<2048x1xi32> -> vector<2048x2xi32>
    %swap3A_250 = arith.constant 0 : index
    %swap3A_251 = arith.constant 0 : index
    %swap3A_252 = vector.load %arg4[%swap3A_250, %swap3A_251] : memref<2048x2xi32, #tpu.memory_space<vmem>>, vector<2048x2xi32>
    tpu.vector_store %arg4[%swap3A_250, %swap3A_251], %concatenate3A_249 {strides = array<i32>} : memref<2048x2xi32, #tpu.memory_space<vmem>>, vector<2048x2xi32>,
    %add3A_253 = arith.addf %dot_general3A_231, %mul3A_224 : vector<1x8xf32>
    %iota3A_254 = tpu.iota {dimensions = array<i32: 0>} : vector<24x8xi32>
    %mul3A_255 = arith.constant 256 : i32
    %mul3A_256 = vector.broadcast %mul3A_255 : i32 to vector<24x8xi32>
    %mul3A_257 = arith.muli %iota3A_254, %mul3A_256 : vector<24x8xi32>
    %convert_element_type3A_258 = arith.sitofp %mul3A_257 : vector<24x8xi32> to vector<24x8xf32>
    %ge3A = vector.broadcast %add3A_253 : vector<1x8xf32> to vector<24x8xf32>
    %ge3A_259 = arith.cmpf oge, %convert_element_type3A_258, %ge3A : vector<24x8xf32>
    %convert_element_type3A_260 = arith.extui %ge3A_259 : vector<24x8xi1> to vector<24x8xi32>
    %reduce_sum3A_261 = arith.constant dense<0> : vector<24xi32>
    %reduce_sum3A_262 = vector.multi_reduction <add>, %convert_element_type3A_260, %reduce_sum3A_261 [1] : vector<24x8xi32> to vector<24xi32>
    %broadcast_in_dim3A_263 = vector.shape_cast %reduce_sum3A_262 : vector<24xi32> to vector<24x1xi32>
    %min3A = arith.constant 7 : i32
    %min3A_264 = vector.broadcast %min3A : i32 to vector<24x1xi32>
    %min3A_265 = arith.minsi %broadcast_in_dim3A_263, %min3A_264 : vector<24x1xi32>
    %swap3A_266 = arith.constant 0 : index
    %swap3A_267 = arith.constant 0 : index
    %swap3A_268 = vector.load %arg6[%swap3A_266, %swap3A_267] : memref<24x1xi32, #tpu.memory_space<vmem>>, vector<24x1xi32>
    tpu.vector_store %arg6[%swap3A_266, %swap3A_267], %min3A_265 {strides = array<i32>} : memref<24x1xi32, #tpu.memory_space<vmem>>, vector<24x1xi32>,
    %reduce_sum3A_269 = arith.constant dense<0.000000e+00> : vector<1xf32>
    %reduce_sum3A_270 = vector.multi_reduction <add>, %mul3A_224, %reduce_sum3A_269 [1] : vector<1x8xf32> to vector<1xf32>
    %broadcast_in_dim3A_271 = vector.shape_cast %reduce_sum3A_270 : vector<1xf32> to vector<1x1xf32>
    %div3A_272 = arith.constant 2.560000e+02 : f32
    %div3A_273 = vector.broadcast %div3A_272 : f32 to vector<1x1xf32>
    %div3A_274 = arith.divf %broadcast_in_dim3A_271, %div3A_273 : vector<1x1xf32>
    %convert_element_type3A_275 = arith.fptosi %div3A_274 : vector<1x1xf32> to vector<1x1xi32>
    %swap3A_276 = arith.constant 0 : index
    %swap3A_277 = arith.constant 0 : index
    %swap3A_278 = vector.load %arg7[%swap3A_276, %swap3A_277] : memref<1x1xi32, #tpu.memory_space<vmem>>, vector<1x1xi32>
    tpu.vector_store %arg7[%swap3A_276, %swap3A_277], %convert_element_type3A_275 {strides = array<i32>} : memref<1x1xi32, #tpu.memory_space<vmem>>, vector<1x1xi32>,
    return
  }
}

module attributes {stable_mosaic.version = 14 : i64} {
  func.func @_shared_body(%arg0: i32, %arg1: memref<512x1024xf32, #tpu.memory_space<vmem>>, %arg2: memref<1024x1024xf32, #tpu.memory_space<vmem>>, %arg3: memref<1024x1024xf32, #tpu.memory_space<vmem>>, %arg4: memref<1024x1024xf32, #tpu.memory_space<vmem>>, %arg5: memref<1024x1024xf32, #tpu.memory_space<vmem>>, %arg6: memref<1024x1024xf32, #tpu.memory_space<vmem>>, %arg7: memref<1024x1024xf32, #tpu.memory_space<vmem>>, %arg8: memref<512x1024xf32, #tpu.memory_space<vmem>>, %arg9: memref<2048x1024xbf16, #tpu.memory_space<vmem>>, %arg10: memref<2048x1024xbf16, #tpu.memory_space<vmem>>, %arg11: memref<1024x2048xbf16, #tpu.memory_space<vmem>>) attributes {dimension_semantics = [#tpu.dimension_semantics<arbitrary>], iteration_bounds = array<i64: 4>, scalar_prefetch = 0 : i64, scratch_operands = 3 : i64, tpu.core_type = #tpu.core_type<tc>, window_params = [{transform_indices = @transform_0, window_bounds = array<i64: 512, 1024>}, {transform_indices = @transform_1, window_bounds = array<i64: 1024, 1024>}, {transform_indices = @transform_2, window_bounds = array<i64: 1024, 1024>}, {transform_indices = @transform_3, window_bounds = array<i64: 1024, 1024>}, {transform_indices = @transform_4, window_bounds = array<i64: 1024, 1024>}, {transform_indices = @transform_5, window_bounds = array<i64: 1024, 1024>}, {transform_indices = @transform_6, window_bounds = array<i64: 1024, 1024>}, {transform_indices = @transform_7, window_bounds = array<i64: 512, 1024>}]} {
    %eq3A = arith.constant 0 : i32
    %eq3A_0 = arith.cmpi eq, %arg0, %eq3A : i32
    %convert_element_type3A = arith.extui %eq3A_0 : i1 to i32
    %cond3A = arith.constant 0 : i32
    %cond3A_1 = arith.cmpi ne, %convert_element_type3A, %cond3A : i32
    scf.if %cond3A_1 {
      %get3A_28 = arith.constant 0 : index
      %get3A_29 = arith.constant 0 : index
      %get3A_30 = vector.load %arg2[%get3A_28, %get3A_29] : memref<1024x1024xf32, #tpu.memory_space<vmem>>, vector<1024x1024xf32>
      %convert_element_type3A_31 = arith.truncf %get3A_30 : vector<1024x1024xf32> to vector<1024x1024xbf16>
      %swap3A_32 = arith.constant 0 : index
      %swap3A_33 = arith.constant 0 : index
      %swap3A_34 = vector.load %arg9[%swap3A_32, %swap3A_33] : memref<2048x1024xbf16, #tpu.memory_space<vmem>>, vector<1024x1024xbf16>
      tpu.vector_store %arg9[%swap3A_32, %swap3A_33], %convert_element_type3A_31 {strides = array<i32>} : memref<2048x1024xbf16, #tpu.memory_space<vmem>>, vector<1024x1024xbf16>,
      %get3A_35 = arith.constant 0 : index
      %get3A_36 = arith.constant 0 : index
      %get3A_37 = vector.load %arg3[%get3A_35, %get3A_36] : memref<1024x1024xf32, #tpu.memory_space<vmem>>, vector<1024x1024xf32>
      %convert_element_type3A_38 = arith.truncf %get3A_37 : vector<1024x1024xf32> to vector<1024x1024xbf16>
      %swap3A_39 = arith.constant 1024 : index
      %swap3A_40 = arith.constant 0 : index
      %swap3A_41 = vector.load %arg9[%swap3A_39, %swap3A_40] : memref<2048x1024xbf16, #tpu.memory_space<vmem>>, vector<1024x1024xbf16>
      tpu.vector_store %arg9[%swap3A_39, %swap3A_40], %convert_element_type3A_38 {strides = array<i32>} : memref<2048x1024xbf16, #tpu.memory_space<vmem>>, vector<1024x1024xbf16>,
      %get3A_42 = arith.constant 0 : index
      %get3A_43 = arith.constant 0 : index
      %get3A_44 = vector.load %arg4[%get3A_42, %get3A_43] : memref<1024x1024xf32, #tpu.memory_space<vmem>>, vector<1024x1024xf32>
      %convert_element_type3A_45 = arith.truncf %get3A_44 : vector<1024x1024xf32> to vector<1024x1024xbf16>
      %swap3A_46 = arith.constant 0 : index
      %swap3A_47 = arith.constant 0 : index
      %swap3A_48 = vector.load %arg10[%swap3A_46, %swap3A_47] : memref<2048x1024xbf16, #tpu.memory_space<vmem>>, vector<1024x1024xbf16>
      tpu.vector_store %arg10[%swap3A_46, %swap3A_47], %convert_element_type3A_45 {strides = array<i32>} : memref<2048x1024xbf16, #tpu.memory_space<vmem>>, vector<1024x1024xbf16>,
      %get3A_49 = arith.constant 0 : index
      %get3A_50 = arith.constant 0 : index
      %get3A_51 = vector.load %arg5[%get3A_49, %get3A_50] : memref<1024x1024xf32, #tpu.memory_space<vmem>>, vector<1024x1024xf32>
      %convert_element_type3A_52 = arith.truncf %get3A_51 : vector<1024x1024xf32> to vector<1024x1024xbf16>
      %swap3A_53 = arith.constant 1024 : index
      %swap3A_54 = arith.constant 0 : index
      %swap3A_55 = vector.load %arg10[%swap3A_53, %swap3A_54] : memref<2048x1024xbf16, #tpu.memory_space<vmem>>, vector<1024x1024xbf16>
      tpu.vector_store %arg10[%swap3A_53, %swap3A_54], %convert_element_type3A_52 {strides = array<i32>} : memref<2048x1024xbf16, #tpu.memory_space<vmem>>, vector<1024x1024xbf16>,
      %get3A_56 = arith.constant 0 : index
      %get3A_57 = arith.constant 0 : index
      %get3A_58 = vector.load %arg6[%get3A_56, %get3A_57] : memref<1024x1024xf32, #tpu.memory_space<vmem>>, vector<1024x1024xf32>
      %convert_element_type3A_59 = arith.truncf %get3A_58 : vector<1024x1024xf32> to vector<1024x1024xbf16>
      %swap3A_60 = arith.constant 0 : index
      %swap3A_61 = arith.constant 0 : index
      %swap3A_62 = vector.load %arg11[%swap3A_60, %swap3A_61] : memref<1024x2048xbf16, #tpu.memory_space<vmem>>, vector<1024x1024xbf16>
      tpu.vector_store %arg11[%swap3A_60, %swap3A_61], %convert_element_type3A_59 {strides = array<i32>} : memref<1024x2048xbf16, #tpu.memory_space<vmem>>, vector<1024x1024xbf16>,
      %get3A_63 = arith.constant 0 : index
      %get3A_64 = arith.constant 0 : index
      %get3A_65 = vector.load %arg7[%get3A_63, %get3A_64] : memref<1024x1024xf32, #tpu.memory_space<vmem>>, vector<1024x1024xf32>
      %convert_element_type3A_66 = arith.truncf %get3A_65 : vector<1024x1024xf32> to vector<1024x1024xbf16>
      %swap3A_67 = arith.constant 0 : index
      %swap3A_68 = arith.constant 1024 : index
      %swap3A_69 = vector.load %arg11[%swap3A_67, %swap3A_68] : memref<1024x2048xbf16, #tpu.memory_space<vmem>>, vector<1024x1024xbf16>
      tpu.vector_store %arg11[%swap3A_67, %swap3A_68], %convert_element_type3A_66 {strides = array<i32>} : memref<1024x2048xbf16, #tpu.memory_space<vmem>>, vector<1024x1024xbf16>,
    } else {
    }
    %get3A = arith.constant 0 : index
    %get3A_2 = arith.constant 0 : index
    %get3A_3 = vector.load %arg1[%get3A, %get3A_2] : memref<512x1024xf32, #tpu.memory_space<vmem>>, vector<512x1024xf32>
    %get3A_4 = arith.constant 0 : index
    %get3A_5 = arith.constant 0 : index
    %get3A_6 = vector.load %arg9[%get3A_4, %get3A_5] : memref<2048x1024xbf16, #tpu.memory_space<vmem>>, vector<2048x1024xbf16>
    %get3A_7 = arith.constant 0 : index
    %get3A_8 = arith.constant 0 : index
    %get3A_9 = vector.load %arg10[%get3A_7, %get3A_8] : memref<2048x1024xbf16, #tpu.memory_space<vmem>>, vector<2048x1024xbf16>
    %get3A_10 = arith.constant 0 : index
    %get3A_11 = arith.constant 0 : index
    %get3A_12 = vector.load %arg11[%get3A_10, %get3A_11] : memref<1024x2048xbf16, #tpu.memory_space<vmem>>, vector<1024x2048xbf16>
    %convert_element_type3A_13 = arith.truncf %get3A_3 : vector<512x1024xf32> to vector<512x1024xbf16>
    %dot_general3A = arith.constant dense<0.000000e+00> : vector<512x2048xf32>
    %dot_general3A_14 = tpu.matmul %convert_element_type3A_13, %get3A_6, %dot_general3A {dimension_numbers = #tpu.dot_dimension_numbers<[1], [1], [0], [0], [0, 0, 1, 0], [], []>, transpose_lhs_hint = false} : vector<512x1024xbf16>, vector<2048x1024xbf16>, vector<512x2048xf32> -> vector<512x2048xf32>
    %dot_general3A_15 = arith.constant dense<0.000000e+00> : vector<512x2048xf32>
    %dot_general3A_16 = tpu.matmul %convert_element_type3A_13, %get3A_9, %dot_general3A_15 {dimension_numbers = #tpu.dot_dimension_numbers<[1], [1], [0], [0], [0, 0, 1, 0], [], []>, transpose_lhs_hint = false} : vector<512x1024xbf16>, vector<2048x1024xbf16>, vector<512x2048xf32> -> vector<512x2048xf32>
    %logistic3A = arith.negf %dot_general3A_14 : vector<512x2048xf32>
    %logistic3A_17 = math.exp %logistic3A : vector<512x2048xf32>
    %logistic3A_18 = arith.constant 1.000000e+00 : f32
    %logistic3A_19 = vector.broadcast %logistic3A_18 : f32 to vector<512x2048xf32>
    %logistic3A_20 = arith.addf %logistic3A_19, %logistic3A_17 : vector<512x2048xf32>
    %logistic3A_21 = arith.divf %logistic3A_19, %logistic3A_20 : vector<512x2048xf32>
    %mul3A = arith.mulf %dot_general3A_14, %logistic3A_21 : vector<512x2048xf32>
    %mul3A_22 = arith.mulf %mul3A, %dot_general3A_16 : vector<512x2048xf32>
    %convert_element_type3A_23 = arith.truncf %mul3A_22 : vector<512x2048xf32> to vector<512x2048xbf16>
    %dot_general3A_24 = arith.constant dense<0.000000e+00> : vector<512x1024xf32>
    %dot_general3A_25 = tpu.matmul %convert_element_type3A_23, %get3A_12, %dot_general3A_24 {dimension_numbers = #tpu.dot_dimension_numbers<[1], [1], [0], [0], [0, 0, 1, 0], [], []>, transpose_lhs_hint = false} : vector<512x2048xbf16>, vector<1024x2048xbf16>, vector<512x1024xf32> -> vector<512x1024xf32>
    %swap3A = arith.constant 0 : index
    %swap3A_26 = arith.constant 0 : index
    %swap3A_27 = vector.load %arg8[%swap3A, %swap3A_26] : memref<512x1024xf32, #tpu.memory_space<vmem>>, vector<512x1024xf32>
    tpu.vector_store %arg8[%swap3A, %swap3A_26], %dot_general3A_25 {strides = array<i32>} : memref<512x1024xf32, #tpu.memory_space<vmem>>, vector<512x1024xf32>,
    return
  }
  func.func @transform_0(%arg0: i32) -> (i32, i32) {
    %c0_i32 = arith.constant 0 : i32
    %c0_i32_0 = arith.constant 0 : i32
    return %arg0, %c0_i32 : i32, i32
  }
  func.func @transform_1(%arg0: i32) -> (i32, i32) {
    %c0_i32 = arith.constant 0 : i32
    %c0_i32_0 = arith.constant 0 : i32
    %c0_i32_1 = arith.constant 0 : i32
    return %c0_i32, %c0_i32_0 : i32, i32
  }
  func.func @transform_2(%arg0: i32) -> (i32, i32) {
    %c1_i32 = arith.constant 1 : i32
    %c0_i32 = arith.constant 0 : i32
    %c0_i32_0 = arith.constant 0 : i32
    return %c1_i32, %c0_i32 : i32, i32
  }
  func.func @transform_3(%arg0: i32) -> (i32, i32) {
    %c0_i32 = arith.constant 0 : i32
    %c0_i32_0 = arith.constant 0 : i32
    %c0_i32_1 = arith.constant 0 : i32
    return %c0_i32, %c0_i32_0 : i32, i32
  }
  func.func @transform_4(%arg0: i32) -> (i32, i32) {
    %c1_i32 = arith.constant 1 : i32
    %c0_i32 = arith.constant 0 : i32
    %c0_i32_0 = arith.constant 0 : i32
    return %c1_i32, %c0_i32 : i32, i32
  }
  func.func @transform_5(%arg0: i32) -> (i32, i32) {
    %c0_i32 = arith.constant 0 : i32
    %c0_i32_0 = arith.constant 0 : i32
    %c0_i32_1 = arith.constant 0 : i32
    return %c0_i32, %c0_i32_0 : i32, i32
  }
  func.func @transform_6(%arg0: i32) -> (i32, i32) {
    %c0_i32 = arith.constant 0 : i32
    %c1_i32 = arith.constant 1 : i32
    %c0_i32_0 = arith.constant 0 : i32
    return %c0_i32, %c1_i32 : i32, i32
  }
  func.func @transform_7(%arg0: i32) -> (i32, i32) {
    %c0_i32 = arith.constant 0 : i32
    %c0_i32_0 = arith.constant 0 : i32
    return %arg0, %c0_i32 : i32, i32
  }
}

module attributes {stable_mosaic.version = 14 : i64} {
  func.func @_routed_body(%arg0: i32, %arg1: memref<24xi32, #tpu.memory_space<smem>>, %arg2: memref<1xi32, #tpu.memory_space<smem>>, %arg3: memref<256x1024xf32, #tpu.memory_space<vmem>>, %arg4: memref<1x1024x1024xf32, #tpu.memory_space<vmem>>, %arg5: memref<1x1024x1024xf32, #tpu.memory_space<vmem>>, %arg6: memref<1x1024x1024xf32, #tpu.memory_space<vmem>>, %arg7: memref<1x1024x1024xf32, #tpu.memory_space<vmem>>, %arg8: memref<8x1024x2048xf32, #tpu.memory_space<any>>, %arg9: memref<256x1024xf32, #tpu.memory_space<vmem>>, %arg10: memref<2048x1024xbf16, #tpu.memory_space<vmem>>, %arg11: memref<2048x1024xbf16, #tpu.memory_space<vmem>>, %arg12: memref<1024x2048xbf16, #tpu.memory_space<vmem>>, %arg13: memref<1024x2048xf32, #tpu.memory_space<vmem>>, %arg14: memref<!tpu.dma_semaphore, #tpu.memory_space<semaphore_mem>>, %arg15: memref<!tpu.dma_semaphore, #tpu.memory_space<semaphore_mem>>) attributes {dimension_semantics = [#tpu.dimension_semantics<arbitrary>], iteration_bounds = array<i64: 24>, scalar_prefetch = 2 : i64, scratch_operands = 6 : i64, tpu.core_type = #tpu.core_type<tc>, window_params = [{transform_indices = @transform_0, window_bounds = array<i64: 256, 1024>}, {transform_indices = @transform_1, window_bounds = array<i64: 1, 1024, 1024>}, {transform_indices = @transform_2, window_bounds = array<i64: 1, 1024, 1024>}, {transform_indices = @transform_3, window_bounds = array<i64: 1, 1024, 1024>}, {transform_indices = @transform_4, window_bounds = array<i64: 1, 1024, 1024>}, {}, {transform_indices = @transform_6, window_bounds = array<i64: 256, 1024>}]} {
    %get3A = arith.constant 0 : index
    %get3A_0 = memref.load %arg2[%get3A] : memref<1xi32, #tpu.memory_space<smem>>
    %lt3A = arith.cmpi slt, %arg0, %get3A_0 : i32
    %get3A_1 = arith.index_cast %arg0 : i32 to index
    %get3A_2 = memref.load %arg1[%get3A_1] : memref<24xi32, #tpu.memory_space<smem>>
    %sub3A = arith.constant 1 : i32
    %sub3A_3 = arith.subi %arg0, %sub3A : i32
    %max3A = arith.constant 0 : i32
    %max3A_4 = arith.maxsi %sub3A_3, %max3A : i32
    %get3A_5 = arith.index_cast %max3A_4 : i32 to index
    %get3A_6 = memref.load %arg1[%get3A_5] : memref<24xi32, #tpu.memory_space<smem>>
    %add3A = arith.constant 1 : i32
    %add3A_7 = arith.addi %arg0, %add3A : i32
    %min3A = arith.constant 23 : i32
    %min3A_8 = arith.minsi %add3A_7, %min3A : i32
    %get3A_9 = arith.index_cast %min3A_8 : i32 to index
    %get3A_10 = memref.load %arg1[%get3A_9] : memref<24xi32, #tpu.memory_space<smem>>
    %eq3A = arith.constant 0 : i32
    %eq3A_11 = arith.cmpi eq, %arg0, %eq3A : i32
    %and3A = arith.andi %lt3A, %eq3A_11 : i1
    %convert_element_type3A = arith.extui %and3A : i1 to i32
    %cond3A = arith.constant 0 : i32
    %cond3A_12 = arith.cmpi ne, %convert_element_type3A, %cond3A : i32
    scf.if %cond3A_12 {
      %dma_start3A = arith.constant 0 : i32
      %dma_start3A_31 = arith.constant 0 : i32
      %dma_start3A_32 = tpu.memref_slice %arg13[%dma_start3A, %dma_start3A_31] : memref<1024x2048xf32, #tpu.memory_space<vmem>> -> memref<1024x1024xf32, #tpu.memory_space<vmem>>
      %dma_start3A_33 = arith.constant 0 : i32
      %dma_start3A_34 = arith.constant 0 : i32
      %dma_start3A_35 = tpu.memref_slice %arg8[%get3A_2, %dma_start3A_33, %dma_start3A_34] : memref<8x1024x2048xf32, #tpu.memory_space<any>> -> memref<1x1024x1024xf32, #tpu.memory_space<any>>
      %dma_start3A_36 = tpu.memref_squeeze %dma_start3A_35 : memref<1x1024x1024xf32, #tpu.memory_space<any>> -> memref<1024x1024xf32, #tpu.memory_space<any>>
      tpu.enqueue_dma source(%dma_start3A_36 : memref<1024x1024xf32, #tpu.memory_space<any>>) target(%dma_start3A_32 : memref<1024x1024xf32, #tpu.memory_space<vmem>>) target_semaphore(%arg14 : memref<!tpu.dma_semaphore, #tpu.memory_space<semaphore_mem>>)
      %dma_start3A_37 = arith.constant 0 : i32
      %dma_start3A_38 = arith.constant 1024 : i32
      %dma_start3A_39 = tpu.memref_slice %arg13[%dma_start3A_37, %dma_start3A_38] : memref<1024x2048xf32, #tpu.memory_space<vmem>> -> memref<1024x1024xf32, #tpu.memory_space<vmem>>
      %dma_start3A_40 = arith.constant 0 : i32
      %dma_start3A_41 = arith.constant 1024 : i32
      %dma_start3A_42 = tpu.memref_slice %arg8[%get3A_2, %dma_start3A_40, %dma_start3A_41] : memref<8x1024x2048xf32, #tpu.memory_space<any>> -> memref<1x1024x1024xf32, #tpu.memory_space<any>>
      %dma_start3A_43 = tpu.memref_squeeze %dma_start3A_42 : memref<1x1024x1024xf32, #tpu.memory_space<any>> -> memref<1024x1024xf32, #tpu.memory_space<any>>
      tpu.enqueue_dma source(%dma_start3A_43 : memref<1024x1024xf32, #tpu.memory_space<any>>) target(%dma_start3A_39 : memref<1024x1024xf32, #tpu.memory_space<vmem>>) target_semaphore(%arg15 : memref<!tpu.dma_semaphore, #tpu.memory_space<semaphore_mem>>)
    } else {
    }
    %eq3A_13 = arith.constant 0 : i32
    %eq3A_14 = arith.cmpi eq, %arg0, %eq3A_13 : i32
    %ne3A = arith.cmpi ne, %get3A_2, %get3A_6 : i32
    %or3A = arith.ori %eq3A_14, %ne3A : i1
    %and3A_15 = arith.andi %lt3A, %or3A : i1
    %convert_element_type3A_16 = arith.extui %and3A_15 : i1 to i32
    %cond3A_17 = arith.constant 0 : i32
    %cond3A_18 = arith.cmpi ne, %convert_element_type3A_16, %cond3A_17 : i32
    scf.if %cond3A_18 {
      %get3A_31 = arith.constant 0 : index
      %get3A_32 = arith.constant 0 : index
      %get3A_33 = arith.constant 0 : index
      %get3A_34 = vector.load %arg4[%get3A_31, %get3A_32, %get3A_33] : memref<1x1024x1024xf32, #tpu.memory_space<vmem>>, vector<1x1024x1024xf32>
      %get3A_35 = vector.shape_cast %get3A_34 : vector<1x1024x1024xf32> to vector<1024x1024xf32>
      %convert_element_type3A_36 = arith.truncf %get3A_35 : vector<1024x1024xf32> to vector<1024x1024xbf16>
      %swap3A = arith.constant 0 : index
      %swap3A_37 = arith.constant 0 : index
      %swap3A_38 = vector.load %arg10[%swap3A, %swap3A_37] : memref<2048x1024xbf16, #tpu.memory_space<vmem>>, vector<1024x1024xbf16>
      tpu.vector_store %arg10[%swap3A, %swap3A_37], %convert_element_type3A_36 {strides = array<i32>} : memref<2048x1024xbf16, #tpu.memory_space<vmem>>, vector<1024x1024xbf16>,
      %get3A_39 = arith.constant 0 : index
      %get3A_40 = arith.constant 0 : index
      %get3A_41 = arith.constant 0 : index
      %get3A_42 = vector.load %arg5[%get3A_39, %get3A_40, %get3A_41] : memref<1x1024x1024xf32, #tpu.memory_space<vmem>>, vector<1x1024x1024xf32>
      %get3A_43 = vector.shape_cast %get3A_42 : vector<1x1024x1024xf32> to vector<1024x1024xf32>
      %convert_element_type3A_44 = arith.truncf %get3A_43 : vector<1024x1024xf32> to vector<1024x1024xbf16>
      %swap3A_45 = arith.constant 1024 : index
      %swap3A_46 = arith.constant 0 : index
      %swap3A_47 = vector.load %arg10[%swap3A_45, %swap3A_46] : memref<2048x1024xbf16, #tpu.memory_space<vmem>>, vector<1024x1024xbf16>
      tpu.vector_store %arg10[%swap3A_45, %swap3A_46], %convert_element_type3A_44 {strides = array<i32>} : memref<2048x1024xbf16, #tpu.memory_space<vmem>>, vector<1024x1024xbf16>,
      %get3A_48 = arith.constant 0 : index
      %get3A_49 = arith.constant 0 : index
      %get3A_50 = arith.constant 0 : index
      %get3A_51 = vector.load %arg6[%get3A_48, %get3A_49, %get3A_50] : memref<1x1024x1024xf32, #tpu.memory_space<vmem>>, vector<1x1024x1024xf32>
      %get3A_52 = vector.shape_cast %get3A_51 : vector<1x1024x1024xf32> to vector<1024x1024xf32>
      %convert_element_type3A_53 = arith.truncf %get3A_52 : vector<1024x1024xf32> to vector<1024x1024xbf16>
      %swap3A_54 = arith.constant 0 : index
      %swap3A_55 = arith.constant 0 : index
      %swap3A_56 = vector.load %arg11[%swap3A_54, %swap3A_55] : memref<2048x1024xbf16, #tpu.memory_space<vmem>>, vector<1024x1024xbf16>
      tpu.vector_store %arg11[%swap3A_54, %swap3A_55], %convert_element_type3A_53 {strides = array<i32>} : memref<2048x1024xbf16, #tpu.memory_space<vmem>>, vector<1024x1024xbf16>,
      %get3A_57 = arith.constant 0 : index
      %get3A_58 = arith.constant 0 : index
      %get3A_59 = arith.constant 0 : index
      %get3A_60 = vector.load %arg7[%get3A_57, %get3A_58, %get3A_59] : memref<1x1024x1024xf32, #tpu.memory_space<vmem>>, vector<1x1024x1024xf32>
      %get3A_61 = vector.shape_cast %get3A_60 : vector<1x1024x1024xf32> to vector<1024x1024xf32>
      %convert_element_type3A_62 = arith.truncf %get3A_61 : vector<1024x1024xf32> to vector<1024x1024xbf16>
      %swap3A_63 = arith.constant 1024 : index
      %swap3A_64 = arith.constant 0 : index
      %swap3A_65 = vector.load %arg11[%swap3A_63, %swap3A_64] : memref<2048x1024xbf16, #tpu.memory_space<vmem>>, vector<1024x1024xbf16>
      tpu.vector_store %arg11[%swap3A_63, %swap3A_64], %convert_element_type3A_62 {strides = array<i32>} : memref<2048x1024xbf16, #tpu.memory_space<vmem>>, vector<1024x1024xbf16>,
      %dma_wait3A = arith.constant 0 : i32
      %dma_wait3A_66 = arith.constant 0 : i32
      %dma_wait3A_67 = arith.constant 0 : i32
      %dma_wait3A_68 = tpu.memref_slice %arg13[%dma_wait3A_66, %dma_wait3A_67] : memref<1024x2048xf32, #tpu.memory_space<vmem>> -> memref<1024x1024xf32, #tpu.memory_space<vmem>>
      %dma_wait3A_69 = arith.constant 0 : i32
      %dma_wait3A_70 = arith.constant 0 : i32
      %dma_wait3A_71 = tpu.memref_slice %arg8[%dma_wait3A, %dma_wait3A_69, %dma_wait3A_70] : memref<8x1024x2048xf32, #tpu.memory_space<any>> -> memref<1x1024x1024xf32, #tpu.memory_space<any>>
      %dma_wait3A_72 = tpu.memref_squeeze %dma_wait3A_71 : memref<1x1024x1024xf32, #tpu.memory_space<any>> -> memref<1024x1024xf32, #tpu.memory_space<any>>
      tpu.wait_dma2 semaphore(%arg14 : memref<!tpu.dma_semaphore, #tpu.memory_space<semaphore_mem>>) src(%dma_wait3A_72 : memref<1024x1024xf32, #tpu.memory_space<any>>) dst(%dma_wait3A_68 : memref<1024x1024xf32, #tpu.memory_space<vmem>>)
      %dma_wait3A_73 = arith.constant 0 : i32
      %dma_wait3A_74 = arith.constant 0 : i32
      %dma_wait3A_75 = arith.constant 1024 : i32
      %dma_wait3A_76 = tpu.memref_slice %arg13[%dma_wait3A_74, %dma_wait3A_75] : memref<1024x2048xf32, #tpu.memory_space<vmem>> -> memref<1024x1024xf32, #tpu.memory_space<vmem>>
      %dma_wait3A_77 = arith.constant 0 : i32
      %dma_wait3A_78 = arith.constant 1024 : i32
      %dma_wait3A_79 = tpu.memref_slice %arg8[%dma_wait3A_73, %dma_wait3A_77, %dma_wait3A_78] : memref<8x1024x2048xf32, #tpu.memory_space<any>> -> memref<1x1024x1024xf32, #tpu.memory_space<any>>
      %dma_wait3A_80 = tpu.memref_squeeze %dma_wait3A_79 : memref<1x1024x1024xf32, #tpu.memory_space<any>> -> memref<1024x1024xf32, #tpu.memory_space<any>>
      tpu.wait_dma2 semaphore(%arg15 : memref<!tpu.dma_semaphore, #tpu.memory_space<semaphore_mem>>) src(%dma_wait3A_80 : memref<1024x1024xf32, #tpu.memory_space<any>>) dst(%dma_wait3A_76 : memref<1024x1024xf32, #tpu.memory_space<vmem>>)
      %get3A_81 = arith.constant 0 : index
      %get3A_82 = arith.constant 0 : index
      %get3A_83 = vector.load %arg13[%get3A_81, %get3A_82] : memref<1024x2048xf32, #tpu.memory_space<vmem>>, vector<1024x2048xf32>
      %convert_element_type3A_84 = arith.truncf %get3A_83 : vector<1024x2048xf32> to vector<1024x2048xbf16>
      %swap3A_85 = arith.constant 0 : index
      %swap3A_86 = arith.constant 0 : index
      %swap3A_87 = vector.load %arg12[%swap3A_85, %swap3A_86] : memref<1024x2048xbf16, #tpu.memory_space<vmem>>, vector<1024x2048xbf16>
      tpu.vector_store %arg12[%swap3A_85, %swap3A_86], %convert_element_type3A_84 {strides = array<i32>} : memref<1024x2048xbf16, #tpu.memory_space<vmem>>, vector<1024x2048xbf16>,
    } else {
    }
    %ne3A_19 = arith.cmpi ne, %get3A_10, %get3A_2 : i32
    %and3A_20 = arith.andi %lt3A, %ne3A_19 : i1
    %add3A_21 = arith.constant 1 : i32
    %add3A_22 = arith.addi %arg0, %add3A_21 : i32
    %lt3A_23 = arith.cmpi slt, %add3A_22, %get3A_0 : i32
    %and3A_24 = arith.andi %and3A_20, %lt3A_23 : i1
    %convert_element_type3A_25 = arith.extui %and3A_24 : i1 to i32
    %cond3A_26 = arith.constant 0 : i32
    %cond3A_27 = arith.cmpi ne, %convert_element_type3A_25, %cond3A_26 : i32
    scf.if %cond3A_27 {
      %dma_start3A = arith.constant 0 : i32
      %dma_start3A_31 = arith.constant 0 : i32
      %dma_start3A_32 = tpu.memref_slice %arg13[%dma_start3A, %dma_start3A_31] : memref<1024x2048xf32, #tpu.memory_space<vmem>> -> memref<1024x1024xf32, #tpu.memory_space<vmem>>
      %dma_start3A_33 = arith.constant 0 : i32
      %dma_start3A_34 = arith.constant 0 : i32
      %dma_start3A_35 = tpu.memref_slice %arg8[%get3A_10, %dma_start3A_33, %dma_start3A_34] : memref<8x1024x2048xf32, #tpu.memory_space<any>> -> memref<1x1024x1024xf32, #tpu.memory_space<any>>
      %dma_start3A_36 = tpu.memref_squeeze %dma_start3A_35 : memref<1x1024x1024xf32, #tpu.memory_space<any>> -> memref<1024x1024xf32, #tpu.memory_space<any>>
      tpu.enqueue_dma source(%dma_start3A_36 : memref<1024x1024xf32, #tpu.memory_space<any>>) target(%dma_start3A_32 : memref<1024x1024xf32, #tpu.memory_space<vmem>>) target_semaphore(%arg14 : memref<!tpu.dma_semaphore, #tpu.memory_space<semaphore_mem>>)
      %dma_start3A_37 = arith.constant 0 : i32
      %dma_start3A_38 = arith.constant 1024 : i32
      %dma_start3A_39 = tpu.memref_slice %arg13[%dma_start3A_37, %dma_start3A_38] : memref<1024x2048xf32, #tpu.memory_space<vmem>> -> memref<1024x1024xf32, #tpu.memory_space<vmem>>
      %dma_start3A_40 = arith.constant 0 : i32
      %dma_start3A_41 = arith.constant 1024 : i32
      %dma_start3A_42 = tpu.memref_slice %arg8[%get3A_10, %dma_start3A_40, %dma_start3A_41] : memref<8x1024x2048xf32, #tpu.memory_space<any>> -> memref<1x1024x1024xf32, #tpu.memory_space<any>>
      %dma_start3A_43 = tpu.memref_squeeze %dma_start3A_42 : memref<1x1024x1024xf32, #tpu.memory_space<any>> -> memref<1024x1024xf32, #tpu.memory_space<any>>
      tpu.enqueue_dma source(%dma_start3A_43 : memref<1024x1024xf32, #tpu.memory_space<any>>) target(%dma_start3A_39 : memref<1024x1024xf32, #tpu.memory_space<vmem>>) target_semaphore(%arg15 : memref<!tpu.dma_semaphore, #tpu.memory_space<semaphore_mem>>)
    } else {
    }
    %convert_element_type3A_28 = arith.extui %lt3A : i1 to i32
    %cond3A_29 = arith.constant 0 : i32
    %cond3A_30 = arith.cmpi ne, %convert_element_type3A_28, %cond3A_29 : i32
    scf.if %cond3A_30 {
      %get3A_31 = arith.constant 0 : index
      %get3A_32 = arith.constant 0 : index
      %get3A_33 = vector.load %arg3[%get3A_31, %get3A_32] : memref<256x1024xf32, #tpu.memory_space<vmem>>, vector<256x1024xf32>
      %get3A_34 = arith.constant 0 : index
      %get3A_35 = arith.constant 0 : index
      %get3A_36 = vector.load %arg10[%get3A_34, %get3A_35] : memref<2048x1024xbf16, #tpu.memory_space<vmem>>, vector<2048x1024xbf16>
      %get3A_37 = arith.constant 0 : index
      %get3A_38 = arith.constant 0 : index
      %get3A_39 = vector.load %arg11[%get3A_37, %get3A_38] : memref<2048x1024xbf16, #tpu.memory_space<vmem>>, vector<2048x1024xbf16>
      %get3A_40 = arith.constant 0 : index
      %get3A_41 = arith.constant 0 : index
      %get3A_42 = vector.load %arg12[%get3A_40, %get3A_41] : memref<1024x2048xbf16, #tpu.memory_space<vmem>>, vector<1024x2048xbf16>
      %convert_element_type3A_43 = arith.truncf %get3A_33 : vector<256x1024xf32> to vector<256x1024xbf16>
      %dot_general3A = arith.constant dense<0.000000e+00> : vector<256x2048xf32>
      %dot_general3A_44 = tpu.matmul %convert_element_type3A_43, %get3A_36, %dot_general3A {dimension_numbers = #tpu.dot_dimension_numbers<[1], [1], [0], [0], [0, 0, 1, 0], [], []>, transpose_lhs_hint = false} : vector<256x1024xbf16>, vector<2048x1024xbf16>, vector<256x2048xf32> -> vector<256x2048xf32>
      %dot_general3A_45 = arith.constant dense<0.000000e+00> : vector<256x2048xf32>
      %dot_general3A_46 = tpu.matmul %convert_element_type3A_43, %get3A_39, %dot_general3A_45 {dimension_numbers = #tpu.dot_dimension_numbers<[1], [1], [0], [0], [0, 0, 1, 0], [], []>, transpose_lhs_hint = false} : vector<256x1024xbf16>, vector<2048x1024xbf16>, vector<256x2048xf32> -> vector<256x2048xf32>
      %logistic3A = arith.negf %dot_general3A_44 : vector<256x2048xf32>
      %logistic3A_47 = math.exp %logistic3A : vector<256x2048xf32>
      %logistic3A_48 = arith.constant 1.000000e+00 : f32
      %logistic3A_49 = vector.broadcast %logistic3A_48 : f32 to vector<256x2048xf32>
      %logistic3A_50 = arith.addf %logistic3A_49, %logistic3A_47 : vector<256x2048xf32>
      %logistic3A_51 = arith.divf %logistic3A_49, %logistic3A_50 : vector<256x2048xf32>
      %mul3A = arith.mulf %dot_general3A_44, %logistic3A_51 : vector<256x2048xf32>
      %mul3A_52 = arith.mulf %mul3A, %dot_general3A_46 : vector<256x2048xf32>
      %convert_element_type3A_53 = arith.truncf %mul3A_52 : vector<256x2048xf32> to vector<256x2048xbf16>
      %dot_general3A_54 = arith.constant dense<0.000000e+00> : vector<256x1024xf32>
      %dot_general3A_55 = tpu.matmul %convert_element_type3A_53, %get3A_42, %dot_general3A_54 {dimension_numbers = #tpu.dot_dimension_numbers<[1], [1], [0], [0], [0, 0, 1, 0], [], []>, transpose_lhs_hint = false} : vector<256x2048xbf16>, vector<1024x2048xbf16>, vector<256x1024xf32> -> vector<256x1024xf32>
      %swap3A = arith.constant 0 : index
      %swap3A_56 = arith.constant 0 : index
      %swap3A_57 = vector.load %arg9[%swap3A, %swap3A_56] : memref<256x1024xf32, #tpu.memory_space<vmem>>, vector<256x1024xf32>
      tpu.vector_store %arg9[%swap3A, %swap3A_56], %dot_general3A_55 {strides = array<i32>} : memref<256x1024xf32, #tpu.memory_space<vmem>>, vector<256x1024xf32>,
    } else {
    }
    return
  }
  func.func @transform_0(%arg0: i32, %arg1: memref<24xi32, #tpu.memory_space<smem>>, %arg2: memref<1xi32, #tpu.memory_space<smem>>) -> (i32, i32) {
    %get3A = arith.constant 0 : index
    %get3A_0 = memref.load %arg2[%get3A] : memref<1xi32, #tpu.memory_space<smem>>
    %sub3A = arith.constant 1 : i32
    %sub3A_1 = arith.subi %get3A_0, %sub3A : i32
    %min3A = arith.minsi %arg0, %sub3A_1 : i32
    %c0_i32 = arith.constant 0 : i32
    %c0_i32_2 = arith.constant 0 : i32
    return %min3A, %c0_i32 : i32, i32
  }
  func.func @transform_1(%arg0: i32, %arg1: memref<24xi32, #tpu.memory_space<smem>>, %arg2: memref<1xi32, #tpu.memory_space<smem>>) -> (i32, i32, i32) {
    %get3A = arith.index_cast %arg0 : i32 to index
    %get3A_0 = memref.load %arg1[%get3A] : memref<24xi32, #tpu.memory_space<smem>>
    %c0_i32 = arith.constant 0 : i32
    %c0_i32_1 = arith.constant 0 : i32
    %c0_i32_2 = arith.constant 0 : i32
    return %get3A_0, %c0_i32, %c0_i32_1 : i32, i32, i32
  }
  func.func @transform_2(%arg0: i32, %arg1: memref<24xi32, #tpu.memory_space<smem>>, %arg2: memref<1xi32, #tpu.memory_space<smem>>) -> (i32, i32, i32) {
    %get3A = arith.index_cast %arg0 : i32 to index
    %get3A_0 = memref.load %arg1[%get3A] : memref<24xi32, #tpu.memory_space<smem>>
    %c1_i32 = arith.constant 1 : i32
    %c0_i32 = arith.constant 0 : i32
    %c0_i32_1 = arith.constant 0 : i32
    return %get3A_0, %c1_i32, %c0_i32 : i32, i32, i32
  }
  func.func @transform_3(%arg0: i32, %arg1: memref<24xi32, #tpu.memory_space<smem>>, %arg2: memref<1xi32, #tpu.memory_space<smem>>) -> (i32, i32, i32) {
    %get3A = arith.index_cast %arg0 : i32 to index
    %get3A_0 = memref.load %arg1[%get3A] : memref<24xi32, #tpu.memory_space<smem>>
    %c0_i32 = arith.constant 0 : i32
    %c0_i32_1 = arith.constant 0 : i32
    %c0_i32_2 = arith.constant 0 : i32
    return %get3A_0, %c0_i32, %c0_i32_1 : i32, i32, i32
  }
  func.func @transform_4(%arg0: i32, %arg1: memref<24xi32, #tpu.memory_space<smem>>, %arg2: memref<1xi32, #tpu.memory_space<smem>>) -> (i32, i32, i32) {
    %get3A = arith.index_cast %arg0 : i32 to index
    %get3A_0 = memref.load %arg1[%get3A] : memref<24xi32, #tpu.memory_space<smem>>
    %c1_i32 = arith.constant 1 : i32
    %c0_i32 = arith.constant 0 : i32
    %c0_i32_1 = arith.constant 0 : i32
    return %get3A_0, %c1_i32, %c0_i32 : i32, i32, i32
  }
  func.func @transform_6(%arg0: i32, %arg1: memref<24xi32, #tpu.memory_space<smem>>, %arg2: memref<1xi32, #tpu.memory_space<smem>>) -> (i32, i32) {
    %get3A = arith.constant 0 : index
    %get3A_0 = memref.load %arg2[%get3A] : memref<1xi32, #tpu.memory_space<smem>>
    %sub3A = arith.constant 1 : i32
    %sub3A_1 = arith.subi %get3A_0, %sub3A : i32
    %min3A = arith.minsi %arg0, %sub3A_1 : i32
    %c0_i32 = arith.constant 0 : i32
    %c0_i32_2 = arith.constant 0 : i32
    return %min3A, %c0_i32 : i32, i32
  }
}

</mosaic_0001>

<sc_bundles>
// kernel: kernel.10.cloned.1.call-start
scs
__scs_entry_jumppad:
0x0: {  	(pc) =	sbr.rel $0x88, $3  }
0x1: {  	(tag) =	ssettag $0x0;
	lr =	simm.s32 $0x1  }
0x2: {  	[smem:$0x3F98] =	sst lr;
	_ =	strace $0xD0000000  }
0x3: {  	_ = 	snop  }
0x4: {  	_ = 	snop  }
0x5: {  	_ = 	snop  }
0x6: {  	_ = 	snop  }
0x7: {  	_ = 	snop  }
__scs_overlays_trampoline_lowered:
0x8: {  	[smem:$0x3FA7] =	sst s0  }
0x9: {  	[smem:$0x3FA8] =	sst s1  }
0xa: {  	[smem:$0x3FA9] =	sst s2  }
0xb: {  	[smem:$0x3FAA] =	sst s3  }
0xc: {  	[smem:$0x3FAB] =	sst s4  }
0xd: {  	[smem:$0x3FAC] =	sst s5  }
0xe: {  	[smem:$0x3FAD] =	sst s6  }
0xf: {  	[smem:$0x3FAE] =	sst s7  }
0x10: {  	[smem:$0x3FAF] =	sst s8  }
0x11: {  	[smem:$0x3FB0] =	sst s9;
	s0 =	simm.s32 @!p0 $0x0  }
0x12: {  	s1 =	sld [smem:$0x3F96];
	s0 =	simm.s32 @p0 $0x1  }
0x13: {  	[smem:$0x3FB1] =	sst s0;
	s0 =	simm.s32 @!p1 $0x0  }
0x14: {  	s2 =	sld [smem:$0x3F95];
	s0 =	simm.s32 @p1 $0x1  }
0x15: {  	[smem:$0x3FB2] =	sst s0;
	s0 =	simm.s32 @!p2 $0x0  }
0x16: {  	s3 =	sld [smem:$0x3FDB];
	s0 =	simm.s32 @p2 $0x1  }
0x17: {  	s4 =	simm.s32 $0x1BF5;
	[smem:$0x3FB4] =	sst s0  }
0x18: {  	s0 =	sld [smem:$0x3F97];
	_ =	swait.ge [sflag:s4], $0x0  }
0x19: {  	s7 =	sld [smem:$0x3F98]  }
0x1a: {  	s8 =	sadd.s32 $0xFFFFE003, lr  }
0x1b: {  	s9 =	sadd.s32 $0xFFFFFEF7, lr;
	s5 =	simm.s32 $0xFFFFFFFF;
	p2 =	slt.u32 s8, $0xFFFFF086  }
0x1c: {  	p1 =	slt.u32 s9, $0xF7A;
	s5 =	simm.s32 @!p2 $0x0  }
0x1d: {  	s5 =	simm.s32 @p1 $0x1;
	p0 =	seq.s32 s7, s2  }
0x1e: {  	s7 =	smul.u32 @!p0 $0xF7A, s2;
	p2 =	seq.s32 @!p0 s5, $0x0  }
0x1f: {  	s9 =	smul.u32 $0xF7A, s1;
	s8 =	simm.s32 @!p0 $0x1BF5;
	p2 =	por !p2, p0  }
0x20: {  	[sflag:s8] =	ssyncset.s32 @!p0 $0xFFFFF086;
	s6 =	sadd.s32 @!p0 s3, s7;
	s7 =	simm.s32 @!p0 $0x108  }
0x21: {  	s3 =	sadd.s32 s3, s9;
	s6 =	sadd.s32 @!p0 $0x88, s6;
	s7 =	simm.s32 @p2 $0x1082  }
0x22: {  	[simem:s7], [sflag:s8] =	dma.local @!p0 [hbm:s6], $0xF7A  }
0x23: {  	s9 =	sor.u32 $0xD0000000, s2;
	s6 =	simm.s32 $0x108;
	_ =	swait.ge @!p0 [sflag:s8], $0x0  }
0x24: {  	s3 =	sadd.s32 $0x88, s3;
	s6 =	simm.s32 @!p1 $0x1082;
	[sflag:s4] =	ssyncset.s32 $0xFFFFF086  }
0x25: {  	[simem:s6], [sflag:s4] =	dma.local [hbm:s3], $0xF7A  }
0x26: {  	[smem:$0x3F98] =	sst s1;
	(tag) =	ssettag s2;
	_ =	strace s9  }
0x27: {  	s1 =	sld [smem:$0x3FA8]  }
0x28: {  	s2 =	sld [smem:$0x3FA9]  }
0x29: {  	s4 =	sld [smem:$0x3FAB]  }
0x2a: {  	p0 =	seq.s32 s5, $0x0;
	s5 =	sld [smem:$0x3FAC]  }
0x2b: {  	s6 =	sld [smem:$0x3FAD]  }
0x2c: {  	s7 =	sld [smem:$0x3FAE]  }
0x2d: {  	s3 =	simm.s32 $0x108;
	s8 =	sld [smem:$0x3FAF]  }
0x2e: {  	s3 =	simm.s32 @!p0 $0x1082;
	s9 =	sld [smem:$0x3FB0]  }
0x2f: {  	lr =	sadd.s32 s0, s3;
	s0 =	sld [smem:$0x3FA7]  }
0x30: {  	s3 =	sld [smem:$0x3FAA]  }
0x31: {  	[smem:$0x3FB3] =	sst s10  }
0x32: {  	s10 =	sld [smem:$0x3FB1];
	_ =	sdelay $0x3  }
0x33: {  	p0 =	seq.s32 s10, $0x1;
	s10 =	sld [smem:$0x3FB3];
	_ =	sdelay $0x3  }
0x34: {  	[smem:$0x3FB3] =	sst s10  }
0x35: {  	s10 =	sld [smem:$0x3FB2];
	_ =	sdelay $0x3  }
0x36: {  	p1 =	seq.s32 s10, $0x1;
	s10 =	sld [smem:$0x3FB3];
	_ =	sdelay $0x3  }
0x37: {  	[smem:$0x3FB3] =	sst s10  }
0x38: {  	s10 =	sld [smem:$0x3FB4]  }
0x39: {  	_ = 	snop;
	(pc) =	sbr.ind lr, $3  }
0x3a: {  	_ = 	snop  }
0x3b: {  	_ = 	snop  }
0x3c: {  	p2 =	seq.s32 s10, $0x1;
	s10 =	sld [smem:$0x3FB3]  }
0x3d: {  	_ =	shalt  }
0x3e: {  	_ =	shalt  }
0x3f: {  	_ =	shalt  }
0x40: {  	_ =	shalt  }
0x41: {  	_ =	shalt  }
0x42: {  	_ =	shalt  }
0x43: {  	_ =	shalt  }
0x44: {  	_ =	shalt  }
0x45: {  	_ =	shalt  }
0x46: {  	_ =	shalt  }
0x47: {  	_ =	shalt  }
0x48: {  	_ =	shalt  }
0x49: {  	_ =	shalt  }
0x4a: {  	_ =	shalt  }
0x4b: {  	_ =	shalt  }
0x4c: {  	_ =	shalt  }
0x4d: {  	_ =	shalt  }
0x4e: {  	_ =	shalt  }
0x4f: {  	_ =	shalt  }
0x50: {  	_ =	shalt  }
0x51: {  	_ =	shalt  }
0x52: {  	_ =	shalt  }
0x53: {  	_ =	shalt  }
0x54: {  	_ =	shalt  }
0x55: {  	_ =	shalt  }
0x56: {  	_ =	shalt  }
0x57: {  	_ =	shalt  }
0x58: {  	_ =	shalt  }
0x59: {  	_ =	shalt  }
0x5a: {  	_ =	shalt  }
0x5b: {  	_ =	shalt  }
0x5c: {  	_ =	shalt  }
0x5d: {  	_ =	shalt  }
0x5e: {  	_ =	shalt  }
0x5f: {  	_ =	shalt  }
0x60: {  	_ =	shalt  }
0x61: {  	_ =	shalt  }
0x62: {  	_ =	shalt  }
0x63: {  	_ =	shalt  }
0x64: {  	_ =	shalt  }
0x65: {  	_ =	shalt  }
0x66: {  	_ =	shalt  }
0x67: {  	_ =	shalt  }
0x68: {  	_ =	shalt  }
0x69: {  	_ =	shalt  }
0x6a: {  	_ =	shalt  }
0x6b: {  	_ =	shalt  }
0x6c: {  	_ =	shalt  }
0x6d: {  	_ =	shalt  }
0x6e: {  	_ =	shalt  }
0x6f: {  	_ =	shalt  }
0x70: {  	_ =	shalt  }
0x71: {  	_ =	shalt  }
0x72: {  	_ =	shalt  }
0x73: {  	_ =	shalt  }
0x74: {  	_ =	shalt  }
0x75: {  	_ =	shalt  }
0x76: {  	_ =	shalt  }
0x77: {  	_ =	shalt  }
0x78: {  	_ =	shalt  }
0x79: {  	_ =	shalt  }
0x7a: {  	_ =	shalt  }
0x7b: {  	_ =	shalt  }
0x7c: {  	_ =	shalt  }
0x7d: {  	_ =	shalt  }
0x7e: {  	_ =	shalt  }
0x7f: {  	_ =	shalt  }
0x80: {  	_ =	shalt  }
0x81: {  	_ =	shalt  }
0x82: {  	_ =	shalt  }
0x83: {  	_ =	shalt  }
0x84: {  	_ =	shalt  }
0x85: {  	_ =	shalt  }
0x86: {  	_ =	shalt  }
0x87: {  	_ =	shalt  }
.Lfunc_end0:
.L_simem_size_0:
called_computation.1_lowered:
.L_overlay_start_0:
0x88: {  	s2 =	sld [smem:$0x3FD9]  }
0x89: {  	s3 =	sld [smem:$0x3FFE];
	_ =	sdelay $0x1  }
0x8a: {  	s1 =	srdreg.scid  }
0x8b: {  	s0 =	sand.u32 $0x1, s1  }
0x8c: {  	s14 =	sshll.u32 s0, $0xA;
	s2 =	sadd.s32 s3, s2  }
0x8d: {  	s2 =	sadd.s32 s2, s14  }
0x8e: {  	[smem:$0x3FBF] =	sst s2  }
0x8f: {  	_ = 	snop  }
0x90: {  	s2 =	sld [smem:$0x3FD0];
	_ =	sdelay $0x2  }
0x91: {  	s15 =	simm.s32 $0xA;
	s4 =	simm.s32 $0x10  }
0x92: {  	[smem:s4], [sflag:s15] =	dma.local [hbm:s2], $0x1  }
0x93: {  	_ =	swait.eq [sflag:s15], $0x1  }
0x94: {  	[sflag:s15] =	ssyncset.done $0x0  }
0x95: {  	[sflag:s15] =	ssyncadd.s32 $0xFFFFFFFF  }
0x96: {  	s16 =	sld [smem:$0x10];
	(tm) =	ssettm $0x1  }
0x97: {  	s17 =	sld [smem:$0x3FFB];
	_ =	sdelay $0x3  }
0x98: {  	_ =	strace s17  }
0x99: {  	s3 =	sld [smem:$0x3FFC];
	_ =	sdelay $0x3  }
0x9a: {  	_ =	strace s3  }
0x9b: {  	s3 =	sld [smem:$0x3FFD];
	_ =	sdelay $0x3  }
0x9c: {  	_ =	strace s3  }
0x9d: {  	_ =	strace $0x8FFFFFFF  }
0x9e: {  	s18 =	sld [smem:$0x3FDB];
	_ =	sdelay $0x1  }
0x9f: {  	s19 =	simm.s32 $_scs_section_size  }
0xa0: {  	s5 =	simm.s32 $_size__tile_overlayer_lowered;
	s6 =	simm.s32 $_tile_overlayer_lowered  }
0xa1: {  	s22 =	simm.s32 $0x1BFF;
	s21 =	sshll.u32 s6, $0x1;
	s3 =	sadd.s32 s19, s18  }
0xa2: {  	s7 =	simm.s32 $0x0;
	s20 =	sshll.u32 s5, $0x1;
	s5 =	sadd.s32 s21, s3  }
0xa3: {  	[timem:s7], [sflag:s22] =	dma.local [hbm:s5], s20  }
0xa4: {  	_ =	swait.ge [sflag:s22], s20  }
0xa5: {  	s4 =	ssub.s32 $0x0, s20;
	[sflag:s22] =	ssyncset.done $0x0  }
0xa6: {  	[sflag:s22] =	ssyncadd.s32 s4;
	_ =	sdelay $0x1  }
0xa7: {  	s23 =	simm.s32 $0x1B8B  }
0xa8: {  	_ =	swait.ge [sflag:s23], $0x1  }
0xa9: {  	[sflag:s23] =	ssyncset.done $0x0  }
0xaa: {  	s25 =	simm.s32 $0x1B8E;
	s24 =	sld [smem:$0x3FFE];
	[sflag:s23] =	ssyncadd.s32 $0xFFFFFFFF  }
0xab: {  	s26 =	simm.s32 $execute0_lowered;
	[smem:$0x3FD2] =	sst s25  }
0xac: {  	s5 =	sshll.u32 s26, $0x1;
	_ =	strace $0x80000049;
	[dreg:$0x1] =	wrdreg $0xFFFFFFFF  }
0xad: {  	s28 =	simm.s32 $_size_execute0_lowered;
	s3 =	sadd.s32 s3, s5;
	[dreg:$0x0] =	wrdreg $0x0  }
0xae: {  	s5 =	sshll.u32 s28, $0x1;
	[dreg:$0x2] =	wrdreg s3  }
0xaf: {  	[dreg:$0x3] =	wrdreg s5  }
0xb0: {  	[dreg:$0x4] =	wrdreg $0xC0  }
0xb1: {  	_ =	task [dreg:s7], $0x5FFFF  }
0xb2: {  	[dreg:$0x1] =	wrdreg $0xFFFFFFFF  }
0xb3: {  	[dreg:$0x0] =	wrdreg $0x60  }
0xb4: {  	[dreg:$0x2] =	wrdreg s24  }
0xb5: {  	[dreg:$0x3] =	wrdreg s16  }
0xb6: {  	[dreg:$0x4] =	wrdreg $0x9  }
0xb7: {  	_ =	task.clear_ibuf [dreg:s7], $0x5FFFF;
	_ =	strace $0x90000049  }
0xb8: {  	s29 =	simm.s32 $0x9;
	_ =	strace $0x8000004B  }
0xb9: {  	_ =	swait.ge [sflag:s29], $0x1  }
0xba: {  	[sflag:s29] =	ssyncadd.s32 $0xFFFFFFFF  }
0xbb: {  	_ =	strace $0x9000004B  }
0xbc: {  	_ =	sfence  }
0xbd: {  	s30 =	sld [smem:$0x0];
	_ =	sdelay $0x2  }
0xbe: {  	s31 =	sshll.u32 s1, $0xD;
	s1 =	sshrl.u32 s1, $0x2  }
0xbf: {  	s3 =	sand.u32 $0x4000, s31;
	s1 =	sadd.s32 s1, s30  }
0xc0: {  	s0 =	sor.u32 s3, s0;
	s1 =	sshll.u32 s1, $0x11  }
0xc1: {  	s0 =	sor.u32 s1, s0  }
0xc2: {  	s0 =	sadd.s32 $0x8F2B, s0  }
0xc3: {  	[sflag:s0] =	ssyncadd.remote.s32 $0x1  }
0xc4: {  	_ =	sfence.sel $0xFFFF  }
0xc5: {  	[dreg:$0x0] =	wrdreg $0xFFFFFFFF;
	(pc) =	sbr.abs _section_cstart, $3  }
0xc6: {  	[dreg:$0x1] =	wrdreg $0xFFFFFFFF  }
0xc7: {  	_ =	task.clear_ibuf [dreg:s7], $0x2FFFF;
	_ =	strace $0x9FFFFFFF  }
0xc8: {  	(tm) =	ssettm $0x7FFFFFFF  }
0xc9: {  	_ =	shalt  }
tec
execute0_lowered:
.L_overlay_start_1:
0x0: {  	(tag) =	ssettag $0x1  }
0x1: {  	s0 =	rddreg [dreg:$0x0]  }
0x2: {  	s1 =	rddreg [dreg:$0x1]  }
0x3: {  	s3 =	srdreg.scid;
	s5 =	stileid.u32;
	s2 =	simm.s32 $0x0  }
0x4: {  	s18 =	simm.s32 $0x4;
	s28 =	simm.s32 $0xF200;
	s29 =	simm.s32 $0x10200  }
0x5: {  	s30 =	simm.s32 $0x10A00;
	s31 =	simm.s32 $0x11200;
	s19 =	simm.s32 $0x12A00  }
0x6: {  	s11 =	simm.s32 $0x3;
	s4 =	sand.u32 $0x1, s3;
	s20 =	sshll.u32 s5, $0x1  }
0x7: {  	[smem:$0x7FF] =	sst s2;
	s3 =	sadd.s32 $0x11AA00, s0;
	s9 =	sadd.s32 $0xCA200, s0  }
0x8: {  	s5 =	sor.u32 s4, s20;
	_ =	strace $0x8000004A;
	s4 =	ssub.s32 $0x2, s4  }
0x9: {  	s20 =	simm.s32 $0x13200;
	s6 =	sshll.u32 s5, $0x6;
	s7 =	sshll.u32 s5, $0xB  }
0xa: {  	s8 =	sshrl.u32 s4, $0x1;
	s5 =	sshll.u32 s5, $0xD;
	s6 =	sadd.s32 s6, s0  }
0xb: {  	s7 =	sadd.s32 s7, s0;
	s4 =	ssub.s32 s4, s8;
	s8 =	sadd.s32 $0x11AD00, s0  }
0xc: {  	s22 =	sor.u32 $0x800, s5;
	s10 =	sadd.s32 s9, s5;
	s23 =	sadd.s32 s1, s5  }
0xd: {  	s25 =	sor.u32 $0x1000, s5;
	s5 =	sor.u32 $0x1800, s5;
	s6 =	sadd.s32 $0x10A200, s6  }
0xe: {  	s21 =	sadd.s32 $0x10AA00, s7;
	s7 =	sadd.s32 $0x11AC00, s0;
	[dreg:$0x5] =	wrdreg s10  }
0xf: {  	[dreg:$0x6] =	wrdreg s23;
	s24 =	sadd.s32 s9, s22;
	s26 =	sadd.s32 s9, s25  }
0x10: {  	s15 =	sadd.s32 s9, s5;
	s16 =	sadd.s32 s1, s5;
	s17 =	smax.u32 s4, $0x1  }
0x11: {  	s5 =	simm.s32 $0xFA00;
	s9 =	simm.s32 $0x14200;
	[dreg:$0x3] =	wrdreg s6  }
0x12: {  	s10 =	simm.s32 $0x18200;
	s23 =	simm.s32 $0x2;
	[dreg:$0x4] =	wrdreg s21  }
0x13: {  	s6 =	sadd.s32 $0x11AB00, s0;
	[dreg:$0x7] =	wrdreg s24;
	s0 =	sadd.s32 s1, s22  }
0x14: {  	v2 =	vlaneseq.u32;
	[dreg:$0x9] =	wrdreg s26;
	s21 =	simm.s32 $0x13A00;
	s22 =	simm.s32 $0x1  }
0x15: {  	vm0 =	vmmov $0xffff;
	v1 =	vshrl.u32 v2, $0x3;
	s24 =	simm.s32 $0x0;
	[dreg:$0x8] =	wrdreg s0;
	s0 =	sadd.s32 s1, s25  }
0x16: {  	v0 =	vand.u32 $0x7, v2;
	v2 =	vor.u32 $0x8, v2;
	v1 =	vmul.u32 $0x8, v1;
	s1 =	simm.s32 $0x12200;
	[dreg:$0xa] =	wrdreg s0;
	s0 =	simm.s32 $0x11A00  }
.LBB2_1:
0x17: {  	s4 =	rddreg [dreg:$0x3]  }
0x18: {  	[tilespmem:s2], [sflag:$0x4] =	stream.linear.gather [hbm4b:s4+s2], $0x200, $0x38;
	[tilespmem:$0x1C200] =	vst v63  }
0x19: {  	_ =	swait.ge [sflag:s18], $0x200  }
0x1a: {  	[sflag:s18] =	ssyncset.done $0x0  }
0x1b: {  	s12 =	simm.s32 $0x200;
	s14 =	rddreg [dreg:$0x4];
	[sflag:s18] =	ssyncadd.s32 $0xFFFFFE00  }
0x1c: {  	[tilespmem:s12], [sflag:$0x4] =	stream.linear.gather [hbm4b:s14+s2], $0x4000, $0x38;
	[tilespmem:$0x1C200] =	vst v63  }
0x1d: {  	_ =	swait.ge [sflag:s18], $0x4000  }
0x1e: {  	[sflag:s18] =	ssyncset.done $0x0  }
0x1f: {  	[sflag:s18] =	ssyncadd.s32 $0xFFFFC000  }
0x20: {  	v3 =	vld [tilespmem:$0x0];
	_ =	sdelay $0x4  }
0x21: {  	v4 =	vshll.u32 v3, $0x3  }
0x22: {  	v3 =	vand.u32 $0x7, v3;
	v4 =	vand.u32 $0xFFFFFFC0, v4  }
0x23: {  	v3 =	vor.u32 v3, v4  }
0x24: {  	v4 =	vperm.xlane v3, v0;
	_ =	sdelay $0x1  }
0x25: {  	v4 =	vadd.s32 v1, v4;
	_ =	sdelay $0x3  }
0x26: {  	s25 =	simm.s32 $0x4200  }
0x27: {  	[tilespmem:s25], [sflag:$0x1] =	stream.indirect_vreg.gather [hbm4b:s3+s2], $0x80, v4, vm0, $0xb8;
	[tilespmem:$0x1C200] =	vst v63  }
0x28: {  	s26 =	simm.s32 $0x4A00;
	v3 =	vperm.xlane v3, v2  }
0x29: {  	[tilespmem:s26], [sflag:$0x1] =	stream.indirect_vreg.gather [hbm4b:s6+s2], $0x80, v4, vm0, $0xb8;
	[tilespmem:$0x1C200] =	vst v63  }
0x2a: {  	s12 =	simm.s32 $0x5200;
	v3 =	vadd.s32 v1, v3  }
0x2b: {  	[tilespmem:s12], [sflag:$0x1] =	stream.indirect_vreg.gather [hbm4b:s7+s2], $0x80, v4, vm0, $0xb8;
	[tilespmem:$0x1C200] =	vst v63  }
0x2c: {  	s13 =	simm.s32 $0x5A00  }
0x2d: {  	[tilespmem:s13], [sflag:$0x1] =	stream.indirect_vreg.gather [hbm4b:s8+s2], $0x80, v4, vm0, $0xb8;
	[tilespmem:$0x1C200] =	vst v63  }
0x2e: {  	s14 =	simm.s32 $0x6200  }
0x2f: {  	[tilespmem:s14], [sflag:$0x1] =	stream.indirect_vreg.gather [hbm4b:s3+s2], $0x80, v3, vm0, $0xb8;
	[tilespmem:$0x1C200] =	vst v63  }
0x30: {  	s25 =	simm.s32 $0x6A00  }
0x31: {  	[tilespmem:s25], [sflag:$0x1] =	stream.indirect_vreg.gather [hbm4b:s6+s2], $0x80, v3, vm0, $0xb8;
	[tilespmem:$0x1C200] =	vst v63  }
0x32: {  	s26 =	simm.s32 $0x7200  }
0x33: {  	[tilespmem:s26], [sflag:$0x1] =	stream.indirect_vreg.gather [hbm4b:s7+s2], $0x80, v3, vm0, $0xb8;
	[tilespmem:$0x1C200] =	vst v63  }
0x34: {  	s12 =	simm.s32 $0x7A00  }
0x35: {  	[tilespmem:s12], [sflag:$0x1] =	stream.indirect_vreg.gather [hbm4b:s8+s2], $0x80, v3, vm0, $0xb8;
	[tilespmem:$0x1C200] =	vst v63  }
0x36: {  	v3 =	vld [tilespmem:$0x10];
	_ =	sdelay $0x4  }
0x37: {  	v4 =	vshll.u32 v3, $0x3  }
0x38: {  	v3 =	vand.u32 $0x7, v3;
	v4 =	vand.u32 $0xFFFFFFC0, v4  }
0x39: {  	v3 =	vor.u32 v3, v4  }
0x3a: {  	v4 =	vperm.xlane v3, v0;
	_ =	sdelay $0x1  }
0x3b: {  	v4 =	vadd.s32 v1, v4;
	_ =	sdelay $0x3  }
0x3c: {  	s13 =	simm.s32 $0x8200  }
0x3d: {  	[tilespmem:s13], [sflag:$0x1] =	stream.indirect_vreg.gather [hbm4b:s3+s2], $0x80, v4, vm0, $0xb8;
	[tilespmem:$0x1C200] =	vst v63  }
0x3e: {  	s14 =	simm.s32 $0x8A00;
	v3 =	vperm.xlane v3, v2  }
0x3f: {  	[tilespmem:s14], [sflag:$0x1] =	stream.indirect_vreg.gather [hbm4b:s6+s2], $0x80, v4, vm0, $0xb8;
	[tilespmem:$0x1C200] =	vst v63  }
0x40: {  	s25 =	simm.s32 $0x9200;
	v3 =	vadd.s32 v1, v3  }
0x41: {  	[tilespmem:s25], [sflag:$0x1] =	stream.indirect_vreg.gather [hbm4b:s7+s2], $0x80, v4, vm0, $0xb8;
	[tilespmem:$0x1C200] =	vst v63  }
0x42: {  	s26 =	simm.s32 $0x9A00  }
0x43: {  	[tilespmem:s26], [sflag:$0x1] =	stream.indirect_vreg.gather [hbm4b:s8+s2], $0x80, v4, vm0, $0xb8;
	[tilespmem:$0x1C200] =	vst v63  }
0x44: {  	s12 =	simm.s32 $0xA200  }
0x45: {  	[tilespmem:s12], [sflag:$0x1] =	stream.indirect_vreg.gather [hbm4b:s3+s2], $0x80, v3, vm0, $0xb8;
	[tilespmem:$0x1C200] =	vst v63  }
0x46: {  	s13 =	simm.s32 $0xAA00  }
0x47: {  	[tilespmem:s13], [sflag:$0x1] =	stream.indirect_vreg.gather [hbm4b:s6+s2], $0x80, v3, vm0, $0xb8;
	[tilespmem:$0x1C200] =	vst v63  }
0x48: {  	s14 =	simm.s32 $0xB200  }
0x49: {  	[tilespmem:s14], [sflag:$0x1] =	stream.indirect_vreg.gather [hbm4b:s7+s2], $0x80, v3, vm0, $0xb8;
	[tilespmem:$0x1C200] =	vst v63  }
0x4a: {  	s25 =	simm.s32 $0xBA00  }
0x4b: {  	[tilespmem:s25], [sflag:$0x1] =	stream.indirect_vreg.gather [hbm4b:s8+s2], $0x80, v3, vm0, $0xb8;
	[tilespmem:$0x1C200] =	vst v63  }
0x4c: {  	v3 =	vld [tilespmem:$0x80];
	_ =	sdelay $0x4  }
0x4d: {  	v4 =	vshll.u32 v3, $0x3  }
0x4e: {  	v3 =	vand.u32 $0x7, v3;
	v4 =	vand.u32 $0xFFFFFFC0, v4  }
0x4f: {  	v3 =	vor.u32 v3, v4  }
0x50: {  	v4 =	vperm.xlane v3, v0;
	_ =	sdelay $0x1  }
0x51: {  	v4 =	vadd.s32 v1, v4;
	_ =	sdelay $0x3  }
0x52: {  	s26 =	simm.s32 $0xC200  }
0x53: {  	[tilespmem:s26], [sflag:$0x2] =	stream.indirect_vreg.gather [hbm4b:s3+s2], $0x80, v4, vm0, $0xb8;
	[tilespmem:$0x1C200] =	vst v63  }
0x54: {  	s12 =	simm.s32 $0xCA00;
	v3 =	vperm.xlane v3, v2  }
0x55: {  	[tilespmem:s12], [sflag:$0x2] =	stream.indirect_vreg.gather [hbm4b:s6+s2], $0x80, v4, vm0, $0xb8;
	[tilespmem:$0x1C200] =	vst v63  }
0x56: {  	s13 =	simm.s32 $0xD200;
	v3 =	vadd.s32 v1, v3  }
0x57: {  	[tilespmem:s13], [sflag:$0x2] =	stream.indirect_vreg.gather [hbm4b:s7+s2], $0x80, v4, vm0, $0xb8;
	[tilespmem:$0x1C200] =	vst v63  }
0x58: {  	s14 =	simm.s32 $0xDA00  }
0x59: {  	[tilespmem:s14], [sflag:$0x2] =	stream.indirect_vreg.gather [hbm4b:s8+s2], $0x80, v4, vm0, $0xb8;
	[tilespmem:$0x1C200] =	vst v63  }
0x5a: {  	s25 =	simm.s32 $0xE200  }
0x5b: {  	[tilespmem:s25], [sflag:$0x2] =	stream.indirect_vreg.gather [hbm4b:s3+s2], $0x80, v3, vm0, $0xb8;
	[tilespmem:$0x1C200] =	vst v63  }
0x5c: {  	s26 =	simm.s32 $0xEA00  }
0x5d: {  	[tilespmem:s26], [sflag:$0x2] =	stream.indirect_vreg.gather [hbm4b:s6+s2], $0x80, v3, vm0, $0xb8;
	[tilespmem:$0x1C200] =	vst v63  }
0x5e: {  	_ = 	snop  }
0x5f: {  	[tilespmem:s28], [sflag:$0x2] =	stream.indirect_vreg.gather [hbm4b:s7+s2], $0x80, v3, vm0, $0xb8;
	[tilespmem:$0x1C200] =	vst v63  }
0x60: {  	_ = 	snop  }
0x61: {  	[tilespmem:s5], [sflag:$0x2] =	stream.indirect_vreg.gather [hbm4b:s8+s2], $0x80, v3, vm0, $0xb8;
	[tilespmem:$0x1C200] =	vst v63  }
0x62: {  	v3 =	vld [tilespmem:$0x90];
	_ =	sdelay $0x4  }
0x63: {  	v4 =	vshll.u32 v3, $0x3  }
0x64: {  	v3 =	vand.u32 $0x7, v3;
	v4 =	vand.u32 $0xFFFFFFC0, v4  }
0x65: {  	v3 =	vor.u32 v3, v4  }
0x66: {  	v4 =	vperm.xlane v3, v0;
	_ =	sdelay $0x1  }
0x67: {  	v4 =	vadd.s32 v1, v4;
	_ =	sdelay $0x4  }
0x68: {  	[tilespmem:s29], [sflag:$0x2] =	stream.indirect_vreg.gather [hbm4b:s3+s2], $0x80, v4, vm0, $0xb8;
	[tilespmem:$0x1C200] =	vst v63  }
0x69: {  	v3 =	vperm.xlane v3, v2  }
0x6a: {  	[tilespmem:s30], [sflag:$0x2] =	stream.indirect_vreg.gather [hbm4b:s6+s2], $0x80, v4, vm0, $0xb8;
	[tilespmem:$0x1C200] =	vst v63  }
0x6b: {  	v3 =	vadd.s32 v1, v3  }
0x6c: {  	[tilespmem:s31], [sflag:$0x2] =	stream.indirect_vreg.gather [hbm4b:s7+s2], $0x80, v4, vm0, $0xb8;
	[tilespmem:$0x1C200] =	vst v63  }
0x6d: {  	_ = 	snop  }
0x6e: {  	[tilespmem:s0], [sflag:$0x2] =	stream.indirect_vreg.gather [hbm4b:s8+s2], $0x80, v4, vm0, $0xb8;
	[tilespmem:$0x1C200] =	vst v63  }
0x6f: {  	_ = 	snop  }
0x70: {  	[tilespmem:s1], [sflag:$0x2] =	stream.indirect_vreg.gather [hbm4b:s3+s2], $0x80, v3, vm0, $0xb8;
	[tilespmem:$0x1C200] =	vst v63  }
0x71: {  	_ = 	snop  }
0x72: {  	[tilespmem:s19], [sflag:$0x2] =	stream.indirect_vreg.gather [hbm4b:s6+s2], $0x80, v3, vm0, $0xb8;
	[tilespmem:$0x1C200] =	vst v63  }
0x73: {  	_ = 	snop  }
0x74: {  	[tilespmem:s20], [sflag:$0x2] =	stream.indirect_vreg.gather [hbm4b:s7+s2], $0x80, v3, vm0, $0xb8;
	[tilespmem:$0x1C200] =	vst v63  }
0x75: {  	_ = 	snop  }
0x76: {  	[tilespmem:s21], [sflag:$0x2] =	stream.indirect_vreg.gather [hbm4b:s8+s2], $0x80, v3, vm0, $0xb8;
	[tilespmem:$0x1C200] =	vst v63  }
0x77: {  	s12 =	rddreg [dreg:$0x5]  }
0x78: {  	[tilespmem:s9], [sflag:$0x4] =	stream.linear.gather [hbm4b:s12+s2], $0x4000, $0x38;
	[tilespmem:$0x1C200] =	vst v63  }
0x79: {  	_ =	swait.ge [sflag:s18], $0x4000  }
0x7a: {  	[sflag:s18] =	ssyncset.done $0x0  }
0x7b: {  	[sflag:s18] =	ssyncadd.s32 $0xFFFFC000  }
0x7c: {  	_ =	swait.ge [sflag:s22], $0x8000  }
0x7d: {  	[sflag:s22] =	ssyncset.done $0x0  }
0x7e: {  	[sflag:s22] =	ssyncadd.s32 $0xFFFF8000  }
0x7f: {  	v16 =	vld [tilespmem:$0x200]  }
0x80: {  	v17 =	vld [tilespmem:$0x280]  }
0x81: {  	v18 =	vld [tilespmem:$0x300]  }
0x82: {  	v19 =	vld [tilespmem:$0x380]  }
0x83: {  	v20 =	vld [tilespmem:$0x400]  }
0x84: {  	v21 =	vld [tilespmem:$0x480]  }
0x85: {  	v22 =	vld [tilespmem:$0x500]  }
0x86: {  	v23 =	vld [tilespmem:$0x580]  }
0x87: {  	v15 =	vld [tilespmem:$0x600]  }
0x88: {  	v4 =	vld [tilespmem:$0x680]  }
0x89: {  	v5 =	vld [tilespmem:$0x700]  }
0x8a: {  	v10 =	vld [tilespmem:$0x780]  }
0x8b: {  	v9 =	vld [tilespmem:$0x800]  }
0x8c: {  	v6 =	vld [tilespmem:$0x880]  }
0x8d: {  	v14 =	vld [tilespmem:$0x900]  }
0x8e: {  	v3 =	vld [tilespmem:$0x980]  }
0x8f: {  	v26 =	vld [tilespmem:$0x2200]  }
0x90: {  	v27 =	vld [tilespmem:$0x2280]  }
0x91: {  	v28 =	vld [tilespmem:$0x2300]  }
0x92: {  	v29 =	vld [tilespmem:$0x2380]  }
0x93: {  	v30 =	vld [tilespmem:$0x2400]  }
0x94: {  	v31 =	vld [tilespmem:$0x2480]  }
0x95: {  	v32 =	vld [tilespmem:$0x2500]  }
0x96: {  	v33 =	vld [tilespmem:$0x2580]  }
0x97: {  	v25 =	vld [tilespmem:$0x2600]  }
0x98: {  	v7 =	vld [tilespmem:$0x2680]  }
0x99: {  	v8 =	vld [tilespmem:$0x2700]  }
0x9a: {  	s13 =	sand.u32 $0x70, s2;
	s14 =	sand.u32 $0x1C00, s2;
	v13 =	vld [tilespmem:$0x2780]  }
0x9b: {  	s12 =	sor.u32 s13, s14;
	v12 =	vld [tilespmem:$0x2800]  }
0x9c: {  	v35 =	vld [tilespmem:s12+$0x8280]  }
0x9d: {  	v24 =	vld [tilespmem:s12+$0x8480]  }
0x9e: {  	v34 =	vld [tilespmem:s12+$0x14480]  }
0x9f: {  	v36 =	vld [tilespmem:s12+$0x14380]  }
0xa0: {  	v37 =	vld [tilespmem:s12+$0x8380]  }
0xa1: {  	v38 =	vld [tilespmem:s12+$0x14400]  }
0xa2: {  	v39 =	vld [tilespmem:s12+$0x8500]  }
0xa3: {  	v40 =	vld [tilespmem:s12+$0x14300]  }
0xa4: {  	v41 =	vld [tilespmem:s12+$0x8300]  }
0xa5: {  	v42 =	vld [tilespmem:s12+$0x8400]  }
0xa6: {  	v43 =	vld [tilespmem:s12+$0x4500]  }
0xa7: {  	v44 =	vld [tilespmem:s12+$0x4480]  }
0xa8: {  	v45 =	vld [tilespmem:s12+$0x4400]  }
0xa9: {  	v46 =	vld [tilespmem:s12+$0x4300]  }
0xaa: {  	v47 =	vld [tilespmem:s12+$0x4380]  }
0xab: {  	v48 =	vld [tilespmem:s12+$0x4200]  }
0xac: {  	v49 =	vld [tilespmem:s12+$0x8200];
	v41 =	vmul.f32 v41, v28  }
0xad: {  	v50 =	vld [tilespmem:s12+$0x14200];
	v37 =	vmul.f32 v37, v29;
	v44 =	vmul.f32 v44, v21  }
0xae: {  	v51 =	vld [tilespmem:s12+$0x4280];
	v43 =	vmul.f32 v43, v22;
	v46 =	vmul.f32 v46, v18  }
0xaf: {  	v52 =	vld [tilespmem:s12+$0x14500];
	v24 =	vmul.f32 v24, v31;
	v45 =	vmul.f32 v45, v20;
	v44 =	vadd.f32 v44, v34  }
0xb0: {  	v53 =	vld [tilespmem:s12+$0x14280];
	v47 =	vmul.f32 v47, v19;
	v55 =	vmul.f32 v48, v16;
	v40 =	vadd.f32 v46, v40  }
0xb1: {  	v11 =	vld [tilespmem:$0x2880];
	v42 =	vmul.f32 v42, v30;
	v38 =	vadd.f32 v45, v38;
	v44 =	vadd.f32 v24, v44  }
0xb2: {  	v56 =	vmul.f32 v49, v26;
	v34 =	vld [tilespmem:$0x2900];
	v57 =	vadd.f32 v55, v50;
	v40 =	vadd.f32 v41, v40  }
0xb3: {  	v58 =	vmul.f32 v51, v17;
	v36 =	vadd.f32 v47, v36;
	v24 =	vld [tilespmem:$0x2980];
	v38 =	vadd.f32 v42, v38;
	[tilespmem:s12+$0x18480] =	vst v44  }
0xb4: {  	v39 =	vmul.f32 v39, v32;
	v59 =	vadd.f32 v43, v52;
	v41 =	vadd.f32 v56, v57;
	[tilespmem:s12+$0x18300] =	vst v40  }
0xb5: {  	v35 =	vmul.f32 v35, v27;
	v60 =	vadd.f32 v58, v53;
	v36 =	vadd.f32 v37, v36;
	[tilespmem:s12+$0x18400] =	vst v38  }
0xb6: {  	v61 =	vadd.f32 v39, v59;
	[tilespmem:s12+$0x18200] =	vst v41  }
0xb7: {  	v35 =	vadd.f32 v35, v60;
	[tilespmem:s12+$0x18380] =	vst v36  }
0xb8: {  	s26 =	sor.u32 s2, s2;
	[tilespmem:s12+$0x18500] =	vst v61  }
0xb9: {  	s25 =	sor.u32 $0x380, s26;
	[tilespmem:s12+$0x18280] =	vst v35  }
0xba: {  	v35 =	vld [tilespmem:s25+$0x4200]  }
0xbb: {  	v62 =	vld [tilespmem:s12+$0x8580]  }
0xbc: {  	v36 =	vld [tilespmem:s25+$0x14200];
	_ =	sdelay $0x2  }
0xbd: {  	v35 =	vmul.f32 v35, v23;
	_ =	sdelay $0x1  }
0xbe: {  	v63 =	vmul.f32 v62, v33;
	v35 =	vadd.f32 v35, v36;
	_ =	sdelay $0x1  }
0xbf: {  	v35 =	vadd.f32 v63, v35;
	_ =	sdelay $0x1  }
0xc0: {  	[tilespmem:s25+$0x18200] =	vst v35  }
0xc1: {  	v36 =	vld [tilespmem:s12+$0x6200]  }
0xc2: {  	s4 =	simm.s32 $0x0;
	s25 =	simm.s32 $0x10;
	v35 =	vld [tilespmem:s12+$0x16300]  }
.LBB2_2:
0xc3: {  	p0 =	sne.s32 s25, $0x3F0  }
0xc4: {  	v37 =	vld [tilespmem:s12+$0xA200];
	s4 =	sadd.s32 $0x80, s4;
	s13 =	smov.u32 s25;
	s25 =	sadd.s32 $0x10, s25  }
0xc5: {  	v38 =	vld [tilespmem:s12+$0x6500]  }
0xc6: {  	v39 =	vld [tilespmem:s12+$0xA480]  }
0xc7: {  	v36 =	vmul.f32 v36, v15;
	v40 =	vld [tilespmem:s12+$0x16380]  }
0xc8: {  	v41 =	vld [tilespmem:s12+$0x16200]  }
0xc9: {  	v42 =	vld [tilespmem:s12+$0xA500]  }
0xca: {  	v43 =	vld [tilespmem:s12+$0xA280];
	v38 =	vmul.f32 v38, v14  }
0xcb: {  	v44 =	vld [tilespmem:s12+$0x6400]  }
0xcc: {  	v45 =	vld [tilespmem:s12+$0x16500]  }
0xcd: {  	v37 =	vmul.f32 v37, v25;
	v36 =	vadd.f32 v36, v41;
	v41 =	vld [tilespmem:s12+$0xA380]  }
0xce: {  	v46 =	vld [tilespmem:s12+$0x6380]  }
0xcf: {  	v36 =	vadd.f32 v37, v36;
	v37 =	vmul.f32 v43, v7;
	v43 =	vld [tilespmem:s12+$0xA400]  }
0xd0: {  	v47 =	vld [tilespmem:s12+$0x16400];
	v44 =	vmul.f32 v44, v9  }
0xd1: {  	v42 =	vmul.f32 v42, v34;
	[tilespmem:s12+$0x1A200] =	vst v36;
	v36 =	vld [tilespmem:s12+$0x16480];
	v38 =	vadd.f32 v38, v45  }
0xd2: {  	v45 =	vld [tilespmem:s12+$0x6480]  }
0xd3: {  	v48 =	vld [tilespmem:s12+$0x6300];
	v46 =	vmul.f32 v46, v10;
	v38 =	vadd.f32 v42, v38  }
0xd4: {  	v42 =	vld [tilespmem:s12+$0x6280];
	v43 =	vmul.f32 v43, v12  }
0xd5: {  	v41 =	vmul.f32 v41, v13;
	v49 =	vld [tilespmem:s12+$0xA300];
	v40 =	vadd.f32 v46, v40;
	v44 =	vadd.f32 v44, v47;
	[tilespmem:s12+$0x1A500] =	vst v38  }
0xd6: {  	v38 =	vld [tilespmem:s12+$0x16280]  }
0xd7: {  	v40 =	vadd.f32 v41, v40;
	v41 =	vadd.f32 v43, v44;
	v43 =	vmul.f32 v45, v6;
	v44 =	vld [tilespmem:s12+$0xA580]  }
0xd8: {  	v45 =	vmul.f32 v48, v5  }
0xd9: {  	v39 =	vmul.f32 v39, v11;
	v42 =	vmul.f32 v42, v4;
	[tilespmem:s12+$0x1A380] =	vst v40;
	v36 =	vadd.f32 v43, v36  }
0xda: {  	v35 =	vadd.f32 v45, v35;
	v40 =	vmul.f32 v49, v8;
	[tilespmem:s12+$0x1A400] =	vst v41  }
0xdb: {  	v38 =	vadd.f32 v42, v38;
	v36 =	vadd.f32 v39, v36  }
0xdc: {  	v35 =	vadd.f32 v40, v35  }
0xdd: {  	v37 =	vadd.f32 v37, v38;
	[tilespmem:s12+$0x1A480] =	vst v36  }
0xde: {  	[tilespmem:s12+$0x1A300] =	vst v35  }
0xdf: {  	s26 =	sor.u32 $0x2380, s26;
	[tilespmem:s12+$0x1A280] =	vst v37  }
0xe0: {  	v35 =	vld [tilespmem:s26+$0x4200]  }
0xe1: {  	v36 =	vld [tilespmem:s26+$0x14200];
	_ =	sdelay $0x3  }
0xe2: {  	v35 =	vmul.f32 v35, v3;
	_ =	sdelay $0x1  }
0xe3: {  	v35 =	vadd.f32 v35, v36;
	v36 =	vmul.f32 v44, v24;
	_ =	sdelay $0x1  }
0xe4: {  	v35 =	vadd.f32 v36, v35  }
0xe5: {  	s14 =	sand.u32 $0x1C00, s4;
	s12 =	sand.u32 $0x70, s13  }
0xe6: {  	s12 =	sor.u32 s12, s14;
	[tilespmem:s26+$0x18200] =	vst v35  }
0xe7: {  	v35 =	vld [tilespmem:s12+$0x8280]  }
0xe8: {  	v36 =	vld [tilespmem:s12+$0x8480]  }
0xe9: {  	v37 =	vld [tilespmem:s12+$0x14480]  }
0xea: {  	v38 =	vld [tilespmem:s12+$0x14380]  }
0xeb: {  	v39 =	vld [tilespmem:s12+$0x8380]  }
0xec: {  	v40 =	vld [tilespmem:s12+$0x14400]  }
0xed: {  	v41 =	vld [tilespmem:s12+$0x8500]  }
0xee: {  	v42 =	vld [tilespmem:s12+$0x14500]  }
0xef: {  	v43 =	vld [tilespmem:s12+$0x14300]  }
0xf0: {  	v44 =	vld [tilespmem:s12+$0x8300]  }
0xf1: {  	v45 =	vld [tilespmem:s12+$0x8400]  }
0xf2: {  	v46 =	vld [tilespmem:s12+$0x8200]  }
0xf3: {  	v41 =	vmul.f32 v41, v32;
	v47 =	vld [tilespmem:s12+$0x4500]  }
0xf4: {  	v48 =	vld [tilespmem:s12+$0x4480]  }
0xf5: {  	v49 =	vld [tilespmem:s12+$0x4400]  }
0xf6: {  	v44 =	vmul.f32 v44, v28;
	v50 =	vld [tilespmem:s12+$0x4300]  }
0xf7: {  	v39 =	vmul.f32 v39, v29;
	v51 =	vld [tilespmem:s12+$0x4380]  }
0xf8: {  	v52 =	vld [tilespmem:s12+$0x4280];
	v47 =	vmul.f32 v47, v22  }
0xf9: {  	v36 =	vmul.f32 v36, v31;
	v53 =	vld [tilespmem:s12+$0x4200];
	v48 =	vmul.f32 v48, v21  }
0xfa: {  	v46 =	vmul.f32 v46, v26;
	v54 =	vld [tilespmem:s12+$0x14280];
	v49 =	vmul.f32 v49, v20;
	v42 =	vadd.f32 v47, v42  }
0xfb: {  	v35 =	vmul.f32 v35, v27;
	v47 =	vld [tilespmem:s12+$0x14200];
	v50 =	vmul.f32 v50, v18  }
0xfc: {  	v37 =	vadd.f32 v48, v37;
	v51 =	vmul.f32 v51, v19;
	v40 =	vadd.f32 v49, v40  }
0xfd: {  	v41 =	vadd.f32 v41, v42;
	v48 =	vmul.f32 v52, v17;
	v43 =	vadd.f32 v50, v43  }
0xfe: {  	v36 =	vadd.f32 v36, v37;
	v42 =	vmul.f32 v53, v16;
	v38 =	vadd.f32 v51, v38  }
0xff: {  	v37 =	vadd.f32 v48, v54;
	v43 =	vadd.f32 v44, v43;
	v44 =	vmul.f32 v45, v30  }
0x100: {  	v42 =	vadd.f32 v42, v47;
	v38 =	vadd.f32 v39, v38  }
0x101: {  	v35 =	vadd.f32 v35, v37;
	v37 =	vadd.f32 v44, v40;
	[tilespmem:s12+$0x18480] =	vst v36  }
0x102: {  	v36 =	vadd.f32 v46, v42;
	[tilespmem:s12+$0x18300] =	vst v43  }
0x103: {  	[tilespmem:s12+$0x18400] =	vst v37  }
0x104: {  	[tilespmem:s12+$0x18200] =	vst v36  }
0x105: {  	[tilespmem:s12+$0x18380] =	vst v38  }
0x106: {  	s26 =	sor.u32 s13, s4;
	[tilespmem:s12+$0x18500] =	vst v41  }
0x107: {  	s13 =	sor.u32 $0x380, s26;
	[tilespmem:s12+$0x18280] =	vst v35  }
0x108: {  	v35 =	vld [tilespmem:s13+$0x4200]  }
0x109: {  	v36 =	vld [tilespmem:s13+$0x14200]  }
0x10a: {  	v37 =	vld [tilespmem:s12+$0x8580];
	_ =	sdelay $0x2  }
0x10b: {  	v35 =	vmul.f32 v35, v23;
	_ =	sdelay $0x1  }
0x10c: {  	v35 =	vadd.f32 v35, v36;
	v36 =	vmul.f32 v37, v33;
	_ =	sdelay $0x1  }
.Ltmp0:
0x10d: {  	v35 =	vadd.f32 v36, v35;
	(pc) =	sbr.rel @p0 .LBB2_2-.Ltmp0, $4  }
0x10e: {  	_ = 	snop  }
0x10f: {  	[tilespmem:s13+$0x18200] =	vst v35  }
0x110: {  	v36 =	vld [tilespmem:s12+$0x6200]  }
0x111: {  	v35 =	vld [tilespmem:s12+$0x16300]  }
0x112: {  	v16 =	vld [tilespmem:s12+$0xA200]  }
0x113: {  	v17 =	vld [tilespmem:s12+$0x6500]  }
0x114: {  	v18 =	vld [tilespmem:s12+$0xA480]  }
0x115: {  	v19 =	vld [tilespmem:s12+$0x16380]  }
0x116: {  	v20 =	vld [tilespmem:s12+$0x16200]  }
0x117: {  	v21 =	vld [tilespmem:s12+$0xA500]  }
0x118: {  	v22 =	vld [tilespmem:s12+$0xA280]  }
0x119: {  	v23 =	vld [tilespmem:s12+$0x6400]  }
0x11a: {  	v26 =	vld [tilespmem:s12+$0x16500];
	v15 =	vmul.f32 v36, v15  }
0x11b: {  	v27 =	vld [tilespmem:s12+$0x16400]  }
0x11c: {  	v15 =	vadd.f32 v15, v20;
	v20 =	vld [tilespmem:s12+$0xA380]  }
0x11d: {  	v16 =	vmul.f32 v16, v25;
	v25 =	vld [tilespmem:s12+$0x6380]  }
0x11e: {  	v14 =	vmul.f32 v17, v14;
	v17 =	vmul.f32 v21, v34;
	v21 =	vld [tilespmem:s12+$0x6480]  }
0x11f: {  	v15 =	vadd.f32 v16, v15;
	v16 =	vld [tilespmem:s12+$0xA400]  }
0x120: {  	v14 =	vadd.f32 v14, v26;
	v26 =	vld [tilespmem:s12+$0x6300]  }
0x121: {  	[tilespmem:s12+$0x1A200] =	vst v15;
	v15 =	vld [tilespmem:s12+$0x16480]  }
0x122: {  	v14 =	vadd.f32 v17, v14;
	v17 =	vld [tilespmem:s12+$0x6280]  }
0x123: {  	v10 =	vmul.f32 v25, v10;
	v25 =	vld [tilespmem:s12+$0xA300]  }
0x124: {  	v9 =	vmul.f32 v23, v9;
	v11 =	vmul.f32 v18, v11;
	[tilespmem:s12+$0x1A500] =	vst v14;
	v14 =	vld [tilespmem:s12+$0x16280]  }
0x125: {  	v13 =	vmul.f32 v20, v13;
	v6 =	vmul.f32 v21, v6;
	v10 =	vadd.f32 v10, v19  }
0x126: {  	v9 =	vadd.f32 v9, v27;
	v12 =	vmul.f32 v16, v12;
	v5 =	vmul.f32 v26, v5  }
0x127: {  	v10 =	vadd.f32 v13, v10;
	v4 =	vmul.f32 v17, v4;
	v6 =	vadd.f32 v6, v15  }
0x128: {  	v9 =	vadd.f32 v12, v9;
	v5 =	vadd.f32 v5, v35;
	v8 =	vmul.f32 v25, v8  }
0x129: {  	v7 =	vmul.f32 v22, v7;
	[tilespmem:s12+$0x1A380] =	vst v10;
	v4 =	vadd.f32 v4, v14;
	v6 =	vadd.f32 v11, v6  }
0x12a: {  	[tilespmem:s12+$0x1A400] =	vst v9;
	v5 =	vadd.f32 v8, v5  }
0x12b: {  	v4 =	vadd.f32 v7, v4;
	[tilespmem:s12+$0x1A480] =	vst v6  }
0x12c: {  	[tilespmem:s12+$0x1A300] =	vst v5  }
0x12d: {  	s4 =	sor.u32 $0x2380, s26;
	[tilespmem:s12+$0x1A280] =	vst v4  }
0x12e: {  	v4 =	vld [tilespmem:s4+$0x4200]  }
0x12f: {  	v12 =	vld [tilespmem:s12+$0xA580]  }
0x130: {  	v5 =	vld [tilespmem:s4+$0x14200];
	_ =	sdelay $0x2  }
0x131: {  	v3 =	vmul.f32 v4, v3;
	_ =	sdelay $0x1  }
0x132: {  	v4 =	vmul.f32 v12, v24;
	v3 =	vadd.f32 v3, v5;
	_ =	sdelay $0x1  }
0x133: {  	v3 =	vadd.f32 v4, v3;
	_ =	sdelay $0x1  }
0x134: {  	s14 =	rddreg [dreg:$0x6];
	s12 =	simm.s32 $0x0;
	[tilespmem:s4+$0x18200] =	vst v3  }
0x135: {  	[hbm4b:s14+s12] =	stream.linear.scatter [tilespmem:s10], [sflag:$0x3], $0x4000, $0x38;
	[tilespmem:$0x1C200] =	vst v63  }
0x136: {  	v3 =	vld [tilespmem:$0x100];
	_ =	sdelay $0x4  }
0x137: {  	v4 =	vshll.u32 v3, $0x3  }
0x138: {  	v3 =	vand.u32 $0x7, v3;
	v4 =	vand.u32 $0xFFFFFFC0, v4  }
0x139: {  	v3 =	vor.u32 v3, v4  }
0x13a: {  	v4 =	vperm.xlane v3, v0;
	_ =	sdelay $0x1  }
0x13b: {  	v4 =	vadd.s32 v1, v4;
	_ =	sdelay $0x3  }
0x13c: {  	s25 =	simm.s32 $0x4200  }
0x13d: {  	[tilespmem:s25], [sflag:$0x1] =	stream.indirect_vreg.gather [hbm4b:s3+s12], $0x80, v4, vm0, $0xb8;
	[tilespmem:$0x1C200] =	vst v63  }
0x13e: {  	s26 =	simm.s32 $0x4A00;
	v3 =	vperm.xlane v3, v2  }
0x13f: {  	[tilespmem:s26], [sflag:$0x1] =	stream.indirect_vreg.gather [hbm4b:s6+s12], $0x80, v4, vm0, $0xb8;
	[tilespmem:$0x1C200] =	vst v63  }
0x140: {  	s13 =	simm.s32 $0x5200;
	v3 =	vadd.s32 v1, v3  }
0x141: {  	[tilespmem:s13], [sflag:$0x1] =	stream.indirect_vreg.gather [hbm4b:s7+s12], $0x80, v4, vm0, $0xb8;
	[tilespmem:$0x1C200] =	vst v63  }
0x142: {  	s14 =	simm.s32 $0x5A00  }
0x143: {  	[tilespmem:s14], [sflag:$0x1] =	stream.indirect_vreg.gather [hbm4b:s8+s12], $0x80, v4, vm0, $0xb8;
	[tilespmem:$0x1C200] =	vst v63  }
0x144: {  	s25 =	simm.s32 $0x6200  }
0x145: {  	[tilespmem:s25], [sflag:$0x1] =	stream.indirect_vreg.gather [hbm4b:s3+s12], $0x80, v3, vm0, $0xb8;
	[tilespmem:$0x1C200] =	vst v63  }
0x146: {  	s26 =	simm.s32 $0x6A00  }
0x147: {  	[tilespmem:s26], [sflag:$0x1] =	stream.indirect_vreg.gather [hbm4b:s6+s12], $0x80, v3, vm0, $0xb8;
	[tilespmem:$0x1C200] =	vst v63  }
0x148: {  	s13 =	simm.s32 $0x7200  }
0x149: {  	[tilespmem:s13], [sflag:$0x1] =	stream.indirect_vreg.gather [hbm4b:s7+s12], $0x80, v3, vm0, $0xb8;
	[tilespmem:$0x1C200] =	vst v63  }
0x14a: {  	s14 =	simm.s32 $0x7A00  }
0x14b: {  	[tilespmem:s14], [sflag:$0x1] =	stream.indirect_vreg.gather [hbm4b:s8+s12], $0x80, v3, vm0, $0xb8;
	[tilespmem:$0x1C200] =	vst v63  }
0x14c: {  	v3 =	vld [tilespmem:$0x110];
	_ =	sdelay $0x4  }
0x14d: {  	v4 =	vshll.u32 v3, $0x3  }
0x14e: {  	v3 =	vand.u32 $0x7, v3;
	v4 =	vand.u32 $0xFFFFFFC0, v4  }
0x14f: {  	v3 =	vor.u32 v3, v4  }
0x150: {  	v4 =	vperm.xlane v3, v0;
	_ =	sdelay $0x1  }
0x151: {  	v4 =	vadd.s32 v1, v4;
	_ =	sdelay $0x3  }
0x152: {  	s25 =	simm.s32 $0x8200  }
0x153: {  	[tilespmem:s25], [sflag:$0x1] =	stream.indirect_vreg.gather [hbm4b:s3+s12], $0x80, v4, vm0, $0xb8;
	[tilespmem:$0x1C200] =	vst v63  }
0x154: {  	s26 =	simm.s32 $0x8A00;
	v3 =	vperm.xlane v3, v2  }
0x155: {  	[tilespmem:s26], [sflag:$0x1] =	stream.indirect_vreg.gather [hbm4b:s6+s12], $0x80, v4, vm0, $0xb8;
	[tilespmem:$0x1C200] =	vst v63  }
0x156: {  	s13 =	simm.s32 $0x9200;
	v3 =	vadd.s32 v1, v3  }
0x157: {  	[tilespmem:s13], [sflag:$0x1] =	stream.indirect_vreg.gather [hbm4b:s7+s12], $0x80, v4, vm0, $0xb8;
	[tilespmem:$0x1C200] =	vst v63  }
0x158: {  	s14 =	simm.s32 $0x9A00  }
0x159: {  	[tilespmem:s14], [sflag:$0x1] =	stream.indirect_vreg.gather [hbm4b:s8+s12], $0x80, v4, vm0, $0xb8;
	[tilespmem:$0x1C200] =	vst v63  }
0x15a: {  	s25 =	simm.s32 $0xA200  }
0x15b: {  	[tilespmem:s25], [sflag:$0x1] =	stream.indirect_vreg.gather [hbm4b:s3+s12], $0x80, v3, vm0, $0xb8;
	[tilespmem:$0x1C200] =	vst v63  }
0x15c: {  	s26 =	simm.s32 $0xAA00  }
0x15d: {  	[tilespmem:s26], [sflag:$0x1] =	stream.indirect_vreg.gather [hbm4b:s6+s12], $0x80, v3, vm0, $0xb8;
	[tilespmem:$0x1C200] =	vst v63  }
0x15e: {  	s13 =	simm.s32 $0xB200  }
0x15f: {  	[tilespmem:s13], [sflag:$0x1] =	stream.indirect_vreg.gather [hbm4b:s7+s12], $0x80, v3, vm0, $0xb8;
	[tilespmem:$0x1C200] =	vst v63  }
0x160: {  	s14 =	simm.s32 $0xBA00  }
0x161: {  	[tilespmem:s14], [sflag:$0x1] =	stream.indirect_vreg.gather [hbm4b:s8+s12], $0x80, v3, vm0, $0xb8;
	[tilespmem:$0x1C200] =	vst v63  }
0x162: {  	s25 =	rddreg [dreg:$0x7]  }
0x163: {  	[tilespmem:s9], [sflag:$0x4] =	stream.linear.gather [hbm4b:s25+s12], $0x4000, $0x38;
	[tilespmem:$0x1C200] =	vst v63  }
0x164: {  	_ =	swait.ge [sflag:s18], $0x4000  }
0x165: {  	[sflag:s18] =	ssyncset.done $0x0  }
0x166: {  	[sflag:s18] =	ssyncadd.s32 $0xFFFFC000  }
0x167: {  	_ =	swait.ge [sflag:s23], $0x8000  }
0x168: {  	[sflag:s23] =	ssyncset.done $0x0  }
0x169: {  	[sflag:s23] =	ssyncadd.s32 $0xFFFF8000  }
0x16a: {  	_ =	swait.ge [sflag:s11], $0x4000  }
0x16b: {  	[sflag:s11] =	ssyncset.done $0x0  }
0x16c: {  	[sflag:s11] =	ssyncadd.s32 $0xFFFFC000  }
0x16d: {  	v15 =	vld [tilespmem:$0xA00]  }
0x16e: {  	v17 =	vld [tilespmem:$0xA80]  }
0x16f: {  	v18 =	vld [tilespmem:$0xB00]  }
0x170: {  	v19 =	vld [tilespmem:$0xB80]  }
0x171: {  	v20 =	vld [tilespmem:$0xC00]  }
0x172: {  	v21 =	vld [tilespmem:$0xC80]  }
0x173: {  	v22 =	vld [tilespmem:$0xD00]  }
0x174: {  	v23 =	vld [tilespmem:$0xD80]  }
0x175: {  	v16 =	vld [tilespmem:$0xE00]  }
0x176: {  	v7 =	vld [tilespmem:$0xE80]  }
0x177: {  	v4 =	vld [tilespmem:$0xF00]  }
0x178: {  	v6 =	vld [tilespmem:$0xF80]  }
0x179: {  	v5 =	vld [tilespmem:$0x1000]  }
0x17a: {  	v10 =	vld [tilespmem:$0x1080]  }
0x17b: {  	v13 =	vld [tilespmem:$0x1100]  }
0x17c: {  	v3 =	vld [tilespmem:$0x1180]  }
0x17d: {  	v27 =	vld [tilespmem:$0x2A00]  }
0x17e: {  	v28 =	vld [tilespmem:$0x2A80]  }
0x17f: {  	v29 =	vld [tilespmem:$0x2B00]  }
0x180: {  	v30 =	vld [tilespmem:$0x2B80]  }
0x181: {  	v31 =	vld [tilespmem:$0x2C00]  }
0x182: {  	v32 =	vld [tilespmem:$0x2C80]  }
0x183: {  	v33 =	vld [tilespmem:$0x2D00]  }
0x184: {  	v34 =	vld [tilespmem:$0x2D80]  }
0x185: {  	v26 =	vld [tilespmem:$0x2E00]  }
0x186: {  	v12 =	vld [tilespmem:$0x2E80]  }
0x187: {  	v8 =	vld [tilespmem:$0x2F00]  }
0x188: {  	s26 =	sand.u32 $0x70, s12;
	s13 =	sand.u32 $0x1C00, s12;
	v11 =	vld [tilespmem:$0x2F80]  }
0x189: {  	s25 =	sor.u32 s26, s13;
	v9 =	vld [tilespmem:$0x3000]  }
0x18a: {  	v60 =	vld [tilespmem:s25+$0x10200]  }
0x18b: {  	v61 =	vld [tilespmem:s25+$0x14300]  }
0x18c: {  	v24 =	vld [tilespmem:s25+$0x10380]  }
0x18d: {  	v37 =	vld [tilespmem:s25+$0x10400]  }
0x18e: {  	v38 =	vld [tilespmem:s25+$0x14280]  }
0x18f: {  	v39 =	vld [tilespmem:s25+$0x14380]  }
0x190: {  	v40 =	vld [tilespmem:s25+$0x10500]  }
0x191: {  	v41 =	vld [tilespmem:s25+$0x14500]  }
0x192: {  	v42 =	vld [tilespmem:s25+$0xC380]  }
0x193: {  	v43 =	vld [tilespmem:s25+$0xC300]  }
0x194: {  	v44 =	vld [tilespmem:s25+$0xC200]  }
0x195: {  	v45 =	vld [tilespmem:s25+$0xC280]  }
0x196: {  	v46 =	vld [tilespmem:s25+$0xC500]  }
0x197: {  	v47 =	vld [tilespmem:s25+$0xC480]  }
0x198: {  	v48 =	vld [tilespmem:s25+$0x10280]  }
0x199: {  	v49 =	vld [tilespmem:s25+$0x14200]  }
0x19a: {  	v50 =	vld [tilespmem:s25+$0xC400];
	v42 =	vmul.f32 v42, v19  }
0x19b: {  	v62 =	vld [tilespmem:s25+$0x10300];
	v24 =	vmul.f32 v24, v30;
	v43 =	vmul.f32 v43, v18  }
0x19c: {  	v51 =	vld [tilespmem:s25+$0x14400];
	v46 =	vmul.f32 v46, v22;
	v45 =	vmul.f32 v45, v17  }
0x19d: {  	v52 =	vld [tilespmem:s25+$0x10480];
	v44 =	vmul.f32 v44, v15;
	v40 =	vmul.f32 v40, v33;
	v39 =	vadd.f32 v42, v39  }
0x19e: {  	v63 =	vld [tilespmem:s25+$0x14480];
	v53 =	vmul.f32 v48, v28;
	v35 =	vmul.f32 v60, v27;
	v41 =	vadd.f32 v46, v41  }
0x19f: {  	v14 =	vld [tilespmem:$0x3080];
	v54 =	vmul.f32 v50, v20;
	v38 =	vadd.f32 v45, v38;
	v39 =	vadd.f32 v24, v39  }
0x1a0: {  	v25 =	vld [tilespmem:$0x3100];
	v55 =	vmul.f32 v62, v29;
	v44 =	vadd.f32 v44, v49;
	v40 =	vadd.f32 v40, v41  }
0x1a1: {  	v56 =	vmul.f32 v47, v21;
	v36 =	vadd.f32 v43, v61;
	v24 =	vld [tilespmem:$0x3180];
	v38 =	vadd.f32 v53, v38;
	[tilespmem:s25+$0x18380] =	vst v39  }
0x1a2: {  	v37 =	vmul.f32 v37, v31;
	v57 =	vadd.f32 v54, v51;
	v35 =	vadd.f32 v35, v44;
	[tilespmem:s25+$0x18500] =	vst v40  }
0x1a3: {  	v58 =	vmul.f32 v52, v32;
	v36 =	vadd.f32 v55, v36;
	[tilespmem:s25+$0x18280] =	vst v38;
	v39 =	vadd.f32 v56, v63  }
0x1a4: {  	v59 =	vadd.f32 v37, v57;
	[tilespmem:s25+$0x18200] =	vst v35  }
0x1a5: {  	[tilespmem:s25+$0x18300] =	vst v36;
	v60 =	vadd.f32 v58, v39  }
0x1a6: {  	s26 =	sor.u32 s12, s12;
	v61 =	vld [tilespmem:s25+$0xC580];
	[tilespmem:s25+$0x18400] =	vst v59  }
0x1a7: {  	s14 =	sor.u32 $0x380, s26;
	v62 =	vld [tilespmem:s25+$0x10580];
	[tilespmem:s25+$0x18480] =	vst v60  }
0x1a8: {  	v63 =	vld [tilespmem:s14+$0x14200];
	_ =	sdelay $0x2  }
0x1a9: {  	v35 =	vmul.f32 v61, v23;
	_ =	sdelay $0x1  }
0x1aa: {  	v36 =	vmul.f32 v62, v34;
	v35 =	vadd.f32 v35, v63;
	_ =	sdelay $0x1  }
0x1ab: {  	v35 =	vadd.f32 v36, v35;
	_ =	sdelay $0x1  }
0x1ac: {  	[tilespmem:s14+$0x18200] =	vst v35  }
0x1ad: {  	v36 =	vld [tilespmem:s25+$0xE200]  }
0x1ae: {  	s4 =	simm.s32 $0x10;
	v35 =	vld [tilespmem:s25+$0x16500]  }
.LBB2_4:
0x1af: {  	p0 =	sne.s32 s4, $0x3F0  }
0x1b0: {  	v37 =	vld [tilespmem:s25+$0x16380];
	s12 =	sadd.s32 $0x80, s12;
	s13 =	smov.u32 s4;
	s4 =	sadd.s32 $0x10, s4  }
0x1b1: {  	v38 =	vld [tilespmem:s25+$0x16200]  }
0x1b2: {  	v39 =	vld [tilespmem:s25+$0xE500]  }
0x1b3: {  	v36 =	vmul.f32 v36, v16;
	v40 =	vld [tilespmem:s25+$0x12200]  }
0x1b4: {  	v41 =	vld [tilespmem:s25+$0x12500]  }
0x1b5: {  	v42 =	vld [tilespmem:s25+$0xE480]  }
0x1b6: {  	v36 =	vadd.f32 v36, v38;
	v38 =	vld [tilespmem:s25+$0x16280]  }
0x1b7: {  	v43 =	vld [tilespmem:s25+$0x12300]  }
0x1b8: {  	v40 =	vmul.f32 v40, v26;
	v44 =	vld [tilespmem:s25+$0x12400]  }
0x1b9: {  	v45 =	vld [tilespmem:s25+$0x12480]  }
0x1ba: {  	v36 =	vadd.f32 v40, v36;
	v40 =	vld [tilespmem:s25+$0x16480]  }
0x1bb: {  	v46 =	vld [tilespmem:s25+$0x12380]  }
0x1bc: {  	v39 =	vmul.f32 v39, v13;
	v42 =	vmul.f32 v42, v10;
	[tilespmem:s25+$0x1A200] =	vst v36;
	v36 =	vld [tilespmem:s25+$0xE280]  }
0x1bd: {  	v43 =	vmul.f32 v43, v8;
	v47 =	vld [tilespmem:s25+$0x12280];
	v44 =	vmul.f32 v44, v9  }
0x1be: {  	v35 =	vadd.f32 v39, v35;
	v39 =	vmul.f32 v41, v25;
	v48 =	vld [tilespmem:s25+$0xE380]  }
0x1bf: {  	v41 =	vmul.f32 v45, v14;
	v40 =	vadd.f32 v42, v40;
	v42 =	vld [tilespmem:s25+$0xE580]  }
0x1c0: {  	v35 =	vadd.f32 v39, v35;
	v45 =	vmul.f32 v46, v11;
	v46 =	vld [tilespmem:s25+$0xE400]  }
0x1c1: {  	v36 =	vmul.f32 v36, v7;
	v39 =	vld [tilespmem:s25+$0xE300];
	v40 =	vadd.f32 v41, v40  }
0x1c2: {  	v41 =	vmul.f32 v47, v12;
	v47 =	vld [tilespmem:s25+$0x16400];
	[tilespmem:s25+$0x1A500] =	vst v35  }
0x1c3: {  	v35 =	vadd.f32 v36, v38;
	v36 =	vld [tilespmem:s25+$0x16300];
	v38 =	vmul.f32 v48, v6;
	[tilespmem:s25+$0x1A480] =	vst v40  }
0x1c4: {  	v40 =	vld [tilespmem:s25+$0x12580]  }
0x1c5: {  	v35 =	vadd.f32 v41, v35;
	v37 =	vadd.f32 v38, v37;
	v38 =	vmul.f32 v46, v5  }
0x1c6: {  	v39 =	vmul.f32 v39, v4  }
0x1c7: {  	[tilespmem:s25+$0x1A280] =	vst v35;
	v35 =	vadd.f32 v45, v37;
	v37 =	vadd.f32 v38, v47  }
0x1c8: {  	v36 =	vadd.f32 v39, v36  }
0x1c9: {  	[tilespmem:s25+$0x1A380] =	vst v35;
	v35 =	vadd.f32 v44, v37  }
0x1ca: {  	v36 =	vadd.f32 v43, v36  }
0x1cb: {  	[tilespmem:s25+$0x1A400] =	vst v35  }
0x1cc: {  	s14 =	sor.u32 $0x2380, s26;
	[tilespmem:s25+$0x1A300] =	vst v36  }
0x1cd: {  	v35 =	vld [tilespmem:s14+$0x14200];
	_ =	sdelay $0x2  }
0x1ce: {  	v36 =	vmul.f32 v42, v3;
	_ =	sdelay $0x1  }
0x1cf: {  	v35 =	vadd.f32 v36, v35;
	v36 =	vmul.f32 v40, v24;
	_ =	sdelay $0x1  }
0x1d0: {  	v35 =	vadd.f32 v36, v35  }
0x1d1: {  	s26 =	sand.u32 $0x1C00, s12;
	s25 =	sand.u32 $0x70, s13  }
0x1d2: {  	s25 =	sor.u32 s25, s26;
	[tilespmem:s14+$0x18200] =	vst v35  }
0x1d3: {  	v35 =	vld [tilespmem:s25+$0x10200]  }
0x1d4: {  	v36 =	vld [tilespmem:s25+$0x14300]  }
0x1d5: {  	v37 =	vld [tilespmem:s25+$0x10480]  }
0x1d6: {  	v38 =	vld [tilespmem:s25+$0x14480]  }
0x1d7: {  	v39 =	vld [tilespmem:s25+$0x10380]  }
0x1d8: {  	v40 =	vld [tilespmem:s25+$0x10400]  }
0x1d9: {  	v41 =	vld [tilespmem:s25+$0x14280]  }
0x1da: {  	v42 =	vld [tilespmem:s25+$0x14380]  }
0x1db: {  	v43 =	vld [tilespmem:s25+$0x10500]  }
0x1dc: {  	v44 =	vld [tilespmem:s25+$0x14500]  }
0x1dd: {  	v45 =	vld [tilespmem:s25+$0xC380]  }
0x1de: {  	v39 =	vmul.f32 v39, v30;
	v46 =	vld [tilespmem:s25+$0xC300]  }
0x1df: {  	v47 =	vld [tilespmem:s25+$0xC200]  }
0x1e0: {  	v48 =	vld [tilespmem:s25+$0xC280]  }
0x1e1: {  	v49 =	vld [tilespmem:s25+$0xC500]  }
0x1e2: {  	v45 =	vmul.f32 v45, v19;
	v50 =	vld [tilespmem:s25+$0xC480]  }
0x1e3: {  	v40 =	vmul.f32 v40, v31;
	v51 =	vld [tilespmem:s25+$0x10280];
	v46 =	vmul.f32 v46, v18  }
0x1e4: {  	v52 =	vld [tilespmem:s25+$0x14200];
	v42 =	vadd.f32 v45, v42  }
0x1e5: {  	v45 =	vmul.f32 v48, v17;
	v36 =	vadd.f32 v46, v36;
	v46 =	vld [tilespmem:s25+$0xC400]  }
0x1e6: {  	v43 =	vmul.f32 v43, v33;
	v48 =	vld [tilespmem:s25+$0x10300];
	v39 =	vadd.f32 v39, v42;
	v42 =	vmul.f32 v49, v22  }
0x1e7: {  	v47 =	vmul.f32 v47, v15;
	v41 =	vadd.f32 v45, v41;
	v45 =	vld [tilespmem:s25+$0x14400];
	v49 =	vmul.f32 v50, v21  }
0x1e8: {  	v37 =	vmul.f32 v37, v32;
	v50 =	vmul.f32 v51, v28;
	v42 =	vadd.f32 v42, v44  }
0x1e9: {  	v35 =	vmul.f32 v35, v27;
	v44 =	vadd.f32 v47, v52;
	v38 =	vadd.f32 v49, v38  }
0x1ea: {  	v41 =	vadd.f32 v50, v41;
	v46 =	vmul.f32 v46, v20;
	v42 =	vadd.f32 v43, v42  }
0x1eb: {  	v35 =	vadd.f32 v35, v44;
	v43 =	vmul.f32 v48, v29;
	[tilespmem:s25+$0x18380] =	vst v39;
	v37 =	vadd.f32 v37, v38  }
0x1ec: {  	v38 =	vadd.f32 v46, v45;
	[tilespmem:s25+$0x18500] =	vst v42  }
0x1ed: {  	[tilespmem:s25+$0x18280] =	vst v41;
	v36 =	vadd.f32 v43, v36  }
0x1ee: {  	[tilespmem:s25+$0x18200] =	vst v35;
	v35 =	vadd.f32 v40, v38  }
0x1ef: {  	[tilespmem:s25+$0x18300] =	vst v36  }
0x1f0: {  	s26 =	sor.u32 s13, s12;
	[tilespmem:s25+$0x18400] =	vst v35;
	v35 =	vld [tilespmem:s25+$0xC580]  }
0x1f1: {  	s13 =	sor.u32 $0x380, s26;
	[tilespmem:s25+$0x18480] =	vst v37;
	v36 =	vld [tilespmem:s25+$0x10580]  }
0x1f2: {  	v37 =	vld [tilespmem:s13+$0x14200];
	_ =	sdelay $0x2  }
0x1f3: {  	v35 =	vmul.f32 v35, v23;
	_ =	sdelay $0x1  }
0x1f4: {  	v36 =	vmul.f32 v36, v34;
	v35 =	vadd.f32 v35, v37;
	_ =	sdelay $0x1  }
.Ltmp1:
0x1f5: {  	v35 =	vadd.f32 v36, v35;
	(pc) =	sbr.rel @p0 .LBB2_4-.Ltmp1, $4  }
0x1f6: {  	_ = 	snop  }
0x1f7: {  	[tilespmem:s13+$0x18200] =	vst v35  }
0x1f8: {  	v36 =	vld [tilespmem:s25+$0xE200]  }
0x1f9: {  	v35 =	vld [tilespmem:s25+$0x16500]  }
0x1fa: {  	v15 =	vld [tilespmem:s25+$0x16380]  }
0x1fb: {  	v17 =	vld [tilespmem:s25+$0x16200]  }
0x1fc: {  	v18 =	vld [tilespmem:s25+$0xE500]  }
0x1fd: {  	v19 =	vld [tilespmem:s25+$0x12200]  }
0x1fe: {  	v20 =	vld [tilespmem:s25+$0x12500]  }
0x1ff: {  	v21 =	vld [tilespmem:s25+$0xE480]  }
0x200: {  	v22 =	vld [tilespmem:s25+$0x16280]  }
0x201: {  	v23 =	vld [tilespmem:s25+$0x12300]  }
0x202: {  	v27 =	vld [tilespmem:s25+$0x12380]  }
0x203: {  	v28 =	vld [tilespmem:s25+$0xE380];
	v16 =	vmul.f32 v36, v16  }
0x204: {  	v29 =	vld [tilespmem:s25+$0xE400]  }
0x205: {  	v16 =	vadd.f32 v16, v17;
	v17 =	vmul.f32 v19, v26;
	v19 =	vld [tilespmem:s25+$0x12400]  }
0x206: {  	v26 =	vld [tilespmem:s25+$0x12480];
	v13 =	vmul.f32 v18, v13  }
0x207: {  	v10 =	vmul.f32 v21, v10;
	v21 =	vld [tilespmem:s25+$0x16400];
	v16 =	vadd.f32 v17, v16  }
0x208: {  	v20 =	vmul.f32 v20, v25;
	v17 =	vld [tilespmem:s25+$0x16480];
	v13 =	vadd.f32 v13, v35  }
0x209: {  	v6 =	vmul.f32 v28, v6;
	[tilespmem:s25+$0x1A200] =	vst v16;
	v16 =	vld [tilespmem:s25+$0xE280]  }
0x20a: {  	v13 =	vadd.f32 v20, v13;
	v20 =	vld [tilespmem:s25+$0xE300]  }
0x20b: {  	v18 =	vld [tilespmem:s25+$0x12280];
	v11 =	vmul.f32 v27, v11;
	v6 =	vadd.f32 v6, v15  }
0x20c: {  	v5 =	vmul.f32 v29, v5;
	[tilespmem:s25+$0x1A500] =	vst v13;
	v13 =	vld [tilespmem:s25+$0x16300]  }
0x20d: {  	v6 =	vadd.f32 v11, v6  }
0x20e: {  	v9 =	vmul.f32 v19, v9;
	v5 =	vadd.f32 v5, v21;
	v7 =	vmul.f32 v16, v7  }
0x20f: {  	v14 =	vmul.f32 v26, v14;
	v10 =	vadd.f32 v10, v17;
	v4 =	vmul.f32 v20, v4  }
0x210: {  	v12 =	vmul.f32 v18, v12;
	v5 =	vadd.f32 v9, v5;
	v7 =	vadd.f32 v7, v22  }
0x211: {  	v8 =	vmul.f32 v23, v8;
	[tilespmem:s25+$0x1A380] =	vst v6;
	v10 =	vadd.f32 v14, v10;
	v4 =	vadd.f32 v4, v13  }
0x212: {  	[tilespmem:s25+$0x1A400] =	vst v5;
	v7 =	vadd.f32 v12, v7  }
0x213: {  	[tilespmem:s25+$0x1A480] =	vst v10;
	v4 =	vadd.f32 v8, v4  }
0x214: {  	v25 =	vld [tilespmem:s25+$0xE580];
	[tilespmem:s25+$0x1A280] =	vst v7  }
0x215: {  	s4 =	sor.u32 $0x2380, s26;
	v10 =	vld [tilespmem:s25+$0x12580];
	[tilespmem:s25+$0x1A300] =	vst v4  }
0x216: {  	v4 =	vld [tilespmem:s4+$0x14200];
	_ =	sdelay $0x2  }
0x217: {  	v3 =	vmul.f32 v25, v3;
	_ =	sdelay $0x1  }
0x218: {  	v3 =	vadd.f32 v3, v4;
	v4 =	vmul.f32 v10, v24;
	_ =	sdelay $0x1  }
0x219: {  	v3 =	vadd.f32 v4, v3;
	_ =	sdelay $0x1  }
0x21a: {  	s12 =	simm.s32 $0x0;
	s26 =	rddreg [dreg:$0x8];
	[tilespmem:s4+$0x18200] =	vst v3  }
0x21b: {  	[hbm4b:s26+s12] =	stream.linear.scatter [tilespmem:s10], [sflag:$0x3], $0x4000, $0x38;
	[tilespmem:$0x1C200] =	vst v63  }
0x21c: {  	v3 =	vld [tilespmem:$0x180];
	_ =	sdelay $0x4  }
0x21d: {  	v4 =	vshll.u32 v3, $0x3  }
0x21e: {  	v3 =	vand.u32 $0x7, v3;
	v4 =	vand.u32 $0xFFFFFFC0, v4  }
0x21f: {  	v3 =	vor.u32 v3, v4  }
0x220: {  	v4 =	vperm.xlane v3, v0;
	_ =	sdelay $0x1  }
0x221: {  	v4 =	vadd.s32 v1, v4;
	_ =	sdelay $0x3  }
0x222: {  	s13 =	simm.s32 $0xC200  }
0x223: {  	[tilespmem:s13], [sflag:$0x2] =	stream.indirect_vreg.gather [hbm4b:s3+s12], $0x80, v4, vm0, $0xb8;
	[tilespmem:$0x1C200] =	vst v63  }
0x224: {  	s14 =	simm.s32 $0xCA00;
	v3 =	vperm.xlane v3, v2  }
0x225: {  	[tilespmem:s14], [sflag:$0x2] =	stream.indirect_vreg.gather [hbm4b:s6+s12], $0x80, v4, vm0, $0xb8;
	[tilespmem:$0x1C200] =	vst v63  }
0x226: {  	s25 =	simm.s32 $0xD200;
	v3 =	vadd.s32 v1, v3  }
0x227: {  	[tilespmem:s25], [sflag:$0x2] =	stream.indirect_vreg.gather [hbm4b:s7+s12], $0x80, v4, vm0, $0xb8;
	[tilespmem:$0x1C200] =	vst v63  }
0x228: {  	s26 =	simm.s32 $0xDA00  }
0x229: {  	[tilespmem:s26], [sflag:$0x2] =	stream.indirect_vreg.gather [hbm4b:s8+s12], $0x80, v4, vm0, $0xb8;
	[tilespmem:$0x1C200] =	vst v63  }
0x22a: {  	s13 =	simm.s32 $0xE200  }
0x22b: {  	[tilespmem:s13], [sflag:$0x2] =	stream.indirect_vreg.gather [hbm4b:s3+s12], $0x80, v3, vm0, $0xb8;
	[tilespmem:$0x1C200] =	vst v63  }
0x22c: {  	s14 =	simm.s32 $0xEA00  }
0x22d: {  	[tilespmem:s14], [sflag:$0x2] =	stream.indirect_vreg.gather [hbm4b:s6+s12], $0x80, v3, vm0, $0xb8;
	[tilespmem:$0x1C200] =	vst v63  }
0x22e: {  	_ = 	snop  }
0x22f: {  	[tilespmem:s28], [sflag:$0x2] =	stream.indirect_vreg.gather [hbm4b:s7+s12], $0x80, v3, vm0, $0xb8;
	[tilespmem:$0x1C200] =	vst v63  }
0x230: {  	_ = 	snop  }
0x231: {  	[tilespmem:s5], [sflag:$0x2] =	stream.indirect_vreg.gather [hbm4b:s8+s12], $0x80, v3, vm0, $0xb8;
	[tilespmem:$0x1C200] =	vst v63  }
0x232: {  	v3 =	vld [tilespmem:$0x190];
	_ =	sdelay $0x4  }
0x233: {  	v4 =	vshll.u32 v3, $0x3  }
0x234: {  	v3 =	vand.u32 $0x7, v3;
	v4 =	vand.u32 $0xFFFFFFC0, v4  }
0x235: {  	v3 =	vor.u32 v3, v4  }
0x236: {  	v4 =	vperm.xlane v3, v0;
	_ =	sdelay $0x1  }
0x237: {  	v4 =	vadd.s32 v1, v4;
	_ =	sdelay $0x4  }
0x238: {  	[tilespmem:s29], [sflag:$0x2] =	stream.indirect_vreg.gather [hbm4b:s3+s12], $0x80, v4, vm0, $0xb8;
	[tilespmem:$0x1C200] =	vst v63  }
0x239: {  	v3 =	vperm.xlane v3, v2  }
0x23a: {  	[tilespmem:s30], [sflag:$0x2] =	stream.indirect_vreg.gather [hbm4b:s6+s12], $0x80, v4, vm0, $0xb8;
	[tilespmem:$0x1C200] =	vst v63  }
0x23b: {  	v3 =	vadd.s32 v1, v3  }
0x23c: {  	[tilespmem:s31], [sflag:$0x2] =	stream.indirect_vreg.gather [hbm4b:s7+s12], $0x80, v4, vm0, $0xb8;
	[tilespmem:$0x1C200] =	vst v63  }
0x23d: {  	_ = 	snop  }
0x23e: {  	[tilespmem:s0], [sflag:$0x2] =	stream.indirect_vreg.gather [hbm4b:s8+s12], $0x80, v4, vm0, $0xb8;
	[tilespmem:$0x1C200] =	vst v63  }
0x23f: {  	_ = 	snop  }
0x240: {  	[tilespmem:s1], [sflag:$0x2] =	stream.indirect_vreg.gather [hbm4b:s3+s12], $0x80, v3, vm0, $0xb8;
	[tilespmem:$0x1C200] =	vst v63  }
0x241: {  	_ = 	snop  }
0x242: {  	[tilespmem:s19], [sflag:$0x2] =	stream.indirect_vreg.gather [hbm4b:s6+s12], $0x80, v3, vm0, $0xb8;
	[tilespmem:$0x1C200] =	vst v63  }
0x243: {  	_ = 	snop  }
0x244: {  	[tilespmem:s20], [sflag:$0x2] =	stream.indirect_vreg.gather [hbm4b:s7+s12], $0x80, v3, vm0, $0xb8;
	[tilespmem:$0x1C200] =	vst v63  }
0x245: {  	_ = 	snop  }
0x246: {  	[tilespmem:s21], [sflag:$0x2] =	stream.indirect_vreg.gather [hbm4b:s8+s12], $0x80, v3, vm0, $0xb8;
	[tilespmem:$0x1C200] =	vst v63  }
0x247: {  	s25 =	rddreg [dreg:$0x9]  }
0x248: {  	[tilespmem:s9], [sflag:$0x4] =	stream.linear.gather [hbm4b:s25+s12], $0x4000, $0x38;
	[tilespmem:$0x1C200] =	vst v63  }
0x249: {  	_ =	swait.ge [sflag:s18], $0x4000  }
0x24a: {  	[sflag:s18] =	ssyncset.done $0x0  }
0x24b: {  	[sflag:s18] =	ssyncadd.s32 $0xFFFFC000  }
0x24c: {  	_ =	swait.ge [sflag:s22], $0x8000  }
0x24d: {  	[sflag:s22] =	ssyncset.done $0x0  }
0x24e: {  	[sflag:s22] =	ssyncadd.s32 $0xFFFF8000  }
0x24f: {  	_ =	swait.ge [sflag:s11], $0x4000  }
0x250: {  	[sflag:s11] =	ssyncset.done $0x0  }
0x251: {  	[sflag:s11] =	ssyncadd.s32 $0xFFFFC000  }
0x252: {  	v16 =	vld [tilespmem:$0x1200]  }
0x253: {  	v17 =	vld [tilespmem:$0x1280]  }
0x254: {  	v18 =	vld [tilespmem:$0x1300]  }
0x255: {  	v19 =	vld [tilespmem:$0x1380]  }
0x256: {  	v20 =	vld [tilespmem:$0x1400]  }
0x257: {  	v21 =	vld [tilespmem:$0x1480]  }
0x258: {  	v22 =	vld [tilespmem:$0x1500]  }
0x259: {  	v23 =	vld [tilespmem:$0x1580]  }
0x25a: {  	v15 =	vld [tilespmem:$0x1600]  }
0x25b: {  	v4 =	vld [tilespmem:$0x1680]  }
0x25c: {  	v5 =	vld [tilespmem:$0x1700]  }
0x25d: {  	v10 =	vld [tilespmem:$0x1780]  }
0x25e: {  	v9 =	vld [tilespmem:$0x1800]  }
0x25f: {  	v6 =	vld [tilespmem:$0x1880]  }
0x260: {  	v14 =	vld [tilespmem:$0x1900]  }
0x261: {  	v3 =	vld [tilespmem:$0x1980]  }
0x262: {  	v26 =	vld [tilespmem:$0x3200]  }
0x263: {  	v27 =	vld [tilespmem:$0x3280]  }
0x264: {  	v28 =	vld [tilespmem:$0x3300]  }
0x265: {  	v29 =	vld [tilespmem:$0x3380]  }
0x266: {  	v30 =	vld [tilespmem:$0x3400]  }
0x267: {  	v31 =	vld [tilespmem:$0x3480]  }
0x268: {  	v32 =	vld [tilespmem:$0x3500]  }
0x269: {  	v33 =	vld [tilespmem:$0x3580]  }
0x26a: {  	v25 =	vld [tilespmem:$0x3600]  }
0x26b: {  	v7 =	vld [tilespmem:$0x3680]  }
0x26c: {  	v8 =	vld [tilespmem:$0x3700]  }
0x26d: {  	s26 =	sand.u32 $0x70, s12;
	s13 =	sand.u32 $0x1C00, s12;
	v13 =	vld [tilespmem:$0x3780]  }
0x26e: {  	s25 =	sor.u32 s26, s13;
	v12 =	vld [tilespmem:$0x3800]  }
0x26f: {  	v62 =	vld [tilespmem:s25+$0x8280]  }
0x270: {  	v24 =	vld [tilespmem:s25+$0x8480]  }
0x271: {  	v34 =	vld [tilespmem:s25+$0x14480]  }
0x272: {  	v63 =	vld [tilespmem:s25+$0x14380]  }
0x273: {  	v37 =	vld [tilespmem:s25+$0x8380]  }
0x274: {  	v38 =	vld [tilespmem:s25+$0x14400]  }
0x275: {  	v39 =	vld [tilespmem:s25+$0x8500]  }
0x276: {  	v40 =	vld [tilespmem:s25+$0x14300]  }
0x277: {  	v41 =	vld [tilespmem:s25+$0x8300]  }
0x278: {  	v42 =	vld [tilespmem:s25+$0x8400]  }
0x279: {  	v43 =	vld [tilespmem:s25+$0x4500]  }
0x27a: {  	v44 =	vld [tilespmem:s25+$0x4480]  }
0x27b: {  	v45 =	vld [tilespmem:s25+$0x4400]  }
0x27c: {  	v46 =	vld [tilespmem:s25+$0x4300]  }
0x27d: {  	v47 =	vld [tilespmem:s25+$0x4380]  }
0x27e: {  	v48 =	vld [tilespmem:s25+$0x4200]  }
0x27f: {  	v49 =	vld [tilespmem:s25+$0x8200];
	v41 =	vmul.f32 v41, v28  }
0x280: {  	v50 =	vld [tilespmem:s25+$0x14200];
	v37 =	vmul.f32 v37, v29;
	v44 =	vmul.f32 v44, v21  }
0x281: {  	v51 =	vld [tilespmem:s25+$0x4280];
	v43 =	vmul.f32 v43, v22;
	v46 =	vmul.f32 v46, v18  }
0x282: {  	v52 =	vld [tilespmem:s25+$0x14500];
	v24 =	vmul.f32 v24, v31;
	v45 =	vmul.f32 v45, v20;
	v44 =	vadd.f32 v44, v34  }
0x283: {  	v53 =	vld [tilespmem:s25+$0x14280];
	v47 =	vmul.f32 v47, v19;
	v55 =	vmul.f32 v48, v16;
	v40 =	vadd.f32 v46, v40  }
0x284: {  	v11 =	vld [tilespmem:$0x3880];
	v42 =	vmul.f32 v42, v30;
	v38 =	vadd.f32 v45, v38;
	v44 =	vadd.f32 v24, v44  }
0x285: {  	v56 =	vmul.f32 v49, v26;
	v34 =	vld [tilespmem:$0x3900];
	v57 =	vadd.f32 v55, v50;
	v40 =	vadd.f32 v41, v40  }
0x286: {  	v58 =	vmul.f32 v51, v17;
	v36 =	vadd.f32 v47, v63;
	v24 =	vld [tilespmem:$0x3980];
	v38 =	vadd.f32 v42, v38;
	[tilespmem:s25+$0x18480] =	vst v44  }
0x287: {  	v39 =	vmul.f32 v39, v32;
	v59 =	vadd.f32 v43, v52;
	v41 =	vadd.f32 v56, v57;
	[tilespmem:s25+$0x18300] =	vst v40  }
0x288: {  	v35 =	vmul.f32 v62, v27;
	v60 =	vadd.f32 v58, v53;
	v36 =	vadd.f32 v37, v36;
	[tilespmem:s25+$0x18400] =	vst v38  }
0x289: {  	v61 =	vadd.f32 v39, v59;
	[tilespmem:s25+$0x18200] =	vst v41  }
0x28a: {  	v35 =	vadd.f32 v35, v60;
	[tilespmem:s25+$0x18380] =	vst v36  }
0x28b: {  	s26 =	sor.u32 s12, s12;
	[tilespmem:s25+$0x18500] =	vst v61  }
0x28c: {  	s14 =	sor.u32 $0x380, s26;
	[tilespmem:s25+$0x18280] =	vst v35  }
0x28d: {  	v35 =	vld [tilespmem:s14+$0x4200]  }
0x28e: {  	v62 =	vld [tilespmem:s25+$0x8580]  }
0x28f: {  	v36 =	vld [tilespmem:s14+$0x14200];
	_ =	sdelay $0x2  }
0x290: {  	v35 =	vmul.f32 v35, v23;
	_ =	sdelay $0x1  }
0x291: {  	v63 =	vmul.f32 v62, v33;
	v35 =	vadd.f32 v35, v36;
	_ =	sdelay $0x1  }
0x292: {  	v35 =	vadd.f32 v63, v35;
	_ =	sdelay $0x1  }
0x293: {  	[tilespmem:s14+$0x18200] =	vst v35  }
0x294: {  	v36 =	vld [tilespmem:s25+$0x6200]  }
0x295: {  	s4 =	simm.s32 $0x10;
	v35 =	vld [tilespmem:s25+$0x16300]  }
.LBB2_6:
0x296: {  	p0 =	sne.s32 s4, $0x3F0  }
0x297: {  	v37 =	vld [tilespmem:s25+$0xA200];
	s12 =	sadd.s32 $0x80, s12;
	s13 =	smov.u32 s4;
	s4 =	sadd.s32 $0x10, s4  }
0x298: {  	v38 =	vld [tilespmem:s25+$0x6500]  }
0x299: {  	v39 =	vld [tilespmem:s25+$0xA480]  }
0x29a: {  	v36 =	vmul.f32 v36, v15;
	v40 =	vld [tilespmem:s25+$0x16380]  }
0x29b: {  	v41 =	vld [tilespmem:s25+$0x16200]  }
0x29c: {  	v42 =	vld [tilespmem:s25+$0xA500]  }
0x29d: {  	v43 =	vld [tilespmem:s25+$0xA280];
	v38 =	vmul.f32 v38, v14  }
0x29e: {  	v44 =	vld [tilespmem:s25+$0x6400]  }
0x29f: {  	v45 =	vld [tilespmem:s25+$0x16500]  }
0x2a0: {  	v37 =	vmul.f32 v37, v25;
	v36 =	vadd.f32 v36, v41;
	v41 =	vld [tilespmem:s25+$0xA380]  }
0x2a1: {  	v46 =	vld [tilespmem:s25+$0x6380]  }
0x2a2: {  	v36 =	vadd.f32 v37, v36;
	v37 =	vmul.f32 v43, v7;
	v43 =	vld [tilespmem:s25+$0xA400]  }
0x2a3: {  	v47 =	vld [tilespmem:s25+$0x16400];
	v44 =	vmul.f32 v44, v9  }
0x2a4: {  	v42 =	vmul.f32 v42, v34;
	[tilespmem:s25+$0x1A200] =	vst v36;
	v36 =	vld [tilespmem:s25+$0x16480];
	v38 =	vadd.f32 v38, v45  }
0x2a5: {  	v45 =	vld [tilespmem:s25+$0x6480]  }
0x2a6: {  	v48 =	vld [tilespmem:s25+$0x6300];
	v46 =	vmul.f32 v46, v10;
	v38 =	vadd.f32 v42, v38  }
0x2a7: {  	v42 =	vld [tilespmem:s25+$0x6280];
	v43 =	vmul.f32 v43, v12  }
0x2a8: {  	v41 =	vmul.f32 v41, v13;
	v49 =	vld [tilespmem:s25+$0xA300];
	v40 =	vadd.f32 v46, v40;
	v44 =	vadd.f32 v44, v47;
	[tilespmem:s25+$0x1A500] =	vst v38  }
0x2a9: {  	v38 =	vld [tilespmem:s25+$0x16280]  }
0x2aa: {  	v40 =	vadd.f32 v41, v40;
	v41 =	vadd.f32 v43, v44;
	v43 =	vmul.f32 v45, v6;
	v44 =	vld [tilespmem:s25+$0xA580]  }
0x2ab: {  	v45 =	vmul.f32 v48, v5  }
0x2ac: {  	v39 =	vmul.f32 v39, v11;
	v42 =	vmul.f32 v42, v4;
	[tilespmem:s25+$0x1A380] =	vst v40;
	v36 =	vadd.f32 v43, v36  }
0x2ad: {  	v35 =	vadd.f32 v45, v35;
	v40 =	vmul.f32 v49, v8;
	[tilespmem:s25+$0x1A400] =	vst v41  }
0x2ae: {  	v38 =	vadd.f32 v42, v38;
	v36 =	vadd.f32 v39, v36  }
0x2af: {  	v35 =	vadd.f32 v40, v35  }
0x2b0: {  	v37 =	vadd.f32 v37, v38;
	[tilespmem:s25+$0x1A480] =	vst v36  }
0x2b1: {  	[tilespmem:s25+$0x1A300] =	vst v35  }
0x2b2: {  	s14 =	sor.u32 $0x2380, s26;
	[tilespmem:s25+$0x1A280] =	vst v37  }
0x2b3: {  	v35 =	vld [tilespmem:s14+$0x4200]  }
0x2b4: {  	v36 =	vld [tilespmem:s14+$0x14200];
	_ =	sdelay $0x3  }
0x2b5: {  	v35 =	vmul.f32 v35, v3;
	_ =	sdelay $0x1  }
0x2b6: {  	v35 =	vadd.f32 v35, v36;
	v36 =	vmul.f32 v44, v24;
	_ =	sdelay $0x1  }
0x2b7: {  	v35 =	vadd.f32 v36, v35  }
0x2b8: {  	s26 =	sand.u32 $0x1C00, s12;
	s25 =	sand.u32 $0x70, s13  }
0x2b9: {  	s25 =	sor.u32 s25, s26;
	[tilespmem:s14+$0x18200] =	vst v35  }
0x2ba: {  	v35 =	vld [tilespmem:s25+$0x8280]  }
0x2bb: {  	v36 =	vld [tilespmem:s25+$0x8480]  }
0x2bc: {  	v37 =	vld [tilespmem:s25+$0x14480]  }
0x2bd: {  	v38 =	vld [tilespmem:s25+$0x14380]  }
0x2be: {  	v39 =	vld [tilespmem:s25+$0x8380]  }
0x2bf: {  	v40 =	vld [tilespmem:s25+$0x14400]  }
0x2c0: {  	v41 =	vld [tilespmem:s25+$0x8500]  }
0x2c1: {  	v42 =	vld [tilespmem:s25+$0x14500]  }
0x2c2: {  	v43 =	vld [tilespmem:s25+$0x14300]  }
0x2c3: {  	v44 =	vld [tilespmem:s25+$0x8300]  }
0x2c4: {  	v45 =	vld [tilespmem:s25+$0x8400]  }
0x2c5: {  	v46 =	vld [tilespmem:s25+$0x8200]  }
0x2c6: {  	v41 =	vmul.f32 v41, v32;
	v47 =	vld [tilespmem:s25+$0x4500]  }
0x2c7: {  	v48 =	vld [tilespmem:s25+$0x4480]  }
0x2c8: {  	v49 =	vld [tilespmem:s25+$0x4400]  }
0x2c9: {  	v44 =	vmul.f32 v44, v28;
	v50 =	vld [tilespmem:s25+$0x4300]  }
0x2ca: {  	v39 =	vmul.f32 v39, v29;
	v51 =	vld [tilespmem:s25+$0x4380]  }
0x2cb: {  	v52 =	vld [tilespmem:s25+$0x4280];
	v47 =	vmul.f32 v47, v22  }
0x2cc: {  	v36 =	vmul.f32 v36, v31;
	v53 =	vld [tilespmem:s25+$0x4200];
	v48 =	vmul.f32 v48, v21  }
0x2cd: {  	v46 =	vmul.f32 v46, v26;
	v54 =	vld [tilespmem:s25+$0x14280];
	v49 =	vmul.f32 v49, v20;
	v42 =	vadd.f32 v47, v42  }
0x2ce: {  	v35 =	vmul.f32 v35, v27;
	v47 =	vld [tilespmem:s25+$0x14200];
	v50 =	vmul.f32 v50, v18  }
0x2cf: {  	v37 =	vadd.f32 v48, v37;
	v51 =	vmul.f32 v51, v19;
	v40 =	vadd.f32 v49, v40  }
0x2d0: {  	v41 =	vadd.f32 v41, v42;
	v48 =	vmul.f32 v52, v17;
	v43 =	vadd.f32 v50, v43  }
0x2d1: {  	v36 =	vadd.f32 v36, v37;
	v42 =	vmul.f32 v53, v16;
	v38 =	vadd.f32 v51, v38  }
0x2d2: {  	v37 =	vadd.f32 v48, v54;
	v43 =	vadd.f32 v44, v43;
	v44 =	vmul.f32 v45, v30  }
0x2d3: {  	v42 =	vadd.f32 v42, v47;
	v38 =	vadd.f32 v39, v38  }
0x2d4: {  	v35 =	vadd.f32 v35, v37;
	v37 =	vadd.f32 v44, v40;
	[tilespmem:s25+$0x18480] =	vst v36  }
0x2d5: {  	v36 =	vadd.f32 v46, v42;
	[tilespmem:s25+$0x18300] =	vst v43  }
0x2d6: {  	[tilespmem:s25+$0x18400] =	vst v37  }
0x2d7: {  	[tilespmem:s25+$0x18200] =	vst v36  }
0x2d8: {  	[tilespmem:s25+$0x18380] =	vst v38  }
0x2d9: {  	s26 =	sor.u32 s13, s12;
	[tilespmem:s25+$0x18500] =	vst v41  }
0x2da: {  	s13 =	sor.u32 $0x380, s26;
	[tilespmem:s25+$0x18280] =	vst v35  }
0x2db: {  	v35 =	vld [tilespmem:s13+$0x4200]  }
0x2dc: {  	v36 =	vld [tilespmem:s13+$0x14200]  }
0x2dd: {  	v37 =	vld [tilespmem:s25+$0x8580];
	_ =	sdelay $0x2  }
0x2de: {  	v35 =	vmul.f32 v35, v23;
	_ =	sdelay $0x1  }
0x2df: {  	v35 =	vadd.f32 v35, v36;
	v36 =	vmul.f32 v37, v33;
	_ =	sdelay $0x1  }
.Ltmp2:
0x2e0: {  	v35 =	vadd.f32 v36, v35;
	(pc) =	sbr.rel @p0 .LBB2_6-.Ltmp2, $4  }
0x2e1: {  	_ = 	snop  }
0x2e2: {  	[tilespmem:s13+$0x18200] =	vst v35  }
0x2e3: {  	v36 =	vld [tilespmem:s25+$0x6200]  }
0x2e4: {  	v35 =	vld [tilespmem:s25+$0x16300]  }
0x2e5: {  	v16 =	vld [tilespmem:s25+$0xA200]  }
0x2e6: {  	v17 =	vld [tilespmem:s25+$0x6500]  }
0x2e7: {  	v18 =	vld [tilespmem:s25+$0xA480]  }
0x2e8: {  	v19 =	vld [tilespmem:s25+$0x16380]  }
0x2e9: {  	v20 =	vld [tilespmem:s25+$0x16200]  }
0x2ea: {  	v21 =	vld [tilespmem:s25+$0xA500]  }
0x2eb: {  	v22 =	vld [tilespmem:s25+$0xA280]  }
0x2ec: {  	v23 =	vld [tilespmem:s25+$0x6400]  }
0x2ed: {  	v26 =	vld [tilespmem:s25+$0x16500];
	v15 =	vmul.f32 v36, v15  }
0x2ee: {  	v27 =	vld [tilespmem:s25+$0x16400]  }
0x2ef: {  	v15 =	vadd.f32 v15, v20;
	v20 =	vld [tilespmem:s25+$0xA380]  }
0x2f0: {  	v16 =	vmul.f32 v16, v25;
	v25 =	vld [tilespmem:s25+$0x6380]  }
0x2f1: {  	v14 =	vmul.f32 v17, v14;
	v17 =	vmul.f32 v21, v34;
	v21 =	vld [tilespmem:s25+$0x6480]  }
0x2f2: {  	v15 =	vadd.f32 v16, v15;
	v16 =	vld [tilespmem:s25+$0xA400]  }
0x2f3: {  	v14 =	vadd.f32 v14, v26;
	v26 =	vld [tilespmem:s25+$0x6300]  }
0x2f4: {  	[tilespmem:s25+$0x1A200] =	vst v15;
	v15 =	vld [tilespmem:s25+$0x16480]  }
0x2f5: {  	v14 =	vadd.f32 v17, v14;
	v17 =	vld [tilespmem:s25+$0x6280]  }
0x2f6: {  	v10 =	vmul.f32 v25, v10;
	v25 =	vld [tilespmem:s25+$0xA300]  }
0x2f7: {  	v9 =	vmul.f32 v23, v9;
	v11 =	vmul.f32 v18, v11;
	[tilespmem:s25+$0x1A500] =	vst v14;
	v14 =	vld [tilespmem:s25+$0x16280]  }
0x2f8: {  	v13 =	vmul.f32 v20, v13;
	v6 =	vmul.f32 v21, v6;
	v10 =	vadd.f32 v10, v19  }
0x2f9: {  	v9 =	vadd.f32 v9, v27;
	v12 =	vmul.f32 v16, v12;
	v5 =	vmul.f32 v26, v5  }
0x2fa: {  	v10 =	vadd.f32 v13, v10;
	v4 =	vmul.f32 v17, v4;
	v6 =	vadd.f32 v6, v15  }
0x2fb: {  	v9 =	vadd.f32 v12, v9;
	v5 =	vadd.f32 v5, v35;
	v8 =	vmul.f32 v25, v8  }
0x2fc: {  	v7 =	vmul.f32 v22, v7;
	[tilespmem:s25+$0x1A380] =	vst v10;
	v4 =	vadd.f32 v4, v14;
	v6 =	vadd.f32 v11, v6  }
0x2fd: {  	[tilespmem:s25+$0x1A400] =	vst v9;
	v5 =	vadd.f32 v8, v5  }
0x2fe: {  	v4 =	vadd.f32 v7, v4;
	[tilespmem:s25+$0x1A480] =	vst v6  }
0x2ff: {  	[tilespmem:s25+$0x1A300] =	vst v5  }
0x300: {  	s4 =	sor.u32 $0x2380, s26;
	[tilespmem:s25+$0x1A280] =	vst v4  }
0x301: {  	v4 =	vld [tilespmem:s4+$0x4200]  }
0x302: {  	v12 =	vld [tilespmem:s25+$0xA580]  }
0x303: {  	v5 =	vld [tilespmem:s4+$0x14200];
	_ =	sdelay $0x2  }
0x304: {  	v3 =	vmul.f32 v4, v3;
	_ =	sdelay $0x1  }
0x305: {  	v4 =	vmul.f32 v12, v24;
	v3 =	vadd.f32 v3, v5;
	_ =	sdelay $0x1  }
0x306: {  	v3 =	vadd.f32 v4, v3;
	_ =	sdelay $0x1  }
0x307: {  	s12 =	simm.s32 $0x0;
	s25 =	rddreg [dreg:$0xa];
	[tilespmem:s4+$0x18200] =	vst v3  }
0x308: {  	[hbm4b:s25+s12] =	stream.linear.scatter [tilespmem:s10], [sflag:$0x3], $0x4000, $0x38;
	[tilespmem:$0x1C200] =	vst v63  }
0x309: {  	_ = 	snop  }
0x30a: {  	[tilespmem:s9], [sflag:$0x4] =	stream.linear.gather [hbm4b:s15+s12], $0x4000, $0x38;
	[tilespmem:$0x1C200] =	vst v63  }
0x30b: {  	_ =	swait.ge [sflag:s18], $0x4000  }
0x30c: {  	[sflag:s18] =	ssyncset.done $0x0  }
0x30d: {  	[sflag:s18] =	ssyncadd.s32 $0xFFFFC000  }
0x30e: {  	_ =	swait.ge [sflag:s23], $0x8000  }
0x30f: {  	[sflag:s23] =	ssyncset.done $0x0  }
0x310: {  	[sflag:s23] =	ssyncadd.s32 $0xFFFF8000  }
0x311: {  	_ =	swait.ge [sflag:s11], $0x4000  }
0x312: {  	[sflag:s11] =	ssyncset.done $0x0  }
0x313: {  	[sflag:s11] =	ssyncadd.s32 $0xFFFFC000  }
0x314: {  	v15 =	vld [tilespmem:$0x1A00]  }
0x315: {  	v17 =	vld [tilespmem:$0x1A80]  }
0x316: {  	v18 =	vld [tilespmem:$0x1B00]  }
0x317: {  	v19 =	vld [tilespmem:$0x1B80]  }
0x318: {  	v20 =	vld [tilespmem:$0x1C00]  }
0x319: {  	v21 =	vld [tilespmem:$0x1C80]  }
0x31a: {  	v22 =	vld [tilespmem:$0x1D00]  }
0x31b: {  	v23 =	vld [tilespmem:$0x1D80]  }
0x31c: {  	v16 =	vld [tilespmem:$0x1E00]  }
0x31d: {  	v7 =	vld [tilespmem:$0x1E80]  }
0x31e: {  	v4 =	vld [tilespmem:$0x1F00]  }
0x31f: {  	v6 =	vld [tilespmem:$0x1F80]  }
0x320: {  	v5 =	vld [tilespmem:$0x2000]  }
0x321: {  	v10 =	vld [tilespmem:$0x2080]  }
0x322: {  	v13 =	vld [tilespmem:$0x2100]  }
0x323: {  	v3 =	vld [tilespmem:$0x2180]  }
0x324: {  	v27 =	vld [tilespmem:$0x3A00]  }
0x325: {  	v28 =	vld [tilespmem:$0x3A80]  }
0x326: {  	v29 =	vld [tilespmem:$0x3B00]  }
0x327: {  	v30 =	vld [tilespmem:$0x3B80]  }
0x328: {  	v31 =	vld [tilespmem:$0x3C00]  }
0x329: {  	v32 =	vld [tilespmem:$0x3C80]  }
0x32a: {  	v33 =	vld [tilespmem:$0x3D00]  }
0x32b: {  	v34 =	vld [tilespmem:$0x3D80]  }
0x32c: {  	v26 =	vld [tilespmem:$0x3E00]  }
0x32d: {  	v12 =	vld [tilespmem:$0x3E80]  }
0x32e: {  	v8 =	vld [tilespmem:$0x3F00]  }
0x32f: {  	s26 =	sand.u32 $0x70, s12;
	s13 =	sand.u32 $0x1C00, s12;
	v11 =	vld [tilespmem:$0x3F80]  }
0x330: {  	s25 =	sor.u32 s26, s13;
	v9 =	vld [tilespmem:$0x4000]  }
0x331: {  	v60 =	vld [tilespmem:s25+$0x10200]  }
0x332: {  	v61 =	vld [tilespmem:s25+$0x14300]  }
0x333: {  	v24 =	vld [tilespmem:s25+$0x10380]  }
0x334: {  	v37 =	vld [tilespmem:s25+$0x10400]  }
0x335: {  	v38 =	vld [tilespmem:s25+$0x14280]  }
0x336: {  	v39 =	vld [tilespmem:s25+$0x14380]  }
0x337: {  	v40 =	vld [tilespmem:s25+$0x10500]  }
0x338: {  	v41 =	vld [tilespmem:s25+$0x14500]  }
0x339: {  	v42 =	vld [tilespmem:s25+$0xC380]  }
0x33a: {  	v43 =	vld [tilespmem:s25+$0xC300]  }
0x33b: {  	v44 =	vld [tilespmem:s25+$0xC200]  }
0x33c: {  	v45 =	vld [tilespmem:s25+$0xC280]  }
0x33d: {  	v46 =	vld [tilespmem:s25+$0xC500]  }
0x33e: {  	v47 =	vld [tilespmem:s25+$0xC480]  }
0x33f: {  	v48 =	vld [tilespmem:s25+$0x10280]  }
0x340: {  	v49 =	vld [tilespmem:s25+$0x14200]  }
0x341: {  	v50 =	vld [tilespmem:s25+$0xC400];
	v42 =	vmul.f32 v42, v19  }
0x342: {  	v62 =	vld [tilespmem:s25+$0x10300];
	v24 =	vmul.f32 v24, v30;
	v43 =	vmul.f32 v43, v18  }
0x343: {  	v51 =	vld [tilespmem:s25+$0x14400];
	v46 =	vmul.f32 v46, v22;
	v45 =	vmul.f32 v45, v17  }
0x344: {  	v52 =	vld [tilespmem:s25+$0x10480];
	v44 =	vmul.f32 v44, v15;
	v40 =	vmul.f32 v40, v33;
	v39 =	vadd.f32 v42, v39  }
0x345: {  	v63 =	vld [tilespmem:s25+$0x14480];
	v53 =	vmul.f32 v48, v28;
	v35 =	vmul.f32 v60, v27;
	v41 =	vadd.f32 v46, v41  }
0x346: {  	v14 =	vld [tilespmem:$0x4080];
	v54 =	vmul.f32 v50, v20;
	v38 =	vadd.f32 v45, v38;
	v39 =	vadd.f32 v24, v39  }
0x347: {  	v25 =	vld [tilespmem:$0x4100];
	v55 =	vmul.f32 v62, v29;
	v44 =	vadd.f32 v44, v49;
	v40 =	vadd.f32 v40, v41  }
0x348: {  	v56 =	vmul.f32 v47, v21;
	v36 =	vadd.f32 v43, v61;
	v24 =	vld [tilespmem:$0x4180];
	v38 =	vadd.f32 v53, v38;
	[tilespmem:s25+$0x18380] =	vst v39  }
0x349: {  	v37 =	vmul.f32 v37, v31;
	v57 =	vadd.f32 v54, v51;
	v35 =	vadd.f32 v35, v44;
	[tilespmem:s25+$0x18500] =	vst v40  }
0x34a: {  	v58 =	vmul.f32 v52, v32;
	v36 =	vadd.f32 v55, v36;
	[tilespmem:s25+$0x18280] =	vst v38;
	v39 =	vadd.f32 v56, v63  }
0x34b: {  	v59 =	vadd.f32 v37, v57;
	[tilespmem:s25+$0x18200] =	vst v35  }
0x34c: {  	[tilespmem:s25+$0x18300] =	vst v36;
	v60 =	vadd.f32 v58, v39  }
0x34d: {  	s26 =	sor.u32 s12, s12;
	v61 =	vld [tilespmem:s25+$0xC580];
	[tilespmem:s25+$0x18400] =	vst v59  }
0x34e: {  	s14 =	sor.u32 $0x380, s26;
	v62 =	vld [tilespmem:s25+$0x10580];
	[tilespmem:s25+$0x18480] =	vst v60  }
0x34f: {  	v63 =	vld [tilespmem:s14+$0x14200];
	_ =	sdelay $0x2  }
0x350: {  	v35 =	vmul.f32 v61, v23;
	_ =	sdelay $0x1  }
0x351: {  	v36 =	vmul.f32 v62, v34;
	v35 =	vadd.f32 v35, v63;
	_ =	sdelay $0x1  }
0x352: {  	v35 =	vadd.f32 v36, v35;
	_ =	sdelay $0x1  }
0x353: {  	[tilespmem:s14+$0x18200] =	vst v35  }
0x354: {  	v36 =	vld [tilespmem:s25+$0xE200]  }
0x355: {  	s4 =	simm.s32 $0x10;
	v35 =	vld [tilespmem:s25+$0x16500]  }
.LBB2_8:
0x356: {  	p0 =	sne.s32 s4, $0x3F0  }
0x357: {  	v37 =	vld [tilespmem:s25+$0x16380];
	s12 =	sadd.s32 $0x80, s12;
	s13 =	smov.u32 s4;
	s4 =	sadd.s32 $0x10, s4  }
0x358: {  	v38 =	vld [tilespmem:s25+$0x16200]  }
0x359: {  	v39 =	vld [tilespmem:s25+$0xE500]  }
0x35a: {  	v36 =	vmul.f32 v36, v16;
	v40 =	vld [tilespmem:s25+$0x12200]  }
0x35b: {  	v41 =	vld [tilespmem:s25+$0x12500]  }
0x35c: {  	v42 =	vld [tilespmem:s25+$0xE480]  }
0x35d: {  	v36 =	vadd.f32 v36, v38;
	v38 =	vld [tilespmem:s25+$0x16280]  }
0x35e: {  	v43 =	vld [tilespmem:s25+$0x12300]  }
0x35f: {  	v40 =	vmul.f32 v40, v26;
	v44 =	vld [tilespmem:s25+$0x12400]  }
0x360: {  	v45 =	vld [tilespmem:s25+$0x12480]  }
0x361: {  	v36 =	vadd.f32 v40, v36;
	v40 =	vld [tilespmem:s25+$0x16480]  }
0x362: {  	v46 =	vld [tilespmem:s25+$0x12380]  }
0x363: {  	v39 =	vmul.f32 v39, v13;
	v42 =	vmul.f32 v42, v10;
	[tilespmem:s25+$0x1A200] =	vst v36;
	v36 =	vld [tilespmem:s25+$0xE280]  }
0x364: {  	v43 =	vmul.f32 v43, v8;
	v47 =	vld [tilespmem:s25+$0x12280];
	v44 =	vmul.f32 v44, v9  }
0x365: {  	v35 =	vadd.f32 v39, v35;
	v39 =	vmul.f32 v41, v25;
	v48 =	vld [tilespmem:s25+$0xE380]  }
0x366: {  	v41 =	vmul.f32 v45, v14;
	v40 =	vadd.f32 v42, v40;
	v42 =	vld [tilespmem:s25+$0xE580]  }
0x367: {  	v35 =	vadd.f32 v39, v35;
	v45 =	vmul.f32 v46, v11;
	v46 =	vld [tilespmem:s25+$0xE400]  }
0x368: {  	v36 =	vmul.f32 v36, v7;
	v39 =	vld [tilespmem:s25+$0xE300];
	v40 =	vadd.f32 v41, v40  }
0x369: {  	v41 =	vmul.f32 v47, v12;
	v47 =	vld [tilespmem:s25+$0x16400];
	[tilespmem:s25+$0x1A500] =	vst v35  }
0x36a: {  	v35 =	vadd.f32 v36, v38;
	v36 =	vld [tilespmem:s25+$0x16300];
	v38 =	vmul.f32 v48, v6;
	[tilespmem:s25+$0x1A480] =	vst v40  }
0x36b: {  	v40 =	vld [tilespmem:s25+$0x12580]  }
0x36c: {  	v35 =	vadd.f32 v41, v35;
	v37 =	vadd.f32 v38, v37;
	v38 =	vmul.f32 v46, v5  }
0x36d: {  	v39 =	vmul.f32 v39, v4  }
0x36e: {  	[tilespmem:s25+$0x1A280] =	vst v35;
	v35 =	vadd.f32 v45, v37;
	v37 =	vadd.f32 v38, v47  }
0x36f: {  	v36 =	vadd.f32 v39, v36  }
0x370: {  	[tilespmem:s25+$0x1A380] =	vst v35;
	v35 =	vadd.f32 v44, v37  }
0x371: {  	v36 =	vadd.f32 v43, v36  }
0x372: {  	[tilespmem:s25+$0x1A400] =	vst v35  }
0x373: {  	s14 =	sor.u32 $0x2380, s26;
	[tilespmem:s25+$0x1A300] =	vst v36  }
0x374: {  	v35 =	vld [tilespmem:s14+$0x14200];
	_ =	sdelay $0x2  }
0x375: {  	v36 =	vmul.f32 v42, v3;
	_ =	sdelay $0x1  }
0x376: {  	v35 =	vadd.f32 v36, v35;
	v36 =	vmul.f32 v40, v24;
	_ =	sdelay $0x1  }
0x377: {  	v35 =	vadd.f32 v36, v35  }
0x378: {  	s26 =	sand.u32 $0x1C00, s12;
	s25 =	sand.u32 $0x70, s13  }
0x379: {  	s25 =	sor.u32 s25, s26;
	[tilespmem:s14+$0x18200] =	vst v35  }
0x37a: {  	v35 =	vld [tilespmem:s25+$0x10200]  }
0x37b: {  	v36 =	vld [tilespmem:s25+$0x14300]  }
0x37c: {  	v37 =	vld [tilespmem:s25+$0x10480]  }
0x37d: {  	v38 =	vld [tilespmem:s25+$0x14480]  }
0x37e: {  	v39 =	vld [tilespmem:s25+$0x10380]  }
0x37f: {  	v40 =	vld [tilespmem:s25+$0x10400]  }
0x380: {  	v41 =	vld [tilespmem:s25+$0x14280]  }
0x381: {  	v42 =	vld [tilespmem:s25+$0x14380]  }
0x382: {  	v43 =	vld [tilespmem:s25+$0x10500]  }
0x383: {  	v44 =	vld [tilespmem:s25+$0x14500]  }
0x384: {  	v45 =	vld [tilespmem:s25+$0xC380]  }
0x385: {  	v39 =	vmul.f32 v39, v30;
	v46 =	vld [tilespmem:s25+$0xC300]  }
0x386: {  	v47 =	vld [tilespmem:s25+$0xC200]  }
0x387: {  	v48 =	vld [tilespmem:s25+$0xC280]  }
0x388: {  	v49 =	vld [tilespmem:s25+$0xC500]  }
0x389: {  	v45 =	vmul.f32 v45, v19;
	v50 =	vld [tilespmem:s25+$0xC480]  }
0x38a: {  	v40 =	vmul.f32 v40, v31;
	v51 =	vld [tilespmem:s25+$0x10280];
	v46 =	vmul.f32 v46, v18  }
0x38b: {  	v52 =	vld [tilespmem:s25+$0x14200];
	v42 =	vadd.f32 v45, v42  }
0x38c: {  	v45 =	vmul.f32 v48, v17;
	v36 =	vadd.f32 v46, v36;
	v46 =	vld [tilespmem:s25+$0xC400]  }
0x38d: {  	v43 =	vmul.f32 v43, v33;
	v48 =	vld [tilespmem:s25+$0x10300];
	v39 =	vadd.f32 v39, v42;
	v42 =	vmul.f32 v49, v22  }
0x38e: {  	v47 =	vmul.f32 v47, v15;
	v41 =	vadd.f32 v45, v41;
	v45 =	vld [tilespmem:s25+$0x14400];
	v49 =	vmul.f32 v50, v21  }
0x38f: {  	v37 =	vmul.f32 v37, v32;
	v50 =	vmul.f32 v51, v28;
	v42 =	vadd.f32 v42, v44  }
0x390: {  	v35 =	vmul.f32 v35, v27;
	v44 =	vadd.f32 v47, v52;
	v38 =	vadd.f32 v49, v38  }
0x391: {  	v41 =	vadd.f32 v50, v41;
	v46 =	vmul.f32 v46, v20;
	v42 =	vadd.f32 v43, v42  }
0x392: {  	v35 =	vadd.f32 v35, v44;
	v43 =	vmul.f32 v48, v29;
	[tilespmem:s25+$0x18380] =	vst v39;
	v37 =	vadd.f32 v37, v38  }
0x393: {  	v38 =	vadd.f32 v46, v45;
	[tilespmem:s25+$0x18500] =	vst v42  }
0x394: {  	[tilespmem:s25+$0x18280] =	vst v41;
	v36 =	vadd.f32 v43, v36  }
0x395: {  	[tilespmem:s25+$0x18200] =	vst v35;
	v35 =	vadd.f32 v40, v38  }
0x396: {  	[tilespmem:s25+$0x18300] =	vst v36  }
0x397: {  	s26 =	sor.u32 s13, s12;
	[tilespmem:s25+$0x18400] =	vst v35;
	v35 =	vld [tilespmem:s25+$0xC580]  }
0x398: {  	s13 =	sor.u32 $0x380, s26;
	[tilespmem:s25+$0x18480] =	vst v37;
	v36 =	vld [tilespmem:s25+$0x10580]  }
0x399: {  	v37 =	vld [tilespmem:s13+$0x14200];
	_ =	sdelay $0x2  }
0x39a: {  	v35 =	vmul.f32 v35, v23;
	_ =	sdelay $0x1  }
0x39b: {  	v36 =	vmul.f32 v36, v34;
	v35 =	vadd.f32 v35, v37;
	_ =	sdelay $0x1  }
.Ltmp3:
0x39c: {  	v35 =	vadd.f32 v36, v35;
	(pc) =	sbr.rel @p0 .LBB2_8-.Ltmp3, $4  }
0x39d: {  	_ = 	snop  }
0x39e: {  	[tilespmem:s13+$0x18200] =	vst v35  }
0x39f: {  	v36 =	vld [tilespmem:s25+$0xE200]  }
0x3a0: {  	v35 =	vld [tilespmem:s25+$0x16500]  }
0x3a1: {  	v15 =	vld [tilespmem:s25+$0x16380]  }
0x3a2: {  	v17 =	vld [tilespmem:s25+$0x16200]  }
0x3a3: {  	v18 =	vld [tilespmem:s25+$0xE500]  }
0x3a4: {  	v19 =	vld [tilespmem:s25+$0x12200]  }
0x3a5: {  	v20 =	vld [tilespmem:s25+$0x12500]  }
0x3a6: {  	v21 =	vld [tilespmem:s25+$0xE480]  }
0x3a7: {  	v22 =	vld [tilespmem:s25+$0x16280]  }
0x3a8: {  	v23 =	vld [tilespmem:s25+$0x12300]  }
0x3a9: {  	v53 =	vld [tilespmem:s25+$0x12400]  }
0x3aa: {  	v54 =	vld [tilespmem:s25+$0x12480]  }
0x3ab: {  	v55 =	vld [tilespmem:s25+$0x16480]  }
0x3ac: {  	v56 =	vld [tilespmem:s25+$0xE280]  }
0x3ad: {  	v57 =	vld [tilespmem:s25+$0x12280]  }
0x3ae: {  	v28 =	vld [tilespmem:s25+$0xE380]  }
0x3af: {  	v29 =	vld [tilespmem:s25+$0xE400];
	v16 =	vmul.f32 v36, v16  }
0x3b0: {  	v27 =	vld [tilespmem:s25+$0x12380];
	v52 =	vmul.f32 v19, v26;
	v13 =	vmul.f32 v18, v13  }
0x3b1: {  	v59 =	vld [tilespmem:s25+$0xE300];
	v20 =	vmul.f32 v20, v25;
	v10 =	vmul.f32 v21, v10  }
0x3b2: {  	v60 =	vld [tilespmem:s25+$0x16400];
	v16 =	vadd.f32 v16, v17;
	v14 =	vmul.f32 v54, v14;
	v7 =	vmul.f32 v56, v7  }
0x3b3: {  	v61 =	vld [tilespmem:s25+$0x16300];
	v6 =	vmul.f32 v28, v6;
	v12 =	vmul.f32 v57, v12;
	v13 =	vadd.f32 v13, v35  }
0x3b4: {  	v5 =	vmul.f32 v29, v5;
	v16 =	vadd.f32 v52, v16;
	v10 =	vadd.f32 v10, v55  }
0x3b5: {  	v11 =	vmul.f32 v27, v11;
	v7 =	vadd.f32 v7, v22;
	v13 =	vadd.f32 v20, v13  }
0x3b6: {  	v4 =	vmul.f32 v59, v4;
	v6 =	vadd.f32 v6, v15;
	[tilespmem:s25+$0x1A200] =	vst v16;
	v10 =	vadd.f32 v14, v10  }
0x3b7: {  	v9 =	vmul.f32 v53, v9;
	v5 =	vadd.f32 v5, v60;
	v7 =	vadd.f32 v12, v7;
	[tilespmem:s25+$0x1A500] =	vst v13  }
0x3b8: {  	v8 =	vmul.f32 v23, v8;
	v4 =	vadd.f32 v4, v61;
	v6 =	vadd.f32 v11, v6;
	[tilespmem:s25+$0x1A480] =	vst v10  }
0x3b9: {  	v5 =	vadd.f32 v9, v5;
	[tilespmem:s25+$0x1A280] =	vst v7  }
0x3ba: {  	v4 =	vadd.f32 v8, v4;
	[tilespmem:s25+$0x1A380] =	vst v6  }
0x3bb: {  	v58 =	vld [tilespmem:s25+$0xE580];
	[tilespmem:s25+$0x1A400] =	vst v5  }
0x3bc: {  	v62 =	vld [tilespmem:s25+$0x12580];
	s4 =	sor.u32 $0x2380, s26;
	[tilespmem:s25+$0x1A300] =	vst v4  }
0x3bd: {  	v4 =	vld [tilespmem:s4+$0x14200];
	_ =	sdelay $0x2  }
0x3be: {  	v3 =	vmul.f32 v58, v3;
	_ =	sdelay $0x1  }
0x3bf: {  	v63 =	vmul.f32 v62, v24;
	v3 =	vadd.f32 v3, v4;
	_ =	sdelay $0x1  }
0x3c0: {  	s24 =	sadd.s32 $0x1, s24;
	v3 =	vadd.f32 v63, v3  }
0x3c1: {  	p0 =	sne.s32 s24, s17  }
.Ltmp4:
0x3c2: {  	[tilespmem:s4+$0x18200] =	vst v3;
	(pc) =	sbr.rel @p0 .LBB2_1-.Ltmp4, $4  }
0x3c3: {  	[hbm4b:s16+s2] =	stream.linear.scatter [tilespmem:s10], [sflag:$0x3], $0x4000, $0x38;
	[tilespmem:$0x1C200] =	vst v63  }
0x3c4: {  	_ =	swait.ge [sflag:s11], $0x4000  }
0x3c5: {  	[sflag:s11] =	ssyncset.done $0x0  }
0x3c6: {  	[sflag:s11] =	ssyncadd.s32 $0xFFFFC000  }
0x3c7: {  	_ =	sfence.sel $0x180000  }
0x3c8: {  	[bflag:$0x0] =	sbarrier.arrive $0xFFFF  }
0x3c9: {  	_ =	strace $0x9000004A  }
0x3ca: {  	s0 =	stileid.u32;
	[bflag:$0x2] =	sbarrier.arrive $0xFFFF  }
0x3cb: {  	p0 =	sne.s32 s0, $0x0;
	s0 =	rddreg [dreg:$0x2]  }
0x3cc: {  	s0 =	sadd.s32 @!p0 $0x100000, s0  }
0x3cd: {  	[sflag:s0] =	ssyncadd.tile.s32 @!p0 $0x1;
	_ =	shalt  }
.Lfunc_end2:
_tile_overlayer_lowered:
.L_overlay_start_2:
0x3ce: {  	(tag) =	ssettag $0x2  }
0x3cf: {  	s0 =	rddreg [dreg:$0x0];
	s2 =	stileid.u32  }
0x3d0: {  	s1 =	rddreg [dreg:$0x1];
	p0 =	sne.s32 s2, $0x0  }
0x3d1: {  	s3 =	rddreg [dreg:$0x2];
	[bflag:$0x3] =	sbarrier.arrive $0xFFFF;
	s2 =	simm.s32 @!p0 $0x1C04  }
0x3d2: {  	[timem:s3], [sflag:s2] =	dma.local @!p0 [hbm:s0], s1  }
0x3d3: {  	s0 =	simm.s32 @!p0 $0x4  }
0x3d4: {  	_ =	swait.ge @!p0 [sflag:s0], s1  }
0x3d5: {  	s1 =	ssub.s32 @!p0 $0x0, s1;
	[sflag:s0] =	ssyncset.done @!p0 $0x0  }
0x3d6: {  	[sflag:s0] =	ssyncadd.s32 @!p0 s1  }
0x3d7: {  	[bflag:$0x3] =	sbarrier.arrive $0xFFFF  }
0x3d8: {  	_ =	shalt  }

// kernel: kernel.7.cloned.1.call-start
scs
__scs_entry_jumppad:
0x0: {  	(pc) =	sbr.rel $0x88, $3  }
0x1: {  	(tag) =	ssettag $0x0;
	lr =	simm.s32 $0x1  }
0x2: {  	[smem:$0x3F98] =	sst lr;
	_ =	strace $0xD0000000  }
0x3: {  	_ = 	snop  }
0x4: {  	_ = 	snop  }
0x5: {  	_ = 	snop  }
0x6: {  	_ = 	snop  }
0x7: {  	_ = 	snop  }
__scs_overlays_trampoline_lowered:
0x8: {  	[smem:$0x3FA7] =	sst s0  }
0x9: {  	[smem:$0x3FA8] =	sst s1  }
0xa: {  	[smem:$0x3FA9] =	sst s2  }
0xb: {  	[smem:$0x3FAA] =	sst s3  }
0xc: {  	[smem:$0x3FAB] =	sst s4  }
0xd: {  	[smem:$0x3FAC] =	sst s5  }
0xe: {  	[smem:$0x3FAD] =	sst s6  }
0xf: {  	[smem:$0x3FAE] =	sst s7  }
0x10: {  	[smem:$0x3FAF] =	sst s8  }
0x11: {  	[smem:$0x3FB0] =	sst s9;
	s0 =	simm.s32 @!p0 $0x0  }
0x12: {  	s1 =	sld [smem:$0x3F96];
	s0 =	simm.s32 @p0 $0x1  }
0x13: {  	[smem:$0x3FB1] =	sst s0;
	s0 =	simm.s32 @!p1 $0x0  }
0x14: {  	s2 =	sld [smem:$0x3F95];
	s0 =	simm.s32 @p1 $0x1  }
0x15: {  	[smem:$0x3FB2] =	sst s0;
	s0 =	simm.s32 @!p2 $0x0  }
0x16: {  	s3 =	sld [smem:$0x3FDB];
	s0 =	simm.s32 @p2 $0x1  }
0x17: {  	s4 =	simm.s32 $0x1BF5;
	[smem:$0x3FB4] =	sst s0  }
0x18: {  	s0 =	sld [smem:$0x3F97];
	_ =	swait.ge [sflag:s4], $0x0  }
0x19: {  	s7 =	sld [smem:$0x3F98]  }
0x1a: {  	s8 =	sadd.s32 $0xFFFFE003, lr  }
0x1b: {  	s9 =	sadd.s32 $0xFFFFFEF7, lr;
	s5 =	simm.s32 $0xFFFFFFFF;
	p2 =	slt.u32 s8, $0xFFFFF086  }
0x1c: {  	p1 =	slt.u32 s9, $0xF7A;
	s5 =	simm.s32 @!p2 $0x0  }
0x1d: {  	s5 =	simm.s32 @p1 $0x1;
	p0 =	seq.s32 s7, s2  }
0x1e: {  	s7 =	smul.u32 @!p0 $0xF7A, s2;
	p2 =	seq.s32 @!p0 s5, $0x0  }
0x1f: {  	s9 =	smul.u32 $0xF7A, s1;
	s8 =	simm.s32 @!p0 $0x1BF5;
	p2 =	por !p2, p0  }
0x20: {  	[sflag:s8] =	ssyncset.s32 @!p0 $0xFFFFF086;
	s6 =	sadd.s32 @!p0 s3, s7;
	s7 =	simm.s32 @!p0 $0x108  }
0x21: {  	s3 =	sadd.s32 s3, s9;
	s6 =	sadd.s32 @!p0 $0x88, s6;
	s7 =	simm.s32 @p2 $0x1082  }
0x22: {  	[simem:s7], [sflag:s8] =	dma.local @!p0 [hbm:s6], $0xF7A  }
0x23: {  	s9 =	sor.u32 $0xD0000000, s2;
	s6 =	simm.s32 $0x108;
	_ =	swait.ge @!p0 [sflag:s8], $0x0  }
0x24: {  	s3 =	sadd.s32 $0x88, s3;
	s6 =	simm.s32 @!p1 $0x1082;
	[sflag:s4] =	ssyncset.s32 $0xFFFFF086  }
0x25: {  	[simem:s6], [sflag:s4] =	dma.local [hbm:s3], $0xF7A  }
0x26: {  	[smem:$0x3F98] =	sst s1;
	(tag) =	ssettag s2;
	_ =	strace s9  }
0x27: {  	s1 =	sld [smem:$0x3FA8]  }
0x28: {  	s2 =	sld [smem:$0x3FA9]  }
0x29: {  	s4 =	sld [smem:$0x3FAB]  }
0x2a: {  	p0 =	seq.s32 s5, $0x0;
	s5 =	sld [smem:$0x3FAC]  }
0x2b: {  	s6 =	sld [smem:$0x3FAD]  }
0x2c: {  	s7 =	sld [smem:$0x3FAE]  }
0x2d: {  	s3 =	simm.s32 $0x108;
	s8 =	sld [smem:$0x3FAF]  }
0x2e: {  	s3 =	simm.s32 @!p0 $0x1082;
	s9 =	sld [smem:$0x3FB0]  }
0x2f: {  	lr =	sadd.s32 s0, s3;
	s0 =	sld [smem:$0x3FA7]  }
0x30: {  	s3 =	sld [smem:$0x3FAA]  }
0x31: {  	[smem:$0x3FB3] =	sst s10  }
0x32: {  	s10 =	sld [smem:$0x3FB1];
	_ =	sdelay $0x3  }
0x33: {  	p0 =	seq.s32 s10, $0x1;
	s10 =	sld [smem:$0x3FB3];
	_ =	sdelay $0x3  }
0x34: {  	[smem:$0x3FB3] =	sst s10  }
0x35: {  	s10 =	sld [smem:$0x3FB2];
	_ =	sdelay $0x3  }
0x36: {  	p1 =	seq.s32 s10, $0x1;
	s10 =	sld [smem:$0x3FB3];
	_ =	sdelay $0x3  }
0x37: {  	[smem:$0x3FB3] =	sst s10  }
0x38: {  	s10 =	sld [smem:$0x3FB4]  }
0x39: {  	_ = 	snop;
	(pc) =	sbr.ind lr, $3  }
0x3a: {  	_ = 	snop  }
0x3b: {  	_ = 	snop  }
0x3c: {  	p2 =	seq.s32 s10, $0x1;
	s10 =	sld [smem:$0x3FB3]  }
0x3d: {  	_ =	shalt  }
0x3e: {  	_ =	shalt  }
0x3f: {  	_ =	shalt  }
0x40: {  	_ =	shalt  }
0x41: {  	_ =	shalt  }
0x42: {  	_ =	shalt  }
0x43: {  	_ =	shalt  }
0x44: {  	_ =	shalt  }
0x45: {  	_ =	shalt  }
0x46: {  	_ =	shalt  }
0x47: {  	_ =	shalt  }
0x48: {  	_ =	shalt  }
0x49: {  	_ =	shalt  }
0x4a: {  	_ =	shalt  }
0x4b: {  	_ =	shalt  }
0x4c: {  	_ =	shalt  }
0x4d: {  	_ =	shalt  }
0x4e: {  	_ =	shalt  }
0x4f: {  	_ =	shalt  }
0x50: {  	_ =	shalt  }
0x51: {  	_ =	shalt  }
0x52: {  	_ =	shalt  }
0x53: {  	_ =	shalt  }
0x54: {  	_ =	shalt  }
0x55: {  	_ =	shalt  }
0x56: {  	_ =	shalt  }
0x57: {  	_ =	shalt  }
0x58: {  	_ =	shalt  }
0x59: {  	_ =	shalt  }
0x5a: {  	_ =	shalt  }
0x5b: {  	_ =	shalt  }
0x5c: {  	_ =	shalt  }
0x5d: {  	_ =	shalt  }
0x5e: {  	_ =	shalt  }
0x5f: {  	_ =	shalt  }
0x60: {  	_ =	shalt  }
0x61: {  	_ =	shalt  }
0x62: {  	_ =	shalt  }
0x63: {  	_ =	shalt  }
0x64: {  	_ =	shalt  }
0x65: {  	_ =	shalt  }
0x66: {  	_ =	shalt  }
0x67: {  	_ =	shalt  }
0x68: {  	_ =	shalt  }
0x69: {  	_ =	shalt  }
0x6a: {  	_ =	shalt  }
0x6b: {  	_ =	shalt  }
0x6c: {  	_ =	shalt  }
0x6d: {  	_ =	shalt  }
0x6e: {  	_ =	shalt  }
0x6f: {  	_ =	shalt  }
0x70: {  	_ =	shalt  }
0x71: {  	_ =	shalt  }
0x72: {  	_ =	shalt  }
0x73: {  	_ =	shalt  }
0x74: {  	_ =	shalt  }
0x75: {  	_ =	shalt  }
0x76: {  	_ =	shalt  }
0x77: {  	_ =	shalt  }
0x78: {  	_ =	shalt  }
0x79: {  	_ =	shalt  }
0x7a: {  	_ =	shalt  }
0x7b: {  	_ =	shalt  }
0x7c: {  	_ =	shalt  }
0x7d: {  	_ =	shalt  }
0x7e: {  	_ =	shalt  }
0x7f: {  	_ =	shalt  }
0x80: {  	_ =	shalt  }
0x81: {  	_ =	shalt  }
0x82: {  	_ =	shalt  }
0x83: {  	_ =	shalt  }
0x84: {  	_ =	shalt  }
0x85: {  	_ =	shalt  }
0x86: {  	_ =	shalt  }
0x87: {  	_ =	shalt  }
.Lfunc_end0:
.L_simem_size_0:
called_computation_lowered:
.L_overlay_start_0:
0x88: {  	s2 =	sld [smem:$0x3FD9]  }
0x89: {  	s3 =	sld [smem:$0x3FFE];
	_ =	sdelay $0x1  }
0x8a: {  	s1 =	srdreg.scid  }
0x8b: {  	s0 =	sand.u32 $0x1, s1  }
0x8c: {  	s14 =	sshll.u32 s0, $0xA;
	s2 =	sadd.s32 s3, s2  }
0x8d: {  	s2 =	sadd.s32 s2, s14  }
0x8e: {  	[smem:$0x3FBF] =	sst s2  }
0x8f: {  	_ = 	snop  }
0x90: {  	s2 =	sld [smem:$0x3FD0];
	_ =	sdelay $0x2  }
0x91: {  	s4 =	simm.s32 $0xA;
	s5 =	simm.s32 $0x10;
	s15 =	sld [smem:$0x3FC9]  }
0x92: {  	[smem:s5], [sflag:s4] =	dma.local [hbm:s2], $0x1  }
0x93: {  	_ =	swait.eq [sflag:s4], $0x1  }
0x94: {  	[sflag:s4] =	ssyncset.done $0x0  }
0x95: {  	[sflag:s4] =	ssyncadd.s32 $0xFFFFFFFF  }
0x96: {  	s16 =	sld [smem:$0x10];
	(tm) =	ssettm $0x1  }
0x97: {  	s17 =	sld [smem:$0x3FFB];
	_ =	sdelay $0x3  }
0x98: {  	_ =	strace s17  }
0x99: {  	s4 =	sld [smem:$0x3FFC];
	_ =	sdelay $0x3  }
0x9a: {  	_ =	strace s4  }
0x9b: {  	s4 =	sld [smem:$0x3FFD];
	_ =	sdelay $0x3  }
0x9c: {  	_ =	strace s4  }
0x9d: {  	_ =	strace $0x8FFFFFFF  }
0x9e: {  	s18 =	sld [smem:$0x3FDB];
	_ =	sdelay $0x1  }
0x9f: {  	s19 =	simm.s32 $_scs_section_size  }
0xa0: {  	s6 =	simm.s32 $_size__tile_overlayer_lowered;
	s7 =	simm.s32 $_tile_overlayer_lowered  }
0xa1: {  	s22 =	simm.s32 $0x1BFF;
	s21 =	sshll.u32 s7, $0x1;
	s4 =	sadd.s32 s19, s18  }
0xa2: {  	s8 =	simm.s32 $0x0;
	s20 =	sshll.u32 s6, $0x1;
	s6 =	sadd.s32 s21, s4  }
0xa3: {  	[timem:s8], [sflag:s22] =	dma.local [hbm:s6], s20  }
0xa4: {  	_ =	swait.ge [sflag:s22], s20  }
0xa5: {  	s5 =	ssub.s32 $0x0, s20;
	[sflag:s22] =	ssyncset.done $0x0  }
0xa6: {  	[sflag:s22] =	ssyncadd.s32 s5;
	_ =	sdelay $0x1  }
0xa7: {  	s23 =	simm.s32 $0x1B8B  }
0xa8: {  	_ =	swait.ge [sflag:s23], $0x1  }
0xa9: {  	[sflag:s23] =	ssyncset.done $0x0  }
0xaa: {  	s25 =	simm.s32 $0x1B8E;
	s24 =	sld [smem:$0x3FFE];
	[sflag:s23] =	ssyncadd.s32 $0xFFFFFFFF  }
0xab: {  	s26 =	simm.s32 $execute0_lowered;
	[smem:$0x3FD2] =	sst s25  }
0xac: {  	s6 =	sshll.u32 s26, $0x1;
	_ =	strace $0x80000046;
	[dreg:$0x1] =	wrdreg $0xFFFFFFFF  }
0xad: {  	s28 =	simm.s32 $_size_execute0_lowered;
	s4 =	sadd.s32 s4, s6;
	[dreg:$0x0] =	wrdreg $0x0  }
0xae: {  	s6 =	sshll.u32 s28, $0x1;
	[dreg:$0x2] =	wrdreg s4  }
0xaf: {  	[dreg:$0x3] =	wrdreg s6  }
0xb0: {  	[dreg:$0x4] =	wrdreg $0xC0  }
0xb1: {  	_ =	task [dreg:s8], $0x5FFFF  }
0xb2: {  	[dreg:$0x1] =	wrdreg $0xFFFFFFFF  }
0xb3: {  	[dreg:$0x0] =	wrdreg $0x60  }
0xb4: {  	[dreg:$0x2] =	wrdreg s15  }
0xb5: {  	[dreg:$0x3] =	wrdreg s16  }
0xb6: {  	[dreg:$0x4] =	wrdreg s24  }
0xb7: {  	[dreg:$0x5] =	wrdreg $0x9  }
0xb8: {  	_ =	task.clear_ibuf [dreg:s8], $0x6FFFF;
	_ =	strace $0x90000046  }
0xb9: {  	s29 =	simm.s32 $0x9;
	_ =	strace $0x80000048  }
0xba: {  	_ =	swait.ge [sflag:s29], $0x1  }
0xbb: {  	[sflag:s29] =	ssyncadd.s32 $0xFFFFFFFF  }
0xbc: {  	_ =	strace $0x90000048  }
0xbd: {  	_ =	sfence  }
0xbe: {  	s30 =	sld [smem:$0x0];
	_ =	sdelay $0x2  }
0xbf: {  	s31 =	sshll.u32 s1, $0xD;
	s1 =	sshrl.u32 s1, $0x2  }
0xc0: {  	s3 =	sand.u32 $0x4000, s31;
	s1 =	sadd.s32 s1, s30  }
0xc1: {  	s0 =	sor.u32 s3, s0;
	s1 =	sshll.u32 s1, $0x11  }
0xc2: {  	s0 =	sor.u32 s1, s0  }
0xc3: {  	s0 =	sadd.s32 $0x8F2B, s0  }
0xc4: {  	[sflag:s0] =	ssyncadd.remote.s32 $0x1  }
0xc5: {  	_ =	sfence.sel $0xFFFF  }
0xc6: {  	[dreg:$0x0] =	wrdreg $0xFFFFFFFF;
	(pc) =	sbr.abs _section_cstart, $3  }
0xc7: {  	[dreg:$0x1] =	wrdreg $0xFFFFFFFF  }
0xc8: {  	_ =	task.clear_ibuf [dreg:s8], $0x2FFFF;
	_ =	strace $0x9FFFFFFF  }
0xc9: {  	(tm) =	ssettm $0x7FFFFFFF  }
tec
execute0_lowered:
.L_overlay_start_1:
0x0: {  	(tag) =	ssettag $0x1  }
0x1: {  	s1 =	rddreg [dreg:$0x0]  }
0x2: {  	s2 =	srdreg.scid;
	s4 =	rddreg [dreg:$0x1]  }
0x3: {  	s0 =	stileid.u32;
	s7 =	rddreg [dreg:$0x2];
	s13 =	simm.s32 $0x3  }
0x4: {  	s14 =	simm.s32 $0x400;
	s15 =	simm.s32 $0xC00;
	s16 =	simm.s32 $0x1400  }
0x5: {  	s17 =	simm.s32 $0x1C00;
	s18 =	simm.s32 $0x2400;
	s19 =	simm.s32 $0x2C00  }
0x6: {  	s20 =	simm.s32 $0x3400;
	s21 =	simm.s32 $0x3C00;
	s22 =	simm.s32 $0x4400  }
0x7: {  	s23 =	simm.s32 $0x4C00;
	s28 =	simm.s32 $0x6C00;
	s29 =	simm.s32 $0x7400  }
0x8: {  	s30 =	simm.s32 $0x7C00;
	s31 =	simm.s32 $0x1;
	s5 =	sand.u32 $0x1, s2  }
0x9: {  	s3 =	sshll.u32 s0, $0x8;
	s2 =	simm.s32 $0x0;
	s6 =	sshll.u32 s5, $0x7  }
0xa: {  	[smem:$0x7FF] =	sst s2;
	s5 =	ssub.s32 $0x2, s5;
	s6 =	sor.u32 s6, s3  }
0xb: {  	_ =	strace $0x80000047;
	s3 =	sadd.s32 $0x8800, s7;
	s8 =	sshll.u32 s6, $0x7  }
0xc: {  	s24 =	sshrl.u32 s5, $0x1;
	s6 =	sadd.s32 s4, s6;
	s8 =	sand.u32 $0x3C000, s8  }
0xd: {  	[dreg:$0x4] =	wrdreg s6;
	s6 =	sadd.s32 $0x8A00, s7;
	s4 =	sadd.s32 s1, s8  }
0xe: {  	s1 =	ssub.s32 s5, s24;
	s5 =	sadd.s32 $0x8900, s7;
	s7 =	sadd.s32 $0x8B00, s7  }
0xf: {  	s24 =	simm.s32 $0x5400;
	s25 =	sadd.s32 $0x800, s4;
	s26 =	sadd.s32 $0x1000, s4  }
0x10: {  	s8 =	sadd.s32 $0x1800, s4;
	s9 =	sadd.s32 $0x2800, s4;
	[dreg:$0x5] =	wrdreg s25  }
0x11: {  	v2 =	vlaneseq.u32;
	s10 =	sadd.s32 $0x3000, s4;
	s11 =	sadd.s32 $0x3800, s4;
	[dreg:$0x6] =	wrdreg s26  }
0x12: {  	vm0 =	vmmov $0xffff;
	v1 =	vshrl.u32 v2, $0x3;
	s12 =	smax.u32 s1, $0x1;
	s1 =	simm.s32 $0x2;
	[dreg:$0x7] =	wrdreg s8  }
0x13: {  	v0 =	vand.u32 $0x7, v2;
	v2 =	vor.u32 $0x8, v2;
	v1 =	vmul.u32 $0x8, v1;
	s8 =	sadd.s32 $0x2000, s4;
	s25 =	simm.s32 $0x5C00;
	s26 =	simm.s32 $0x6400  }
.LBB2_1:
0x14: {  	s0 =	rddreg [dreg:$0x4]  }
0x15: {  	[tilespmem:s2], [sflag:$0x3] =	stream.linear.gather [hbm4b:s0+s2], $0x400, $0x38;
	[tilespmem:$0x8400] =	vst v63  }
0x16: {  	_ =	swait.ge [sflag:s13], $0x400  }
0x17: {  	[sflag:s13] =	ssyncset.done $0x0  }
0x18: {  	[sflag:s13] =	ssyncadd.s32 $0xFFFFFC00  }
0x19: {  	[tilespmem:s14], [sflag:$0x3] =	stream.linear.gather [hbm4b:s4+s2], $0x4000, $0x38;
	[tilespmem:$0x8400] =	vst v63  }
0x1a: {  	_ =	swait.ge [sflag:s13], $0x4000  }
0x1b: {  	[sflag:s13] =	ssyncset.done $0x0  }
0x1c: {  	[sflag:s13] =	ssyncadd.s32 $0xFFFFC000  }
0x1d: {  	v3 =	vld [tilespmem:$0x0];
	_ =	sdelay $0x4  }
0x1e: {  	v4 =	vshll.u32 v3, $0x3  }
0x1f: {  	v3 =	vand.u32 $0x7, v3;
	v4 =	vand.u32 $0xFFFFFFC0, v4  }
0x20: {  	v3 =	vor.u32 v3, v4  }
0x21: {  	v4 =	vperm.xlane v3, v0;
	_ =	sdelay $0x1  }
0x22: {  	v4 =	vadd.s32 v1, v4;
	_ =	sdelay $0x4  }
0x23: {  	[hbm4b:s3+s2] =	stream.indirect_vreg.scatter [tilespmem:s14], [sflag:$0x1], $0x80, v4, vm0, $0xb8;
	[tilespmem:$0x8400] =	vst v63  }
0x24: {  	v3 =	vperm.xlane v3, v2  }
0x25: {  	[hbm4b:s5+s2] =	stream.indirect_vreg.scatter [tilespmem:s15], [sflag:$0x1], $0x80, v4, vm0, $0xb8;
	[tilespmem:$0x8400] =	vst v63  }
0x26: {  	v3 =	vadd.s32 v1, v3  }
0x27: {  	[hbm4b:s6+s2] =	stream.indirect_vreg.scatter [tilespmem:s16], [sflag:$0x1], $0x80, v4, vm0, $0xb8;
	[tilespmem:$0x8400] =	vst v63  }
0x28: {  	_ = 	snop  }
0x29: {  	[hbm4b:s7+s2] =	stream.indirect_vreg.scatter [tilespmem:s17], [sflag:$0x1], $0x80, v4, vm0, $0xb8;
	[tilespmem:$0x8400] =	vst v63  }
0x2a: {  	_ = 	snop  }
0x2b: {  	[hbm4b:s3+s2] =	stream.indirect_vreg.scatter [tilespmem:s18], [sflag:$0x1], $0x80, v3, vm0, $0xb8;
	[tilespmem:$0x8400] =	vst v63  }
0x2c: {  	_ = 	snop  }
0x2d: {  	[hbm4b:s5+s2] =	stream.indirect_vreg.scatter [tilespmem:s19], [sflag:$0x1], $0x80, v3, vm0, $0xb8;
	[tilespmem:$0x8400] =	vst v63  }
0x2e: {  	_ = 	snop  }
0x2f: {  	[hbm4b:s6+s2] =	stream.indirect_vreg.scatter [tilespmem:s20], [sflag:$0x1], $0x80, v3, vm0, $0xb8;
	[tilespmem:$0x8400] =	vst v63  }
0x30: {  	_ = 	snop  }
0x31: {  	[hbm4b:s7+s2] =	stream.indirect_vreg.scatter [tilespmem:s21], [sflag:$0x1], $0x80, v3, vm0, $0xb8;
	[tilespmem:$0x8400] =	vst v63  }
0x32: {  	s0 =	rddreg [dreg:$0x5]  }
0x33: {  	[tilespmem:s22], [sflag:$0x3] =	stream.linear.gather [hbm4b:s0+s2], $0x4000, $0x38;
	[tilespmem:$0x8400] =	vst v63  }
0x34: {  	_ =	swait.ge [sflag:s13], $0x4000  }
0x35: {  	[sflag:s13] =	ssyncset.done $0x0  }
0x36: {  	[sflag:s13] =	ssyncadd.s32 $0xFFFFC000  }
0x37: {  	v3 =	vld [tilespmem:$0x80];
	_ =	sdelay $0x4  }
0x38: {  	v57 =	vshll.u32 v3, $0x3  }
0x39: {  	v3 =	vand.u32 $0x7, v3;
	v4 =	vand.u32 $0xFFFFFFC0, v57  }
0x3a: {  	v3 =	vor.u32 v3, v4  }
0x3b: {  	v4 =	vperm.xlane v3, v0;
	_ =	sdelay $0x1  }
0x3c: {  	v4 =	vadd.s32 v1, v4;
	_ =	sdelay $0x4  }
0x3d: {  	[hbm4b:s3+s2] =	stream.indirect_vreg.scatter [tilespmem:s22], [sflag:$0x2], $0x80, v4, vm0, $0xb8;
	[tilespmem:$0x8400] =	vst v63  }
0x3e: {  	v3 =	vperm.xlane v3, v2  }
0x3f: {  	[hbm4b:s5+s2] =	stream.indirect_vreg.scatter [tilespmem:s23], [sflag:$0x2], $0x80, v4, vm0, $0xb8;
	[tilespmem:$0x8400] =	vst v63  }
0x40: {  	v3 =	vadd.s32 v1, v3  }
0x41: {  	[hbm4b:s6+s2] =	stream.indirect_vreg.scatter [tilespmem:s24], [sflag:$0x2], $0x80, v4, vm0, $0xb8;
	[tilespmem:$0x8400] =	vst v63  }
0x42: {  	_ = 	snop  }
0x43: {  	[hbm4b:s7+s2] =	stream.indirect_vreg.scatter [tilespmem:s25], [sflag:$0x2], $0x80, v4, vm0, $0xb8;
	[tilespmem:$0x8400] =	vst v63  }
0x44: {  	_ = 	snop  }
0x45: {  	[hbm4b:s3+s2] =	stream.indirect_vreg.scatter [tilespmem:s26], [sflag:$0x2], $0x80, v3, vm0, $0xb8;
	[tilespmem:$0x8400] =	vst v63  }
0x46: {  	_ = 	snop  }
0x47: {  	[hbm4b:s5+s2] =	stream.indirect_vreg.scatter [tilespmem:s28], [sflag:$0x2], $0x80, v3, vm0, $0xb8;
	[tilespmem:$0x8400] =	vst v63  }
0x48: {  	_ = 	snop  }
0x49: {  	[hbm4b:s6+s2] =	stream.indirect_vreg.scatter [tilespmem:s29], [sflag:$0x2], $0x80, v3, vm0, $0xb8;
	[tilespmem:$0x8400] =	vst v63  }
0x4a: {  	_ = 	snop  }
0x4b: {  	[hbm4b:s7+s2] =	stream.indirect_vreg.scatter [tilespmem:s30], [sflag:$0x2], $0x80, v3, vm0, $0xb8;
	[tilespmem:$0x8400] =	vst v63  }
0x4c: {  	_ =	swait.ge [sflag:s31], $0x4000  }
0x4d: {  	[sflag:s31] =	ssyncset.done $0x0  }
0x4e: {  	s0 =	rddreg [dreg:$0x6];
	[sflag:s31] =	ssyncadd.s32 $0xFFFFC000  }
0x4f: {  	[tilespmem:s14], [sflag:$0x3] =	stream.linear.gather [hbm4b:s0+s2], $0x4000, $0x38;
	[tilespmem:$0x8400] =	vst v63  }
0x50: {  	_ =	swait.ge [sflag:s13], $0x4000  }
0x51: {  	[sflag:s13] =	ssyncset.done $0x0  }
0x52: {  	[sflag:s13] =	ssyncadd.s32 $0xFFFFC000  }
0x53: {  	v3 =	vld [tilespmem:$0x100];
	_ =	sdelay $0x4  }
0x54: {  	v58 =	vshll.u32 v3, $0x3  }
0x55: {  	v3 =	vand.u32 $0x7, v3;
	v4 =	vand.u32 $0xFFFFFFC0, v58  }
0x56: {  	v3 =	vor.u32 v3, v4  }
0x57: {  	v4 =	vperm.xlane v3, v0;
	_ =	sdelay $0x1  }
0x58: {  	v4 =	vadd.s32 v1, v4;
	_ =	sdelay $0x4  }
0x59: {  	[hbm4b:s3+s2] =	stream.indirect_vreg.scatter [tilespmem:s14], [sflag:$0x1], $0x80, v4, vm0, $0xb8;
	[tilespmem:$0x8400] =	vst v63  }
0x5a: {  	v3 =	vperm.xlane v3, v2  }
0x5b: {  	[hbm4b:s5+s2] =	stream.indirect_vreg.scatter [tilespmem:s15], [sflag:$0x1], $0x80, v4, vm0, $0xb8;
	[tilespmem:$0x8400] =	vst v63  }
0x5c: {  	v3 =	vadd.s32 v1, v3  }
0x5d: {  	[hbm4b:s6+s2] =	stream.indirect_vreg.scatter [tilespmem:s16], [sflag:$0x1], $0x80, v4, vm0, $0xb8;
	[tilespmem:$0x8400] =	vst v63  }
0x5e: {  	_ = 	snop  }
0x5f: {  	[hbm4b:s7+s2] =	stream.indirect_vreg.scatter [tilespmem:s17], [sflag:$0x1], $0x80, v4, vm0, $0xb8;
	[tilespmem:$0x8400] =	vst v63  }
0x60: {  	_ = 	snop  }
0x61: {  	[hbm4b:s3+s2] =	stream.indirect_vreg.scatter [tilespmem:s18], [sflag:$0x1], $0x80, v3, vm0, $0xb8;
	[tilespmem:$0x8400] =	vst v63  }
0x62: {  	_ = 	snop  }
0x63: {  	[hbm4b:s5+s2] =	stream.indirect_vreg.scatter [tilespmem:s19], [sflag:$0x1], $0x80, v3, vm0, $0xb8;
	[tilespmem:$0x8400] =	vst v63  }
0x64: {  	_ = 	snop  }
0x65: {  	[hbm4b:s6+s2] =	stream.indirect_vreg.scatter [tilespmem:s20], [sflag:$0x1], $0x80, v3, vm0, $0xb8;
	[tilespmem:$0x8400] =	vst v63  }
0x66: {  	_ = 	snop  }
0x67: {  	[hbm4b:s7+s2] =	stream.indirect_vreg.scatter [tilespmem:s21], [sflag:$0x1], $0x80, v3, vm0, $0xb8;
	[tilespmem:$0x8400] =	vst v63  }
0x68: {  	_ =	swait.ge [sflag:s1], $0x4000  }
0x69: {  	[sflag:s1] =	ssyncset.done $0x0  }
0x6a: {  	s0 =	rddreg [dreg:$0x7];
	[sflag:s1] =	ssyncadd.s32 $0xFFFFC000  }
0x6b: {  	[tilespmem:s22], [sflag:$0x3] =	stream.linear.gather [hbm4b:s0+s2], $0x4000, $0x38;
	[tilespmem:$0x8400] =	vst v63  }
0x6c: {  	_ =	swait.ge [sflag:s13], $0x4000  }
0x6d: {  	[sflag:s13] =	ssyncset.done $0x0  }
0x6e: {  	[sflag:s13] =	ssyncadd.s32 $0xFFFFC000  }
0x6f: {  	v3 =	vld [tilespmem:$0x180];
	_ =	sdelay $0x4  }
0x70: {  	v59 =	vshll.u32 v3, $0x3  }
0x71: {  	v3 =	vand.u32 $0x7, v3;
	v4 =	vand.u32 $0xFFFFFFC0, v59  }
0x72: {  	v3 =	vor.u32 v3, v4  }
0x73: {  	v4 =	vperm.xlane v3, v0;
	_ =	sdelay $0x1  }
0x74: {  	v4 =	vadd.s32 v1, v4;
	_ =	sdelay $0x4  }
0x75: {  	[hbm4b:s3+s2] =	stream.indirect_vreg.scatter [tilespmem:s22], [sflag:$0x2], $0x80, v4, vm0, $0xb8;
	[tilespmem:$0x8400] =	vst v63  }
0x76: {  	v3 =	vperm.xlane v3, v2  }
0x77: {  	[hbm4b:s5+s2] =	stream.indirect_vreg.scatter [tilespmem:s23], [sflag:$0x2], $0x80, v4, vm0, $0xb8;
	[tilespmem:$0x8400] =	vst v63  }
0x78: {  	v3 =	vadd.s32 v1, v3  }
0x79: {  	[hbm4b:s6+s2] =	stream.indirect_vreg.scatter [tilespmem:s24], [sflag:$0x2], $0x80, v4, vm0, $0xb8;
	[tilespmem:$0x8400] =	vst v63  }
0x7a: {  	_ = 	snop  }
0x7b: {  	[hbm4b:s7+s2] =	stream.indirect_vreg.scatter [tilespmem:s25], [sflag:$0x2], $0x80, v4, vm0, $0xb8;
	[tilespmem:$0x8400] =	vst v63  }
0x7c: {  	_ = 	snop  }
0x7d: {  	[hbm4b:s3+s2] =	stream.indirect_vreg.scatter [tilespmem:s26], [sflag:$0x2], $0x80, v3, vm0, $0xb8;
	[tilespmem:$0x8400] =	vst v63  }
0x7e: {  	_ = 	snop  }
0x7f: {  	[hbm4b:s5+s2] =	stream.indirect_vreg.scatter [tilespmem:s28], [sflag:$0x2], $0x80, v3, vm0, $0xb8;
	[tilespmem:$0x8400] =	vst v63  }
0x80: {  	_ = 	snop  }
0x81: {  	[hbm4b:s6+s2] =	stream.indirect_vreg.scatter [tilespmem:s29], [sflag:$0x2], $0x80, v3, vm0, $0xb8;
	[tilespmem:$0x8400] =	vst v63  }
0x82: {  	_ = 	snop  }
0x83: {  	[hbm4b:s7+s2] =	stream.indirect_vreg.scatter [tilespmem:s30], [sflag:$0x2], $0x80, v3, vm0, $0xb8;
	[tilespmem:$0x8400] =	vst v63  }
0x84: {  	_ =	swait.ge [sflag:s31], $0x4000  }
0x85: {  	[sflag:s31] =	ssyncset.done $0x0  }
0x86: {  	[sflag:s31] =	ssyncadd.s32 $0xFFFFC000  }
0x87: {  	[tilespmem:s14], [sflag:$0x3] =	stream.linear.gather [hbm4b:s8+s2], $0x4000, $0x38;
	[tilespmem:$0x8400] =	vst v63  }
0x88: {  	_ =	swait.ge [sflag:s13], $0x4000  }
0x89: {  	[sflag:s13] =	ssyncset.done $0x0  }
0x8a: {  	[sflag:s13] =	ssyncadd.s32 $0xFFFFC000  }
0x8b: {  	v3 =	vld [tilespmem:$0x200];
	_ =	sdelay $0x4  }
0x8c: {  	v60 =	vshll.u32 v3, $0x3  }
0x8d: {  	v3 =	vand.u32 $0x7, v3;
	v4 =	vand.u32 $0xFFFFFFC0, v60  }
0x8e: {  	v3 =	vor.u32 v3, v4  }
0x8f: {  	v4 =	vperm.xlane v3, v0;
	_ =	sdelay $0x1  }
0x90: {  	v4 =	vadd.s32 v1, v4;
	_ =	sdelay $0x4  }
0x91: {  	[hbm4b:s3+s2] =	stream.indirect_vreg.scatter [tilespmem:s14], [sflag:$0x1], $0x80, v4, vm0, $0xb8;
	[tilespmem:$0x8400] =	vst v63  }
0x92: {  	v3 =	vperm.xlane v3, v2  }
0x93: {  	[hbm4b:s5+s2] =	stream.indirect_vreg.scatter [tilespmem:s15], [sflag:$0x1], $0x80, v4, vm0, $0xb8;
	[tilespmem:$0x8400] =	vst v63  }
0x94: {  	v3 =	vadd.s32 v1, v3  }
0x95: {  	[hbm4b:s6+s2] =	stream.indirect_vreg.scatter [tilespmem:s16], [sflag:$0x1], $0x80, v4, vm0, $0xb8;
	[tilespmem:$0x8400] =	vst v63  }
0x96: {  	_ = 	snop  }
0x97: {  	[hbm4b:s7+s2] =	stream.indirect_vreg.scatter [tilespmem:s17], [sflag:$0x1], $0x80, v4, vm0, $0xb8;
	[tilespmem:$0x8400] =	vst v63  }
0x98: {  	_ = 	snop  }
0x99: {  	[hbm4b:s3+s2] =	stream.indirect_vreg.scatter [tilespmem:s18], [sflag:$0x1], $0x80, v3, vm0, $0xb8;
	[tilespmem:$0x8400] =	vst v63  }
0x9a: {  	_ = 	snop  }
0x9b: {  	[hbm4b:s5+s2] =	stream.indirect_vreg.scatter [tilespmem:s19], [sflag:$0x1], $0x80, v3, vm0, $0xb8;
	[tilespmem:$0x8400] =	vst v63  }
0x9c: {  	_ = 	snop  }
0x9d: {  	[hbm4b:s6+s2] =	stream.indirect_vreg.scatter [tilespmem:s20], [sflag:$0x1], $0x80, v3, vm0, $0xb8;
	[tilespmem:$0x8400] =	vst v63  }
0x9e: {  	_ = 	snop  }
0x9f: {  	[hbm4b:s7+s2] =	stream.indirect_vreg.scatter [tilespmem:s21], [sflag:$0x1], $0x80, v3, vm0, $0xb8;
	[tilespmem:$0x8400] =	vst v63  }
0xa0: {  	_ =	swait.ge [sflag:s1], $0x4000  }
0xa1: {  	[sflag:s1] =	ssyncset.done $0x0  }
0xa2: {  	[sflag:s1] =	ssyncadd.s32 $0xFFFFC000  }
0xa3: {  	[tilespmem:s22], [sflag:$0x3] =	stream.linear.gather [hbm4b:s9+s2], $0x4000, $0x38;
	[tilespmem:$0x8400] =	vst v63  }
0xa4: {  	_ =	swait.ge [sflag:s13], $0x4000  }
0xa5: {  	[sflag:s13] =	ssyncset.done $0x0  }
0xa6: {  	[sflag:s13] =	ssyncadd.s32 $0xFFFFC000  }
0xa7: {  	v3 =	vld [tilespmem:$0x280];
	_ =	sdelay $0x4  }
0xa8: {  	v61 =	vshll.u32 v3, $0x3  }
0xa9: {  	v3 =	vand.u32 $0x7, v3;
	v4 =	vand.u32 $0xFFFFFFC0, v61  }
0xaa: {  	v3 =	vor.u32 v3, v4  }
0xab: {  	v4 =	vperm.xlane v3, v0;
	_ =	sdelay $0x1  }
0xac: {  	v4 =	vadd.s32 v1, v4;
	_ =	sdelay $0x4  }
0xad: {  	[hbm4b:s3+s2] =	stream.indirect_vreg.scatter [tilespmem:s22], [sflag:$0x2], $0x80, v4, vm0, $0xb8;
	[tilespmem:$0x8400] =	vst v63  }
0xae: {  	v3 =	vperm.xlane v3, v2  }
0xaf: {  	[hbm4b:s5+s2] =	stream.indirect_vreg.scatter [tilespmem:s23], [sflag:$0x2], $0x80, v4, vm0, $0xb8;
	[tilespmem:$0x8400] =	vst v63  }
0xb0: {  	v3 =	vadd.s32 v1, v3  }
0xb1: {  	[hbm4b:s6+s2] =	stream.indirect_vreg.scatter [tilespmem:s24], [sflag:$0x2], $0x80, v4, vm0, $0xb8;
	[tilespmem:$0x8400] =	vst v63  }
0xb2: {  	_ = 	snop  }
0xb3: {  	[hbm4b:s7+s2] =	stream.indirect_vreg.scatter [tilespmem:s25], [sflag:$0x2], $0x80, v4, vm0, $0xb8;
	[tilespmem:$0x8400] =	vst v63  }
0xb4: {  	_ = 	snop  }
0xb5: {  	[hbm4b:s3+s2] =	stream.indirect_vreg.scatter [tilespmem:s26], [sflag:$0x2], $0x80, v3, vm0, $0xb8;
	[tilespmem:$0x8400] =	vst v63  }
0xb6: {  	_ = 	snop  }
0xb7: {  	[hbm4b:s5+s2] =	stream.indirect_vreg.scatter [tilespmem:s28], [sflag:$0x2], $0x80, v3, vm0, $0xb8;
	[tilespmem:$0x8400] =	vst v63  }
0xb8: {  	_ = 	snop  }
0xb9: {  	[hbm4b:s6+s2] =	stream.indirect_vreg.scatter [tilespmem:s29], [sflag:$0x2], $0x80, v3, vm0, $0xb8;
	[tilespmem:$0x8400] =	vst v63  }
0xba: {  	_ = 	snop  }
0xbb: {  	[hbm4b:s7+s2] =	stream.indirect_vreg.scatter [tilespmem:s30], [sflag:$0x2], $0x80, v3, vm0, $0xb8;
	[tilespmem:$0x8400] =	vst v63  }
0xbc: {  	_ =	swait.ge [sflag:s31], $0x4000  }
0xbd: {  	[sflag:s31] =	ssyncset.done $0x0  }
0xbe: {  	[sflag:s31] =	ssyncadd.s32 $0xFFFFC000  }
0xbf: {  	[tilespmem:s14], [sflag:$0x3] =	stream.linear.gather [hbm4b:s10+s2], $0x4000, $0x38;
	[tilespmem:$0x8400] =	vst v63  }
0xc0: {  	_ =	swait.ge [sflag:s13], $0x4000  }
0xc1: {  	[sflag:s13] =	ssyncset.done $0x0  }
0xc2: {  	[sflag:s13] =	ssyncadd.s32 $0xFFFFC000  }
0xc3: {  	v3 =	vld [tilespmem:$0x300];
	_ =	sdelay $0x4  }
0xc4: {  	v62 =	vshll.u32 v3, $0x3  }
0xc5: {  	v3 =	vand.u32 $0x7, v3;
	v4 =	vand.u32 $0xFFFFFFC0, v62  }
0xc6: {  	v3 =	vor.u32 v3, v4  }
0xc7: {  	v4 =	vperm.xlane v3, v0;
	_ =	sdelay $0x1  }
0xc8: {  	v4 =	vadd.s32 v1, v4;
	_ =	sdelay $0x4  }
0xc9: {  	[hbm4b:s3+s2] =	stream.indirect_vreg.scatter [tilespmem:s14], [sflag:$0x1], $0x80, v4, vm0, $0xb8;
	[tilespmem:$0x8400] =	vst v63  }
0xca: {  	v3 =	vperm.xlane v3, v2  }
0xcb: {  	[hbm4b:s5+s2] =	stream.indirect_vreg.scatter [tilespmem:s15], [sflag:$0x1], $0x80, v4, vm0, $0xb8;
	[tilespmem:$0x8400] =	vst v63  }
0xcc: {  	v3 =	vadd.s32 v1, v3  }
0xcd: {  	[hbm4b:s6+s2] =	stream.indirect_vreg.scatter [tilespmem:s16], [sflag:$0x1], $0x80, v4, vm0, $0xb8;
	[tilespmem:$0x8400] =	vst v63  }
0xce: {  	_ = 	snop  }
0xcf: {  	[hbm4b:s7+s2] =	stream.indirect_vreg.scatter [tilespmem:s17], [sflag:$0x1], $0x80, v4, vm0, $0xb8;
	[tilespmem:$0x8400] =	vst v63  }
0xd0: {  	_ = 	snop  }
0xd1: {  	[hbm4b:s3+s2] =	stream.indirect_vreg.scatter [tilespmem:s18], [sflag:$0x1], $0x80, v3, vm0, $0xb8;
	[tilespmem:$0x8400] =	vst v63  }
0xd2: {  	_ = 	snop  }
0xd3: {  	[hbm4b:s5+s2] =	stream.indirect_vreg.scatter [tilespmem:s19], [sflag:$0x1], $0x80, v3, vm0, $0xb8;
	[tilespmem:$0x8400] =	vst v63  }
0xd4: {  	_ = 	snop  }
0xd5: {  	[hbm4b:s6+s2] =	stream.indirect_vreg.scatter [tilespmem:s20], [sflag:$0x1], $0x80, v3, vm0, $0xb8;
	[tilespmem:$0x8400] =	vst v63  }
0xd6: {  	_ = 	snop  }
0xd7: {  	[hbm4b:s7+s2] =	stream.indirect_vreg.scatter [tilespmem:s21], [sflag:$0x1], $0x80, v3, vm0, $0xb8;
	[tilespmem:$0x8400] =	vst v63  }
0xd8: {  	_ =	swait.ge [sflag:s1], $0x4000  }
0xd9: {  	[sflag:s1] =	ssyncset.done $0x0  }
0xda: {  	[sflag:s1] =	ssyncadd.s32 $0xFFFFC000  }
0xdb: {  	[tilespmem:s22], [sflag:$0x3] =	stream.linear.gather [hbm4b:s11+s2], $0x4000, $0x38;
	[tilespmem:$0x8400] =	vst v63  }
0xdc: {  	_ =	swait.ge [sflag:s13], $0x4000  }
0xdd: {  	[sflag:s13] =	ssyncset.done $0x0  }
0xde: {  	[sflag:s13] =	ssyncadd.s32 $0xFFFFC000  }
0xdf: {  	v3 =	vld [tilespmem:$0x380];
	_ =	sdelay $0x4  }
0xe0: {  	v63 =	vshll.u32 v3, $0x3  }
0xe1: {  	v3 =	vand.u32 $0x7, v3;
	v4 =	vand.u32 $0xFFFFFFC0, v63  }
0xe2: {  	v3 =	vor.u32 v3, v4  }
0xe3: {  	v4 =	vperm.xlane v3, v0;
	_ =	sdelay $0x1  }
0xe4: {  	v4 =	vadd.s32 v1, v4;
	_ =	sdelay $0x4  }
0xe5: {  	[hbm4b:s3+s2] =	stream.indirect_vreg.scatter [tilespmem:s22], [sflag:$0x2], $0x80, v4, vm0, $0xb8;
	[tilespmem:$0x8400] =	vst v63  }
0xe6: {  	v3 =	vperm.xlane v3, v2  }
0xe7: {  	[hbm4b:s5+s2] =	stream.indirect_vreg.scatter [tilespmem:s23], [sflag:$0x2], $0x80, v4, vm0, $0xb8;
	[tilespmem:$0x8400] =	vst v63  }
0xe8: {  	v3 =	vadd.s32 v1, v3  }
0xe9: {  	[hbm4b:s6+s2] =	stream.indirect_vreg.scatter [tilespmem:s24], [sflag:$0x2], $0x80, v4, vm0, $0xb8;
	[tilespmem:$0x8400] =	vst v63  }
0xea: {  	_ = 	snop  }
0xeb: {  	[hbm4b:s7+s2] =	stream.indirect_vreg.scatter [tilespmem:s25], [sflag:$0x2], $0x80, v4, vm0, $0xb8;
	[tilespmem:$0x8400] =	vst v63  }
0xec: {  	_ = 	snop  }
0xed: {  	[hbm4b:s3+s2] =	stream.indirect_vreg.scatter [tilespmem:s26], [sflag:$0x2], $0x80, v3, vm0, $0xb8;
	[tilespmem:$0x8400] =	vst v63  }
0xee: {  	_ = 	snop  }
0xef: {  	[hbm4b:s5+s2] =	stream.indirect_vreg.scatter [tilespmem:s28], [sflag:$0x2], $0x80, v3, vm0, $0xb8;
	[tilespmem:$0x8400] =	vst v63  }
0xf0: {  	_ = 	snop  }
0xf1: {  	[hbm4b:s6+s2] =	stream.indirect_vreg.scatter [tilespmem:s29], [sflag:$0x2], $0x80, v3, vm0, $0xb8;
	[tilespmem:$0x8400] =	vst v63  }
0xf2: {  	_ = 	snop  }
0xf3: {  	[hbm4b:s7+s2] =	stream.indirect_vreg.scatter [tilespmem:s30], [sflag:$0x2], $0x80, v3, vm0, $0xb8;
	[tilespmem:$0x8400] =	vst v63  }
0xf4: {  	p0 =	sne.s32 s12, $0x1;
	_ =	swait.ge [sflag:s31], $0x4000  }
.Ltmp0:
0xf5: {  	[sflag:s31] =	ssyncset.done $0x0;
	(pc) =	sbr.rel @p0 .LBB2_1-.Ltmp0, $4  }
0xf6: {  	[sflag:s31] =	ssyncadd.s32 $0xFFFFC000  }
0xf7: {  	_ =	swait.ge [sflag:s1], $0x4000  }
0xf8: {  	[sflag:s1] =	ssyncset.done $0x0  }
0xf9: {  	s12 =	sadd.s32 $0xFFFFFFFF, s12;
	[sflag:s1] =	ssyncadd.s32 $0xFFFFC000  }
0xfa: {  	_ =	sfence.sel $0x180000  }
0xfb: {  	[bflag:$0x0] =	sbarrier.arrive $0xFFFF  }
0xfc: {  	_ =	strace $0x90000047  }
0xfd: {  	s0 =	stileid.u32;
	[bflag:$0x2] =	sbarrier.arrive $0xFFFF  }
0xfe: {  	p0 =	sne.s32 s0, $0x0;
	s0 =	rddreg [dreg:$0x3]  }
0xff: {  	s0 =	sadd.s32 @!p0 $0x100000, s0  }
0x100: {  	[sflag:s0] =	ssyncadd.tile.s32 @!p0 $0x1;
	_ =	shalt  }
.Lfunc_end2:
_tile_overlayer_lowered:
.L_overlay_start_2:
0x101: {  	(tag) =	ssettag $0x2  }
0x102: {  	s0 =	rddreg [dreg:$0x0];
	s2 =	stileid.u32  }
0x103: {  	s1 =	rddreg [dreg:$0x1];
	p0 =	sne.s32 s2, $0x0  }
0x104: {  	s3 =	rddreg [dreg:$0x2];
	[bflag:$0x3] =	sbarrier.arrive $0xFFFF;
	s2 =	simm.s32 @!p0 $0x1C03  }
0x105: {  	[timem:s3], [sflag:s2] =	dma.local @!p0 [hbm:s0], s1  }
0x106: {  	s0 =	simm.s32 @!p0 $0x3  }
0x107: {  	_ =	swait.ge @!p0 [sflag:s0], s1  }
0x108: {  	s1 =	ssub.s32 @!p0 $0x0, s1;
	[sflag:s0] =	ssyncset.done @!p0 $0x0  }
0x109: {  	[sflag:s0] =	ssyncadd.s32 @!p0 s1  }
0x10a: {  	[bflag:$0x3] =	sbarrier.arrive $0xFFFF  }
0x10b: {  	_ =	shalt  }

</sc_bundles>
